<compile_context>
chip_gen: v7x
topology: tpu7x:2x2x1
jax: 0.10.2.dev20260603
libtpu: 0.0.44.dev20260713+nightly
codegen_flags: <defaults>
</compile_context>

<pallas_src>
import functools

import jax
import jax.numpy as jnp
from jax import lax
from jax.experimental import pallas as pl
from jax.experimental.pallas import tpu as pltpu
from jax.experimental.pallas import tpu_sc as plsc

N_REAL = 10000
NP = 10240
D_IN = 128
HID = 64
E_REAL = 330000
TILES = 32
K = 32
NCH = 324
EPT = NCH * K
EPAD = TILES * EPT
WG = 128
WA = 128
WAS = 128
NEG = -1e30



def _pack_rows(h, a_s, a_d):
    rb = h.shape[0]
    hsrc = jnp.concatenate(
        [h, a_s, jnp.zeros((rb, WG - HID - 1), jnp.float32)], axis=1)
    ad = jnp.concatenate(
        [a_d, jnp.full((rb, 15), NEG, jnp.float32),
         jnp.zeros((rb, WG - 16), jnp.float32)], axis=1)
    return hsrc, ad


def _tc_in_body(x_ref, w_ref, attn_ref, hsrc_ref, ad_ref):
    h = jnp.dot(x_ref[...], w_ref[...], preferred_element_type=jnp.float32)
    asd = jnp.dot(h, attn_ref[...], preferred_element_type=jnp.float32)
    hsrc_ref[...], ad_ref[...] = _pack_rows(h, asd[:, :1], asd[:, 1:])


def _combine(blk, b_ref):
    num = blk[0, :, :HID] + blk[1, :, :HID]
    den = blk[0, :, HID] + blk[1, :, HID]
    xl = num / (den + 1e-16)[:, None] + b_ref[...]
    return jnp.where(xl > 0, xl, jnp.exp(jnp.minimum(xl, 0.0)) - 1.0)


def _tc_mid_body(p_ref, w_ref, attn_ref, b_ref, hsrc_ref, ad_ref):
    xl = _combine(p_ref[...], b_ref)
    h = jnp.dot(xl, w_ref[...], preferred_element_type=jnp.float32)
    asd = jnp.dot(h, attn_ref[...], preferred_element_type=jnp.float32)
    hsrc_ref[...], ad_ref[...] = _pack_rows(h, asd[:, :1], asd[:, 1:])


def _tc3_body(p_ref, w_ref, attn_ref, b_ref, src3_ref, dst3_ref):
    xl = _combine(p_ref[...], b_ref)
    h = jnp.dot(xl, w_ref[...], preferred_element_type=jnp.float32)
    asd = jnp.dot(h, attn_ref[...], preferred_element_type=jnp.float32)
    rb = h.shape[0]
    src3_ref[...] = jnp.concatenate(
        [asd[:, :1], h, jnp.zeros((rb, WG - 2), jnp.float32)], axis=1)
    dst3_ref[...] = jnp.concatenate(
        [asd[:, 1:], jnp.full((rb, 15), NEG, jnp.float32),
         jnp.zeros((rb, WG - 16), jnp.float32)], axis=1)


def _tc_out_body(p_ref, b_ref, o_ref):
    blk = p_ref[...]
    num = blk[0, :, 0] + blk[1, :, 0]
    den = blk[0, :, 1] + blk[1, :, 1]
    o_ref[...] = (num / (den + 1e-16) + b_ref[0, 0])[:, None]


_RB = 2048


def _tc_in(xp, W, attn):
    return pl.pallas_call(
        _tc_in_body,
        grid=(NP // _RB,),
        in_specs=[
            pl.BlockSpec((_RB, D_IN), lambda i: (i, 0)),
            pl.BlockSpec((D_IN, HID), lambda i: (0, 0)),
            pl.BlockSpec((HID, 2), lambda i: (0, 0)),
        ],
        out_specs=[
            pl.BlockSpec((_RB, WG), lambda i: (i, 0)),
            pl.BlockSpec((_RB, WG), lambda i: (i, 0)),
        ],
        out_shape=[
            jax.ShapeDtypeStruct((NP, WG), jnp.float32),
            jax.ShapeDtypeStruct((NP, WG), jnp.float32),
        ],
    )(xp, W, attn)


def _tc_mid(part, W, attn, b):
    return pl.pallas_call(
        _tc_mid_body,
        grid=(NP // _RB,),
        in_specs=[
            pl.BlockSpec((2, _RB, WA), lambda i: (0, i, 0)),
            pl.BlockSpec((HID, HID), lambda i: (0, 0)),
            pl.BlockSpec((HID, 2), lambda i: (0, 0)),
            pl.BlockSpec((1, HID), lambda i: (0, 0)),
        ],
        out_specs=[
            pl.BlockSpec((_RB, WG), lambda i: (i, 0)),
            pl.BlockSpec((_RB, WG), lambda i: (i, 0)),
        ],
        out_shape=[
            jax.ShapeDtypeStruct((NP, WG), jnp.float32),
            jax.ShapeDtypeStruct((NP, WG), jnp.float32),
        ],
    )(part, W, attn, b)


def _tc3(part, W, attn, b):
    return pl.pallas_call(
        _tc3_body,
        grid=(NP // _RB,),
        in_specs=[
            pl.BlockSpec((2, _RB, WA), lambda i: (0, i, 0)),
            pl.BlockSpec((HID, 1), lambda i: (0, 0)),
            pl.BlockSpec((1, 2), lambda i: (0, 0)),
            pl.BlockSpec((1, HID), lambda i: (0, 0)),
        ],
        out_specs=[
            pl.BlockSpec((_RB, WG), lambda i: (i, 0)),
            pl.BlockSpec((_RB, WG), lambda i: (i, 0)),
        ],
        out_shape=[
            jax.ShapeDtypeStruct((NP, WG), jnp.float32),
            jax.ShapeDtypeStruct((NP, WG), jnp.float32),
        ],
    )(part, W, attn, b)


def _tc_out(part, b):
    return pl.pallas_call(
        _tc_out_body,
        grid=(NP // _RB,),
        in_specs=[
            pl.BlockSpec((2, _RB, WAS), lambda i: (0, i, 0)),
            pl.BlockSpec((1, 1), lambda i: (0, 0)),
        ],
        out_specs=pl.BlockSpec((_RB, 1), lambda i: (i, 0)),
        out_shape=jax.ShapeDtypeStruct((NP, 1), jnp.float32),
    )(part, b)



_MESH = plsc.VectorSubcoreMesh(core_axis_name="c", subcore_axis_name="s")
_NS = 16
_ROWS_PER_TILE = NP // _NS
_NB = 3


def _make_sc(scalar_layer):
    wa = WAS if scalar_layer else WA

    @functools.partial(
        pl.kernel,
        mesh=_MESH,
        out_type=jax.ShapeDtypeStruct((2, NP, wa), jnp.float32),
        scratch_types=[
            pltpu.VMEM((EPT,), jnp.int32),
            pltpu.VMEM((EPT,), jnp.int32),
            pltpu.VMEM((_NB, K, WG), jnp.float32),
            pltpu.VMEM((_NB, K, WG), jnp.float32),
            pltpu.VMEM_SHARED((NP, wa), jnp.float32),
        ] + [pltpu.SemaphoreType.DMA] * (3 * _NB),
    )
    def body(src_hbm, dst_hbm, s_hbm, d_hbm, z_hbm, out_hbm,
             src_v, dst_v, rows, adr, num_sh, *sems):
        gsem = sems[0:_NB]
        asem = sems[_NB:2 * _NB]
        ssem = sems[2 * _NB:3 * _NB]
        c_ = lax.axis_index("c")
        s_ = lax.axis_index("s")
        wid = c_ * _NS + s_

        pltpu.sync_copy(src_hbm.at[wid], src_v)
        pltpu.sync_copy(dst_hbm.at[wid], dst_v)
        pltpu.sync_copy(z_hbm,
                        num_sh.at[pl.ds(s_ * _ROWS_PER_TILE, _ROWS_PER_TILE)])
        plsc.subcore_barrier()

        ebase = wid * EPT
        lane = lax.iota(jnp.int32, 16)

        def issue(cc, j):
            si = src_v.at[pl.ds(cc * K, K)]
            di = dst_v.at[pl.ds(cc * K, K)]
            pltpu.async_copy(s_hbm.at[si], rows.at[j], gsem[j])
            pltpu.async_copy(d_hbm.at[di], adr.at[j], asem[j])

        def gwait(cc, j):
            si = src_v.at[pl.ds(cc * K, K)]
            di = dst_v.at[pl.ds(cc * K, K)]
            pltpu.make_async_copy(s_hbm.at[si], rows.at[j], gsem[j]).wait()
            pltpu.make_async_copy(d_hbm.at[di], adr.at[j], asem[j]).wait()

        def scat(cc, j):
            di = dst_v.at[pl.ds(cc * K, K)]
            pltpu.async_copy(rows.at[j], num_sh.at[di], ssem[j], add=True)

        def swait(cc, j):
            di = dst_v.at[pl.ds(cc * K, K)]
            pltpu.make_async_copy(rows.at[j], num_sh.at[di], ssem[j]).wait()

        def compute(cc, j):
            if scalar_layer:
                def row(r, carry2):
                    sr = rows[j, r, pl.ds(0, 16)]
                    e = sr + adr[j, r, pl.ds(0, 16)]
                    e = jnp.where(e >= 0.0, e, 0.2 * e)
                    ev = jnp.exp(e)
                    w = jnp.where(ebase + cc * K + r < E_REAL, ev[0], 0.0)
                    hs = sr[1]
                    rows[j, r, pl.ds(0, 16)] = jnp.where(
                        lane == 0, w * hs, jnp.where(lane == 1, w, 0.0))
                    return carry2
            else:
                def row(r, carry2):
                    e = rows[j, r, pl.ds(HID, 16)] + adr[j, r, pl.ds(0, 16)]
                    e = jnp.where(e >= 0.0, e, 0.2 * e)
                    ev = jnp.exp(e)
                    w = jnp.where(ebase + cc * K + r < E_REAL, ev[0], 0.0)
                    for q in range(HID // 16):
                        sl = pl.ds(q * 16, 16)
                        rows[j, r, sl] = rows[j, r, sl] * w
                    rows[j, r, pl.ds(HID, 16)] = jnp.where(lane == 0, w, 0.0)
                    return carry2
            lax.fori_loop(0, K, row, 0)

        issue(0, 0)
        issue(1, 1)

        def step(i, carry):
            for u in range(3):
                cc = 3 * i + u
                j = u
                jn = (u + 2) % 3
                gwait(cc, j)
                compute(cc, j)
                scat(cc, j)

                @pl.when(cc + 2 < NCH)
                def _():
                    @pl.when(cc >= 1)
                    def _():
                        swait(cc - 1, jn)
                    issue(cc + 2, jn)
            return carry

        lax.fori_loop(0, NCH // 3, step, 0)
        for j in range(3):
            swait(NCH - 3 + j, j)
        plsc.subcore_barrier()

        rs = pl.ds(s_ * _ROWS_PER_TILE, _ROWS_PER_TILE)
        pltpu.sync_copy(num_sh.at[rs], out_hbm.at[c_, rs])

    return body


_sc_agg = _make_sc(scalar_layer=False)
_sc_agg_scalar = _make_sc(scalar_layer=True)



def kernel(x, edge_index, W1, as1, ad1, b1, W2, as2, ad2, b2, W3, as3, ad3, b3):
    n = x.shape[0]
    loop = jnp.arange(n, dtype=jnp.int32)
    pad = (jnp.arange(EPAD - E_REAL, dtype=jnp.int32) * 97) % n
    src = jnp.concatenate([edge_index[0], loop, pad]).reshape(TILES, EPT)
    dst = jnp.concatenate([edge_index[1], loop, pad]).reshape(TILES, EPT)

    xp = jnp.pad(x, ((0, NP - n), (0, 0)))
    attn1 = jnp.stack([as1[0], ad1[0]], axis=1)
    attn2 = jnp.stack([as2[0], ad2[0]], axis=1)
    attn3 = jnp.stack([as3[0], ad3[0]], axis=1)
    z80 = jnp.zeros((_ROWS_PER_TILE, WA), jnp.float32)
    z16 = jnp.zeros((_ROWS_PER_TILE, WAS), jnp.float32)

    hsrc1, adr1 = _tc_in(xp, W1, attn1)
    p1 = _sc_agg(src, dst, hsrc1, adr1, z80)

    hsrc2, adr2 = _tc_mid(p1, W2, attn2, b1.reshape(1, HID))
    p2 = _sc_agg(src, dst, hsrc2, adr2, z80)

    s3, d3 = _tc3(p2, W3, attn3, b2.reshape(1, HID))
    p3 = _sc_agg_scalar(src, dst, s3, d3, z16)

    out = _tc_out(p3, b3.reshape(1, 1))
    return out[:n]

# --- scband reference (transcript-rebuilt; emitter-appended) ---
"""Pipeline reference for scband-gatnet-14628658610611 (READ-ONLY COPY).

The authoritative reference and input builder live on the scoring server;
editing this copy changes nothing except your own understanding.
"""

import jax, jax.numpy as jnp
import numpy as np

N_NODES = 10000
N_EDGES = 320000
D_FEAT = 128
HIDDEN = 64
HEADS = 1


def setup_inputs(seed: int = 0) -> dict:
    key = jax.random.key(seed)
    ks = jax.random.split(key, 16)
    x = jax.random.normal(ks[0], (N_NODES, D_FEAT), dtype=jnp.float32)
    edge_index = jax.random.randint(ks[1], (2, N_EDGES), 0, N_NODES, dtype=jnp.int32)
    s = 0.1
    W1 = jax.random.normal(ks[2], (D_FEAT, HEADS * HIDDEN), dtype=jnp.float32) * s
    as1 = jax.random.normal(ks[3], (HEADS, HIDDEN), dtype=jnp.float32) * s
    ad1 = jax.random.normal(ks[4], (HEADS, HIDDEN), dtype=jnp.float32) * s
    b1 = jnp.zeros((HEADS * HIDDEN,), dtype=jnp.float32)
    W2 = jax.random.normal(ks[5], (HEADS * HIDDEN, HEADS * HIDDEN), dtype=jnp.float32) * s
    as2 = jax.random.normal(ks[6], (HEADS, HIDDEN), dtype=jnp.float32) * s
    ad2 = jax.random.normal(ks[7], (HEADS, HIDDEN), dtype=jnp.float32) * s
    b2 = jnp.zeros((HEADS * HIDDEN,), dtype=jnp.float32)
    W3 = jax.random.normal(ks[8], (HEADS * HIDDEN, 1), dtype=jnp.float32) * s
    as3 = jax.random.normal(ks[9], (1, 1), dtype=jnp.float32) * s
    ad3 = jax.random.normal(ks[10], (1, 1), dtype=jnp.float32) * s
    b3 = jnp.zeros((1,), dtype=jnp.float32)
    return {"x": x, "edge_index": edge_index, "W1": W1, "as1": as1, "ad1": ad1, "b1": b1,
            "W2": W2, "as2": as2, "ad2": ad2, "b2": b2, "W3": W3, "as3": as3, "ad3": ad3, "b3": b3}


def gat_conv(x, src, dst, W, att_src, att_dst, b, heads, outc):
    N = x.shape[0]
    h = (x @ W).reshape(N, heads, outc)
    a_s = jnp.sum(h * att_src[None, :, :], axis=-1)
    a_d = jnp.sum(h * att_dst[None, :, :], axis=-1)
    e = a_s[src] + a_d[dst]
    e = jax.nn.leaky_relu(e, negative_slope=0.2)
    m = jax.ops.segment_max(e, dst, num_segments=N)
    m = jax.lax.stop_gradient(m)
    ex = jnp.exp(e - m[dst])
    denom = jax.ops.segment_sum(ex, dst, num_segments=N)
    alpha = ex / (denom[dst] + 1e-16)
    out = jax.ops.segment_sum(h[src] * alpha[:, :, None], dst, num_segments=N)
    return out.reshape(N, heads * outc) + b


def reference(x, edge_index, W1, as1, ad1, b1, W2, as2, ad2, b2, W3, as3, ad3, b3):
    N = x.shape[0]
    loop = jnp.arange(N, dtype=edge_index.dtype)
    src = jnp.concatenate([edge_index[0], loop])
    dst = jnp.concatenate([edge_index[1], loop])
    h = gat_conv(x, src, dst, W1, as1, ad1, b1, HEADS, HIDDEN)
    h = jax.nn.elu(h)
    h = gat_conv(h, src, dst, W2, as2, ad2, b2, HEADS, HIDDEN)
    h = jax.nn.elu(h)
    out = gat_conv(h, src, dst, W3, as3, ad3, b3, 1, 1)
    return out

if __name__ == "__main__":
    import jax
    _d = setup_inputs()
    print(jax.jit(kernel)(*tuple(_d.values())))

</pallas_src>

<mosaic_0001>
#map = affine_map<(d0, d1) -> (0, 0)>
#map1 = affine_map<(d0, d1) -> (0, 0, 0)>
module attributes {stable_mosaic.version = 14 : i64} {
  func.func @body(%arg0: i32, %arg1: i32, %arg2: memref<32x10368xi32, #tpu.memory_space<hbm>>, %arg3: memref<32x10368xi32, #tpu.memory_space<hbm>>, %arg4: memref<10240x128xf32, #tpu.memory_space<hbm>>, %arg5: memref<10240x128xf32, #tpu.memory_space<hbm>>, %arg6: memref<640x128xf32, #tpu.memory_space<hbm>>, %arg7: memref<2x10240x128xf32, #tpu.memory_space<hbm>>, %arg8: memref<10368xi32, #tpu.memory_space<vmem>>, %arg9: memref<10368xi32, #tpu.memory_space<vmem>>, %arg10: memref<3x32x128xf32, #tpu.memory_space<vmem>>, %arg11: memref<3x32x128xf32, #tpu.memory_space<vmem>>, %arg12: memref<10240x128xf32, #tpu.memory_space<vmem_shared>>, %arg13: memref<!tpu.dma_semaphore, #tpu.memory_space<semaphore_mem>>, %arg14: memref<!tpu.dma_semaphore, #tpu.memory_space<semaphore_mem>>, %arg15: memref<!tpu.dma_semaphore, #tpu.memory_space<semaphore_mem>>, %arg16: memref<!tpu.dma_semaphore, #tpu.memory_space<semaphore_mem>>, %arg17: memref<!tpu.dma_semaphore, #tpu.memory_space<semaphore_mem>>, %arg18: memref<!tpu.dma_semaphore, #tpu.memory_space<semaphore_mem>>, %arg19: memref<!tpu.dma_semaphore, #tpu.memory_space<semaphore_mem>>, %arg20: memref<!tpu.dma_semaphore, #tpu.memory_space<semaphore_mem>>, %arg21: memref<!tpu.dma_semaphore, #tpu.memory_space<semaphore_mem>>) attributes {dimension_semantics = [#tpu.dimension_semantics<core_parallel>, #tpu.dimension_semantics<subcore_parallel>], iteration_bounds = array<i64: 2, 16>, scalar_prefetch = 0 : i64, scratch_operands = 14 : i64, tpu.core_type = #tpu.core_type<sc_vector_subcore>, window_params = [{transform_indices = #map}, {transform_indices = #map}, {transform_indices = #map}, {transform_indices = #map}, {transform_indices = #map}, {transform_indices = #map1}]} {
    %mul3A = arith.constant 16 : i32
    %mul3A_0 = arith.muli %arg0, %mul3A : i32
    %add3A = arith.addi %mul3A_0, %arg1 : i32
    "tpu.region"() ({
      %run_scoped3A = tpu.sem_alloc : memref<!tpu.dma_semaphore, #tpu.memory_space<semaphore_mem>>
      %dma_start3A_81 = arith.constant 0 : i32
      %dma_start3A_82 = tpu.memref_slice %arg2[%add3A, %dma_start3A_81] : memref<32x10368xi32, #tpu.memory_space<hbm>> -> memref<1x10368xi32, #tpu.memory_space<hbm>>
      %dma_start3A_83 = tpu.memref_squeeze %dma_start3A_82 : memref<1x10368xi32, #tpu.memory_space<hbm>> -> memref<10368xi32, #tpu.memory_space<hbm>>
      %dma_start3A_84 = arith.constant 0 : i32
      %dma_start3A_85 = tpu.memref_slice %arg2[%add3A, %dma_start3A_84] : memref<32x10368xi32, #tpu.memory_space<hbm>> -> memref<1x10368xi32, #tpu.memory_space<hbm>>
      %dma_start3A_86 = tpu.memref_squeeze %dma_start3A_85 : memref<1x10368xi32, #tpu.memory_space<hbm>> -> memref<10368xi32, #tpu.memory_space<hbm>>
      tpu.enqueue_dma source(%dma_start3A_86 : memref<10368xi32, #tpu.memory_space<hbm>>) target(%arg8 : memref<10368xi32, #tpu.memory_space<vmem>>) target_semaphore(%run_scoped3A : memref<!tpu.dma_semaphore, #tpu.memory_space<semaphore_mem>>)
      %dma_wait3A_87 = arith.constant 0 : i32
      %dma_wait3A_88 = tpu.memref_slice %arg2[%add3A, %dma_wait3A_87] : memref<32x10368xi32, #tpu.memory_space<hbm>> -> memref<1x10368xi32, #tpu.memory_space<hbm>>
      %dma_wait3A_89 = tpu.memref_squeeze %dma_wait3A_88 : memref<1x10368xi32, #tpu.memory_space<hbm>> -> memref<10368xi32, #tpu.memory_space<hbm>>
      %dma_wait3A_90 = arith.constant 0 : i32
      %dma_wait3A_91 = tpu.memref_slice %arg2[%add3A, %dma_wait3A_90] : memref<32x10368xi32, #tpu.memory_space<hbm>> -> memref<1x10368xi32, #tpu.memory_space<hbm>>
      %dma_wait3A_92 = tpu.memref_squeeze %dma_wait3A_91 : memref<1x10368xi32, #tpu.memory_space<hbm>> -> memref<10368xi32, #tpu.memory_space<hbm>>
      tpu.wait_dma2 semaphore(%run_scoped3A : memref<!tpu.dma_semaphore, #tpu.memory_space<semaphore_mem>>) src(%dma_wait3A_92 : memref<10368xi32, #tpu.memory_space<hbm>>) dst(%arg8 : memref<10368xi32, #tpu.memory_space<vmem>>)
      tpu.yield
    }) : () -> ()
    "tpu.region"() ({
      %run_scoped3A = tpu.sem_alloc : memref<!tpu.dma_semaphore, #tpu.memory_space<semaphore_mem>>
      %dma_start3A_81 = arith.constant 0 : i32
      %dma_start3A_82 = tpu.memref_slice %arg3[%add3A, %dma_start3A_81] : memref<32x10368xi32, #tpu.memory_space<hbm>> -> memref<1x10368xi32, #tpu.memory_space<hbm>>
      %dma_start3A_83 = tpu.memref_squeeze %dma_start3A_82 : memref<1x10368xi32, #tpu.memory_space<hbm>> -> memref<10368xi32, #tpu.memory_space<hbm>>
      %dma_start3A_84 = arith.constant 0 : i32
      %dma_start3A_85 = tpu.memref_slice %arg3[%add3A, %dma_start3A_84] : memref<32x10368xi32, #tpu.memory_space<hbm>> -> memref<1x10368xi32, #tpu.memory_space<hbm>>
      %dma_start3A_86 = tpu.memref_squeeze %dma_start3A_85 : memref<1x10368xi32, #tpu.memory_space<hbm>> -> memref<10368xi32, #tpu.memory_space<hbm>>
      tpu.enqueue_dma source(%dma_start3A_86 : memref<10368xi32, #tpu.memory_space<hbm>>) target(%arg9 : memref<10368xi32, #tpu.memory_space<vmem>>) target_semaphore(%run_scoped3A : memref<!tpu.dma_semaphore, #tpu.memory_space<semaphore_mem>>)
      %dma_wait3A_87 = arith.constant 0 : i32
      %dma_wait3A_88 = tpu.memref_slice %arg3[%add3A, %dma_wait3A_87] : memref<32x10368xi32, #tpu.memory_space<hbm>> -> memref<1x10368xi32, #tpu.memory_space<hbm>>
      %dma_wait3A_89 = tpu.memref_squeeze %dma_wait3A_88 : memref<1x10368xi32, #tpu.memory_space<hbm>> -> memref<10368xi32, #tpu.memory_space<hbm>>
      %dma_wait3A_90 = arith.constant 0 : i32
      %dma_wait3A_91 = tpu.memref_slice %arg3[%add3A, %dma_wait3A_90] : memref<32x10368xi32, #tpu.memory_space<hbm>> -> memref<1x10368xi32, #tpu.memory_space<hbm>>
      %dma_wait3A_92 = tpu.memref_squeeze %dma_wait3A_91 : memref<1x10368xi32, #tpu.memory_space<hbm>> -> memref<10368xi32, #tpu.memory_space<hbm>>
      tpu.wait_dma2 semaphore(%run_scoped3A : memref<!tpu.dma_semaphore, #tpu.memory_space<semaphore_mem>>) src(%dma_wait3A_92 : memref<10368xi32, #tpu.memory_space<hbm>>) dst(%arg9 : memref<10368xi32, #tpu.memory_space<vmem>>)
      tpu.yield
    }) : () -> ()
    %mul3A_1 = arith.constant 640 : i32
    %mul3A_2 = arith.muli %arg1, %mul3A_1 : i32
    "tpu.region"() ({
      %run_scoped3A = tpu.sem_alloc : memref<!tpu.dma_semaphore, #tpu.memory_space<semaphore_mem>>
      %dma_start3A_81 = arith.constant 0 : i32
      %dma_start3A_82 = tpu.memref_slice %arg12[%mul3A_2, %dma_start3A_81] : memref<10240x128xf32, #tpu.memory_space<vmem_shared>> -> memref<640x128xf32, #tpu.memory_space<vmem_shared>>
      tpu.enqueue_dma source(%arg6 : memref<640x128xf32, #tpu.memory_space<hbm>>) target(%dma_start3A_82 : memref<640x128xf32, #tpu.memory_space<vmem_shared>>) target_semaphore(%run_scoped3A : memref<!tpu.dma_semaphore, #tpu.memory_space<semaphore_mem>>)
      %dma_wait3A_83 = arith.constant 0 : i32
      %dma_wait3A_84 = tpu.memref_slice %arg12[%mul3A_2, %dma_wait3A_83] : memref<10240x128xf32, #tpu.memory_space<vmem_shared>> -> memref<640x128xf32, #tpu.memory_space<vmem_shared>>
      tpu.wait_dma2 semaphore(%run_scoped3A : memref<!tpu.dma_semaphore, #tpu.memory_space<semaphore_mem>>) src(%arg6 : memref<640x128xf32, #tpu.memory_space<hbm>>) dst(%dma_wait3A_84 : memref<640x128xf32, #tpu.memory_space<vmem_shared>>)
      tpu.yield
    }) : () -> ()
    %barrier3A = arith.constant 0 : index
    tpu.barrier barrier_id(%barrier3A)
    %mul3A_3 = arith.constant 10368 : i32
    %mul3A_4 = arith.muli %add3A, %mul3A_3 : i32
    %iota3A = tpu.iota {dimensions = array<i32: 0>} : vector<16xi32>
    %dma_start3A = arith.constant 0 : i32
    %dma_start3A_5 = arith.constant 0 : i32
    %dma_start3A_6 = arith.constant 0 : i32
    %dma_start3A_7 = tpu.memref_slice %arg10[%dma_start3A, %dma_start3A_5, %dma_start3A_6] : memref<3x32x128xf32, #tpu.memory_space<vmem>> -> memref<1x32x128xf32, #tpu.memory_space<vmem>>
    %dma_start3A_8 = tpu.memref_squeeze %dma_start3A_7 : memref<1x32x128xf32, #tpu.memory_space<vmem>> -> memref<32x128xf32, #tpu.memory_space<vmem>>
    %dma_start3A_9 = arith.constant 0 : i32
    %dma_start3A_10 = tpu.memref_slice %arg8[%dma_start3A_9] : memref<10368xi32, #tpu.memory_space<vmem>> -> memref<32xi32, #tpu.memory_space<vmem>>
    %dma_start3A_11 = arith.constant 0 : i32
    %dma_start3A_12 = arith.constant 0 : i32
    %dma_start3A_13 = tpu.memref_slice %arg4[%dma_start3A_11, %dma_start3A_12] : memref<10240x128xf32, #tpu.memory_space<hbm>> -> memref<10240x128xf32, #tpu.memory_space<hbm>>
    tpu.enqueue_indirect_dma source(%dma_start3A_13 : memref<10240x128xf32, #tpu.memory_space<hbm>>) target(%dma_start3A_8 : memref<32x128xf32, #tpu.memory_space<vmem>>) offsets(%dma_start3A_10 : memref<32xi32, #tpu.memory_space<vmem>>) semaphore(%arg13 : memref<!tpu.dma_semaphore, #tpu.memory_space<semaphore_mem>>)
    %dma_start3A_14 = arith.constant 0 : i32
    %dma_start3A_15 = arith.constant 0 : i32
    %dma_start3A_16 = arith.constant 0 : i32
    %dma_start3A_17 = tpu.memref_slice %arg11[%dma_start3A_14, %dma_start3A_15, %dma_start3A_16] : memref<3x32x128xf32, #tpu.memory_space<vmem>> -> memref<1x32x128xf32, #tpu.memory_space<vmem>>
    %dma_start3A_18 = tpu.memref_squeeze %dma_start3A_17 : memref<1x32x128xf32, #tpu.memory_space<vmem>> -> memref<32x128xf32, #tpu.memory_space<vmem>>
    %dma_start3A_19 = arith.constant 0 : i32
    %dma_start3A_20 = tpu.memref_slice %arg9[%dma_start3A_19] : memref<10368xi32, #tpu.memory_space<vmem>> -> memref<32xi32, #tpu.memory_space<vmem>>
    %dma_start3A_21 = arith.constant 0 : i32
    %dma_start3A_22 = arith.constant 0 : i32
    %dma_start3A_23 = tpu.memref_slice %arg5[%dma_start3A_21, %dma_start3A_22] : memref<10240x128xf32, #tpu.memory_space<hbm>> -> memref<10240x128xf32, #tpu.memory_space<hbm>>
    tpu.enqueue_indirect_dma source(%dma_start3A_23 : memref<10240x128xf32, #tpu.memory_space<hbm>>) target(%dma_start3A_18 : memref<32x128xf32, #tpu.memory_space<vmem>>) offsets(%dma_start3A_20 : memref<32xi32, #tpu.memory_space<vmem>>) semaphore(%arg16 : memref<!tpu.dma_semaphore, #tpu.memory_space<semaphore_mem>>)
    %dma_start3A_24 = arith.constant 1 : i32
    %dma_start3A_25 = arith.constant 0 : i32
    %dma_start3A_26 = arith.constant 0 : i32
    %dma_start3A_27 = tpu.memref_slice %arg10[%dma_start3A_24, %dma_start3A_25, %dma_start3A_26] : memref<3x32x128xf32, #tpu.memory_space<vmem>> -> memref<1x32x128xf32, #tpu.memory_space<vmem>>
    %dma_start3A_28 = tpu.memref_squeeze %dma_start3A_27 : memref<1x32x128xf32, #tpu.memory_space<vmem>> -> memref<32x128xf32, #tpu.memory_space<vmem>>
    %dma_start3A_29 = arith.constant 32 : i32
    %dma_start3A_30 = tpu.memref_slice %arg8[%dma_start3A_29] : memref<10368xi32, #tpu.memory_space<vmem>> -> memref<32xi32, #tpu.memory_space<vmem>>
    %dma_start3A_31 = arith.constant 0 : i32
    %dma_start3A_32 = arith.constant 0 : i32
    %dma_start3A_33 = tpu.memref_slice %arg4[%dma_start3A_31, %dma_start3A_32] : memref<10240x128xf32, #tpu.memory_space<hbm>> -> memref<10240x128xf32, #tpu.memory_space<hbm>>
    tpu.enqueue_indirect_dma source(%dma_start3A_33 : memref<10240x128xf32, #tpu.memory_space<hbm>>) target(%dma_start3A_28 : memref<32x128xf32, #tpu.memory_space<vmem>>) offsets(%dma_start3A_30 : memref<32xi32, #tpu.memory_space<vmem>>) semaphore(%arg14 : memref<!tpu.dma_semaphore, #tpu.memory_space<semaphore_mem>>)
    %dma_start3A_34 = arith.constant 1 : i32
    %dma_start3A_35 = arith.constant 0 : i32
    %dma_start3A_36 = arith.constant 0 : i32
    %dma_start3A_37 = tpu.memref_slice %arg11[%dma_start3A_34, %dma_start3A_35, %dma_start3A_36] : memref<3x32x128xf32, #tpu.memory_space<vmem>> -> memref<1x32x128xf32, #tpu.memory_space<vmem>>
    %dma_start3A_38 = tpu.memref_squeeze %dma_start3A_37 : memref<1x32x128xf32, #tpu.memory_space<vmem>> -> memref<32x128xf32, #tpu.memory_space<vmem>>
    %dma_start3A_39 = arith.constant 32 : i32
    %dma_start3A_40 = tpu.memref_slice %arg9[%dma_start3A_39] : memref<10368xi32, #tpu.memory_space<vmem>> -> memref<32xi32, #tpu.memory_space<vmem>>
    %dma_start3A_41 = arith.constant 0 : i32
    %dma_start3A_42 = arith.constant 0 : i32
    %dma_start3A_43 = tpu.memref_slice %arg5[%dma_start3A_41, %dma_start3A_42] : memref<10240x128xf32, #tpu.memory_space<hbm>> -> memref<10240x128xf32, #tpu.memory_space<hbm>>
    tpu.enqueue_indirect_dma source(%dma_start3A_43 : memref<10240x128xf32, #tpu.memory_space<hbm>>) target(%dma_start3A_38 : memref<32x128xf32, #tpu.memory_space<vmem>>) offsets(%dma_start3A_40 : memref<32xi32, #tpu.memory_space<vmem>>) semaphore(%arg17 : memref<!tpu.dma_semaphore, #tpu.memory_space<semaphore_mem>>)
    %scan3A = arith.constant 0 : i32
    %scan3A_44 = arith.constant 0 : i32
    %scan3A_45 = arith.constant 108 : i32
    %scan3A_46 = arith.addi %scan3A_44, %scan3A_45 : i32
    %scan3A_47 = arith.constant 1 : i32
    scf.for %scan3A_81 = %scan3A_44 to %scan3A_46 step %scan3A_47  : i32 {
      %mul3A_82 = arith.constant 3 : i32
      %mul3A_83 = arith.muli %mul3A_82, %scan3A_81 : i32
      %add3A_84 = arith.constant 0 : i32
      %add3A_85 = arith.addi %mul3A_83, %add3A_84 : i32
      %mul3A_86 = arith.constant 32 : i32
      %mul3A_87 = arith.muli %add3A_85, %mul3A_86 : i32
      %mul3A_88 = arith.constant 32 : i32
      %mul3A_89 = arith.muli %add3A_85, %mul3A_88 : i32
      %dma_wait3A_90 = arith.constant 0 : i32
      %dma_wait3A_91 = arith.constant 0 : i32
      %dma_wait3A_92 = arith.constant 0 : i32
      %dma_wait3A_93 = tpu.memref_slice %arg10[%dma_wait3A_90, %dma_wait3A_91, %dma_wait3A_92] : memref<3x32x128xf32, #tpu.memory_space<vmem>> -> memref<1x32x128xf32, #tpu.memory_space<vmem>>
      %dma_wait3A_94 = tpu.memref_squeeze %dma_wait3A_93 : memref<1x32x128xf32, #tpu.memory_space<vmem>> -> memref<32x128xf32, #tpu.memory_space<vmem>>
      %dma_wait3A_95 = tpu.memref_slice %arg8[%mul3A_87] : memref<10368xi32, #tpu.memory_space<vmem>> -> memref<32xi32, #tpu.memory_space<vmem>>
      %dma_wait3A_96 = arith.constant 0 : i32
      %dma_wait3A_97 = arith.constant 0 : i32
      %dma_wait3A_98 = tpu.memref_slice %arg4[%dma_wait3A_96, %dma_wait3A_97] : memref<10240x128xf32, #tpu.memory_space<hbm>> -> memref<10240x128xf32, #tpu.memory_space<hbm>>
      tpu.wait_indirect_dma semaphore(%arg13 : memref<!tpu.dma_semaphore, #tpu.memory_space<semaphore_mem>>) src(%dma_wait3A_98 : memref<10240x128xf32, #tpu.memory_space<hbm>>) dst(%dma_wait3A_94 : memref<32x128xf32, #tpu.memory_space<vmem>>)
      %dma_wait3A_99 = arith.constant 0 : i32
      %dma_wait3A_100 = arith.constant 0 : i32
      %dma_wait3A_101 = arith.constant 0 : i32
      %dma_wait3A_102 = tpu.memref_slice %arg11[%dma_wait3A_99, %dma_wait3A_100, %dma_wait3A_101] : memref<3x32x128xf32, #tpu.memory_space<vmem>> -> memref<1x32x128xf32, #tpu.memory_space<vmem>>
      %dma_wait3A_103 = tpu.memref_squeeze %dma_wait3A_102 : memref<1x32x128xf32, #tpu.memory_space<vmem>> -> memref<32x128xf32, #tpu.memory_space<vmem>>
      %dma_wait3A_104 = tpu.memref_slice %arg9[%mul3A_89] : memref<10368xi32, #tpu.memory_space<vmem>> -> memref<32xi32, #tpu.memory_space<vmem>>
      %dma_wait3A_105 = arith.constant 0 : i32
      %dma_wait3A_106 = arith.constant 0 : i32
      %dma_wait3A_107 = tpu.memref_slice %arg5[%dma_wait3A_105, %dma_wait3A_106] : memref<10240x128xf32, #tpu.memory_space<hbm>> -> memref<10240x128xf32, #tpu.memory_space<hbm>>
      tpu.wait_indirect_dma semaphore(%arg16 : memref<!tpu.dma_semaphore, #tpu.memory_space<semaphore_mem>>) src(%dma_wait3A_107 : memref<10240x128xf32, #tpu.memory_space<hbm>>) dst(%dma_wait3A_103 : memref<32x128xf32, #tpu.memory_space<vmem>>)
      %scan3A_108 = arith.constant 0 : i32
      %scan3A_109 = arith.constant 0 : i32
      %scan3A_110 = arith.constant 32 : i32
      %scan3A_111 = arith.addi %scan3A_109, %scan3A_110 : i32
      %scan3A_112 = arith.constant 1 : i32
      scf.for %scan3A_229 = %scan3A_109 to %scan3A_111 step %scan3A_112  : i32 {
        %get3A = arith.constant 0 : i32
        %get3A_230 = arith.index_cast %get3A : i32 to index
        %get3A_231 = arith.index_cast %scan3A_229 : i32 to index
        %get3A_232 = arith.constant 64 : index
        %get3A_233 = tpu.vector_load %arg10[%get3A_230, %get3A_231, %get3A_232] {strides = array<i32>} : memref<3x32x128xf32, #tpu.memory_space<vmem>>, vector<1x1x16xf32>,
        %get3A_234 = vector.shape_cast %get3A_233 : vector<1x1x16xf32> to vector<16xf32>
        %get3A_235 = arith.constant 0 : i32
        %get3A_236 = arith.index_cast %get3A_235 : i32 to index
        %get3A_237 = arith.index_cast %scan3A_229 : i32 to index
        %get3A_238 = arith.constant 0 : index
        %get3A_239 = tpu.vector_load %arg11[%get3A_236, %get3A_237, %get3A_238] {strides = array<i32>} : memref<3x32x128xf32, #tpu.memory_space<vmem>>, vector<1x1x16xf32>,
        %get3A_240 = vector.shape_cast %get3A_239 : vector<1x1x16xf32> to vector<16xf32>
        %add3A_241 = arith.addf %get3A_234, %get3A_240 : vector<16xf32>
        %ge3A = arith.constant 0.000000e+00 : f32
        %ge3A_242 = vector.broadcast %ge3A : f32 to vector<16xf32>
        %ge3A_243 = arith.cmpf oge, %add3A_241, %ge3A_242 : vector<16xf32>
        %mul3A_244 = arith.constant 2.000000e-01 : f32
        %mul3A_245 = vector.broadcast %mul3A_244 : f32 to vector<16xf32>
        %mul3A_246 = arith.mulf %mul3A_245, %add3A_241 : vector<16xf32>
        %select_n3A = arith.select %ge3A_243, %add3A_241, %mul3A_246 : vector<16xi1>, vector<16xf32>
        %exp3A = math.exp %select_n3A : vector<16xf32>
        %mul3A_247 = arith.constant 32 : i32
        %mul3A_248 = arith.muli %add3A_85, %mul3A_247 : i32
        %add3A_249 = arith.addi %mul3A_4, %mul3A_248 : i32
        %add3A_250 = arith.addi %add3A_249, %scan3A_229 : i32
        %lt3A_251 = arith.constant 330000 : i32
        %lt3A_252 = arith.cmpi slt, %add3A_250, %lt3A_251 : i32
        %slice3A = vector.extract_strided_slice %exp3A {offsets = [0], sizes = [1], strides = [1]} : vector<16xf32> to vector<1xf32>
        %squeeze3A = vector.extract %slice3A[0] : f32 from vector<1xf32>
        %jit3A = arith.constant 0.000000e+00 : f32
        %select_n3A_253 = arith.select %lt3A_252, %squeeze3A, %jit3A : f32
        %get3A_254 = arith.constant 0 : i32
        %get3A_255 = arith.index_cast %get3A_254 : i32 to index
        %get3A_256 = arith.index_cast %scan3A_229 : i32 to index
        %get3A_257 = arith.constant 0 : index
        %get3A_258 = tpu.vector_load %arg10[%get3A_255, %get3A_256, %get3A_257] {strides = array<i32>} : memref<3x32x128xf32, #tpu.memory_space<vmem>>, vector<1x1x16xf32>,
        %get3A_259 = vector.shape_cast %get3A_258 : vector<1x1x16xf32> to vector<16xf32>
        %mul3A_260 = vector.broadcast %select_n3A_253 : f32 to vector<16xf32>
        %mul3A_261 = arith.mulf %get3A_259, %mul3A_260 : vector<16xf32>
        %swap3A = arith.constant 0 : i32
        %swap3A_262 = arith.index_cast %swap3A : i32 to index
        %swap3A_263 = arith.index_cast %scan3A_229 : i32 to index
        %swap3A_264 = arith.constant 0 : index
        %swap3A_265 = tpu.vector_load %arg10[%swap3A_262, %swap3A_263, %swap3A_264] {strides = array<i32>} : memref<3x32x128xf32, #tpu.memory_space<vmem>>, vector<1x1x16xf32>,
        %swap3A_266 = vector.shape_cast %swap3A_265 : vector<1x1x16xf32> to vector<16xf32>
        %swap3A_267 = vector.shape_cast %mul3A_261 : vector<16xf32> to vector<1x1x16xf32>
        tpu.vector_store %arg10[%swap3A_262, %swap3A_263, %swap3A_264], %swap3A_267 {strides = array<i32>} : memref<3x32x128xf32, #tpu.memory_space<vmem>>, vector<1x1x16xf32>,
        %get3A_268 = arith.constant 0 : i32
        %get3A_269 = arith.index_cast %get3A_268 : i32 to index
        %get3A_270 = arith.index_cast %scan3A_229 : i32 to index
        %get3A_271 = arith.constant 16 : index
        %get3A_272 = tpu.vector_load %arg10[%get3A_269, %get3A_270, %get3A_271] {strides = array<i32>} : memref<3x32x128xf32, #tpu.memory_space<vmem>>, vector<1x1x16xf32>,
        %get3A_273 = vector.shape_cast %get3A_272 : vector<1x1x16xf32> to vector<16xf32>
        %mul3A_274 = vector.broadcast %select_n3A_253 : f32 to vector<16xf32>
        %mul3A_275 = arith.mulf %get3A_273, %mul3A_274 : vector<16xf32>
        %swap3A_276 = arith.constant 0 : i32
        %swap3A_277 = arith.index_cast %swap3A_276 : i32 to index
        %swap3A_278 = arith.index_cast %scan3A_229 : i32 to index
        %swap3A_279 = arith.constant 16 : index
        %swap3A_280 = tpu.vector_load %arg10[%swap3A_277, %swap3A_278, %swap3A_279] {strides = array<i32>} : memref<3x32x128xf32, #tpu.memory_space<vmem>>, vector<1x1x16xf32>,
        %swap3A_281 = vector.shape_cast %swap3A_280 : vector<1x1x16xf32> to vector<16xf32>
        %swap3A_282 = vector.shape_cast %mul3A_275 : vector<16xf32> to vector<1x1x16xf32>
        tpu.vector_store %arg10[%swap3A_277, %swap3A_278, %swap3A_279], %swap3A_282 {strides = array<i32>} : memref<3x32x128xf32, #tpu.memory_space<vmem>>, vector<1x1x16xf32>,
        %get3A_283 = arith.constant 0 : i32
        %get3A_284 = arith.index_cast %get3A_283 : i32 to index
        %get3A_285 = arith.index_cast %scan3A_229 : i32 to index
        %get3A_286 = arith.constant 32 : index
        %get3A_287 = tpu.vector_load %arg10[%get3A_284, %get3A_285, %get3A_286] {strides = array<i32>} : memref<3x32x128xf32, #tpu.memory_space<vmem>>, vector<1x1x16xf32>,
        %get3A_288 = vector.shape_cast %get3A_287 : vector<1x1x16xf32> to vector<16xf32>
        %mul3A_289 = vector.broadcast %select_n3A_253 : f32 to vector<16xf32>
        %mul3A_290 = arith.mulf %get3A_288, %mul3A_289 : vector<16xf32>
        %swap3A_291 = arith.constant 0 : i32
        %swap3A_292 = arith.index_cast %swap3A_291 : i32 to index
        %swap3A_293 = arith.index_cast %scan3A_229 : i32 to index
        %swap3A_294 = arith.constant 32 : index
        %swap3A_295 = tpu.vector_load %arg10[%swap3A_292, %swap3A_293, %swap3A_294] {strides = array<i32>} : memref<3x32x128xf32, #tpu.memory_space<vmem>>, vector<1x1x16xf32>,
        %swap3A_296 = vector.shape_cast %swap3A_295 : vector<1x1x16xf32> to vector<16xf32>
        %swap3A_297 = vector.shape_cast %mul3A_290 : vector<16xf32> to vector<1x1x16xf32>
        tpu.vector_store %arg10[%swap3A_292, %swap3A_293, %swap3A_294], %swap3A_297 {strides = array<i32>} : memref<3x32x128xf32, #tpu.memory_space<vmem>>, vector<1x1x16xf32>,
        %get3A_298 = arith.constant 0 : i32
        %get3A_299 = arith.index_cast %get3A_298 : i32 to index
        %get3A_300 = arith.index_cast %scan3A_229 : i32 to index
        %get3A_301 = arith.constant 48 : index
        %get3A_302 = tpu.vector_load %arg10[%get3A_299, %get3A_300, %get3A_301] {strides = array<i32>} : memref<3x32x128xf32, #tpu.memory_space<vmem>>, vector<1x1x16xf32>,
        %get3A_303 = vector.shape_cast %get3A_302 : vector<1x1x16xf32> to vector<16xf32>
        %mul3A_304 = vector.broadcast %select_n3A_253 : f32 to vector<16xf32>
        %mul3A_305 = arith.mulf %get3A_303, %mul3A_304 : vector<16xf32>
        %swap3A_306 = arith.constant 0 : i32
        %swap3A_307 = arith.index_cast %swap3A_306 : i32 to index
        %swap3A_308 = arith.index_cast %scan3A_229 : i32 to index
        %swap3A_309 = arith.constant 48 : index
        %swap3A_310 = tpu.vector_load %arg10[%swap3A_307, %swap3A_308, %swap3A_309] {strides = array<i32>} : memref<3x32x128xf32, #tpu.memory_space<vmem>>, vector<1x1x16xf32>,
        %swap3A_311 = vector.shape_cast %swap3A_310 : vector<1x1x16xf32> to vector<16xf32>
        %swap3A_312 = vector.shape_cast %mul3A_305 : vector<16xf32> to vector<1x1x16xf32>
        tpu.vector_store %arg10[%swap3A_307, %swap3A_308, %swap3A_309], %swap3A_312 {strides = array<i32>} : memref<3x32x128xf32, #tpu.memory_space<vmem>>, vector<1x1x16xf32>,
        %eq3A = arith.constant 0 : i32
        %eq3A_313 = vector.broadcast %eq3A : i32 to vector<16xi32>
        %eq3A_314 = arith.cmpi eq, %iota3A, %eq3A_313 : vector<16xi32>
        %jit3A_315 = arith.constant 0.000000e+00 : f32
        %broadcast_in_dim3A = vector.broadcast %select_n3A_253 : f32 to vector<16xf32>
        %broadcast_in_dim3A_316 = vector.broadcast %jit3A_315 : f32 to vector<16xf32>
        %select_n3A_317 = arith.select %eq3A_314, %broadcast_in_dim3A, %broadcast_in_dim3A_316 : vector<16xi1>, vector<16xf32>
        %swap3A_318 = arith.constant 0 : i32
        %swap3A_319 = arith.index_cast %swap3A_318 : i32 to index
        %swap3A_320 = arith.index_cast %scan3A_229 : i32 to index
        %swap3A_321 = arith.constant 64 : index
        %swap3A_322 = tpu.vector_load %arg10[%swap3A_319, %swap3A_320, %swap3A_321] {strides = array<i32>} : memref<3x32x128xf32, #tpu.memory_space<vmem>>, vector<1x1x16xf32>,
        %swap3A_323 = vector.shape_cast %swap3A_322 : vector<1x1x16xf32> to vector<16xf32>
        %swap3A_324 = vector.shape_cast %select_n3A_317 : vector<16xf32> to vector<1x1x16xf32>
        tpu.vector_store %arg10[%swap3A_319, %swap3A_320, %swap3A_321], %swap3A_324 {strides = array<i32>} : memref<3x32x128xf32, #tpu.memory_space<vmem>>, vector<1x1x16xf32>,
      }
      %scan3A_113 = arith.constant 32 : i32
      %mul3A_114 = arith.constant 32 : i32
      %mul3A_115 = arith.muli %add3A_85, %mul3A_114 : i32
      %dma_start3A_116 = arith.constant 0 : i32
      %dma_start3A_117 = arith.constant 0 : i32
      %dma_start3A_118 = arith.constant 0 : i32
      %dma_start3A_119 = tpu.memref_slice %arg10[%dma_start3A_116, %dma_start3A_117, %dma_start3A_118] : memref<3x32x128xf32, #tpu.memory_space<vmem>> -> memref<1x32x128xf32, #tpu.memory_space<vmem>>
      %dma_start3A_120 = tpu.memref_squeeze %dma_start3A_119 : memref<1x32x128xf32, #tpu.memory_space<vmem>> -> memref<32x128xf32, #tpu.memory_space<vmem>>
      %dma_start3A_121 = tpu.memref_slice %arg9[%mul3A_115] : memref<10368xi32, #tpu.memory_space<vmem>> -> memref<32xi32, #tpu.memory_space<vmem>>
      %dma_start3A_122 = arith.constant 0 : i32
      %dma_start3A_123 = arith.constant 0 : i32
      %dma_start3A_124 = tpu.memref_slice %arg12[%dma_start3A_122, %dma_start3A_123] : memref<10240x128xf32, #tpu.memory_space<vmem_shared>> -> memref<10240x128xf32, #tpu.memory_space<vmem_shared>>
      tpu.enqueue_indirect_dma source(%dma_start3A_120 : memref<32x128xf32, #tpu.memory_space<vmem>>) target(%dma_start3A_124 : memref<10240x128xf32, #tpu.memory_space<vmem_shared>>) offsets(%dma_start3A_121 : memref<32xi32, #tpu.memory_space<vmem>>) semaphore(%arg19 : memref<!tpu.dma_semaphore, #tpu.memory_space<semaphore_mem>>) {add = true}
      %add3A_125 = arith.constant 2 : i32
      %add3A_126 = arith.addi %add3A_85, %add3A_125 : i32
      %lt3A = arith.constant 324 : i32
      %lt3A_127 = arith.cmpi slt, %add3A_126, %lt3A : i32
      %convert_element_type3A = arith.extui %lt3A_127 : i1 to i32
      %cond3A = arith.constant 0 : i32
      %cond3A_128 = arith.cmpi ne, %convert_element_type3A, %cond3A : i32
      scf.if %cond3A_128 {
        %ge3A = arith.constant 1 : i32
        %ge3A_229 = arith.cmpi sge, %add3A_85, %ge3A : i32
        %convert_element_type3A_230 = arith.extui %ge3A_229 : i1 to i32
        %cond3A_231 = arith.constant 0 : i32
        %cond3A_232 = arith.cmpi ne, %convert_element_type3A_230, %cond3A_231 : i32
        scf.if %cond3A_232 {
          %sub3A = arith.constant 1 : i32
          %sub3A_257 = arith.subi %add3A_85, %sub3A : i32
          %mul3A_258 = arith.constant 32 : i32
          %mul3A_259 = arith.muli %sub3A_257, %mul3A_258 : i32
          %dma_wait3A_260 = arith.constant 2 : i32
          %dma_wait3A_261 = arith.constant 0 : i32
          %dma_wait3A_262 = arith.constant 0 : i32
          %dma_wait3A_263 = tpu.memref_slice %arg10[%dma_wait3A_260, %dma_wait3A_261, %dma_wait3A_262] : memref<3x32x128xf32, #tpu.memory_space<vmem>> -> memref<1x32x128xf32, #tpu.memory_space<vmem>>
          %dma_wait3A_264 = tpu.memref_squeeze %dma_wait3A_263 : memref<1x32x128xf32, #tpu.memory_space<vmem>> -> memref<32x128xf32, #tpu.memory_space<vmem>>
          %dma_wait3A_265 = tpu.memref_slice %arg9[%mul3A_259] : memref<10368xi32, #tpu.memory_space<vmem>> -> memref<32xi32, #tpu.memory_space<vmem>>
          %dma_wait3A_266 = arith.constant 0 : i32
          %dma_wait3A_267 = arith.constant 0 : i32
          %dma_wait3A_268 = tpu.memref_slice %arg12[%dma_wait3A_266, %dma_wait3A_267] : memref<10240x128xf32, #tpu.memory_space<vmem_shared>> -> memref<10240x128xf32, #tpu.memory_space<vmem_shared>>
          tpu.wait_indirect_dma semaphore(%arg21 : memref<!tpu.dma_semaphore, #tpu.memory_space<semaphore_mem>>) src(%dma_wait3A_264 : memref<32x128xf32, #tpu.memory_space<vmem>>) dst(%dma_wait3A_268 : memref<10240x128xf32, #tpu.memory_space<vmem_shared>>)
        } else {
        }
        %add3A_233 = arith.constant 2 : i32
        %add3A_234 = arith.addi %add3A_85, %add3A_233 : i32
        %mul3A_235 = arith.constant 32 : i32
        %mul3A_236 = arith.muli %add3A_234, %mul3A_235 : i32
        %mul3A_237 = arith.constant 32 : i32
        %mul3A_238 = arith.muli %add3A_234, %mul3A_237 : i32
        %dma_start3A_239 = arith.constant 2 : i32
        %dma_start3A_240 = arith.constant 0 : i32
        %dma_start3A_241 = arith.constant 0 : i32
        %dma_start3A_242 = tpu.memref_slice %arg10[%dma_start3A_239, %dma_start3A_240, %dma_start3A_241] : memref<3x32x128xf32, #tpu.memory_space<vmem>> -> memref<1x32x128xf32, #tpu.memory_space<vmem>>
        %dma_start3A_243 = tpu.memref_squeeze %dma_start3A_242 : memref<1x32x128xf32, #tpu.memory_space<vmem>> -> memref<32x128xf32, #tpu.memory_space<vmem>>
        %dma_start3A_244 = tpu.memref_slice %arg8[%mul3A_236] : memref<10368xi32, #tpu.memory_space<vmem>> -> memref<32xi32, #tpu.memory_space<vmem>>
        %dma_start3A_245 = arith.constant 0 : i32
        %dma_start3A_246 = arith.constant 0 : i32
        %dma_start3A_247 = tpu.memref_slice %arg4[%dma_start3A_245, %dma_start3A_246] : memref<10240x128xf32, #tpu.memory_space<hbm>> -> memref<10240x128xf32, #tpu.memory_space<hbm>>
        tpu.enqueue_indirect_dma source(%dma_start3A_247 : memref<10240x128xf32, #tpu.memory_space<hbm>>) target(%dma_start3A_243 : memref<32x128xf32, #tpu.memory_space<vmem>>) offsets(%dma_start3A_244 : memref<32xi32, #tpu.memory_space<vmem>>) semaphore(%arg15 : memref<!tpu.dma_semaphore, #tpu.memory_space<semaphore_mem>>)
        %dma_start3A_248 = arith.constant 2 : i32
        %dma_start3A_249 = arith.constant 0 : i32
        %dma_start3A_250 = arith.constant 0 : i32
        %dma_start3A_251 = tpu.memref_slice %arg11[%dma_start3A_248, %dma_start3A_249, %dma_start3A_250] : memref<3x32x128xf32, #tpu.memory_space<vmem>> -> memref<1x32x128xf32, #tpu.memory_space<vmem>>
        %dma_start3A_252 = tpu.memref_squeeze %dma_start3A_251 : memref<1x32x128xf32, #tpu.memory_space<vmem>> -> memref<32x128xf32, #tpu.memory_space<vmem>>
        %dma_start3A_253 = tpu.memref_slice %arg9[%mul3A_238] : memref<10368xi32, #tpu.memory_space<vmem>> -> memref<32xi32, #tpu.memory_space<vmem>>
        %dma_start3A_254 = arith.constant 0 : i32
        %dma_start3A_255 = arith.constant 0 : i32
        %dma_start3A_256 = tpu.memref_slice %arg5[%dma_start3A_254, %dma_start3A_255] : memref<10240x128xf32, #tpu.memory_space<hbm>> -> memref<10240x128xf32, #tpu.memory_space<hbm>>
        tpu.enqueue_indirect_dma source(%dma_start3A_256 : memref<10240x128xf32, #tpu.memory_space<hbm>>) target(%dma_start3A_252 : memref<32x128xf32, #tpu.memory_space<vmem>>) offsets(%dma_start3A_253 : memref<32xi32, #tpu.memory_space<vmem>>) semaphore(%arg18 : memref<!tpu.dma_semaphore, #tpu.memory_space<semaphore_mem>>)
      } else {
      }
      %mul3A_129 = arith.constant 3 : i32
      %mul3A_130 = arith.muli %mul3A_129, %scan3A_81 : i32
      %add3A_131 = arith.constant 1 : i32
      %add3A_132 = arith.addi %mul3A_130, %add3A_131 : i32
      %mul3A_133 = arith.constant 32 : i32
      %mul3A_134 = arith.muli %add3A_132, %mul3A_133 : i32
      %mul3A_135 = arith.constant 32 : i32
      %mul3A_136 = arith.muli %add3A_132, %mul3A_135 : i32
      %dma_wait3A_137 = arith.constant 1 : i32
      %dma_wait3A_138 = arith.constant 0 : i32
      %dma_wait3A_139 = arith.constant 0 : i32
      %dma_wait3A_140 = tpu.memref_slice %arg10[%dma_wait3A_137, %dma_wait3A_138, %dma_wait3A_139] : memref<3x32x128xf32, #tpu.memory_space<vmem>> -> memref<1x32x128xf32, #tpu.memory_space<vmem>>
      %dma_wait3A_141 = tpu.memref_squeeze %dma_wait3A_140 : memref<1x32x128xf32, #tpu.memory_space<vmem>> -> memref<32x128xf32, #tpu.memory_space<vmem>>
      %dma_wait3A_142 = tpu.memref_slice %arg8[%mul3A_134] : memref<10368xi32, #tpu.memory_space<vmem>> -> memref<32xi32, #tpu.memory_space<vmem>>
      %dma_wait3A_143 = arith.constant 0 : i32
      %dma_wait3A_144 = arith.constant 0 : i32
      %dma_wait3A_145 = tpu.memref_slice %arg4[%dma_wait3A_143, %dma_wait3A_144] : memref<10240x128xf32, #tpu.memory_space<hbm>> -> memref<10240x128xf32, #tpu.memory_space<hbm>>
      tpu.wait_indirect_dma semaphore(%arg14 : memref<!tpu.dma_semaphore, #tpu.memory_space<semaphore_mem>>) src(%dma_wait3A_145 : memref<10240x128xf32, #tpu.memory_space<hbm>>) dst(%dma_wait3A_141 : memref<32x128xf32, #tpu.memory_space<vmem>>)
      %dma_wait3A_146 = arith.constant 1 : i32
      %dma_wait3A_147 = arith.constant 0 : i32
      %dma_wait3A_148 = arith.constant 0 : i32
      %dma_wait3A_149 = tpu.memref_slice %arg11[%dma_wait3A_146, %dma_wait3A_147, %dma_wait3A_148] : memref<3x32x128xf32, #tpu.memory_space<vmem>> -> memref<1x32x128xf32, #tpu.memory_space<vmem>>
      %dma_wait3A_150 = tpu.memref_squeeze %dma_wait3A_149 : memref<1x32x128xf32, #tpu.memory_space<vmem>> -> memref<32x128xf32, #tpu.memory_space<vmem>>
      %dma_wait3A_151 = tpu.memref_slice %arg9[%mul3A_136] : memref<10368xi32, #tpu.memory_space<vmem>> -> memref<32xi32, #tpu.memory_space<vmem>>
      %dma_wait3A_152 = arith.constant 0 : i32
      %dma_wait3A_153 = arith.constant 0 : i32
      %dma_wait3A_154 = tpu.memref_slice %arg5[%dma_wait3A_152, %dma_wait3A_153] : memref<10240x128xf32, #tpu.memory_space<hbm>> -> memref<10240x128xf32, #tpu.memory_space<hbm>>
      tpu.wait_indirect_dma semaphore(%arg17 : memref<!tpu.dma_semaphore, #tpu.memory_space<semaphore_mem>>) src(%dma_wait3A_154 : memref<10240x128xf32, #tpu.memory_space<hbm>>) dst(%dma_wait3A_150 : memref<32x128xf32, #tpu.memory_space<vmem>>)
      %scan3A_155 = arith.constant 0 : i32
      %scan3A_156 = arith.constant 0 : i32
      %scan3A_157 = arith.constant 32 : i32
      %scan3A_158 = arith.addi %scan3A_156, %scan3A_157 : i32
      %scan3A_159 = arith.constant 1 : i32
      scf.for %scan3A_229 = %scan3A_156 to %scan3A_158 step %scan3A_159  : i32 {
        %get3A = arith.constant 1 : i32
        %get3A_230 = arith.index_cast %get3A : i32 to index
        %get3A_231 = arith.index_cast %scan3A_229 : i32 to index
        %get3A_232 = arith.constant 64 : index
        %get3A_233 = tpu.vector_load %arg10[%get3A_230, %get3A_231, %get3A_232] {strides = array<i32>} : memref<3x32x128xf32, #tpu.memory_space<vmem>>, vector<1x1x16xf32>,
        %get3A_234 = vector.shape_cast %get3A_233 : vector<1x1x16xf32> to vector<16xf32>
        %get3A_235 = arith.constant 1 : i32
        %get3A_236 = arith.index_cast %get3A_235 : i32 to index
        %get3A_237 = arith.index_cast %scan3A_229 : i32 to index
        %get3A_238 = arith.constant 0 : index
        %get3A_239 = tpu.vector_load %arg11[%get3A_236, %get3A_237, %get3A_238] {strides = array<i32>} : memref<3x32x128xf32, #tpu.memory_space<vmem>>, vector<1x1x16xf32>,
        %get3A_240 = vector.shape_cast %get3A_239 : vector<1x1x16xf32> to vector<16xf32>
        %add3A_241 = arith.addf %get3A_234, %get3A_240 : vector<16xf32>
        %ge3A = arith.constant 0.000000e+00 : f32
        %ge3A_242 = vector.broadcast %ge3A : f32 to vector<16xf32>
        %ge3A_243 = arith.cmpf oge, %add3A_241, %ge3A_242 : vector<16xf32>
        %mul3A_244 = arith.constant 2.000000e-01 : f32
        %mul3A_245 = vector.broadcast %mul3A_244 : f32 to vector<16xf32>
        %mul3A_246 = arith.mulf %mul3A_245, %add3A_241 : vector<16xf32>
        %select_n3A = arith.select %ge3A_243, %add3A_241, %mul3A_246 : vector<16xi1>, vector<16xf32>
        %exp3A = math.exp %select_n3A : vector<16xf32>
        %mul3A_247 = arith.constant 32 : i32
        %mul3A_248 = arith.muli %add3A_132, %mul3A_247 : i32
        %add3A_249 = arith.addi %mul3A_4, %mul3A_248 : i32
        %add3A_250 = arith.addi %add3A_249, %scan3A_229 : i32
        %lt3A_251 = arith.constant 330000 : i32
        %lt3A_252 = arith.cmpi slt, %add3A_250, %lt3A_251 : i32
        %slice3A = vector.extract_strided_slice %exp3A {offsets = [0], sizes = [1], strides = [1]} : vector<16xf32> to vector<1xf32>
        %squeeze3A = vector.extract %slice3A[0] : f32 from vector<1xf32>
        %jit3A = arith.constant 0.000000e+00 : f32
        %select_n3A_253 = arith.select %lt3A_252, %squeeze3A, %jit3A : f32
        %get3A_254 = arith.constant 1 : i32
        %get3A_255 = arith.index_cast %get3A_254 : i32 to index
        %get3A_256 = arith.index_cast %scan3A_229 : i32 to index
        %get3A_257 = arith.constant 0 : index
        %get3A_258 = tpu.vector_load %arg10[%get3A_255, %get3A_256, %get3A_257] {strides = array<i32>} : memref<3x32x128xf32, #tpu.memory_space<vmem>>, vector<1x1x16xf32>,
        %get3A_259 = vector.shape_cast %get3A_258 : vector<1x1x16xf32> to vector<16xf32>
        %mul3A_260 = vector.broadcast %select_n3A_253 : f32 to vector<16xf32>
        %mul3A_261 = arith.mulf %get3A_259, %mul3A_260 : vector<16xf32>
        %swap3A = arith.constant 1 : i32
        %swap3A_262 = arith.index_cast %swap3A : i32 to index
        %swap3A_263 = arith.index_cast %scan3A_229 : i32 to index
        %swap3A_264 = arith.constant 0 : index
        %swap3A_265 = tpu.vector_load %arg10[%swap3A_262, %swap3A_263, %swap3A_264] {strides = array<i32>} : memref<3x32x128xf32, #tpu.memory_space<vmem>>, vector<1x1x16xf32>,
        %swap3A_266 = vector.shape_cast %swap3A_265 : vector<1x1x16xf32> to vector<16xf32>
        %swap3A_267 = vector.shape_cast %mul3A_261 : vector<16xf32> to vector<1x1x16xf32>
        tpu.vector_store %arg10[%swap3A_262, %swap3A_263, %swap3A_264], %swap3A_267 {strides = array<i32>} : memref<3x32x128xf32, #tpu.memory_space<vmem>>, vector<1x1x16xf32>,
        %get3A_268 = arith.constant 1 : i32
        %get3A_269 = arith.index_cast %get3A_268 : i32 to index
        %get3A_270 = arith.index_cast %scan3A_229 : i32 to index
        %get3A_271 = arith.constant 16 : index
        %get3A_272 = tpu.vector_load %arg10[%get3A_269, %get3A_270, %get3A_271] {strides = array<i32>} : memref<3x32x128xf32, #tpu.memory_space<vmem>>, vector<1x1x16xf32>,
        %get3A_273 = vector.shape_cast %get3A_272 : vector<1x1x16xf32> to vector<16xf32>
        %mul3A_274 = vector.broadcast %select_n3A_253 : f32 to vector<16xf32>
        %mul3A_275 = arith.mulf %get3A_273, %mul3A_274 : vector<16xf32>
        %swap3A_276 = arith.constant 1 : i32
        %swap3A_277 = arith.index_cast %swap3A_276 : i32 to index
        %swap3A_278 = arith.index_cast %scan3A_229 : i32 to index
        %swap3A_279 = arith.constant 16 : index
        %swap3A_280 = tpu.vector_load %arg10[%swap3A_277, %swap3A_278, %swap3A_279] {strides = array<i32>} : memref<3x32x128xf32, #tpu.memory_space<vmem>>, vector<1x1x16xf32>,
        %swap3A_281 = vector.shape_cast %swap3A_280 : vector<1x1x16xf32> to vector<16xf32>
        %swap3A_282 = vector.shape_cast %mul3A_275 : vector<16xf32> to vector<1x1x16xf32>
        tpu.vector_store %arg10[%swap3A_277, %swap3A_278, %swap3A_279], %swap3A_282 {strides = array<i32>} : memref<3x32x128xf32, #tpu.memory_space<vmem>>, vector<1x1x16xf32>,
        %get3A_283 = arith.constant 1 : i32
        %get3A_284 = arith.index_cast %get3A_283 : i32 to index
        %get3A_285 = arith.index_cast %scan3A_229 : i32 to index
        %get3A_286 = arith.constant 32 : index
        %get3A_287 = tpu.vector_load %arg10[%get3A_284, %get3A_285, %get3A_286] {strides = array<i32>} : memref<3x32x128xf32, #tpu.memory_space<vmem>>, vector<1x1x16xf32>,
        %get3A_288 = vector.shape_cast %get3A_287 : vector<1x1x16xf32> to vector<16xf32>
        %mul3A_289 = vector.broadcast %select_n3A_253 : f32 to vector<16xf32>
        %mul3A_290 = arith.mulf %get3A_288, %mul3A_289 : vector<16xf32>
        %swap3A_291 = arith.constant 1 : i32
        %swap3A_292 = arith.index_cast %swap3A_291 : i32 to index
        %swap3A_293 = arith.index_cast %scan3A_229 : i32 to index
        %swap3A_294 = arith.constant 32 : index
        %swap3A_295 = tpu.vector_load %arg10[%swap3A_292, %swap3A_293, %swap3A_294] {strides = array<i32>} : memref<3x32x128xf32, #tpu.memory_space<vmem>>, vector<1x1x16xf32>,
        %swap3A_296 = vector.shape_cast %swap3A_295 : vector<1x1x16xf32> to vector<16xf32>
        %swap3A_297 = vector.shape_cast %mul3A_290 : vector<16xf32> to vector<1x1x16xf32>
        tpu.vector_store %arg10[%swap3A_292, %swap3A_293, %swap3A_294], %swap3A_297 {strides = array<i32>} : memref<3x32x128xf32, #tpu.memory_space<vmem>>, vector<1x1x16xf32>,
        %get3A_298 = arith.constant 1 : i32
        %get3A_299 = arith.index_cast %get3A_298 : i32 to index
        %get3A_300 = arith.index_cast %scan3A_229 : i32 to index
        %get3A_301 = arith.constant 48 : index
        %get3A_302 = tpu.vector_load %arg10[%get3A_299, %get3A_300, %get3A_301] {strides = array<i32>} : memref<3x32x128xf32, #tpu.memory_space<vmem>>, vector<1x1x16xf32>,
        %get3A_303 = vector.shape_cast %get3A_302 : vector<1x1x16xf32> to vector<16xf32>
        %mul3A_304 = vector.broadcast %select_n3A_253 : f32 to vector<16xf32>
        %mul3A_305 = arith.mulf %get3A_303, %mul3A_304 : vector<16xf32>
        %swap3A_306 = arith.constant 1 : i32
        %swap3A_307 = arith.index_cast %swap3A_306 : i32 to index
        %swap3A_308 = arith.index_cast %scan3A_229 : i32 to index
        %swap3A_309 = arith.constant 48 : index
        %swap3A_310 = tpu.vector_load %arg10[%swap3A_307, %swap3A_308, %swap3A_309] {strides = array<i32>} : memref<3x32x128xf32, #tpu.memory_space<vmem>>, vector<1x1x16xf32>,
        %swap3A_311 = vector.shape_cast %swap3A_310 : vector<1x1x16xf32> to vector<16xf32>
        %swap3A_312 = vector.shape_cast %mul3A_305 : vector<16xf32> to vector<1x1x16xf32>
        tpu.vector_store %arg10[%swap3A_307, %swap3A_308, %swap3A_309], %swap3A_312 {strides = array<i32>} : memref<3x32x128xf32, #tpu.memory_space<vmem>>, vector<1x1x16xf32>,
        %eq3A = arith.constant 0 : i32
        %eq3A_313 = vector.broadcast %eq3A : i32 to vector<16xi32>
        %eq3A_314 = arith.cmpi eq, %iota3A, %eq3A_313 : vector<16xi32>
        %jit3A_315 = arith.constant 0.000000e+00 : f32
        %broadcast_in_dim3A = vector.broadcast %select_n3A_253 : f32 to vector<16xf32>
        %broadcast_in_dim3A_316 = vector.broadcast %jit3A_315 : f32 to vector<16xf32>
        %select_n3A_317 = arith.select %eq3A_314, %broadcast_in_dim3A, %broadcast_in_dim3A_316 : vector<16xi1>, vector<16xf32>
        %swap3A_318 = arith.constant 1 : i32
        %swap3A_319 = arith.index_cast %swap3A_318 : i32 to index
        %swap3A_320 = arith.index_cast %scan3A_229 : i32 to index
        %swap3A_321 = arith.constant 64 : index
        %swap3A_322 = tpu.vector_load %arg10[%swap3A_319, %swap3A_320, %swap3A_321] {strides = array<i32>} : memref<3x32x128xf32, #tpu.memory_space<vmem>>, vector<1x1x16xf32>,
        %swap3A_323 = vector.shape_cast %swap3A_322 : vector<1x1x16xf32> to vector<16xf32>
        %swap3A_324 = vector.shape_cast %select_n3A_317 : vector<16xf32> to vector<1x1x16xf32>
        tpu.vector_store %arg10[%swap3A_319, %swap3A_320, %swap3A_321], %swap3A_324 {strides = array<i32>} : memref<3x32x128xf32, #tpu.memory_space<vmem>>, vector<1x1x16xf32>,
      }
      %scan3A_160 = arith.constant 32 : i32
      %mul3A_161 = arith.constant 32 : i32
      %mul3A_162 = arith.muli %add3A_132, %mul3A_161 : i32
      %dma_start3A_163 = arith.constant 1 : i32
      %dma_start3A_164 = arith.constant 0 : i32
      %dma_start3A_165 = arith.constant 0 : i32
      %dma_start3A_166 = tpu.memref_slice %arg10[%dma_start3A_163, %dma_start3A_164, %dma_start3A_165] : memref<3x32x128xf32, #tpu.memory_space<vmem>> -> memref<1x32x128xf32, #tpu.memory_space<vmem>>
      %dma_start3A_167 = tpu.memref_squeeze %dma_start3A_166 : memref<1x32x128xf32, #tpu.memory_space<vmem>> -> memref<32x128xf32, #tpu.memory_space<vmem>>
      %dma_start3A_168 = tpu.memref_slice %arg9[%mul3A_162] : memref<10368xi32, #tpu.memory_space<vmem>> -> memref<32xi32, #tpu.memory_space<vmem>>
      %dma_start3A_169 = arith.constant 0 : i32
      %dma_start3A_170 = arith.constant 0 : i32
      %dma_start3A_171 = tpu.memref_slice %arg12[%dma_start3A_169, %dma_start3A_170] : memref<10240x128xf32, #tpu.memory_space<vmem_shared>> -> memref<10240x128xf32, #tpu.memory_space<vmem_shared>>
      tpu.enqueue_indirect_dma source(%dma_start3A_167 : memref<32x128xf32, #tpu.memory_space<vmem>>) target(%dma_start3A_171 : memref<10240x128xf32, #tpu.memory_space<vmem_shared>>) offsets(%dma_start3A_168 : memref<32xi32, #tpu.memory_space<vmem>>) semaphore(%arg20 : memref<!tpu.dma_semaphore, #tpu.memory_space<semaphore_mem>>) {add = true}
      %add3A_172 = arith.constant 2 : i32
      %add3A_173 = arith.addi %add3A_132, %add3A_172 : i32
      %lt3A_174 = arith.constant 324 : i32
      %lt3A_175 = arith.cmpi slt, %add3A_173, %lt3A_174 : i32
      %convert_element_type3A_176 = arith.extui %lt3A_175 : i1 to i32
      %cond3A_177 = arith.constant 0 : i32
      %cond3A_178 = arith.cmpi ne, %convert_element_type3A_176, %cond3A_177 : i32
      scf.if %cond3A_178 {
        %ge3A = arith.constant 1 : i32
        %ge3A_229 = arith.cmpi sge, %add3A_132, %ge3A : i32
        %convert_element_type3A_230 = arith.extui %ge3A_229 : i1 to i32
        %cond3A_231 = arith.constant 0 : i32
        %cond3A_232 = arith.cmpi ne, %convert_element_type3A_230, %cond3A_231 : i32
        scf.if %cond3A_232 {
          %sub3A = arith.constant 1 : i32
          %sub3A_257 = arith.subi %add3A_132, %sub3A : i32
          %mul3A_258 = arith.constant 32 : i32
          %mul3A_259 = arith.muli %sub3A_257, %mul3A_258 : i32
          %dma_wait3A_260 = arith.constant 0 : i32
          %dma_wait3A_261 = arith.constant 0 : i32
          %dma_wait3A_262 = arith.constant 0 : i32
          %dma_wait3A_263 = tpu.memref_slice %arg10[%dma_wait3A_260, %dma_wait3A_261, %dma_wait3A_262] : memref<3x32x128xf32, #tpu.memory_space<vmem>> -> memref<1x32x128xf32, #tpu.memory_space<vmem>>
          %dma_wait3A_264 = tpu.memref_squeeze %dma_wait3A_263 : memref<1x32x128xf32, #tpu.memory_space<vmem>> -> memref<32x128xf32, #tpu.memory_space<vmem>>
          %dma_wait3A_265 = tpu.memref_slice %arg9[%mul3A_259] : memref<10368xi32, #tpu.memory_space<vmem>> -> memref<32xi32, #tpu.memory_space<vmem>>
          %dma_wait3A_266 = arith.constant 0 : i32
          %dma_wait3A_267 = arith.constant 0 : i32
          %dma_wait3A_268 = tpu.memref_slice %arg12[%dma_wait3A_266, %dma_wait3A_267] : memref<10240x128xf32, #tpu.memory_space<vmem_shared>> -> memref<10240x128xf32, #tpu.memory_space<vmem_shared>>
          tpu.wait_indirect_dma semaphore(%arg19 : memref<!tpu.dma_semaphore, #tpu.memory_space<semaphore_mem>>) src(%dma_wait3A_264 : memref<32x128xf32, #tpu.memory_space<vmem>>) dst(%dma_wait3A_268 : memref<10240x128xf32, #tpu.memory_space<vmem_shared>>)
        } else {
        }
        %add3A_233 = arith.constant 2 : i32
        %add3A_234 = arith.addi %add3A_132, %add3A_233 : i32
        %mul3A_235 = arith.constant 32 : i32
        %mul3A_236 = arith.muli %add3A_234, %mul3A_235 : i32
        %mul3A_237 = arith.constant 32 : i32
        %mul3A_238 = arith.muli %add3A_234, %mul3A_237 : i32
        %dma_start3A_239 = arith.constant 0 : i32
        %dma_start3A_240 = arith.constant 0 : i32
        %dma_start3A_241 = arith.constant 0 : i32
        %dma_start3A_242 = tpu.memref_slice %arg10[%dma_start3A_239, %dma_start3A_240, %dma_start3A_241] : memref<3x32x128xf32, #tpu.memory_space<vmem>> -> memref<1x32x128xf32, #tpu.memory_space<vmem>>
        %dma_start3A_243 = tpu.memref_squeeze %dma_start3A_242 : memref<1x32x128xf32, #tpu.memory_space<vmem>> -> memref<32x128xf32, #tpu.memory_space<vmem>>
        %dma_start3A_244 = tpu.memref_slice %arg8[%mul3A_236] : memref<10368xi32, #tpu.memory_space<vmem>> -> memref<32xi32, #tpu.memory_space<vmem>>
        %dma_start3A_245 = arith.constant 0 : i32
        %dma_start3A_246 = arith.constant 0 : i32
        %dma_start3A_247 = tpu.memref_slice %arg4[%dma_start3A_245, %dma_start3A_246] : memref<10240x128xf32, #tpu.memory_space<hbm>> -> memref<10240x128xf32, #tpu.memory_space<hbm>>
        tpu.enqueue_indirect_dma source(%dma_start3A_247 : memref<10240x128xf32, #tpu.memory_space<hbm>>) target(%dma_start3A_243 : memref<32x128xf32, #tpu.memory_space<vmem>>) offsets(%dma_start3A_244 : memref<32xi32, #tpu.memory_space<vmem>>) semaphore(%arg13 : memref<!tpu.dma_semaphore, #tpu.memory_space<semaphore_mem>>)
        %dma_start3A_248 = arith.constant 0 : i32
        %dma_start3A_249 = arith.constant 0 : i32
        %dma_start3A_250 = arith.constant 0 : i32
        %dma_start3A_251 = tpu.memref_slice %arg11[%dma_start3A_248, %dma_start3A_249, %dma_start3A_250] : memref<3x32x128xf32, #tpu.memory_space<vmem>> -> memref<1x32x128xf32, #tpu.memory_space<vmem>>
        %dma_start3A_252 = tpu.memref_squeeze %dma_start3A_251 : memref<1x32x128xf32, #tpu.memory_space<vmem>> -> memref<32x128xf32, #tpu.memory_space<vmem>>
        %dma_start3A_253 = tpu.memref_slice %arg9[%mul3A_238] : memref<10368xi32, #tpu.memory_space<vmem>> -> memref<32xi32, #tpu.memory_space<vmem>>
        %dma_start3A_254 = arith.constant 0 : i32
        %dma_start3A_255 = arith.constant 0 : i32
        %dma_start3A_256 = tpu.memref_slice %arg5[%dma_start3A_254, %dma_start3A_255] : memref<10240x128xf32, #tpu.memory_space<hbm>> -> memref<10240x128xf32, #tpu.memory_space<hbm>>
        tpu.enqueue_indirect_dma source(%dma_start3A_256 : memref<10240x128xf32, #tpu.memory_space<hbm>>) target(%dma_start3A_252 : memref<32x128xf32, #tpu.memory_space<vmem>>) offsets(%dma_start3A_253 : memref<32xi32, #tpu.memory_space<vmem>>) semaphore(%arg16 : memref<!tpu.dma_semaphore, #tpu.memory_space<semaphore_mem>>)
      } else {
      }
      %mul3A_179 = arith.constant 3 : i32
      %mul3A_180 = arith.muli %mul3A_179, %scan3A_81 : i32
      %add3A_181 = arith.constant 2 : i32
      %add3A_182 = arith.addi %mul3A_180, %add3A_181 : i32
      %mul3A_183 = arith.constant 32 : i32
      %mul3A_184 = arith.muli %add3A_182, %mul3A_183 : i32
      %mul3A_185 = arith.constant 32 : i32
      %mul3A_186 = arith.muli %add3A_182, %mul3A_185 : i32
      %dma_wait3A_187 = arith.constant 2 : i32
      %dma_wait3A_188 = arith.constant 0 : i32
      %dma_wait3A_189 = arith.constant 0 : i32
      %dma_wait3A_190 = tpu.memref_slice %arg10[%dma_wait3A_187, %dma_wait3A_188, %dma_wait3A_189] : memref<3x32x128xf32, #tpu.memory_space<vmem>> -> memref<1x32x128xf32, #tpu.memory_space<vmem>>
      %dma_wait3A_191 = tpu.memref_squeeze %dma_wait3A_190 : memref<1x32x128xf32, #tpu.memory_space<vmem>> -> memref<32x128xf32, #tpu.memory_space<vmem>>
      %dma_wait3A_192 = tpu.memref_slice %arg8[%mul3A_184] : memref<10368xi32, #tpu.memory_space<vmem>> -> memref<32xi32, #tpu.memory_space<vmem>>
      %dma_wait3A_193 = arith.constant 0 : i32
      %dma_wait3A_194 = arith.constant 0 : i32
      %dma_wait3A_195 = tpu.memref_slice %arg4[%dma_wait3A_193, %dma_wait3A_194] : memref<10240x128xf32, #tpu.memory_space<hbm>> -> memref<10240x128xf32, #tpu.memory_space<hbm>>
      tpu.wait_indirect_dma semaphore(%arg15 : memref<!tpu.dma_semaphore, #tpu.memory_space<semaphore_mem>>) src(%dma_wait3A_195 : memref<10240x128xf32, #tpu.memory_space<hbm>>) dst(%dma_wait3A_191 : memref<32x128xf32, #tpu.memory_space<vmem>>)
      %dma_wait3A_196 = arith.constant 2 : i32
      %dma_wait3A_197 = arith.constant 0 : i32
      %dma_wait3A_198 = arith.constant 0 : i32
      %dma_wait3A_199 = tpu.memref_slice %arg11[%dma_wait3A_196, %dma_wait3A_197, %dma_wait3A_198] : memref<3x32x128xf32, #tpu.memory_space<vmem>> -> memref<1x32x128xf32, #tpu.memory_space<vmem>>
      %dma_wait3A_200 = tpu.memref_squeeze %dma_wait3A_199 : memref<1x32x128xf32, #tpu.memory_space<vmem>> -> memref<32x128xf32, #tpu.memory_space<vmem>>
      %dma_wait3A_201 = tpu.memref_slice %arg9[%mul3A_186] : memref<10368xi32, #tpu.memory_space<vmem>> -> memref<32xi32, #tpu.memory_space<vmem>>
      %dma_wait3A_202 = arith.constant 0 : i32
      %dma_wait3A_203 = arith.constant 0 : i32
      %dma_wait3A_204 = tpu.memref_slice %arg5[%dma_wait3A_202, %dma_wait3A_203] : memref<10240x128xf32, #tpu.memory_space<hbm>> -> memref<10240x128xf32, #tpu.memory_space<hbm>>
      tpu.wait_indirect_dma semaphore(%arg18 : memref<!tpu.dma_semaphore, #tpu.memory_space<semaphore_mem>>) src(%dma_wait3A_204 : memref<10240x128xf32, #tpu.memory_space<hbm>>) dst(%dma_wait3A_200 : memref<32x128xf32, #tpu.memory_space<vmem>>)
      %scan3A_205 = arith.constant 0 : i32
      %scan3A_206 = arith.constant 0 : i32
      %scan3A_207 = arith.constant 32 : i32
      %scan3A_208 = arith.addi %scan3A_206, %scan3A_207 : i32
      %scan3A_209 = arith.constant 1 : i32
      scf.for %scan3A_229 = %scan3A_206 to %scan3A_208 step %scan3A_209  : i32 {
        %get3A = arith.constant 2 : i32
        %get3A_230 = arith.index_cast %get3A : i32 to index
        %get3A_231 = arith.index_cast %scan3A_229 : i32 to index
        %get3A_232 = arith.constant 64 : index
        %get3A_233 = tpu.vector_load %arg10[%get3A_230, %get3A_231, %get3A_232] {strides = array<i32>} : memref<3x32x128xf32, #tpu.memory_space<vmem>>, vector<1x1x16xf32>,
        %get3A_234 = vector.shape_cast %get3A_233 : vector<1x1x16xf32> to vector<16xf32>
        %get3A_235 = arith.constant 2 : i32
        %get3A_236 = arith.index_cast %get3A_235 : i32 to index
        %get3A_237 = arith.index_cast %scan3A_229 : i32 to index
        %get3A_238 = arith.constant 0 : index
        %get3A_239 = tpu.vector_load %arg11[%get3A_236, %get3A_237, %get3A_238] {strides = array<i32>} : memref<3x32x128xf32, #tpu.memory_space<vmem>>, vector<1x1x16xf32>,
        %get3A_240 = vector.shape_cast %get3A_239 : vector<1x1x16xf32> to vector<16xf32>
        %add3A_241 = arith.addf %get3A_234, %get3A_240 : vector<16xf32>
        %ge3A = arith.constant 0.000000e+00 : f32
        %ge3A_242 = vector.broadcast %ge3A : f32 to vector<16xf32>
        %ge3A_243 = arith.cmpf oge, %add3A_241, %ge3A_242 : vector<16xf32>
        %mul3A_244 = arith.constant 2.000000e-01 : f32
        %mul3A_245 = vector.broadcast %mul3A_244 : f32 to vector<16xf32>
        %mul3A_246 = arith.mulf %mul3A_245, %add3A_241 : vector<16xf32>
        %select_n3A = arith.select %ge3A_243, %add3A_241, %mul3A_246 : vector<16xi1>, vector<16xf32>
        %exp3A = math.exp %select_n3A : vector<16xf32>
        %mul3A_247 = arith.constant 32 : i32
        %mul3A_248 = arith.muli %add3A_182, %mul3A_247 : i32
        %add3A_249 = arith.addi %mul3A_4, %mul3A_248 : i32
        %add3A_250 = arith.addi %add3A_249, %scan3A_229 : i32
        %lt3A_251 = arith.constant 330000 : i32
        %lt3A_252 = arith.cmpi slt, %add3A_250, %lt3A_251 : i32
        %slice3A = vector.extract_strided_slice %exp3A {offsets = [0], sizes = [1], strides = [1]} : vector<16xf32> to vector<1xf32>
        %squeeze3A = vector.extract %slice3A[0] : f32 from vector<1xf32>
        %jit3A = arith.constant 0.000000e+00 : f32
        %select_n3A_253 = arith.select %lt3A_252, %squeeze3A, %jit3A : f32
        %get3A_254 = arith.constant 2 : i32
        %get3A_255 = arith.index_cast %get3A_254 : i32 to index
        %get3A_256 = arith.index_cast %scan3A_229 : i32 to index
        %get3A_257 = arith.constant 0 : index
        %get3A_258 = tpu.vector_load %arg10[%get3A_255, %get3A_256, %get3A_257] {strides = array<i32>} : memref<3x32x128xf32, #tpu.memory_space<vmem>>, vector<1x1x16xf32>,
        %get3A_259 = vector.shape_cast %get3A_258 : vector<1x1x16xf32> to vector<16xf32>
        %mul3A_260 = vector.broadcast %select_n3A_253 : f32 to vector<16xf32>
        %mul3A_261 = arith.mulf %get3A_259, %mul3A_260 : vector<16xf32>
        %swap3A = arith.constant 2 : i32
        %swap3A_262 = arith.index_cast %swap3A : i32 to index
        %swap3A_263 = arith.index_cast %scan3A_229 : i32 to index
        %swap3A_264 = arith.constant 0 : index
        %swap3A_265 = tpu.vector_load %arg10[%swap3A_262, %swap3A_263, %swap3A_264] {strides = array<i32>} : memref<3x32x128xf32, #tpu.memory_space<vmem>>, vector<1x1x16xf32>,
        %swap3A_266 = vector.shape_cast %swap3A_265 : vector<1x1x16xf32> to vector<16xf32>
        %swap3A_267 = vector.shape_cast %mul3A_261 : vector<16xf32> to vector<1x1x16xf32>
        tpu.vector_store %arg10[%swap3A_262, %swap3A_263, %swap3A_264], %swap3A_267 {strides = array<i32>} : memref<3x32x128xf32, #tpu.memory_space<vmem>>, vector<1x1x16xf32>,
        %get3A_268 = arith.constant 2 : i32
        %get3A_269 = arith.index_cast %get3A_268 : i32 to index
        %get3A_270 = arith.index_cast %scan3A_229 : i32 to index
        %get3A_271 = arith.constant 16 : index
        %get3A_272 = tpu.vector_load %arg10[%get3A_269, %get3A_270, %get3A_271] {strides = array<i32>} : memref<3x32x128xf32, #tpu.memory_space<vmem>>, vector<1x1x16xf32>,
        %get3A_273 = vector.shape_cast %get3A_272 : vector<1x1x16xf32> to vector<16xf32>
        %mul3A_274 = vector.broadcast %select_n3A_253 : f32 to vector<16xf32>
        %mul3A_275 = arith.mulf %get3A_273, %mul3A_274 : vector<16xf32>
        %swap3A_276 = arith.constant 2 : i32
        %swap3A_277 = arith.index_cast %swap3A_276 : i32 to index
        %swap3A_278 = arith.index_cast %scan3A_229 : i32 to index
        %swap3A_279 = arith.constant 16 : index
        %swap3A_280 = tpu.vector_load %arg10[%swap3A_277, %swap3A_278, %swap3A_279] {strides = array<i32>} : memref<3x32x128xf32, #tpu.memory_space<vmem>>, vector<1x1x16xf32>,
        %swap3A_281 = vector.shape_cast %swap3A_280 : vector<1x1x16xf32> to vector<16xf32>
        %swap3A_282 = vector.shape_cast %mul3A_275 : vector<16xf32> to vector<1x1x16xf32>
        tpu.vector_store %arg10[%swap3A_277, %swap3A_278, %swap3A_279], %swap3A_282 {strides = array<i32>} : memref<3x32x128xf32, #tpu.memory_space<vmem>>, vector<1x1x16xf32>,
        %get3A_283 = arith.constant 2 : i32
        %get3A_284 = arith.index_cast %get3A_283 : i32 to index
        %get3A_285 = arith.index_cast %scan3A_229 : i32 to index
        %get3A_286 = arith.constant 32 : index
        %get3A_287 = tpu.vector_load %arg10[%get3A_284, %get3A_285, %get3A_286] {strides = array<i32>} : memref<3x32x128xf32, #tpu.memory_space<vmem>>, vector<1x1x16xf32>,
        %get3A_288 = vector.shape_cast %get3A_287 : vector<1x1x16xf32> to vector<16xf32>
        %mul3A_289 = vector.broadcast %select_n3A_253 : f32 to vector<16xf32>
        %mul3A_290 = arith.mulf %get3A_288, %mul3A_289 : vector<16xf32>
        %swap3A_291 = arith.constant 2 : i32
        %swap3A_292 = arith.index_cast %swap3A_291 : i32 to index
        %swap3A_293 = arith.index_cast %scan3A_229 : i32 to index
        %swap3A_294 = arith.constant 32 : index
        %swap3A_295 = tpu.vector_load %arg10[%swap3A_292, %swap3A_293, %swap3A_294] {strides = array<i32>} : memref<3x32x128xf32, #tpu.memory_space<vmem>>, vector<1x1x16xf32>,
        %swap3A_296 = vector.shape_cast %swap3A_295 : vector<1x1x16xf32> to vector<16xf32>
        %swap3A_297 = vector.shape_cast %mul3A_290 : vector<16xf32> to vector<1x1x16xf32>
        tpu.vector_store %arg10[%swap3A_292, %swap3A_293, %swap3A_294], %swap3A_297 {strides = array<i32>} : memref<3x32x128xf32, #tpu.memory_space<vmem>>, vector<1x1x16xf32>,
        %get3A_298 = arith.constant 2 : i32
        %get3A_299 = arith.index_cast %get3A_298 : i32 to index
        %get3A_300 = arith.index_cast %scan3A_229 : i32 to index
        %get3A_301 = arith.constant 48 : index
        %get3A_302 = tpu.vector_load %arg10[%get3A_299, %get3A_300, %get3A_301] {strides = array<i32>} : memref<3x32x128xf32, #tpu.memory_space<vmem>>, vector<1x1x16xf32>,
        %get3A_303 = vector.shape_cast %get3A_302 : vector<1x1x16xf32> to vector<16xf32>
        %mul3A_304 = vector.broadcast %select_n3A_253 : f32 to vector<16xf32>
        %mul3A_305 = arith.mulf %get3A_303, %mul3A_304 : vector<16xf32>
        %swap3A_306 = arith.constant 2 : i32
        %swap3A_307 = arith.index_cast %swap3A_306 : i32 to index
        %swap3A_308 = arith.index_cast %scan3A_229 : i32 to index
        %swap3A_309 = arith.constant 48 : index
        %swap3A_310 = tpu.vector_load %arg10[%swap3A_307, %swap3A_308, %swap3A_309] {strides = array<i32>} : memref<3x32x128xf32, #tpu.memory_space<vmem>>, vector<1x1x16xf32>,
        %swap3A_311 = vector.shape_cast %swap3A_310 : vector<1x1x16xf32> to vector<16xf32>
        %swap3A_312 = vector.shape_cast %mul3A_305 : vector<16xf32> to vector<1x1x16xf32>
        tpu.vector_store %arg10[%swap3A_307, %swap3A_308, %swap3A_309], %swap3A_312 {strides = array<i32>} : memref<3x32x128xf32, #tpu.memory_space<vmem>>, vector<1x1x16xf32>,
        %eq3A = arith.constant 0 : i32
        %eq3A_313 = vector.broadcast %eq3A : i32 to vector<16xi32>
        %eq3A_314 = arith.cmpi eq, %iota3A, %eq3A_313 : vector<16xi32>
        %jit3A_315 = arith.constant 0.000000e+00 : f32
        %broadcast_in_dim3A = vector.broadcast %select_n3A_253 : f32 to vector<16xf32>
        %broadcast_in_dim3A_316 = vector.broadcast %jit3A_315 : f32 to vector<16xf32>
        %select_n3A_317 = arith.select %eq3A_314, %broadcast_in_dim3A, %broadcast_in_dim3A_316 : vector<16xi1>, vector<16xf32>
        %swap3A_318 = arith.constant 2 : i32
        %swap3A_319 = arith.index_cast %swap3A_318 : i32 to index
        %swap3A_320 = arith.index_cast %scan3A_229 : i32 to index
        %swap3A_321 = arith.constant 64 : index
        %swap3A_322 = tpu.vector_load %arg10[%swap3A_319, %swap3A_320, %swap3A_321] {strides = array<i32>} : memref<3x32x128xf32, #tpu.memory_space<vmem>>, vector<1x1x16xf32>,
        %swap3A_323 = vector.shape_cast %swap3A_322 : vector<1x1x16xf32> to vector<16xf32>
        %swap3A_324 = vector.shape_cast %select_n3A_317 : vector<16xf32> to vector<1x1x16xf32>
        tpu.vector_store %arg10[%swap3A_319, %swap3A_320, %swap3A_321], %swap3A_324 {strides = array<i32>} : memref<3x32x128xf32, #tpu.memory_space<vmem>>, vector<1x1x16xf32>,
      }
      %scan3A_210 = arith.constant 32 : i32
      %mul3A_211 = arith.constant 32 : i32
      %mul3A_212 = arith.muli %add3A_182, %mul3A_211 : i32
      %dma_start3A_213 = arith.constant 2 : i32
      %dma_start3A_214 = arith.constant 0 : i32
      %dma_start3A_215 = arith.constant 0 : i32
      %dma_start3A_216 = tpu.memref_slice %arg10[%dma_start3A_213, %dma_start3A_214, %dma_start3A_215] : memref<3x32x128xf32, #tpu.memory_space<vmem>> -> memref<1x32x128xf32, #tpu.memory_space<vmem>>
      %dma_start3A_217 = tpu.memref_squeeze %dma_start3A_216 : memref<1x32x128xf32, #tpu.memory_space<vmem>> -> memref<32x128xf32, #tpu.memory_space<vmem>>
      %dma_start3A_218 = tpu.memref_slice %arg9[%mul3A_212] : memref<10368xi32, #tpu.memory_space<vmem>> -> memref<32xi32, #tpu.memory_space<vmem>>
      %dma_start3A_219 = arith.constant 0 : i32
      %dma_start3A_220 = arith.constant 0 : i32
      %dma_start3A_221 = tpu.memref_slice %arg12[%dma_start3A_219, %dma_start3A_220] : memref<10240x128xf32, #tpu.memory_space<vmem_shared>> -> memref<10240x128xf32, #tpu.memory_space<vmem_shared>>
      tpu.enqueue_indirect_dma source(%dma_start3A_217 : memref<32x128xf32, #tpu.memory_space<vmem>>) target(%dma_start3A_221 : memref<10240x128xf32, #tpu.memory_space<vmem_shared>>) offsets(%dma_start3A_218 : memref<32xi32, #tpu.memory_space<vmem>>) semaphore(%arg21 : memref<!tpu.dma_semaphore, #tpu.memory_space<semaphore_mem>>) {add = true}
      %add3A_222 = arith.constant 2 : i32
      %add3A_223 = arith.addi %add3A_182, %add3A_222 : i32
      %lt3A_224 = arith.constant 324 : i32
      %lt3A_225 = arith.cmpi slt, %add3A_223, %lt3A_224 : i32
      %convert_element_type3A_226 = arith.extui %lt3A_225 : i1 to i32
      %cond3A_227 = arith.constant 0 : i32
      %cond3A_228 = arith.cmpi ne, %convert_element_type3A_226, %cond3A_227 : i32
      scf.if %cond3A_228 {
        %ge3A = arith.constant 1 : i32
        %ge3A_229 = arith.cmpi sge, %add3A_182, %ge3A : i32
        %convert_element_type3A_230 = arith.extui %ge3A_229 : i1 to i32
        %cond3A_231 = arith.constant 0 : i32
        %cond3A_232 = arith.cmpi ne, %convert_element_type3A_230, %cond3A_231 : i32
        scf.if %cond3A_232 {
          %sub3A = arith.constant 1 : i32
          %sub3A_257 = arith.subi %add3A_182, %sub3A : i32
          %mul3A_258 = arith.constant 32 : i32
          %mul3A_259 = arith.muli %sub3A_257, %mul3A_258 : i32
          %dma_wait3A_260 = arith.constant 1 : i32
          %dma_wait3A_261 = arith.constant 0 : i32
          %dma_wait3A_262 = arith.constant 0 : i32
          %dma_wait3A_263 = tpu.memref_slice %arg10[%dma_wait3A_260, %dma_wait3A_261, %dma_wait3A_262] : memref<3x32x128xf32, #tpu.memory_space<vmem>> -> memref<1x32x128xf32, #tpu.memory_space<vmem>>
          %dma_wait3A_264 = tpu.memref_squeeze %dma_wait3A_263 : memref<1x32x128xf32, #tpu.memory_space<vmem>> -> memref<32x128xf32, #tpu.memory_space<vmem>>
          %dma_wait3A_265 = tpu.memref_slice %arg9[%mul3A_259] : memref<10368xi32, #tpu.memory_space<vmem>> -> memref<32xi32, #tpu.memory_space<vmem>>
          %dma_wait3A_266 = arith.constant 0 : i32
          %dma_wait3A_267 = arith.constant 0 : i32
          %dma_wait3A_268 = tpu.memref_slice %arg12[%dma_wait3A_266, %dma_wait3A_267] : memref<10240x128xf32, #tpu.memory_space<vmem_shared>> -> memref<10240x128xf32, #tpu.memory_space<vmem_shared>>
          tpu.wait_indirect_dma semaphore(%arg20 : memref<!tpu.dma_semaphore, #tpu.memory_space<semaphore_mem>>) src(%dma_wait3A_264 : memref<32x128xf32, #tpu.memory_space<vmem>>) dst(%dma_wait3A_268 : memref<10240x128xf32, #tpu.memory_space<vmem_shared>>)
        } else {
        }
        %add3A_233 = arith.constant 2 : i32
        %add3A_234 = arith.addi %add3A_182, %add3A_233 : i32
        %mul3A_235 = arith.constant 32 : i32
        %mul3A_236 = arith.muli %add3A_234, %mul3A_235 : i32
        %mul3A_237 = arith.constant 32 : i32
        %mul3A_238 = arith.muli %add3A_234, %mul3A_237 : i32
        %dma_start3A_239 = arith.constant 1 : i32
        %dma_start3A_240 = arith.constant 0 : i32
        %dma_start3A_241 = arith.constant 0 : i32
        %dma_start3A_242 = tpu.memref_slice %arg10[%dma_start3A_239, %dma_start3A_240, %dma_start3A_241] : memref<3x32x128xf32, #tpu.memory_space<vmem>> -> memref<1x32x128xf32, #tpu.memory_space<vmem>>
        %dma_start3A_243 = tpu.memref_squeeze %dma_start3A_242 : memref<1x32x128xf32, #tpu.memory_space<vmem>> -> memref<32x128xf32, #tpu.memory_space<vmem>>
        %dma_start3A_244 = tpu.memref_slice %arg8[%mul3A_236] : memref<10368xi32, #tpu.memory_space<vmem>> -> memref<32xi32, #tpu.memory_space<vmem>>
        %dma_start3A_245 = arith.constant 0 : i32
        %dma_start3A_246 = arith.constant 0 : i32
        %dma_start3A_247 = tpu.memref_slice %arg4[%dma_start3A_245, %dma_start3A_246] : memref<10240x128xf32, #tpu.memory_space<hbm>> -> memref<10240x128xf32, #tpu.memory_space<hbm>>
        tpu.enqueue_indirect_dma source(%dma_start3A_247 : memref<10240x128xf32, #tpu.memory_space<hbm>>) target(%dma_start3A_243 : memref<32x128xf32, #tpu.memory_space<vmem>>) offsets(%dma_start3A_244 : memref<32xi32, #tpu.memory_space<vmem>>) semaphore(%arg14 : memref<!tpu.dma_semaphore, #tpu.memory_space<semaphore_mem>>)
        %dma_start3A_248 = arith.constant 1 : i32
        %dma_start3A_249 = arith.constant 0 : i32
        %dma_start3A_250 = arith.constant 0 : i32
        %dma_start3A_251 = tpu.memref_slice %arg11[%dma_start3A_248, %dma_start3A_249, %dma_start3A_250] : memref<3x32x128xf32, #tpu.memory_space<vmem>> -> memref<1x32x128xf32, #tpu.memory_space<vmem>>
        %dma_start3A_252 = tpu.memref_squeeze %dma_start3A_251 : memref<1x32x128xf32, #tpu.memory_space<vmem>> -> memref<32x128xf32, #tpu.memory_space<vmem>>
        %dma_start3A_253 = tpu.memref_slice %arg9[%mul3A_238] : memref<10368xi32, #tpu.memory_space<vmem>> -> memref<32xi32, #tpu.memory_space<vmem>>
        %dma_start3A_254 = arith.constant 0 : i32
        %dma_start3A_255 = arith.constant 0 : i32
        %dma_start3A_256 = tpu.memref_slice %arg5[%dma_start3A_254, %dma_start3A_255] : memref<10240x128xf32, #tpu.memory_space<hbm>> -> memref<10240x128xf32, #tpu.memory_space<hbm>>
        tpu.enqueue_indirect_dma source(%dma_start3A_256 : memref<10240x128xf32, #tpu.memory_space<hbm>>) target(%dma_start3A_252 : memref<32x128xf32, #tpu.memory_space<vmem>>) offsets(%dma_start3A_253 : memref<32xi32, #tpu.memory_space<vmem>>) semaphore(%arg17 : memref<!tpu.dma_semaphore, #tpu.memory_space<semaphore_mem>>)
      } else {
      }
    }
    %scan3A_48 = arith.constant 108 : i32
    %dma_wait3A = arith.constant 0 : i32
    %dma_wait3A_49 = arith.constant 0 : i32
    %dma_wait3A_50 = arith.constant 0 : i32
    %dma_wait3A_51 = tpu.memref_slice %arg10[%dma_wait3A, %dma_wait3A_49, %dma_wait3A_50] : memref<3x32x128xf32, #tpu.memory_space<vmem>> -> memref<1x32x128xf32, #tpu.memory_space<vmem>>
    %dma_wait3A_52 = tpu.memref_squeeze %dma_wait3A_51 : memref<1x32x128xf32, #tpu.memory_space<vmem>> -> memref<32x128xf32, #tpu.memory_space<vmem>>
    %dma_wait3A_53 = arith.constant 10272 : i32
    %dma_wait3A_54 = tpu.memref_slice %arg9[%dma_wait3A_53] : memref<10368xi32, #tpu.memory_space<vmem>> -> memref<32xi32, #tpu.memory_space<vmem>>
    %dma_wait3A_55 = arith.constant 0 : i32
    %dma_wait3A_56 = arith.constant 0 : i32
    %dma_wait3A_57 = tpu.memref_slice %arg12[%dma_wait3A_55, %dma_wait3A_56] : memref<10240x128xf32, #tpu.memory_space<vmem_shared>> -> memref<10240x128xf32, #tpu.memory_space<vmem_shared>>
    tpu.wait_indirect_dma semaphore(%arg19 : memref<!tpu.dma_semaphore, #tpu.memory_space<semaphore_mem>>) src(%dma_wait3A_52 : memref<32x128xf32, #tpu.memory_space<vmem>>) dst(%dma_wait3A_57 : memref<10240x128xf32, #tpu.memory_space<vmem_shared>>)
    %dma_wait3A_58 = arith.constant 1 : i32
    %dma_wait3A_59 = arith.constant 0 : i32
    %dma_wait3A_60 = arith.constant 0 : i32
    %dma_wait3A_61 = tpu.memref_slice %arg10[%dma_wait3A_58, %dma_wait3A_59, %dma_wait3A_60] : memref<3x32x128xf32, #tpu.memory_space<vmem>> -> memref<1x32x128xf32, #tpu.memory_space<vmem>>
    %dma_wait3A_62 = tpu.memref_squeeze %dma_wait3A_61 : memref<1x32x128xf32, #tpu.memory_space<vmem>> -> memref<32x128xf32, #tpu.memory_space<vmem>>
    %dma_wait3A_63 = arith.constant 10304 : i32
    %dma_wait3A_64 = tpu.memref_slice %arg9[%dma_wait3A_63] : memref<10368xi32, #tpu.memory_space<vmem>> -> memref<32xi32, #tpu.memory_space<vmem>>
    %dma_wait3A_65 = arith.constant 0 : i32
    %dma_wait3A_66 = arith.constant 0 : i32
    %dma_wait3A_67 = tpu.memref_slice %arg12[%dma_wait3A_65, %dma_wait3A_66] : memref<10240x128xf32, #tpu.memory_space<vmem_shared>> -> memref<10240x128xf32, #tpu.memory_space<vmem_shared>>
    tpu.wait_indirect_dma semaphore(%arg20 : memref<!tpu.dma_semaphore, #tpu.memory_space<semaphore_mem>>) src(%dma_wait3A_62 : memref<32x128xf32, #tpu.memory_space<vmem>>) dst(%dma_wait3A_67 : memref<10240x128xf32, #tpu.memory_space<vmem_shared>>)
    %dma_wait3A_68 = arith.constant 2 : i32
    %dma_wait3A_69 = arith.constant 0 : i32
    %dma_wait3A_70 = arith.constant 0 : i32
    %dma_wait3A_71 = tpu.memref_slice %arg10[%dma_wait3A_68, %dma_wait3A_69, %dma_wait3A_70] : memref<3x32x128xf32, #tpu.memory_space<vmem>> -> memref<1x32x128xf32, #tpu.memory_space<vmem>>
    %dma_wait3A_72 = tpu.memref_squeeze %dma_wait3A_71 : memref<1x32x128xf32, #tpu.memory_space<vmem>> -> memref<32x128xf32, #tpu.memory_space<vmem>>
    %dma_wait3A_73 = arith.constant 10336 : i32
    %dma_wait3A_74 = tpu.memref_slice %arg9[%dma_wait3A_73] : memref<10368xi32, #tpu.memory_space<vmem>> -> memref<32xi32, #tpu.memory_space<vmem>>
    %dma_wait3A_75 = arith.constant 0 : i32
    %dma_wait3A_76 = arith.constant 0 : i32
    %dma_wait3A_77 = tpu.memref_slice %arg12[%dma_wait3A_75, %dma_wait3A_76] : memref<10240x128xf32, #tpu.memory_space<vmem_shared>> -> memref<10240x128xf32, #tpu.memory_space<vmem_shared>>
    tpu.wait_indirect_dma semaphore(%arg21 : memref<!tpu.dma_semaphore, #tpu.memory_space<semaphore_mem>>) src(%dma_wait3A_72 : memref<32x128xf32, #tpu.memory_space<vmem>>) dst(%dma_wait3A_77 : memref<10240x128xf32, #tpu.memory_space<vmem_shared>>)
    %barrier3A_78 = arith.constant 0 : index
    tpu.barrier barrier_id(%barrier3A_78)
    %mul3A_79 = arith.constant 640 : i32
    %mul3A_80 = arith.muli %arg1, %mul3A_79 : i32
    "tpu.region"() ({
      %run_scoped3A = tpu.sem_alloc : memref<!tpu.dma_semaphore, #tpu.memory_space<semaphore_mem>>
      %dma_start3A_81 = arith.constant 0 : i32
      %dma_start3A_82 = tpu.memref_slice %arg7[%arg0, %mul3A_80, %dma_start3A_81] : memref<2x10240x128xf32, #tpu.memory_space<hbm>> -> memref<1x640x128xf32, #tpu.memory_space<hbm>>
      %dma_start3A_83 = tpu.memref_squeeze %dma_start3A_82 : memref<1x640x128xf32, #tpu.memory_space<hbm>> -> memref<640x128xf32, #tpu.memory_space<hbm>>
      %dma_start3A_84 = arith.constant 0 : i32
      %dma_start3A_85 = tpu.memref_slice %arg12[%mul3A_80, %dma_start3A_84] : memref<10240x128xf32, #tpu.memory_space<vmem_shared>> -> memref<640x128xf32, #tpu.memory_space<vmem_shared>>
      tpu.enqueue_dma source(%dma_start3A_85 : memref<640x128xf32, #tpu.memory_space<vmem_shared>>) target(%dma_start3A_83 : memref<640x128xf32, #tpu.memory_space<hbm>>) target_semaphore(%run_scoped3A : memref<!tpu.dma_semaphore, #tpu.memory_space<semaphore_mem>>)
      %dma_wait3A_86 = arith.constant 0 : i32
      %dma_wait3A_87 = tpu.memref_slice %arg7[%arg0, %mul3A_80, %dma_wait3A_86] : memref<2x10240x128xf32, #tpu.memory_space<hbm>> -> memref<1x640x128xf32, #tpu.memory_space<hbm>>
      %dma_wait3A_88 = tpu.memref_squeeze %dma_wait3A_87 : memref<1x640x128xf32, #tpu.memory_space<hbm>> -> memref<640x128xf32, #tpu.memory_space<hbm>>
      %dma_wait3A_89 = arith.constant 0 : i32
      %dma_wait3A_90 = tpu.memref_slice %arg12[%mul3A_80, %dma_wait3A_89] : memref<10240x128xf32, #tpu.memory_space<vmem_shared>> -> memref<640x128xf32, #tpu.memory_space<vmem_shared>>
      tpu.wait_dma2 semaphore(%run_scoped3A : memref<!tpu.dma_semaphore, #tpu.memory_space<semaphore_mem>>) src(%dma_wait3A_90 : memref<640x128xf32, #tpu.memory_space<vmem_shared>>) dst(%dma_wait3A_88 : memref<640x128xf32, #tpu.memory_space<hbm>>)
      tpu.yield
    }) : () -> ()
    return
  }
}

#map = affine_map<(d0, d1) -> (0, 0)>
#map1 = affine_map<(d0, d1) -> (0, 0, 0)>
module attributes {stable_mosaic.version = 14 : i64} {
  func.func @body(%arg0: i32, %arg1: i32, %arg2: memref<32x10368xi32, #tpu.memory_space<hbm>>, %arg3: memref<32x10368xi32, #tpu.memory_space<hbm>>, %arg4: memref<10240x128xf32, #tpu.memory_space<hbm>>, %arg5: memref<10240x128xf32, #tpu.memory_space<hbm>>, %arg6: memref<640x128xf32, #tpu.memory_space<hbm>>, %arg7: memref<2x10240x128xf32, #tpu.memory_space<hbm>>, %arg8: memref<10368xi32, #tpu.memory_space<vmem>>, %arg9: memref<10368xi32, #tpu.memory_space<vmem>>, %arg10: memref<3x32x128xf32, #tpu.memory_space<vmem>>, %arg11: memref<3x32x128xf32, #tpu.memory_space<vmem>>, %arg12: memref<10240x128xf32, #tpu.memory_space<vmem_shared>>, %arg13: memref<!tpu.dma_semaphore, #tpu.memory_space<semaphore_mem>>, %arg14: memref<!tpu.dma_semaphore, #tpu.memory_space<semaphore_mem>>, %arg15: memref<!tpu.dma_semaphore, #tpu.memory_space<semaphore_mem>>, %arg16: memref<!tpu.dma_semaphore, #tpu.memory_space<semaphore_mem>>, %arg17: memref<!tpu.dma_semaphore, #tpu.memory_space<semaphore_mem>>, %arg18: memref<!tpu.dma_semaphore, #tpu.memory_space<semaphore_mem>>, %arg19: memref<!tpu.dma_semaphore, #tpu.memory_space<semaphore_mem>>, %arg20: memref<!tpu.dma_semaphore, #tpu.memory_space<semaphore_mem>>, %arg21: memref<!tpu.dma_semaphore, #tpu.memory_space<semaphore_mem>>) attributes {dimension_semantics = [#tpu.dimension_semantics<core_parallel>, #tpu.dimension_semantics<subcore_parallel>], iteration_bounds = array<i64: 2, 16>, scalar_prefetch = 0 : i64, scratch_operands = 14 : i64, tpu.core_type = #tpu.core_type<sc_vector_subcore>, window_params = [{transform_indices = #map}, {transform_indices = #map}, {transform_indices = #map}, {transform_indices = #map}, {transform_indices = #map}, {transform_indices = #map1}]} {
    %mul3A = arith.constant 16 : i32
    %mul3A_0 = arith.muli %arg0, %mul3A : i32
    %add3A = arith.addi %mul3A_0, %arg1 : i32
    "tpu.region"() ({
      %run_scoped3A = tpu.sem_alloc : memref<!tpu.dma_semaphore, #tpu.memory_space<semaphore_mem>>
      %dma_start3A_81 = arith.constant 0 : i32
      %dma_start3A_82 = tpu.memref_slice %arg2[%add3A, %dma_start3A_81] : memref<32x10368xi32, #tpu.memory_space<hbm>> -> memref<1x10368xi32, #tpu.memory_space<hbm>>
      %dma_start3A_83 = tpu.memref_squeeze %dma_start3A_82 : memref<1x10368xi32, #tpu.memory_space<hbm>> -> memref<10368xi32, #tpu.memory_space<hbm>>
      %dma_start3A_84 = arith.constant 0 : i32
      %dma_start3A_85 = tpu.memref_slice %arg2[%add3A, %dma_start3A_84] : memref<32x10368xi32, #tpu.memory_space<hbm>> -> memref<1x10368xi32, #tpu.memory_space<hbm>>
      %dma_start3A_86 = tpu.memref_squeeze %dma_start3A_85 : memref<1x10368xi32, #tpu.memory_space<hbm>> -> memref<10368xi32, #tpu.memory_space<hbm>>
      tpu.enqueue_dma source(%dma_start3A_86 : memref<10368xi32, #tpu.memory_space<hbm>>) target(%arg8 : memref<10368xi32, #tpu.memory_space<vmem>>) target_semaphore(%run_scoped3A : memref<!tpu.dma_semaphore, #tpu.memory_space<semaphore_mem>>)
      %dma_wait3A_87 = arith.constant 0 : i32
      %dma_wait3A_88 = tpu.memref_slice %arg2[%add3A, %dma_wait3A_87] : memref<32x10368xi32, #tpu.memory_space<hbm>> -> memref<1x10368xi32, #tpu.memory_space<hbm>>
      %dma_wait3A_89 = tpu.memref_squeeze %dma_wait3A_88 : memref<1x10368xi32, #tpu.memory_space<hbm>> -> memref<10368xi32, #tpu.memory_space<hbm>>
      %dma_wait3A_90 = arith.constant 0 : i32
      %dma_wait3A_91 = tpu.memref_slice %arg2[%add3A, %dma_wait3A_90] : memref<32x10368xi32, #tpu.memory_space<hbm>> -> memref<1x10368xi32, #tpu.memory_space<hbm>>
      %dma_wait3A_92 = tpu.memref_squeeze %dma_wait3A_91 : memref<1x10368xi32, #tpu.memory_space<hbm>> -> memref<10368xi32, #tpu.memory_space<hbm>>
      tpu.wait_dma2 semaphore(%run_scoped3A : memref<!tpu.dma_semaphore, #tpu.memory_space<semaphore_mem>>) src(%dma_wait3A_92 : memref<10368xi32, #tpu.memory_space<hbm>>) dst(%arg8 : memref<10368xi32, #tpu.memory_space<vmem>>)
      tpu.yield
    }) : () -> ()
    "tpu.region"() ({
      %run_scoped3A = tpu.sem_alloc : memref<!tpu.dma_semaphore, #tpu.memory_space<semaphore_mem>>
      %dma_start3A_81 = arith.constant 0 : i32
      %dma_start3A_82 = tpu.memref_slice %arg3[%add3A, %dma_start3A_81] : memref<32x10368xi32, #tpu.memory_space<hbm>> -> memref<1x10368xi32, #tpu.memory_space<hbm>>
      %dma_start3A_83 = tpu.memref_squeeze %dma_start3A_82 : memref<1x10368xi32, #tpu.memory_space<hbm>> -> memref<10368xi32, #tpu.memory_space<hbm>>
      %dma_start3A_84 = arith.constant 0 : i32
      %dma_start3A_85 = tpu.memref_slice %arg3[%add3A, %dma_start3A_84] : memref<32x10368xi32, #tpu.memory_space<hbm>> -> memref<1x10368xi32, #tpu.memory_space<hbm>>
      %dma_start3A_86 = tpu.memref_squeeze %dma_start3A_85 : memref<1x10368xi32, #tpu.memory_space<hbm>> -> memref<10368xi32, #tpu.memory_space<hbm>>
      tpu.enqueue_dma source(%dma_start3A_86 : memref<10368xi32, #tpu.memory_space<hbm>>) target(%arg9 : memref<10368xi32, #tpu.memory_space<vmem>>) target_semaphore(%run_scoped3A : memref<!tpu.dma_semaphore, #tpu.memory_space<semaphore_mem>>)
      %dma_wait3A_87 = arith.constant 0 : i32
      %dma_wait3A_88 = tpu.memref_slice %arg3[%add3A, %dma_wait3A_87] : memref<32x10368xi32, #tpu.memory_space<hbm>> -> memref<1x10368xi32, #tpu.memory_space<hbm>>
      %dma_wait3A_89 = tpu.memref_squeeze %dma_wait3A_88 : memref<1x10368xi32, #tpu.memory_space<hbm>> -> memref<10368xi32, #tpu.memory_space<hbm>>
      %dma_wait3A_90 = arith.constant 0 : i32
      %dma_wait3A_91 = tpu.memref_slice %arg3[%add3A, %dma_wait3A_90] : memref<32x10368xi32, #tpu.memory_space<hbm>> -> memref<1x10368xi32, #tpu.memory_space<hbm>>
      %dma_wait3A_92 = tpu.memref_squeeze %dma_wait3A_91 : memref<1x10368xi32, #tpu.memory_space<hbm>> -> memref<10368xi32, #tpu.memory_space<hbm>>
      tpu.wait_dma2 semaphore(%run_scoped3A : memref<!tpu.dma_semaphore, #tpu.memory_space<semaphore_mem>>) src(%dma_wait3A_92 : memref<10368xi32, #tpu.memory_space<hbm>>) dst(%arg9 : memref<10368xi32, #tpu.memory_space<vmem>>)
      tpu.yield
    }) : () -> ()
    %mul3A_1 = arith.constant 640 : i32
    %mul3A_2 = arith.muli %arg1, %mul3A_1 : i32
    "tpu.region"() ({
      %run_scoped3A = tpu.sem_alloc : memref<!tpu.dma_semaphore, #tpu.memory_space<semaphore_mem>>
      %dma_start3A_81 = arith.constant 0 : i32
      %dma_start3A_82 = tpu.memref_slice %arg12[%mul3A_2, %dma_start3A_81] : memref<10240x128xf32, #tpu.memory_space<vmem_shared>> -> memref<640x128xf32, #tpu.memory_space<vmem_shared>>
      tpu.enqueue_dma source(%arg6 : memref<640x128xf32, #tpu.memory_space<hbm>>) target(%dma_start3A_82 : memref<640x128xf32, #tpu.memory_space<vmem_shared>>) target_semaphore(%run_scoped3A : memref<!tpu.dma_semaphore, #tpu.memory_space<semaphore_mem>>)
      %dma_wait3A_83 = arith.constant 0 : i32
      %dma_wait3A_84 = tpu.memref_slice %arg12[%mul3A_2, %dma_wait3A_83] : memref<10240x128xf32, #tpu.memory_space<vmem_shared>> -> memref<640x128xf32, #tpu.memory_space<vmem_shared>>
      tpu.wait_dma2 semaphore(%run_scoped3A : memref<!tpu.dma_semaphore, #tpu.memory_space<semaphore_mem>>) src(%arg6 : memref<640x128xf32, #tpu.memory_space<hbm>>) dst(%dma_wait3A_84 : memref<640x128xf32, #tpu.memory_space<vmem_shared>>)
      tpu.yield
    }) : () -> ()
    %barrier3A = arith.constant 0 : index
    tpu.barrier barrier_id(%barrier3A)
    %mul3A_3 = arith.constant 10368 : i32
    %mul3A_4 = arith.muli %add3A, %mul3A_3 : i32
    %iota3A = tpu.iota {dimensions = array<i32: 0>} : vector<16xi32>
    %dma_start3A = arith.constant 0 : i32
    %dma_start3A_5 = arith.constant 0 : i32
    %dma_start3A_6 = arith.constant 0 : i32
    %dma_start3A_7 = tpu.memref_slice %arg10[%dma_start3A, %dma_start3A_5, %dma_start3A_6] : memref<3x32x128xf32, #tpu.memory_space<vmem>> -> memref<1x32x128xf32, #tpu.memory_space<vmem>>
    %dma_start3A_8 = tpu.memref_squeeze %dma_start3A_7 : memref<1x32x128xf32, #tpu.memory_space<vmem>> -> memref<32x128xf32, #tpu.memory_space<vmem>>
    %dma_start3A_9 = arith.constant 0 : i32
    %dma_start3A_10 = tpu.memref_slice %arg8[%dma_start3A_9] : memref<10368xi32, #tpu.memory_space<vmem>> -> memref<32xi32, #tpu.memory_space<vmem>>
    %dma_start3A_11 = arith.constant 0 : i32
    %dma_start3A_12 = arith.constant 0 : i32
    %dma_start3A_13 = tpu.memref_slice %arg4[%dma_start3A_11, %dma_start3A_12] : memref<10240x128xf32, #tpu.memory_space<hbm>> -> memref<10240x128xf32, #tpu.memory_space<hbm>>
    tpu.enqueue_indirect_dma source(%dma_start3A_13 : memref<10240x128xf32, #tpu.memory_space<hbm>>) target(%dma_start3A_8 : memref<32x128xf32, #tpu.memory_space<vmem>>) offsets(%dma_start3A_10 : memref<32xi32, #tpu.memory_space<vmem>>) semaphore(%arg13 : memref<!tpu.dma_semaphore, #tpu.memory_space<semaphore_mem>>)
    %dma_start3A_14 = arith.constant 0 : i32
    %dma_start3A_15 = arith.constant 0 : i32
    %dma_start3A_16 = arith.constant 0 : i32
    %dma_start3A_17 = tpu.memref_slice %arg11[%dma_start3A_14, %dma_start3A_15, %dma_start3A_16] : memref<3x32x128xf32, #tpu.memory_space<vmem>> -> memref<1x32x128xf32, #tpu.memory_space<vmem>>
    %dma_start3A_18 = tpu.memref_squeeze %dma_start3A_17 : memref<1x32x128xf32, #tpu.memory_space<vmem>> -> memref<32x128xf32, #tpu.memory_space<vmem>>
    %dma_start3A_19 = arith.constant 0 : i32
    %dma_start3A_20 = tpu.memref_slice %arg9[%dma_start3A_19] : memref<10368xi32, #tpu.memory_space<vmem>> -> memref<32xi32, #tpu.memory_space<vmem>>
    %dma_start3A_21 = arith.constant 0 : i32
    %dma_start3A_22 = arith.constant 0 : i32
    %dma_start3A_23 = tpu.memref_slice %arg5[%dma_start3A_21, %dma_start3A_22] : memref<10240x128xf32, #tpu.memory_space<hbm>> -> memref<10240x128xf32, #tpu.memory_space<hbm>>
    tpu.enqueue_indirect_dma source(%dma_start3A_23 : memref<10240x128xf32, #tpu.memory_space<hbm>>) target(%dma_start3A_18 : memref<32x128xf32, #tpu.memory_space<vmem>>) offsets(%dma_start3A_20 : memref<32xi32, #tpu.memory_space<vmem>>) semaphore(%arg16 : memref<!tpu.dma_semaphore, #tpu.memory_space<semaphore_mem>>)
    %dma_start3A_24 = arith.constant 1 : i32
    %dma_start3A_25 = arith.constant 0 : i32
    %dma_start3A_26 = arith.constant 0 : i32
    %dma_start3A_27 = tpu.memref_slice %arg10[%dma_start3A_24, %dma_start3A_25, %dma_start3A_26] : memref<3x32x128xf32, #tpu.memory_space<vmem>> -> memref<1x32x128xf32, #tpu.memory_space<vmem>>
    %dma_start3A_28 = tpu.memref_squeeze %dma_start3A_27 : memref<1x32x128xf32, #tpu.memory_space<vmem>> -> memref<32x128xf32, #tpu.memory_space<vmem>>
    %dma_start3A_29 = arith.constant 32 : i32
    %dma_start3A_30 = tpu.memref_slice %arg8[%dma_start3A_29] : memref<10368xi32, #tpu.memory_space<vmem>> -> memref<32xi32, #tpu.memory_space<vmem>>
    %dma_start3A_31 = arith.constant 0 : i32
    %dma_start3A_32 = arith.constant 0 : i32
    %dma_start3A_33 = tpu.memref_slice %arg4[%dma_start3A_31, %dma_start3A_32] : memref<10240x128xf32, #tpu.memory_space<hbm>> -> memref<10240x128xf32, #tpu.memory_space<hbm>>
    tpu.enqueue_indirect_dma source(%dma_start3A_33 : memref<10240x128xf32, #tpu.memory_space<hbm>>) target(%dma_start3A_28 : memref<32x128xf32, #tpu.memory_space<vmem>>) offsets(%dma_start3A_30 : memref<32xi32, #tpu.memory_space<vmem>>) semaphore(%arg14 : memref<!tpu.dma_semaphore, #tpu.memory_space<semaphore_mem>>)
    %dma_start3A_34 = arith.constant 1 : i32
    %dma_start3A_35 = arith.constant 0 : i32
    %dma_start3A_36 = arith.constant 0 : i32
    %dma_start3A_37 = tpu.memref_slice %arg11[%dma_start3A_34, %dma_start3A_35, %dma_start3A_36] : memref<3x32x128xf32, #tpu.memory_space<vmem>> -> memref<1x32x128xf32, #tpu.memory_space<vmem>>
    %dma_start3A_38 = tpu.memref_squeeze %dma_start3A_37 : memref<1x32x128xf32, #tpu.memory_space<vmem>> -> memref<32x128xf32, #tpu.memory_space<vmem>>
    %dma_start3A_39 = arith.constant 32 : i32
    %dma_start3A_40 = tpu.memref_slice %arg9[%dma_start3A_39] : memref<10368xi32, #tpu.memory_space<vmem>> -> memref<32xi32, #tpu.memory_space<vmem>>
    %dma_start3A_41 = arith.constant 0 : i32
    %dma_start3A_42 = arith.constant 0 : i32
    %dma_start3A_43 = tpu.memref_slice %arg5[%dma_start3A_41, %dma_start3A_42] : memref<10240x128xf32, #tpu.memory_space<hbm>> -> memref<10240x128xf32, #tpu.memory_space<hbm>>
    tpu.enqueue_indirect_dma source(%dma_start3A_43 : memref<10240x128xf32, #tpu.memory_space<hbm>>) target(%dma_start3A_38 : memref<32x128xf32, #tpu.memory_space<vmem>>) offsets(%dma_start3A_40 : memref<32xi32, #tpu.memory_space<vmem>>) semaphore(%arg17 : memref<!tpu.dma_semaphore, #tpu.memory_space<semaphore_mem>>)
    %scan3A = arith.constant 0 : i32
    %scan3A_44 = arith.constant 0 : i32
    %scan3A_45 = arith.constant 108 : i32
    %scan3A_46 = arith.addi %scan3A_44, %scan3A_45 : i32
    %scan3A_47 = arith.constant 1 : i32
    scf.for %scan3A_81 = %scan3A_44 to %scan3A_46 step %scan3A_47  : i32 {
      %mul3A_82 = arith.constant 3 : i32
      %mul3A_83 = arith.muli %mul3A_82, %scan3A_81 : i32
      %add3A_84 = arith.constant 0 : i32
      %add3A_85 = arith.addi %mul3A_83, %add3A_84 : i32
      %mul3A_86 = arith.constant 32 : i32
      %mul3A_87 = arith.muli %add3A_85, %mul3A_86 : i32
      %mul3A_88 = arith.constant 32 : i32
      %mul3A_89 = arith.muli %add3A_85, %mul3A_88 : i32
      %dma_wait3A_90 = arith.constant 0 : i32
      %dma_wait3A_91 = arith.constant 0 : i32
      %dma_wait3A_92 = arith.constant 0 : i32
      %dma_wait3A_93 = tpu.memref_slice %arg10[%dma_wait3A_90, %dma_wait3A_91, %dma_wait3A_92] : memref<3x32x128xf32, #tpu.memory_space<vmem>> -> memref<1x32x128xf32, #tpu.memory_space<vmem>>
      %dma_wait3A_94 = tpu.memref_squeeze %dma_wait3A_93 : memref<1x32x128xf32, #tpu.memory_space<vmem>> -> memref<32x128xf32, #tpu.memory_space<vmem>>
      %dma_wait3A_95 = tpu.memref_slice %arg8[%mul3A_87] : memref<10368xi32, #tpu.memory_space<vmem>> -> memref<32xi32, #tpu.memory_space<vmem>>
      %dma_wait3A_96 = arith.constant 0 : i32
      %dma_wait3A_97 = arith.constant 0 : i32
      %dma_wait3A_98 = tpu.memref_slice %arg4[%dma_wait3A_96, %dma_wait3A_97] : memref<10240x128xf32, #tpu.memory_space<hbm>> -> memref<10240x128xf32, #tpu.memory_space<hbm>>
      tpu.wait_indirect_dma semaphore(%arg13 : memref<!tpu.dma_semaphore, #tpu.memory_space<semaphore_mem>>) src(%dma_wait3A_98 : memref<10240x128xf32, #tpu.memory_space<hbm>>) dst(%dma_wait3A_94 : memref<32x128xf32, #tpu.memory_space<vmem>>)
      %dma_wait3A_99 = arith.constant 0 : i32
      %dma_wait3A_100 = arith.constant 0 : i32
      %dma_wait3A_101 = arith.constant 0 : i32
      %dma_wait3A_102 = tpu.memref_slice %arg11[%dma_wait3A_99, %dma_wait3A_100, %dma_wait3A_101] : memref<3x32x128xf32, #tpu.memory_space<vmem>> -> memref<1x32x128xf32, #tpu.memory_space<vmem>>
      %dma_wait3A_103 = tpu.memref_squeeze %dma_wait3A_102 : memref<1x32x128xf32, #tpu.memory_space<vmem>> -> memref<32x128xf32, #tpu.memory_space<vmem>>
      %dma_wait3A_104 = tpu.memref_slice %arg9[%mul3A_89] : memref<10368xi32, #tpu.memory_space<vmem>> -> memref<32xi32, #tpu.memory_space<vmem>>
      %dma_wait3A_105 = arith.constant 0 : i32
      %dma_wait3A_106 = arith.constant 0 : i32
      %dma_wait3A_107 = tpu.memref_slice %arg5[%dma_wait3A_105, %dma_wait3A_106] : memref<10240x128xf32, #tpu.memory_space<hbm>> -> memref<10240x128xf32, #tpu.memory_space<hbm>>
      tpu.wait_indirect_dma semaphore(%arg16 : memref<!tpu.dma_semaphore, #tpu.memory_space<semaphore_mem>>) src(%dma_wait3A_107 : memref<10240x128xf32, #tpu.memory_space<hbm>>) dst(%dma_wait3A_103 : memref<32x128xf32, #tpu.memory_space<vmem>>)
      %scan3A_108 = arith.constant 0 : i32
      %scan3A_109 = arith.constant 0 : i32
      %scan3A_110 = arith.constant 32 : i32
      %scan3A_111 = arith.addi %scan3A_109, %scan3A_110 : i32
      %scan3A_112 = arith.constant 1 : i32
      scf.for %scan3A_229 = %scan3A_109 to %scan3A_111 step %scan3A_112  : i32 {
        %get3A = arith.constant 0 : i32
        %get3A_230 = arith.index_cast %get3A : i32 to index
        %get3A_231 = arith.index_cast %scan3A_229 : i32 to index
        %get3A_232 = arith.constant 0 : index
        %get3A_233 = tpu.vector_load %arg10[%get3A_230, %get3A_231, %get3A_232] {strides = array<i32>} : memref<3x32x128xf32, #tpu.memory_space<vmem>>, vector<1x1x16xf32>,
        %get3A_234 = vector.shape_cast %get3A_233 : vector<1x1x16xf32> to vector<16xf32>
        %get3A_235 = arith.constant 0 : i32
        %get3A_236 = arith.index_cast %get3A_235 : i32 to index
        %get3A_237 = arith.index_cast %scan3A_229 : i32 to index
        %get3A_238 = arith.constant 0 : index
        %get3A_239 = tpu.vector_load %arg11[%get3A_236, %get3A_237, %get3A_238] {strides = array<i32>} : memref<3x32x128xf32, #tpu.memory_space<vmem>>, vector<1x1x16xf32>,
        %get3A_240 = vector.shape_cast %get3A_239 : vector<1x1x16xf32> to vector<16xf32>
        %add3A_241 = arith.addf %get3A_234, %get3A_240 : vector<16xf32>
        %ge3A = arith.constant 0.000000e+00 : f32
        %ge3A_242 = vector.broadcast %ge3A : f32 to vector<16xf32>
        %ge3A_243 = arith.cmpf oge, %add3A_241, %ge3A_242 : vector<16xf32>
        %mul3A_244 = arith.constant 2.000000e-01 : f32
        %mul3A_245 = vector.broadcast %mul3A_244 : f32 to vector<16xf32>
        %mul3A_246 = arith.mulf %mul3A_245, %add3A_241 : vector<16xf32>
        %select_n3A = arith.select %ge3A_243, %add3A_241, %mul3A_246 : vector<16xi1>, vector<16xf32>
        %exp3A = math.exp %select_n3A : vector<16xf32>
        %mul3A_247 = arith.constant 32 : i32
        %mul3A_248 = arith.muli %add3A_85, %mul3A_247 : i32
        %add3A_249 = arith.addi %mul3A_4, %mul3A_248 : i32
        %add3A_250 = arith.addi %add3A_249, %scan3A_229 : i32
        %lt3A_251 = arith.constant 330000 : i32
        %lt3A_252 = arith.cmpi slt, %add3A_250, %lt3A_251 : i32
        %slice3A = vector.extract_strided_slice %exp3A {offsets = [0], sizes = [1], strides = [1]} : vector<16xf32> to vector<1xf32>
        %squeeze3A = vector.extract %slice3A[0] : f32 from vector<1xf32>
        %jit3A = arith.constant 0.000000e+00 : f32
        %select_n3A_253 = arith.select %lt3A_252, %squeeze3A, %jit3A : f32
        %slice3A_254 = vector.extract_strided_slice %get3A_234 {offsets = [1], sizes = [1], strides = [1]} : vector<16xf32> to vector<1xf32>
        %squeeze3A_255 = vector.extract %slice3A_254[0] : f32 from vector<1xf32>
        %eq3A = arith.constant 0 : i32
        %eq3A_256 = vector.broadcast %eq3A : i32 to vector<16xi32>
        %eq3A_257 = arith.cmpi eq, %iota3A, %eq3A_256 : vector<16xi32>
        %mul3A_258 = arith.mulf %select_n3A_253, %squeeze3A_255 : f32
        %eq3A_259 = arith.constant 1 : i32
        %eq3A_260 = vector.broadcast %eq3A_259 : i32 to vector<16xi32>
        %eq3A_261 = arith.cmpi eq, %iota3A, %eq3A_260 : vector<16xi32>
        %jit3A_262 = arith.constant 0.000000e+00 : f32
        %broadcast_in_dim3A = vector.broadcast %select_n3A_253 : f32 to vector<16xf32>
        %broadcast_in_dim3A_263 = vector.broadcast %jit3A_262 : f32 to vector<16xf32>
        %select_n3A_264 = arith.select %eq3A_261, %broadcast_in_dim3A, %broadcast_in_dim3A_263 : vector<16xi1>, vector<16xf32>
        %broadcast_in_dim3A_265 = vector.broadcast %mul3A_258 : f32 to vector<16xf32>
        %select_n3A_266 = arith.select %eq3A_257, %broadcast_in_dim3A_265, %select_n3A_264 : vector<16xi1>, vector<16xf32>
        %swap3A = arith.constant 0 : i32
        %swap3A_267 = arith.index_cast %swap3A : i32 to index
        %swap3A_268 = arith.index_cast %scan3A_229 : i32 to index
        %swap3A_269 = arith.constant 0 : index
        %swap3A_270 = tpu.vector_load %arg10[%swap3A_267, %swap3A_268, %swap3A_269] {strides = array<i32>} : memref<3x32x128xf32, #tpu.memory_space<vmem>>, vector<1x1x16xf32>,
        %swap3A_271 = vector.shape_cast %swap3A_270 : vector<1x1x16xf32> to vector<16xf32>
        %swap3A_272 = vector.shape_cast %select_n3A_266 : vector<16xf32> to vector<1x1x16xf32>
        tpu.vector_store %arg10[%swap3A_267, %swap3A_268, %swap3A_269], %swap3A_272 {strides = array<i32>} : memref<3x32x128xf32, #tpu.memory_space<vmem>>, vector<1x1x16xf32>,
      }
      %scan3A_113 = arith.constant 32 : i32
      %mul3A_114 = arith.constant 32 : i32
      %mul3A_115 = arith.muli %add3A_85, %mul3A_114 : i32
      %dma_start3A_116 = arith.constant 0 : i32
      %dma_start3A_117 = arith.constant 0 : i32
      %dma_start3A_118 = arith.constant 0 : i32
      %dma_start3A_119 = tpu.memref_slice %arg10[%dma_start3A_116, %dma_start3A_117, %dma_start3A_118] : memref<3x32x128xf32, #tpu.memory_space<vmem>> -> memref<1x32x128xf32, #tpu.memory_space<vmem>>
      %dma_start3A_120 = tpu.memref_squeeze %dma_start3A_119 : memref<1x32x128xf32, #tpu.memory_space<vmem>> -> memref<32x128xf32, #tpu.memory_space<vmem>>
      %dma_start3A_121 = tpu.memref_slice %arg9[%mul3A_115] : memref<10368xi32, #tpu.memory_space<vmem>> -> memref<32xi32, #tpu.memory_space<vmem>>
      %dma_start3A_122 = arith.constant 0 : i32
      %dma_start3A_123 = arith.constant 0 : i32
      %dma_start3A_124 = tpu.memref_slice %arg12[%dma_start3A_122, %dma_start3A_123] : memref<10240x128xf32, #tpu.memory_space<vmem_shared>> -> memref<10240x128xf32, #tpu.memory_space<vmem_shared>>
      tpu.enqueue_indirect_dma source(%dma_start3A_120 : memref<32x128xf32, #tpu.memory_space<vmem>>) target(%dma_start3A_124 : memref<10240x128xf32, #tpu.memory_space<vmem_shared>>) offsets(%dma_start3A_121 : memref<32xi32, #tpu.memory_space<vmem>>) semaphore(%arg19 : memref<!tpu.dma_semaphore, #tpu.memory_space<semaphore_mem>>) {add = true}
      %add3A_125 = arith.constant 2 : i32
      %add3A_126 = arith.addi %add3A_85, %add3A_125 : i32
      %lt3A = arith.constant 324 : i32
      %lt3A_127 = arith.cmpi slt, %add3A_126, %lt3A : i32
      %convert_element_type3A = arith.extui %lt3A_127 : i1 to i32
      %cond3A = arith.constant 0 : i32
      %cond3A_128 = arith.cmpi ne, %convert_element_type3A, %cond3A : i32
      scf.if %cond3A_128 {
        %ge3A = arith.constant 1 : i32
        %ge3A_229 = arith.cmpi sge, %add3A_85, %ge3A : i32
        %convert_element_type3A_230 = arith.extui %ge3A_229 : i1 to i32
        %cond3A_231 = arith.constant 0 : i32
        %cond3A_232 = arith.cmpi ne, %convert_element_type3A_230, %cond3A_231 : i32
        scf.if %cond3A_232 {
          %sub3A = arith.constant 1 : i32
          %sub3A_257 = arith.subi %add3A_85, %sub3A : i32
          %mul3A_258 = arith.constant 32 : i32
          %mul3A_259 = arith.muli %sub3A_257, %mul3A_258 : i32
          %dma_wait3A_260 = arith.constant 2 : i32
          %dma_wait3A_261 = arith.constant 0 : i32
          %dma_wait3A_262 = arith.constant 0 : i32
          %dma_wait3A_263 = tpu.memref_slice %arg10[%dma_wait3A_260, %dma_wait3A_261, %dma_wait3A_262] : memref<3x32x128xf32, #tpu.memory_space<vmem>> -> memref<1x32x128xf32, #tpu.memory_space<vmem>>
          %dma_wait3A_264 = tpu.memref_squeeze %dma_wait3A_263 : memref<1x32x128xf32, #tpu.memory_space<vmem>> -> memref<32x128xf32, #tpu.memory_space<vmem>>
          %dma_wait3A_265 = tpu.memref_slice %arg9[%mul3A_259] : memref<10368xi32, #tpu.memory_space<vmem>> -> memref<32xi32, #tpu.memory_space<vmem>>
          %dma_wait3A_266 = arith.constant 0 : i32
          %dma_wait3A_267 = arith.constant 0 : i32
          %dma_wait3A_268 = tpu.memref_slice %arg12[%dma_wait3A_266, %dma_wait3A_267] : memref<10240x128xf32, #tpu.memory_space<vmem_shared>> -> memref<10240x128xf32, #tpu.memory_space<vmem_shared>>
          tpu.wait_indirect_dma semaphore(%arg21 : memref<!tpu.dma_semaphore, #tpu.memory_space<semaphore_mem>>) src(%dma_wait3A_264 : memref<32x128xf32, #tpu.memory_space<vmem>>) dst(%dma_wait3A_268 : memref<10240x128xf32, #tpu.memory_space<vmem_shared>>)
        } else {
        }
        %add3A_233 = arith.constant 2 : i32
        %add3A_234 = arith.addi %add3A_85, %add3A_233 : i32
        %mul3A_235 = arith.constant 32 : i32
        %mul3A_236 = arith.muli %add3A_234, %mul3A_235 : i32
        %mul3A_237 = arith.constant 32 : i32
        %mul3A_238 = arith.muli %add3A_234, %mul3A_237 : i32
        %dma_start3A_239 = arith.constant 2 : i32
        %dma_start3A_240 = arith.constant 0 : i32
        %dma_start3A_241 = arith.constant 0 : i32
        %dma_start3A_242 = tpu.memref_slice %arg10[%dma_start3A_239, %dma_start3A_240, %dma_start3A_241] : memref<3x32x128xf32, #tpu.memory_space<vmem>> -> memref<1x32x128xf32, #tpu.memory_space<vmem>>
        %dma_start3A_243 = tpu.memref_squeeze %dma_start3A_242 : memref<1x32x128xf32, #tpu.memory_space<vmem>> -> memref<32x128xf32, #tpu.memory_space<vmem>>
        %dma_start3A_244 = tpu.memref_slice %arg8[%mul3A_236] : memref<10368xi32, #tpu.memory_space<vmem>> -> memref<32xi32, #tpu.memory_space<vmem>>
        %dma_start3A_245 = arith.constant 0 : i32
        %dma_start3A_246 = arith.constant 0 : i32
        %dma_start3A_247 = tpu.memref_slice %arg4[%dma_start3A_245, %dma_start3A_246] : memref<10240x128xf32, #tpu.memory_space<hbm>> -> memref<10240x128xf32, #tpu.memory_space<hbm>>
        tpu.enqueue_indirect_dma source(%dma_start3A_247 : memref<10240x128xf32, #tpu.memory_space<hbm>>) target(%dma_start3A_243 : memref<32x128xf32, #tpu.memory_space<vmem>>) offsets(%dma_start3A_244 : memref<32xi32, #tpu.memory_space<vmem>>) semaphore(%arg15 : memref<!tpu.dma_semaphore, #tpu.memory_space<semaphore_mem>>)
        %dma_start3A_248 = arith.constant 2 : i32
        %dma_start3A_249 = arith.constant 0 : i32
        %dma_start3A_250 = arith.constant 0 : i32
        %dma_start3A_251 = tpu.memref_slice %arg11[%dma_start3A_248, %dma_start3A_249, %dma_start3A_250] : memref<3x32x128xf32, #tpu.memory_space<vmem>> -> memref<1x32x128xf32, #tpu.memory_space<vmem>>
        %dma_start3A_252 = tpu.memref_squeeze %dma_start3A_251 : memref<1x32x128xf32, #tpu.memory_space<vmem>> -> memref<32x128xf32, #tpu.memory_space<vmem>>
        %dma_start3A_253 = tpu.memref_slice %arg9[%mul3A_238] : memref<10368xi32, #tpu.memory_space<vmem>> -> memref<32xi32, #tpu.memory_space<vmem>>
        %dma_start3A_254 = arith.constant 0 : i32
        %dma_start3A_255 = arith.constant 0 : i32
        %dma_start3A_256 = tpu.memref_slice %arg5[%dma_start3A_254, %dma_start3A_255] : memref<10240x128xf32, #tpu.memory_space<hbm>> -> memref<10240x128xf32, #tpu.memory_space<hbm>>
        tpu.enqueue_indirect_dma source(%dma_start3A_256 : memref<10240x128xf32, #tpu.memory_space<hbm>>) target(%dma_start3A_252 : memref<32x128xf32, #tpu.memory_space<vmem>>) offsets(%dma_start3A_253 : memref<32xi32, #tpu.memory_space<vmem>>) semaphore(%arg18 : memref<!tpu.dma_semaphore, #tpu.memory_space<semaphore_mem>>)
      } else {
      }
      %mul3A_129 = arith.constant 3 : i32
      %mul3A_130 = arith.muli %mul3A_129, %scan3A_81 : i32
      %add3A_131 = arith.constant 1 : i32
      %add3A_132 = arith.addi %mul3A_130, %add3A_131 : i32
      %mul3A_133 = arith.constant 32 : i32
      %mul3A_134 = arith.muli %add3A_132, %mul3A_133 : i32
      %mul3A_135 = arith.constant 32 : i32
      %mul3A_136 = arith.muli %add3A_132, %mul3A_135 : i32
      %dma_wait3A_137 = arith.constant 1 : i32
      %dma_wait3A_138 = arith.constant 0 : i32
      %dma_wait3A_139 = arith.constant 0 : i32
      %dma_wait3A_140 = tpu.memref_slice %arg10[%dma_wait3A_137, %dma_wait3A_138, %dma_wait3A_139] : memref<3x32x128xf32, #tpu.memory_space<vmem>> -> memref<1x32x128xf32, #tpu.memory_space<vmem>>
      %dma_wait3A_141 = tpu.memref_squeeze %dma_wait3A_140 : memref<1x32x128xf32, #tpu.memory_space<vmem>> -> memref<32x128xf32, #tpu.memory_space<vmem>>
      %dma_wait3A_142 = tpu.memref_slice %arg8[%mul3A_134] : memref<10368xi32, #tpu.memory_space<vmem>> -> memref<32xi32, #tpu.memory_space<vmem>>
      %dma_wait3A_143 = arith.constant 0 : i32
      %dma_wait3A_144 = arith.constant 0 : i32
      %dma_wait3A_145 = tpu.memref_slice %arg4[%dma_wait3A_143, %dma_wait3A_144] : memref<10240x128xf32, #tpu.memory_space<hbm>> -> memref<10240x128xf32, #tpu.memory_space<hbm>>
      tpu.wait_indirect_dma semaphore(%arg14 : memref<!tpu.dma_semaphore, #tpu.memory_space<semaphore_mem>>) src(%dma_wait3A_145 : memref<10240x128xf32, #tpu.memory_space<hbm>>) dst(%dma_wait3A_141 : memref<32x128xf32, #tpu.memory_space<vmem>>)
      %dma_wait3A_146 = arith.constant 1 : i32
      %dma_wait3A_147 = arith.constant 0 : i32
      %dma_wait3A_148 = arith.constant 0 : i32
      %dma_wait3A_149 = tpu.memref_slice %arg11[%dma_wait3A_146, %dma_wait3A_147, %dma_wait3A_148] : memref<3x32x128xf32, #tpu.memory_space<vmem>> -> memref<1x32x128xf32, #tpu.memory_space<vmem>>
      %dma_wait3A_150 = tpu.memref_squeeze %dma_wait3A_149 : memref<1x32x128xf32, #tpu.memory_space<vmem>> -> memref<32x128xf32, #tpu.memory_space<vmem>>
      %dma_wait3A_151 = tpu.memref_slice %arg9[%mul3A_136] : memref<10368xi32, #tpu.memory_space<vmem>> -> memref<32xi32, #tpu.memory_space<vmem>>
      %dma_wait3A_152 = arith.constant 0 : i32
      %dma_wait3A_153 = arith.constant 0 : i32
      %dma_wait3A_154 = tpu.memref_slice %arg5[%dma_wait3A_152, %dma_wait3A_153] : memref<10240x128xf32, #tpu.memory_space<hbm>> -> memref<10240x128xf32, #tpu.memory_space<hbm>>
      tpu.wait_indirect_dma semaphore(%arg17 : memref<!tpu.dma_semaphore, #tpu.memory_space<semaphore_mem>>) src(%dma_wait3A_154 : memref<10240x128xf32, #tpu.memory_space<hbm>>) dst(%dma_wait3A_150 : memref<32x128xf32, #tpu.memory_space<vmem>>)
      %scan3A_155 = arith.constant 0 : i32
      %scan3A_156 = arith.constant 0 : i32
      %scan3A_157 = arith.constant 32 : i32
      %scan3A_158 = arith.addi %scan3A_156, %scan3A_157 : i32
      %scan3A_159 = arith.constant 1 : i32
      scf.for %scan3A_229 = %scan3A_156 to %scan3A_158 step %scan3A_159  : i32 {
        %get3A = arith.constant 1 : i32
        %get3A_230 = arith.index_cast %get3A : i32 to index
        %get3A_231 = arith.index_cast %scan3A_229 : i32 to index
        %get3A_232 = arith.constant 0 : index
        %get3A_233 = tpu.vector_load %arg10[%get3A_230, %get3A_231, %get3A_232] {strides = array<i32>} : memref<3x32x128xf32, #tpu.memory_space<vmem>>, vector<1x1x16xf32>,
        %get3A_234 = vector.shape_cast %get3A_233 : vector<1x1x16xf32> to vector<16xf32>
        %get3A_235 = arith.constant 1 : i32
        %get3A_236 = arith.index_cast %get3A_235 : i32 to index
        %get3A_237 = arith.index_cast %scan3A_229 : i32 to index
        %get3A_238 = arith.constant 0 : index
        %get3A_239 = tpu.vector_load %arg11[%get3A_236, %get3A_237, %get3A_238] {strides = array<i32>} : memref<3x32x128xf32, #tpu.memory_space<vmem>>, vector<1x1x16xf32>,
        %get3A_240 = vector.shape_cast %get3A_239 : vector<1x1x16xf32> to vector<16xf32>
        %add3A_241 = arith.addf %get3A_234, %get3A_240 : vector<16xf32>
        %ge3A = arith.constant 0.000000e+00 : f32
        %ge3A_242 = vector.broadcast %ge3A : f32 to vector<16xf32>
        %ge3A_243 = arith.cmpf oge, %add3A_241, %ge3A_242 : vector<16xf32>
        %mul3A_244 = arith.constant 2.000000e-01 : f32
        %mul3A_245 = vector.broadcast %mul3A_244 : f32 to vector<16xf32>
        %mul3A_246 = arith.mulf %mul3A_245, %add3A_241 : vector<16xf32>
        %select_n3A = arith.select %ge3A_243, %add3A_241, %mul3A_246 : vector<16xi1>, vector<16xf32>
        %exp3A = math.exp %select_n3A : vector<16xf32>
        %mul3A_247 = arith.constant 32 : i32
        %mul3A_248 = arith.muli %add3A_132, %mul3A_247 : i32
        %add3A_249 = arith.addi %mul3A_4, %mul3A_248 : i32
        %add3A_250 = arith.addi %add3A_249, %scan3A_229 : i32
        %lt3A_251 = arith.constant 330000 : i32
        %lt3A_252 = arith.cmpi slt, %add3A_250, %lt3A_251 : i32
        %slice3A = vector.extract_strided_slice %exp3A {offsets = [0], sizes = [1], strides = [1]} : vector<16xf32> to vector<1xf32>
        %squeeze3A = vector.extract %slice3A[0] : f32 from vector<1xf32>
        %jit3A = arith.constant 0.000000e+00 : f32
        %select_n3A_253 = arith.select %lt3A_252, %squeeze3A, %jit3A : f32
        %slice3A_254 = vector.extract_strided_slice %get3A_234 {offsets = [1], sizes = [1], strides = [1]} : vector<16xf32> to vector<1xf32>
        %squeeze3A_255 = vector.extract %slice3A_254[0] : f32 from vector<1xf32>
        %eq3A = arith.constant 0 : i32
        %eq3A_256 = vector.broadcast %eq3A : i32 to vector<16xi32>
        %eq3A_257 = arith.cmpi eq, %iota3A, %eq3A_256 : vector<16xi32>
        %mul3A_258 = arith.mulf %select_n3A_253, %squeeze3A_255 : f32
        %eq3A_259 = arith.constant 1 : i32
        %eq3A_260 = vector.broadcast %eq3A_259 : i32 to vector<16xi32>
        %eq3A_261 = arith.cmpi eq, %iota3A, %eq3A_260 : vector<16xi32>
        %jit3A_262 = arith.constant 0.000000e+00 : f32
        %broadcast_in_dim3A = vector.broadcast %select_n3A_253 : f32 to vector<16xf32>
        %broadcast_in_dim3A_263 = vector.broadcast %jit3A_262 : f32 to vector<16xf32>
        %select_n3A_264 = arith.select %eq3A_261, %broadcast_in_dim3A, %broadcast_in_dim3A_263 : vector<16xi1>, vector<16xf32>
        %broadcast_in_dim3A_265 = vector.broadcast %mul3A_258 : f32 to vector<16xf32>
        %select_n3A_266 = arith.select %eq3A_257, %broadcast_in_dim3A_265, %select_n3A_264 : vector<16xi1>, vector<16xf32>
        %swap3A = arith.constant 1 : i32
        %swap3A_267 = arith.index_cast %swap3A : i32 to index
        %swap3A_268 = arith.index_cast %scan3A_229 : i32 to index
        %swap3A_269 = arith.constant 0 : index
        %swap3A_270 = tpu.vector_load %arg10[%swap3A_267, %swap3A_268, %swap3A_269] {strides = array<i32>} : memref<3x32x128xf32, #tpu.memory_space<vmem>>, vector<1x1x16xf32>,
        %swap3A_271 = vector.shape_cast %swap3A_270 : vector<1x1x16xf32> to vector<16xf32>
        %swap3A_272 = vector.shape_cast %select_n3A_266 : vector<16xf32> to vector<1x1x16xf32>
        tpu.vector_store %arg10[%swap3A_267, %swap3A_268, %swap3A_269], %swap3A_272 {strides = array<i32>} : memref<3x32x128xf32, #tpu.memory_space<vmem>>, vector<1x1x16xf32>,
      }
      %scan3A_160 = arith.constant 32 : i32
      %mul3A_161 = arith.constant 32 : i32
      %mul3A_162 = arith.muli %add3A_132, %mul3A_161 : i32
      %dma_start3A_163 = arith.constant 1 : i32
      %dma_start3A_164 = arith.constant 0 : i32
      %dma_start3A_165 = arith.constant 0 : i32
      %dma_start3A_166 = tpu.memref_slice %arg10[%dma_start3A_163, %dma_start3A_164, %dma_start3A_165] : memref<3x32x128xf32, #tpu.memory_space<vmem>> -> memref<1x32x128xf32, #tpu.memory_space<vmem>>
      %dma_start3A_167 = tpu.memref_squeeze %dma_start3A_166 : memref<1x32x128xf32, #tpu.memory_space<vmem>> -> memref<32x128xf32, #tpu.memory_space<vmem>>
      %dma_start3A_168 = tpu.memref_slice %arg9[%mul3A_162] : memref<10368xi32, #tpu.memory_space<vmem>> -> memref<32xi32, #tpu.memory_space<vmem>>
      %dma_start3A_169 = arith.constant 0 : i32
      %dma_start3A_170 = arith.constant 0 : i32
      %dma_start3A_171 = tpu.memref_slice %arg12[%dma_start3A_169, %dma_start3A_170] : memref<10240x128xf32, #tpu.memory_space<vmem_shared>> -> memref<10240x128xf32, #tpu.memory_space<vmem_shared>>
      tpu.enqueue_indirect_dma source(%dma_start3A_167 : memref<32x128xf32, #tpu.memory_space<vmem>>) target(%dma_start3A_171 : memref<10240x128xf32, #tpu.memory_space<vmem_shared>>) offsets(%dma_start3A_168 : memref<32xi32, #tpu.memory_space<vmem>>) semaphore(%arg20 : memref<!tpu.dma_semaphore, #tpu.memory_space<semaphore_mem>>) {add = true}
      %add3A_172 = arith.constant 2 : i32
      %add3A_173 = arith.addi %add3A_132, %add3A_172 : i32
      %lt3A_174 = arith.constant 324 : i32
      %lt3A_175 = arith.cmpi slt, %add3A_173, %lt3A_174 : i32
      %convert_element_type3A_176 = arith.extui %lt3A_175 : i1 to i32
      %cond3A_177 = arith.constant 0 : i32
      %cond3A_178 = arith.cmpi ne, %convert_element_type3A_176, %cond3A_177 : i32
      scf.if %cond3A_178 {
        %ge3A = arith.constant 1 : i32
        %ge3A_229 = arith.cmpi sge, %add3A_132, %ge3A : i32
        %convert_element_type3A_230 = arith.extui %ge3A_229 : i1 to i32
        %cond3A_231 = arith.constant 0 : i32
        %cond3A_232 = arith.cmpi ne, %convert_element_type3A_230, %cond3A_231 : i32
        scf.if %cond3A_232 {
          %sub3A = arith.constant 1 : i32
          %sub3A_257 = arith.subi %add3A_132, %sub3A : i32
          %mul3A_258 = arith.constant 32 : i32
          %mul3A_259 = arith.muli %sub3A_257, %mul3A_258 : i32
          %dma_wait3A_260 = arith.constant 0 : i32
          %dma_wait3A_261 = arith.constant 0 : i32
          %dma_wait3A_262 = arith.constant 0 : i32
          %dma_wait3A_263 = tpu.memref_slice %arg10[%dma_wait3A_260, %dma_wait3A_261, %dma_wait3A_262] : memref<3x32x128xf32, #tpu.memory_space<vmem>> -> memref<1x32x128xf32, #tpu.memory_space<vmem>>
          %dma_wait3A_264 = tpu.memref_squeeze %dma_wait3A_263 : memref<1x32x128xf32, #tpu.memory_space<vmem>> -> memref<32x128xf32, #tpu.memory_space<vmem>>
          %dma_wait3A_265 = tpu.memref_slice %arg9[%mul3A_259] : memref<10368xi32, #tpu.memory_space<vmem>> -> memref<32xi32, #tpu.memory_space<vmem>>
          %dma_wait3A_266 = arith.constant 0 : i32
          %dma_wait3A_267 = arith.constant 0 : i32
          %dma_wait3A_268 = tpu.memref_slice %arg12[%dma_wait3A_266, %dma_wait3A_267] : memref<10240x128xf32, #tpu.memory_space<vmem_shared>> -> memref<10240x128xf32, #tpu.memory_space<vmem_shared>>
          tpu.wait_indirect_dma semaphore(%arg19 : memref<!tpu.dma_semaphore, #tpu.memory_space<semaphore_mem>>) src(%dma_wait3A_264 : memref<32x128xf32, #tpu.memory_space<vmem>>) dst(%dma_wait3A_268 : memref<10240x128xf32, #tpu.memory_space<vmem_shared>>)
        } else {
        }
        %add3A_233 = arith.constant 2 : i32
        %add3A_234 = arith.addi %add3A_132, %add3A_233 : i32
        %mul3A_235 = arith.constant 32 : i32
        %mul3A_236 = arith.muli %add3A_234, %mul3A_235 : i32
        %mul3A_237 = arith.constant 32 : i32
        %mul3A_238 = arith.muli %add3A_234, %mul3A_237 : i32
        %dma_start3A_239 = arith.constant 0 : i32
        %dma_start3A_240 = arith.constant 0 : i32
        %dma_start3A_241 = arith.constant 0 : i32
        %dma_start3A_242 = tpu.memref_slice %arg10[%dma_start3A_239, %dma_start3A_240, %dma_start3A_241] : memref<3x32x128xf32, #tpu.memory_space<vmem>> -> memref<1x32x128xf32, #tpu.memory_space<vmem>>
        %dma_start3A_243 = tpu.memref_squeeze %dma_start3A_242 : memref<1x32x128xf32, #tpu.memory_space<vmem>> -> memref<32x128xf32, #tpu.memory_space<vmem>>
        %dma_start3A_244 = tpu.memref_slice %arg8[%mul3A_236] : memref<10368xi32, #tpu.memory_space<vmem>> -> memref<32xi32, #tpu.memory_space<vmem>>
        %dma_start3A_245 = arith.constant 0 : i32
        %dma_start3A_246 = arith.constant 0 : i32
        %dma_start3A_247 = tpu.memref_slice %arg4[%dma_start3A_245, %dma_start3A_246] : memref<10240x128xf32, #tpu.memory_space<hbm>> -> memref<10240x128xf32, #tpu.memory_space<hbm>>
        tpu.enqueue_indirect_dma source(%dma_start3A_247 : memref<10240x128xf32, #tpu.memory_space<hbm>>) target(%dma_start3A_243 : memref<32x128xf32, #tpu.memory_space<vmem>>) offsets(%dma_start3A_244 : memref<32xi32, #tpu.memory_space<vmem>>) semaphore(%arg13 : memref<!tpu.dma_semaphore, #tpu.memory_space<semaphore_mem>>)
        %dma_start3A_248 = arith.constant 0 : i32
        %dma_start3A_249 = arith.constant 0 : i32
        %dma_start3A_250 = arith.constant 0 : i32
        %dma_start3A_251 = tpu.memref_slice %arg11[%dma_start3A_248, %dma_start3A_249, %dma_start3A_250] : memref<3x32x128xf32, #tpu.memory_space<vmem>> -> memref<1x32x128xf32, #tpu.memory_space<vmem>>
        %dma_start3A_252 = tpu.memref_squeeze %dma_start3A_251 : memref<1x32x128xf32, #tpu.memory_space<vmem>> -> memref<32x128xf32, #tpu.memory_space<vmem>>
        %dma_start3A_253 = tpu.memref_slice %arg9[%mul3A_238] : memref<10368xi32, #tpu.memory_space<vmem>> -> memref<32xi32, #tpu.memory_space<vmem>>
        %dma_start3A_254 = arith.constant 0 : i32
        %dma_start3A_255 = arith.constant 0 : i32
        %dma_start3A_256 = tpu.memref_slice %arg5[%dma_start3A_254, %dma_start3A_255] : memref<10240x128xf32, #tpu.memory_space<hbm>> -> memref<10240x128xf32, #tpu.memory_space<hbm>>
        tpu.enqueue_indirect_dma source(%dma_start3A_256 : memref<10240x128xf32, #tpu.memory_space<hbm>>) target(%dma_start3A_252 : memref<32x128xf32, #tpu.memory_space<vmem>>) offsets(%dma_start3A_253 : memref<32xi32, #tpu.memory_space<vmem>>) semaphore(%arg16 : memref<!tpu.dma_semaphore, #tpu.memory_space<semaphore_mem>>)
      } else {
      }
      %mul3A_179 = arith.constant 3 : i32
      %mul3A_180 = arith.muli %mul3A_179, %scan3A_81 : i32
      %add3A_181 = arith.constant 2 : i32
      %add3A_182 = arith.addi %mul3A_180, %add3A_181 : i32
      %mul3A_183 = arith.constant 32 : i32
      %mul3A_184 = arith.muli %add3A_182, %mul3A_183 : i32
      %mul3A_185 = arith.constant 32 : i32
      %mul3A_186 = arith.muli %add3A_182, %mul3A_185 : i32
      %dma_wait3A_187 = arith.constant 2 : i32
      %dma_wait3A_188 = arith.constant 0 : i32
      %dma_wait3A_189 = arith.constant 0 : i32
      %dma_wait3A_190 = tpu.memref_slice %arg10[%dma_wait3A_187, %dma_wait3A_188, %dma_wait3A_189] : memref<3x32x128xf32, #tpu.memory_space<vmem>> -> memref<1x32x128xf32, #tpu.memory_space<vmem>>
      %dma_wait3A_191 = tpu.memref_squeeze %dma_wait3A_190 : memref<1x32x128xf32, #tpu.memory_space<vmem>> -> memref<32x128xf32, #tpu.memory_space<vmem>>
      %dma_wait3A_192 = tpu.memref_slice %arg8[%mul3A_184] : memref<10368xi32, #tpu.memory_space<vmem>> -> memref<32xi32, #tpu.memory_space<vmem>>
      %dma_wait3A_193 = arith.constant 0 : i32
      %dma_wait3A_194 = arith.constant 0 : i32
      %dma_wait3A_195 = tpu.memref_slice %arg4[%dma_wait3A_193, %dma_wait3A_194] : memref<10240x128xf32, #tpu.memory_space<hbm>> -> memref<10240x128xf32, #tpu.memory_space<hbm>>
      tpu.wait_indirect_dma semaphore(%arg15 : memref<!tpu.dma_semaphore, #tpu.memory_space<semaphore_mem>>) src(%dma_wait3A_195 : memref<10240x128xf32, #tpu.memory_space<hbm>>) dst(%dma_wait3A_191 : memref<32x128xf32, #tpu.memory_space<vmem>>)
      %dma_wait3A_196 = arith.constant 2 : i32
      %dma_wait3A_197 = arith.constant 0 : i32
      %dma_wait3A_198 = arith.constant 0 : i32
      %dma_wait3A_199 = tpu.memref_slice %arg11[%dma_wait3A_196, %dma_wait3A_197, %dma_wait3A_198] : memref<3x32x128xf32, #tpu.memory_space<vmem>> -> memref<1x32x128xf32, #tpu.memory_space<vmem>>
      %dma_wait3A_200 = tpu.memref_squeeze %dma_wait3A_199 : memref<1x32x128xf32, #tpu.memory_space<vmem>> -> memref<32x128xf32, #tpu.memory_space<vmem>>
      %dma_wait3A_201 = tpu.memref_slice %arg9[%mul3A_186] : memref<10368xi32, #tpu.memory_space<vmem>> -> memref<32xi32, #tpu.memory_space<vmem>>
      %dma_wait3A_202 = arith.constant 0 : i32
      %dma_wait3A_203 = arith.constant 0 : i32
      %dma_wait3A_204 = tpu.memref_slice %arg5[%dma_wait3A_202, %dma_wait3A_203] : memref<10240x128xf32, #tpu.memory_space<hbm>> -> memref<10240x128xf32, #tpu.memory_space<hbm>>
      tpu.wait_indirect_dma semaphore(%arg18 : memref<!tpu.dma_semaphore, #tpu.memory_space<semaphore_mem>>) src(%dma_wait3A_204 : memref<10240x128xf32, #tpu.memory_space<hbm>>) dst(%dma_wait3A_200 : memref<32x128xf32, #tpu.memory_space<vmem>>)
      %scan3A_205 = arith.constant 0 : i32
      %scan3A_206 = arith.constant 0 : i32
      %scan3A_207 = arith.constant 32 : i32
      %scan3A_208 = arith.addi %scan3A_206, %scan3A_207 : i32
      %scan3A_209 = arith.constant 1 : i32
      scf.for %scan3A_229 = %scan3A_206 to %scan3A_208 step %scan3A_209  : i32 {
        %get3A = arith.constant 2 : i32
        %get3A_230 = arith.index_cast %get3A : i32 to index
        %get3A_231 = arith.index_cast %scan3A_229 : i32 to index
        %get3A_232 = arith.constant 0 : index
        %get3A_233 = tpu.vector_load %arg10[%get3A_230, %get3A_231, %get3A_232] {strides = array<i32>} : memref<3x32x128xf32, #tpu.memory_space<vmem>>, vector<1x1x16xf32>,
        %get3A_234 = vector.shape_cast %get3A_233 : vector<1x1x16xf32> to vector<16xf32>
        %get3A_235 = arith.constant 2 : i32
        %get3A_236 = arith.index_cast %get3A_235 : i32 to index
        %get3A_237 = arith.index_cast %scan3A_229 : i32 to index
        %get3A_238 = arith.constant 0 : index
        %get3A_239 = tpu.vector_load %arg11[%get3A_236, %get3A_237, %get3A_238] {strides = array<i32>} : memref<3x32x128xf32, #tpu.memory_space<vmem>>, vector<1x1x16xf32>,
        %get3A_240 = vector.shape_cast %get3A_239 : vector<1x1x16xf32> to vector<16xf32>
        %add3A_241 = arith.addf %get3A_234, %get3A_240 : vector<16xf32>
        %ge3A = arith.constant 0.000000e+00 : f32
        %ge3A_242 = vector.broadcast %ge3A : f32 to vector<16xf32>
        %ge3A_243 = arith.cmpf oge, %add3A_241, %ge3A_242 : vector<16xf32>
        %mul3A_244 = arith.constant 2.000000e-01 : f32
        %mul3A_245 = vector.broadcast %mul3A_244 : f32 to vector<16xf32>
        %mul3A_246 = arith.mulf %mul3A_245, %add3A_241 : vector<16xf32>
        %select_n3A = arith.select %ge3A_243, %add3A_241, %mul3A_246 : vector<16xi1>, vector<16xf32>
        %exp3A = math.exp %select_n3A : vector<16xf32>
        %mul3A_247 = arith.constant 32 : i32
        %mul3A_248 = arith.muli %add3A_182, %mul3A_247 : i32
        %add3A_249 = arith.addi %mul3A_4, %mul3A_248 : i32
        %add3A_250 = arith.addi %add3A_249, %scan3A_229 : i32
        %lt3A_251 = arith.constant 330000 : i32
        %lt3A_252 = arith.cmpi slt, %add3A_250, %lt3A_251 : i32
        %slice3A = vector.extract_strided_slice %exp3A {offsets = [0], sizes = [1], strides = [1]} : vector<16xf32> to vector<1xf32>
        %squeeze3A = vector.extract %slice3A[0] : f32 from vector<1xf32>
        %jit3A = arith.constant 0.000000e+00 : f32
        %select_n3A_253 = arith.select %lt3A_252, %squeeze3A, %jit3A : f32
        %slice3A_254 = vector.extract_strided_slice %get3A_234 {offsets = [1], sizes = [1], strides = [1]} : vector<16xf32> to vector<1xf32>
        %squeeze3A_255 = vector.extract %slice3A_254[0] : f32 from vector<1xf32>
        %eq3A = arith.constant 0 : i32
        %eq3A_256 = vector.broadcast %eq3A : i32 to vector<16xi32>
        %eq3A_257 = arith.cmpi eq, %iota3A, %eq3A_256 : vector<16xi32>
        %mul3A_258 = arith.mulf %select_n3A_253, %squeeze3A_255 : f32
        %eq3A_259 = arith.constant 1 : i32
        %eq3A_260 = vector.broadcast %eq3A_259 : i32 to vector<16xi32>
        %eq3A_261 = arith.cmpi eq, %iota3A, %eq3A_260 : vector<16xi32>
        %jit3A_262 = arith.constant 0.000000e+00 : f32
        %broadcast_in_dim3A = vector.broadcast %select_n3A_253 : f32 to vector<16xf32>
        %broadcast_in_dim3A_263 = vector.broadcast %jit3A_262 : f32 to vector<16xf32>
        %select_n3A_264 = arith.select %eq3A_261, %broadcast_in_dim3A, %broadcast_in_dim3A_263 : vector<16xi1>, vector<16xf32>
        %broadcast_in_dim3A_265 = vector.broadcast %mul3A_258 : f32 to vector<16xf32>
        %select_n3A_266 = arith.select %eq3A_257, %broadcast_in_dim3A_265, %select_n3A_264 : vector<16xi1>, vector<16xf32>
        %swap3A = arith.constant 2 : i32
        %swap3A_267 = arith.index_cast %swap3A : i32 to index
        %swap3A_268 = arith.index_cast %scan3A_229 : i32 to index
        %swap3A_269 = arith.constant 0 : index
        %swap3A_270 = tpu.vector_load %arg10[%swap3A_267, %swap3A_268, %swap3A_269] {strides = array<i32>} : memref<3x32x128xf32, #tpu.memory_space<vmem>>, vector<1x1x16xf32>,
        %swap3A_271 = vector.shape_cast %swap3A_270 : vector<1x1x16xf32> to vector<16xf32>
        %swap3A_272 = vector.shape_cast %select_n3A_266 : vector<16xf32> to vector<1x1x16xf32>
        tpu.vector_store %arg10[%swap3A_267, %swap3A_268, %swap3A_269], %swap3A_272 {strides = array<i32>} : memref<3x32x128xf32, #tpu.memory_space<vmem>>, vector<1x1x16xf32>,
      }
      %scan3A_210 = arith.constant 32 : i32
      %mul3A_211 = arith.constant 32 : i32
      %mul3A_212 = arith.muli %add3A_182, %mul3A_211 : i32
      %dma_start3A_213 = arith.constant 2 : i32
      %dma_start3A_214 = arith.constant 0 : i32
      %dma_start3A_215 = arith.constant 0 : i32
      %dma_start3A_216 = tpu.memref_slice %arg10[%dma_start3A_213, %dma_start3A_214, %dma_start3A_215] : memref<3x32x128xf32, #tpu.memory_space<vmem>> -> memref<1x32x128xf32, #tpu.memory_space<vmem>>
      %dma_start3A_217 = tpu.memref_squeeze %dma_start3A_216 : memref<1x32x128xf32, #tpu.memory_space<vmem>> -> memref<32x128xf32, #tpu.memory_space<vmem>>
      %dma_start3A_218 = tpu.memref_slice %arg9[%mul3A_212] : memref<10368xi32, #tpu.memory_space<vmem>> -> memref<32xi32, #tpu.memory_space<vmem>>
      %dma_start3A_219 = arith.constant 0 : i32
      %dma_start3A_220 = arith.constant 0 : i32
      %dma_start3A_221 = tpu.memref_slice %arg12[%dma_start3A_219, %dma_start3A_220] : memref<10240x128xf32, #tpu.memory_space<vmem_shared>> -> memref<10240x128xf32, #tpu.memory_space<vmem_shared>>
      tpu.enqueue_indirect_dma source(%dma_start3A_217 : memref<32x128xf32, #tpu.memory_space<vmem>>) target(%dma_start3A_221 : memref<10240x128xf32, #tpu.memory_space<vmem_shared>>) offsets(%dma_start3A_218 : memref<32xi32, #tpu.memory_space<vmem>>) semaphore(%arg21 : memref<!tpu.dma_semaphore, #tpu.memory_space<semaphore_mem>>) {add = true}
      %add3A_222 = arith.constant 2 : i32
      %add3A_223 = arith.addi %add3A_182, %add3A_222 : i32
      %lt3A_224 = arith.constant 324 : i32
      %lt3A_225 = arith.cmpi slt, %add3A_223, %lt3A_224 : i32
      %convert_element_type3A_226 = arith.extui %lt3A_225 : i1 to i32
      %cond3A_227 = arith.constant 0 : i32
      %cond3A_228 = arith.cmpi ne, %convert_element_type3A_226, %cond3A_227 : i32
      scf.if %cond3A_228 {
        %ge3A = arith.constant 1 : i32
        %ge3A_229 = arith.cmpi sge, %add3A_182, %ge3A : i32
        %convert_element_type3A_230 = arith.extui %ge3A_229 : i1 to i32
        %cond3A_231 = arith.constant 0 : i32
        %cond3A_232 = arith.cmpi ne, %convert_element_type3A_230, %cond3A_231 : i32
        scf.if %cond3A_232 {
          %sub3A = arith.constant 1 : i32
          %sub3A_257 = arith.subi %add3A_182, %sub3A : i32
          %mul3A_258 = arith.constant 32 : i32
          %mul3A_259 = arith.muli %sub3A_257, %mul3A_258 : i32
          %dma_wait3A_260 = arith.constant 1 : i32
          %dma_wait3A_261 = arith.constant 0 : i32
          %dma_wait3A_262 = arith.constant 0 : i32
          %dma_wait3A_263 = tpu.memref_slice %arg10[%dma_wait3A_260, %dma_wait3A_261, %dma_wait3A_262] : memref<3x32x128xf32, #tpu.memory_space<vmem>> -> memref<1x32x128xf32, #tpu.memory_space<vmem>>
          %dma_wait3A_264 = tpu.memref_squeeze %dma_wait3A_263 : memref<1x32x128xf32, #tpu.memory_space<vmem>> -> memref<32x128xf32, #tpu.memory_space<vmem>>
          %dma_wait3A_265 = tpu.memref_slice %arg9[%mul3A_259] : memref<10368xi32, #tpu.memory_space<vmem>> -> memref<32xi32, #tpu.memory_space<vmem>>
          %dma_wait3A_266 = arith.constant 0 : i32
          %dma_wait3A_267 = arith.constant 0 : i32
          %dma_wait3A_268 = tpu.memref_slice %arg12[%dma_wait3A_266, %dma_wait3A_267] : memref<10240x128xf32, #tpu.memory_space<vmem_shared>> -> memref<10240x128xf32, #tpu.memory_space<vmem_shared>>
          tpu.wait_indirect_dma semaphore(%arg20 : memref<!tpu.dma_semaphore, #tpu.memory_space<semaphore_mem>>) src(%dma_wait3A_264 : memref<32x128xf32, #tpu.memory_space<vmem>>) dst(%dma_wait3A_268 : memref<10240x128xf32, #tpu.memory_space<vmem_shared>>)
        } else {
        }
        %add3A_233 = arith.constant 2 : i32
        %add3A_234 = arith.addi %add3A_182, %add3A_233 : i32
        %mul3A_235 = arith.constant 32 : i32
        %mul3A_236 = arith.muli %add3A_234, %mul3A_235 : i32
        %mul3A_237 = arith.constant 32 : i32
        %mul3A_238 = arith.muli %add3A_234, %mul3A_237 : i32
        %dma_start3A_239 = arith.constant 1 : i32
        %dma_start3A_240 = arith.constant 0 : i32
        %dma_start3A_241 = arith.constant 0 : i32
        %dma_start3A_242 = tpu.memref_slice %arg10[%dma_start3A_239, %dma_start3A_240, %dma_start3A_241] : memref<3x32x128xf32, #tpu.memory_space<vmem>> -> memref<1x32x128xf32, #tpu.memory_space<vmem>>
        %dma_start3A_243 = tpu.memref_squeeze %dma_start3A_242 : memref<1x32x128xf32, #tpu.memory_space<vmem>> -> memref<32x128xf32, #tpu.memory_space<vmem>>
        %dma_start3A_244 = tpu.memref_slice %arg8[%mul3A_236] : memref<10368xi32, #tpu.memory_space<vmem>> -> memref<32xi32, #tpu.memory_space<vmem>>
        %dma_start3A_245 = arith.constant 0 : i32
        %dma_start3A_246 = arith.constant 0 : i32
        %dma_start3A_247 = tpu.memref_slice %arg4[%dma_start3A_245, %dma_start3A_246] : memref<10240x128xf32, #tpu.memory_space<hbm>> -> memref<10240x128xf32, #tpu.memory_space<hbm>>
        tpu.enqueue_indirect_dma source(%dma_start3A_247 : memref<10240x128xf32, #tpu.memory_space<hbm>>) target(%dma_start3A_243 : memref<32x128xf32, #tpu.memory_space<vmem>>) offsets(%dma_start3A_244 : memref<32xi32, #tpu.memory_space<vmem>>) semaphore(%arg14 : memref<!tpu.dma_semaphore, #tpu.memory_space<semaphore_mem>>)
        %dma_start3A_248 = arith.constant 1 : i32
        %dma_start3A_249 = arith.constant 0 : i32
        %dma_start3A_250 = arith.constant 0 : i32
        %dma_start3A_251 = tpu.memref_slice %arg11[%dma_start3A_248, %dma_start3A_249, %dma_start3A_250] : memref<3x32x128xf32, #tpu.memory_space<vmem>> -> memref<1x32x128xf32, #tpu.memory_space<vmem>>
        %dma_start3A_252 = tpu.memref_squeeze %dma_start3A_251 : memref<1x32x128xf32, #tpu.memory_space<vmem>> -> memref<32x128xf32, #tpu.memory_space<vmem>>
        %dma_start3A_253 = tpu.memref_slice %arg9[%mul3A_238] : memref<10368xi32, #tpu.memory_space<vmem>> -> memref<32xi32, #tpu.memory_space<vmem>>
        %dma_start3A_254 = arith.constant 0 : i32
        %dma_start3A_255 = arith.constant 0 : i32
        %dma_start3A_256 = tpu.memref_slice %arg5[%dma_start3A_254, %dma_start3A_255] : memref<10240x128xf32, #tpu.memory_space<hbm>> -> memref<10240x128xf32, #tpu.memory_space<hbm>>
        tpu.enqueue_indirect_dma source(%dma_start3A_256 : memref<10240x128xf32, #tpu.memory_space<hbm>>) target(%dma_start3A_252 : memref<32x128xf32, #tpu.memory_space<vmem>>) offsets(%dma_start3A_253 : memref<32xi32, #tpu.memory_space<vmem>>) semaphore(%arg17 : memref<!tpu.dma_semaphore, #tpu.memory_space<semaphore_mem>>)
      } else {
      }
    }
    %scan3A_48 = arith.constant 108 : i32
    %dma_wait3A = arith.constant 0 : i32
    %dma_wait3A_49 = arith.constant 0 : i32
    %dma_wait3A_50 = arith.constant 0 : i32
    %dma_wait3A_51 = tpu.memref_slice %arg10[%dma_wait3A, %dma_wait3A_49, %dma_wait3A_50] : memref<3x32x128xf32, #tpu.memory_space<vmem>> -> memref<1x32x128xf32, #tpu.memory_space<vmem>>
    %dma_wait3A_52 = tpu.memref_squeeze %dma_wait3A_51 : memref<1x32x128xf32, #tpu.memory_space<vmem>> -> memref<32x128xf32, #tpu.memory_space<vmem>>
    %dma_wait3A_53 = arith.constant 10272 : i32
    %dma_wait3A_54 = tpu.memref_slice %arg9[%dma_wait3A_53] : memref<10368xi32, #tpu.memory_space<vmem>> -> memref<32xi32, #tpu.memory_space<vmem>>
    %dma_wait3A_55 = arith.constant 0 : i32
    %dma_wait3A_56 = arith.constant 0 : i32
    %dma_wait3A_57 = tpu.memref_slice %arg12[%dma_wait3A_55, %dma_wait3A_56] : memref<10240x128xf32, #tpu.memory_space<vmem_shared>> -> memref<10240x128xf32, #tpu.memory_space<vmem_shared>>
    tpu.wait_indirect_dma semaphore(%arg19 : memref<!tpu.dma_semaphore, #tpu.memory_space<semaphore_mem>>) src(%dma_wait3A_52 : memref<32x128xf32, #tpu.memory_space<vmem>>) dst(%dma_wait3A_57 : memref<10240x128xf32, #tpu.memory_space<vmem_shared>>)
    %dma_wait3A_58 = arith.constant 1 : i32
    %dma_wait3A_59 = arith.constant 0 : i32
    %dma_wait3A_60 = arith.constant 0 : i32
    %dma_wait3A_61 = tpu.memref_slice %arg10[%dma_wait3A_58, %dma_wait3A_59, %dma_wait3A_60] : memref<3x32x128xf32, #tpu.memory_space<vmem>> -> memref<1x32x128xf32, #tpu.memory_space<vmem>>
    %dma_wait3A_62 = tpu.memref_squeeze %dma_wait3A_61 : memref<1x32x128xf32, #tpu.memory_space<vmem>> -> memref<32x128xf32, #tpu.memory_space<vmem>>
    %dma_wait3A_63 = arith.constant 10304 : i32
    %dma_wait3A_64 = tpu.memref_slice %arg9[%dma_wait3A_63] : memref<10368xi32, #tpu.memory_space<vmem>> -> memref<32xi32, #tpu.memory_space<vmem>>
    %dma_wait3A_65 = arith.constant 0 : i32
    %dma_wait3A_66 = arith.constant 0 : i32
    %dma_wait3A_67 = tpu.memref_slice %arg12[%dma_wait3A_65, %dma_wait3A_66] : memref<10240x128xf32, #tpu.memory_space<vmem_shared>> -> memref<10240x128xf32, #tpu.memory_space<vmem_shared>>
    tpu.wait_indirect_dma semaphore(%arg20 : memref<!tpu.dma_semaphore, #tpu.memory_space<semaphore_mem>>) src(%dma_wait3A_62 : memref<32x128xf32, #tpu.memory_space<vmem>>) dst(%dma_wait3A_67 : memref<10240x128xf32, #tpu.memory_space<vmem_shared>>)
    %dma_wait3A_68 = arith.constant 2 : i32
    %dma_wait3A_69 = arith.constant 0 : i32
    %dma_wait3A_70 = arith.constant 0 : i32
    %dma_wait3A_71 = tpu.memref_slice %arg10[%dma_wait3A_68, %dma_wait3A_69, %dma_wait3A_70] : memref<3x32x128xf32, #tpu.memory_space<vmem>> -> memref<1x32x128xf32, #tpu.memory_space<vmem>>
    %dma_wait3A_72 = tpu.memref_squeeze %dma_wait3A_71 : memref<1x32x128xf32, #tpu.memory_space<vmem>> -> memref<32x128xf32, #tpu.memory_space<vmem>>
    %dma_wait3A_73 = arith.constant 10336 : i32
    %dma_wait3A_74 = tpu.memref_slice %arg9[%dma_wait3A_73] : memref<10368xi32, #tpu.memory_space<vmem>> -> memref<32xi32, #tpu.memory_space<vmem>>
    %dma_wait3A_75 = arith.constant 0 : i32
    %dma_wait3A_76 = arith.constant 0 : i32
    %dma_wait3A_77 = tpu.memref_slice %arg12[%dma_wait3A_75, %dma_wait3A_76] : memref<10240x128xf32, #tpu.memory_space<vmem_shared>> -> memref<10240x128xf32, #tpu.memory_space<vmem_shared>>
    tpu.wait_indirect_dma semaphore(%arg21 : memref<!tpu.dma_semaphore, #tpu.memory_space<semaphore_mem>>) src(%dma_wait3A_72 : memref<32x128xf32, #tpu.memory_space<vmem>>) dst(%dma_wait3A_77 : memref<10240x128xf32, #tpu.memory_space<vmem_shared>>)
    %barrier3A_78 = arith.constant 0 : index
    tpu.barrier barrier_id(%barrier3A_78)
    %mul3A_79 = arith.constant 640 : i32
    %mul3A_80 = arith.muli %arg1, %mul3A_79 : i32
    "tpu.region"() ({
      %run_scoped3A = tpu.sem_alloc : memref<!tpu.dma_semaphore, #tpu.memory_space<semaphore_mem>>
      %dma_start3A_81 = arith.constant 0 : i32
      %dma_start3A_82 = tpu.memref_slice %arg7[%arg0, %mul3A_80, %dma_start3A_81] : memref<2x10240x128xf32, #tpu.memory_space<hbm>> -> memref<1x640x128xf32, #tpu.memory_space<hbm>>
      %dma_start3A_83 = tpu.memref_squeeze %dma_start3A_82 : memref<1x640x128xf32, #tpu.memory_space<hbm>> -> memref<640x128xf32, #tpu.memory_space<hbm>>
      %dma_start3A_84 = arith.constant 0 : i32
      %dma_start3A_85 = tpu.memref_slice %arg12[%mul3A_80, %dma_start3A_84] : memref<10240x128xf32, #tpu.memory_space<vmem_shared>> -> memref<640x128xf32, #tpu.memory_space<vmem_shared>>
      tpu.enqueue_dma source(%dma_start3A_85 : memref<640x128xf32, #tpu.memory_space<vmem_shared>>) target(%dma_start3A_83 : memref<640x128xf32, #tpu.memory_space<hbm>>) target_semaphore(%run_scoped3A : memref<!tpu.dma_semaphore, #tpu.memory_space<semaphore_mem>>)
      %dma_wait3A_86 = arith.constant 0 : i32
      %dma_wait3A_87 = tpu.memref_slice %arg7[%arg0, %mul3A_80, %dma_wait3A_86] : memref<2x10240x128xf32, #tpu.memory_space<hbm>> -> memref<1x640x128xf32, #tpu.memory_space<hbm>>
      %dma_wait3A_88 = tpu.memref_squeeze %dma_wait3A_87 : memref<1x640x128xf32, #tpu.memory_space<hbm>> -> memref<640x128xf32, #tpu.memory_space<hbm>>
      %dma_wait3A_89 = arith.constant 0 : i32
      %dma_wait3A_90 = tpu.memref_slice %arg12[%mul3A_80, %dma_wait3A_89] : memref<10240x128xf32, #tpu.memory_space<vmem_shared>> -> memref<640x128xf32, #tpu.memory_space<vmem_shared>>
      tpu.wait_dma2 semaphore(%run_scoped3A : memref<!tpu.dma_semaphore, #tpu.memory_space<semaphore_mem>>) src(%dma_wait3A_90 : memref<640x128xf32, #tpu.memory_space<vmem_shared>>) dst(%dma_wait3A_88 : memref<640x128xf32, #tpu.memory_space<hbm>>)
      tpu.yield
    }) : () -> ()
    return
  }
}

#map = affine_map<(d0, d1) -> (0, 0)>
#map1 = affine_map<(d0, d1) -> (0, 0, 0)>
module attributes {stable_mosaic.version = 14 : i64} {
  func.func @body(%arg0: i32, %arg1: i32, %arg2: memref<32x10368xi32, #tpu.memory_space<hbm>>, %arg3: memref<32x10368xi32, #tpu.memory_space<hbm>>, %arg4: memref<10240x128xf32, #tpu.memory_space<hbm>>, %arg5: memref<10240x128xf32, #tpu.memory_space<hbm>>, %arg6: memref<640x128xf32, #tpu.memory_space<hbm>>, %arg7: memref<2x10240x128xf32, #tpu.memory_space<hbm>>, %arg8: memref<10368xi32, #tpu.memory_space<vmem>>, %arg9: memref<10368xi32, #tpu.memory_space<vmem>>, %arg10: memref<3x32x128xf32, #tpu.memory_space<vmem>>, %arg11: memref<3x32x128xf32, #tpu.memory_space<vmem>>, %arg12: memref<10240x128xf32, #tpu.memory_space<vmem_shared>>, %arg13: memref<!tpu.dma_semaphore, #tpu.memory_space<semaphore_mem>>, %arg14: memref<!tpu.dma_semaphore, #tpu.memory_space<semaphore_mem>>, %arg15: memref<!tpu.dma_semaphore, #tpu.memory_space<semaphore_mem>>, %arg16: memref<!tpu.dma_semaphore, #tpu.memory_space<semaphore_mem>>, %arg17: memref<!tpu.dma_semaphore, #tpu.memory_space<semaphore_mem>>, %arg18: memref<!tpu.dma_semaphore, #tpu.memory_space<semaphore_mem>>, %arg19: memref<!tpu.dma_semaphore, #tpu.memory_space<semaphore_mem>>, %arg20: memref<!tpu.dma_semaphore, #tpu.memory_space<semaphore_mem>>, %arg21: memref<!tpu.dma_semaphore, #tpu.memory_space<semaphore_mem>>) attributes {dimension_semantics = [#tpu.dimension_semantics<core_parallel>, #tpu.dimension_semantics<subcore_parallel>], iteration_bounds = array<i64: 2, 16>, scalar_prefetch = 0 : i64, scratch_operands = 14 : i64, tpu.core_type = #tpu.core_type<sc_vector_subcore>, window_params = [{transform_indices = #map}, {transform_indices = #map}, {transform_indices = #map}, {transform_indices = #map}, {transform_indices = #map}, {transform_indices = #map1}]} {
    %mul3A = arith.constant 16 : i32
    %mul3A_0 = arith.muli %arg0, %mul3A : i32
    %add3A = arith.addi %mul3A_0, %arg1 : i32
    "tpu.region"() ({
      %run_scoped3A = tpu.sem_alloc : memref<!tpu.dma_semaphore, #tpu.memory_space<semaphore_mem>>
      %dma_start3A_81 = arith.constant 0 : i32
      %dma_start3A_82 = tpu.memref_slice %arg2[%add3A, %dma_start3A_81] : memref<32x10368xi32, #tpu.memory_space<hbm>> -> memref<1x10368xi32, #tpu.memory_space<hbm>>
      %dma_start3A_83 = tpu.memref_squeeze %dma_start3A_82 : memref<1x10368xi32, #tpu.memory_space<hbm>> -> memref<10368xi32, #tpu.memory_space<hbm>>
      %dma_start3A_84 = arith.constant 0 : i32
      %dma_start3A_85 = tpu.memref_slice %arg2[%add3A, %dma_start3A_84] : memref<32x10368xi32, #tpu.memory_space<hbm>> -> memref<1x10368xi32, #tpu.memory_space<hbm>>
      %dma_start3A_86 = tpu.memref_squeeze %dma_start3A_85 : memref<1x10368xi32, #tpu.memory_space<hbm>> -> memref<10368xi32, #tpu.memory_space<hbm>>
      tpu.enqueue_dma source(%dma_start3A_86 : memref<10368xi32, #tpu.memory_space<hbm>>) target(%arg8 : memref<10368xi32, #tpu.memory_space<vmem>>) target_semaphore(%run_scoped3A : memref<!tpu.dma_semaphore, #tpu.memory_space<semaphore_mem>>)
      %dma_wait3A_87 = arith.constant 0 : i32
      %dma_wait3A_88 = tpu.memref_slice %arg2[%add3A, %dma_wait3A_87] : memref<32x10368xi32, #tpu.memory_space<hbm>> -> memref<1x10368xi32, #tpu.memory_space<hbm>>
      %dma_wait3A_89 = tpu.memref_squeeze %dma_wait3A_88 : memref<1x10368xi32, #tpu.memory_space<hbm>> -> memref<10368xi32, #tpu.memory_space<hbm>>
      %dma_wait3A_90 = arith.constant 0 : i32
      %dma_wait3A_91 = tpu.memref_slice %arg2[%add3A, %dma_wait3A_90] : memref<32x10368xi32, #tpu.memory_space<hbm>> -> memref<1x10368xi32, #tpu.memory_space<hbm>>
      %dma_wait3A_92 = tpu.memref_squeeze %dma_wait3A_91 : memref<1x10368xi32, #tpu.memory_space<hbm>> -> memref<10368xi32, #tpu.memory_space<hbm>>
      tpu.wait_dma2 semaphore(%run_scoped3A : memref<!tpu.dma_semaphore, #tpu.memory_space<semaphore_mem>>) src(%dma_wait3A_92 : memref<10368xi32, #tpu.memory_space<hbm>>) dst(%arg8 : memref<10368xi32, #tpu.memory_space<vmem>>)
      tpu.yield
    }) : () -> ()
    "tpu.region"() ({
      %run_scoped3A = tpu.sem_alloc : memref<!tpu.dma_semaphore, #tpu.memory_space<semaphore_mem>>
      %dma_start3A_81 = arith.constant 0 : i32
      %dma_start3A_82 = tpu.memref_slice %arg3[%add3A, %dma_start3A_81] : memref<32x10368xi32, #tpu.memory_space<hbm>> -> memref<1x10368xi32, #tpu.memory_space<hbm>>
      %dma_start3A_83 = tpu.memref_squeeze %dma_start3A_82 : memref<1x10368xi32, #tpu.memory_space<hbm>> -> memref<10368xi32, #tpu.memory_space<hbm>>
      %dma_start3A_84 = arith.constant 0 : i32
      %dma_start3A_85 = tpu.memref_slice %arg3[%add3A, %dma_start3A_84] : memref<32x10368xi32, #tpu.memory_space<hbm>> -> memref<1x10368xi32, #tpu.memory_space<hbm>>
      %dma_start3A_86 = tpu.memref_squeeze %dma_start3A_85 : memref<1x10368xi32, #tpu.memory_space<hbm>> -> memref<10368xi32, #tpu.memory_space<hbm>>
      tpu.enqueue_dma source(%dma_start3A_86 : memref<10368xi32, #tpu.memory_space<hbm>>) target(%arg9 : memref<10368xi32, #tpu.memory_space<vmem>>) target_semaphore(%run_scoped3A : memref<!tpu.dma_semaphore, #tpu.memory_space<semaphore_mem>>)
      %dma_wait3A_87 = arith.constant 0 : i32
      %dma_wait3A_88 = tpu.memref_slice %arg3[%add3A, %dma_wait3A_87] : memref<32x10368xi32, #tpu.memory_space<hbm>> -> memref<1x10368xi32, #tpu.memory_space<hbm>>
      %dma_wait3A_89 = tpu.memref_squeeze %dma_wait3A_88 : memref<1x10368xi32, #tpu.memory_space<hbm>> -> memref<10368xi32, #tpu.memory_space<hbm>>
      %dma_wait3A_90 = arith.constant 0 : i32
      %dma_wait3A_91 = tpu.memref_slice %arg3[%add3A, %dma_wait3A_90] : memref<32x10368xi32, #tpu.memory_space<hbm>> -> memref<1x10368xi32, #tpu.memory_space<hbm>>
      %dma_wait3A_92 = tpu.memref_squeeze %dma_wait3A_91 : memref<1x10368xi32, #tpu.memory_space<hbm>> -> memref<10368xi32, #tpu.memory_space<hbm>>
      tpu.wait_dma2 semaphore(%run_scoped3A : memref<!tpu.dma_semaphore, #tpu.memory_space<semaphore_mem>>) src(%dma_wait3A_92 : memref<10368xi32, #tpu.memory_space<hbm>>) dst(%arg9 : memref<10368xi32, #tpu.memory_space<vmem>>)
      tpu.yield
    }) : () -> ()
    %mul3A_1 = arith.constant 640 : i32
    %mul3A_2 = arith.muli %arg1, %mul3A_1 : i32
    "tpu.region"() ({
      %run_scoped3A = tpu.sem_alloc : memref<!tpu.dma_semaphore, #tpu.memory_space<semaphore_mem>>
      %dma_start3A_81 = arith.constant 0 : i32
      %dma_start3A_82 = tpu.memref_slice %arg12[%mul3A_2, %dma_start3A_81] : memref<10240x128xf32, #tpu.memory_space<vmem_shared>> -> memref<640x128xf32, #tpu.memory_space<vmem_shared>>
      tpu.enqueue_dma source(%arg6 : memref<640x128xf32, #tpu.memory_space<hbm>>) target(%dma_start3A_82 : memref<640x128xf32, #tpu.memory_space<vmem_shared>>) target_semaphore(%run_scoped3A : memref<!tpu.dma_semaphore, #tpu.memory_space<semaphore_mem>>)
      %dma_wait3A_83 = arith.constant 0 : i32
      %dma_wait3A_84 = tpu.memref_slice %arg12[%mul3A_2, %dma_wait3A_83] : memref<10240x128xf32, #tpu.memory_space<vmem_shared>> -> memref<640x128xf32, #tpu.memory_space<vmem_shared>>
      tpu.wait_dma2 semaphore(%run_scoped3A : memref<!tpu.dma_semaphore, #tpu.memory_space<semaphore_mem>>) src(%arg6 : memref<640x128xf32, #tpu.memory_space<hbm>>) dst(%dma_wait3A_84 : memref<640x128xf32, #tpu.memory_space<vmem_shared>>)
      tpu.yield
    }) : () -> ()
    %barrier3A = arith.constant 0 : index
    tpu.barrier barrier_id(%barrier3A)
    %mul3A_3 = arith.constant 10368 : i32
    %mul3A_4 = arith.muli %add3A, %mul3A_3 : i32
    %iota3A = tpu.iota {dimensions = array<i32: 0>} : vector<16xi32>
    %dma_start3A = arith.constant 0 : i32
    %dma_start3A_5 = arith.constant 0 : i32
    %dma_start3A_6 = arith.constant 0 : i32
    %dma_start3A_7 = tpu.memref_slice %arg10[%dma_start3A, %dma_start3A_5, %dma_start3A_6] : memref<3x32x128xf32, #tpu.memory_space<vmem>> -> memref<1x32x128xf32, #tpu.memory_space<vmem>>
    %dma_start3A_8 = tpu.memref_squeeze %dma_start3A_7 : memref<1x32x128xf32, #tpu.memory_space<vmem>> -> memref<32x128xf32, #tpu.memory_space<vmem>>
    %dma_start3A_9 = arith.constant 0 : i32
    %dma_start3A_10 = tpu.memref_slice %arg8[%dma_start3A_9] : memref<10368xi32, #tpu.memory_space<vmem>> -> memref<32xi32, #tpu.memory_space<vmem>>
    %dma_start3A_11 = arith.constant 0 : i32
    %dma_start3A_12 = arith.constant 0 : i32
    %dma_start3A_13 = tpu.memref_slice %arg4[%dma_start3A_11, %dma_start3A_12] : memref<10240x128xf32, #tpu.memory_space<hbm>> -> memref<10240x128xf32, #tpu.memory_space<hbm>>
    tpu.enqueue_indirect_dma source(%dma_start3A_13 : memref<10240x128xf32, #tpu.memory_space<hbm>>) target(%dma_start3A_8 : memref<32x128xf32, #tpu.memory_space<vmem>>) offsets(%dma_start3A_10 : memref<32xi32, #tpu.memory_space<vmem>>) semaphore(%arg13 : memref<!tpu.dma_semaphore, #tpu.memory_space<semaphore_mem>>)
    %dma_start3A_14 = arith.constant 0 : i32
    %dma_start3A_15 = arith.constant 0 : i32
    %dma_start3A_16 = arith.constant 0 : i32
    %dma_start3A_17 = tpu.memref_slice %arg11[%dma_start3A_14, %dma_start3A_15, %dma_start3A_16] : memref<3x32x128xf32, #tpu.memory_space<vmem>> -> memref<1x32x128xf32, #tpu.memory_space<vmem>>
    %dma_start3A_18 = tpu.memref_squeeze %dma_start3A_17 : memref<1x32x128xf32, #tpu.memory_space<vmem>> -> memref<32x128xf32, #tpu.memory_space<vmem>>
    %dma_start3A_19 = arith.constant 0 : i32
    %dma_start3A_20 = tpu.memref_slice %arg9[%dma_start3A_19] : memref<10368xi32, #tpu.memory_space<vmem>> -> memref<32xi32, #tpu.memory_space<vmem>>
    %dma_start3A_21 = arith.constant 0 : i32
    %dma_start3A_22 = arith.constant 0 : i32
    %dma_start3A_23 = tpu.memref_slice %arg5[%dma_start3A_21, %dma_start3A_22] : memref<10240x128xf32, #tpu.memory_space<hbm>> -> memref<10240x128xf32, #tpu.memory_space<hbm>>
    tpu.enqueue_indirect_dma source(%dma_start3A_23 : memref<10240x128xf32, #tpu.memory_space<hbm>>) target(%dma_start3A_18 : memref<32x128xf32, #tpu.memory_space<vmem>>) offsets(%dma_start3A_20 : memref<32xi32, #tpu.memory_space<vmem>>) semaphore(%arg16 : memref<!tpu.dma_semaphore, #tpu.memory_space<semaphore_mem>>)
    %dma_start3A_24 = arith.constant 1 : i32
    %dma_start3A_25 = arith.constant 0 : i32
    %dma_start3A_26 = arith.constant 0 : i32
    %dma_start3A_27 = tpu.memref_slice %arg10[%dma_start3A_24, %dma_start3A_25, %dma_start3A_26] : memref<3x32x128xf32, #tpu.memory_space<vmem>> -> memref<1x32x128xf32, #tpu.memory_space<vmem>>
    %dma_start3A_28 = tpu.memref_squeeze %dma_start3A_27 : memref<1x32x128xf32, #tpu.memory_space<vmem>> -> memref<32x128xf32, #tpu.memory_space<vmem>>
    %dma_start3A_29 = arith.constant 32 : i32
    %dma_start3A_30 = tpu.memref_slice %arg8[%dma_start3A_29] : memref<10368xi32, #tpu.memory_space<vmem>> -> memref<32xi32, #tpu.memory_space<vmem>>
    %dma_start3A_31 = arith.constant 0 : i32
    %dma_start3A_32 = arith.constant 0 : i32
    %dma_start3A_33 = tpu.memref_slice %arg4[%dma_start3A_31, %dma_start3A_32] : memref<10240x128xf32, #tpu.memory_space<hbm>> -> memref<10240x128xf32, #tpu.memory_space<hbm>>
    tpu.enqueue_indirect_dma source(%dma_start3A_33 : memref<10240x128xf32, #tpu.memory_space<hbm>>) target(%dma_start3A_28 : memref<32x128xf32, #tpu.memory_space<vmem>>) offsets(%dma_start3A_30 : memref<32xi32, #tpu.memory_space<vmem>>) semaphore(%arg14 : memref<!tpu.dma_semaphore, #tpu.memory_space<semaphore_mem>>)
    %dma_start3A_34 = arith.constant 1 : i32
    %dma_start3A_35 = arith.constant 0 : i32
    %dma_start3A_36 = arith.constant 0 : i32
    %dma_start3A_37 = tpu.memref_slice %arg11[%dma_start3A_34, %dma_start3A_35, %dma_start3A_36] : memref<3x32x128xf32, #tpu.memory_space<vmem>> -> memref<1x32x128xf32, #tpu.memory_space<vmem>>
    %dma_start3A_38 = tpu.memref_squeeze %dma_start3A_37 : memref<1x32x128xf32, #tpu.memory_space<vmem>> -> memref<32x128xf32, #tpu.memory_space<vmem>>
    %dma_start3A_39 = arith.constant 32 : i32
    %dma_start3A_40 = tpu.memref_slice %arg9[%dma_start3A_39] : memref<10368xi32, #tpu.memory_space<vmem>> -> memref<32xi32, #tpu.memory_space<vmem>>
    %dma_start3A_41 = arith.constant 0 : i32
    %dma_start3A_42 = arith.constant 0 : i32
    %dma_start3A_43 = tpu.memref_slice %arg5[%dma_start3A_41, %dma_start3A_42] : memref<10240x128xf32, #tpu.memory_space<hbm>> -> memref<10240x128xf32, #tpu.memory_space<hbm>>
    tpu.enqueue_indirect_dma source(%dma_start3A_43 : memref<10240x128xf32, #tpu.memory_space<hbm>>) target(%dma_start3A_38 : memref<32x128xf32, #tpu.memory_space<vmem>>) offsets(%dma_start3A_40 : memref<32xi32, #tpu.memory_space<vmem>>) semaphore(%arg17 : memref<!tpu.dma_semaphore, #tpu.memory_space<semaphore_mem>>)
    %scan3A = arith.constant 0 : i32
    %scan3A_44 = arith.constant 0 : i32
    %scan3A_45 = arith.constant 108 : i32
    %scan3A_46 = arith.addi %scan3A_44, %scan3A_45 : i32
    %scan3A_47 = arith.constant 1 : i32
    scf.for %scan3A_81 = %scan3A_44 to %scan3A_46 step %scan3A_47  : i32 {
      %mul3A_82 = arith.constant 3 : i32
      %mul3A_83 = arith.muli %mul3A_82, %scan3A_81 : i32
      %add3A_84 = arith.constant 0 : i32
      %add3A_85 = arith.addi %mul3A_83, %add3A_84 : i32
      %mul3A_86 = arith.constant 32 : i32
      %mul3A_87 = arith.muli %add3A_85, %mul3A_86 : i32
      %mul3A_88 = arith.constant 32 : i32
      %mul3A_89 = arith.muli %add3A_85, %mul3A_88 : i32
      %dma_wait3A_90 = arith.constant 0 : i32
      %dma_wait3A_91 = arith.constant 0 : i32
      %dma_wait3A_92 = arith.constant 0 : i32
      %dma_wait3A_93 = tpu.memref_slice %arg10[%dma_wait3A_90, %dma_wait3A_91, %dma_wait3A_92] : memref<3x32x128xf32, #tpu.memory_space<vmem>> -> memref<1x32x128xf32, #tpu.memory_space<vmem>>
      %dma_wait3A_94 = tpu.memref_squeeze %dma_wait3A_93 : memref<1x32x128xf32, #tpu.memory_space<vmem>> -> memref<32x128xf32, #tpu.memory_space<vmem>>
      %dma_wait3A_95 = tpu.memref_slice %arg8[%mul3A_87] : memref<10368xi32, #tpu.memory_space<vmem>> -> memref<32xi32, #tpu.memory_space<vmem>>
      %dma_wait3A_96 = arith.constant 0 : i32
      %dma_wait3A_97 = arith.constant 0 : i32
      %dma_wait3A_98 = tpu.memref_slice %arg4[%dma_wait3A_96, %dma_wait3A_97] : memref<10240x128xf32, #tpu.memory_space<hbm>> -> memref<10240x128xf32, #tpu.memory_space<hbm>>
      tpu.wait_indirect_dma semaphore(%arg13 : memref<!tpu.dma_semaphore, #tpu.memory_space<semaphore_mem>>) src(%dma_wait3A_98 : memref<10240x128xf32, #tpu.memory_space<hbm>>) dst(%dma_wait3A_94 : memref<32x128xf32, #tpu.memory_space<vmem>>)
      %dma_wait3A_99 = arith.constant 0 : i32
      %dma_wait3A_100 = arith.constant 0 : i32
      %dma_wait3A_101 = arith.constant 0 : i32
      %dma_wait3A_102 = tpu.memref_slice %arg11[%dma_wait3A_99, %dma_wait3A_100, %dma_wait3A_101] : memref<3x32x128xf32, #tpu.memory_space<vmem>> -> memref<1x32x128xf32, #tpu.memory_space<vmem>>
      %dma_wait3A_103 = tpu.memref_squeeze %dma_wait3A_102 : memref<1x32x128xf32, #tpu.memory_space<vmem>> -> memref<32x128xf32, #tpu.memory_space<vmem>>
      %dma_wait3A_104 = tpu.memref_slice %arg9[%mul3A_89] : memref<10368xi32, #tpu.memory_space<vmem>> -> memref<32xi32, #tpu.memory_space<vmem>>
      %dma_wait3A_105 = arith.constant 0 : i32
      %dma_wait3A_106 = arith.constant 0 : i32
      %dma_wait3A_107 = tpu.memref_slice %arg5[%dma_wait3A_105, %dma_wait3A_106] : memref<10240x128xf32, #tpu.memory_space<hbm>> -> memref<10240x128xf32, #tpu.memory_space<hbm>>
      tpu.wait_indirect_dma semaphore(%arg16 : memref<!tpu.dma_semaphore, #tpu.memory_space<semaphore_mem>>) src(%dma_wait3A_107 : memref<10240x128xf32, #tpu.memory_space<hbm>>) dst(%dma_wait3A_103 : memref<32x128xf32, #tpu.memory_space<vmem>>)
      %scan3A_108 = arith.constant 0 : i32
      %scan3A_109 = arith.constant 0 : i32
      %scan3A_110 = arith.constant 32 : i32
      %scan3A_111 = arith.addi %scan3A_109, %scan3A_110 : i32
      %scan3A_112 = arith.constant 1 : i32
      scf.for %scan3A_229 = %scan3A_109 to %scan3A_111 step %scan3A_112  : i32 {
        %get3A = arith.constant 0 : i32
        %get3A_230 = arith.index_cast %get3A : i32 to index
        %get3A_231 = arith.index_cast %scan3A_229 : i32 to index
        %get3A_232 = arith.constant 64 : index
        %get3A_233 = tpu.vector_load %arg10[%get3A_230, %get3A_231, %get3A_232] {strides = array<i32>} : memref<3x32x128xf32, #tpu.memory_space<vmem>>, vector<1x1x16xf32>,
        %get3A_234 = vector.shape_cast %get3A_233 : vector<1x1x16xf32> to vector<16xf32>
        %get3A_235 = arith.constant 0 : i32
        %get3A_236 = arith.index_cast %get3A_235 : i32 to index
        %get3A_237 = arith.index_cast %scan3A_229 : i32 to index
        %get3A_238 = arith.constant 0 : index
        %get3A_239 = tpu.vector_load %arg11[%get3A_236, %get3A_237, %get3A_238] {strides = array<i32>} : memref<3x32x128xf32, #tpu.memory_space<vmem>>, vector<1x1x16xf32>,
        %get3A_240 = vector.shape_cast %get3A_239 : vector<1x1x16xf32> to vector<16xf32>
        %add3A_241 = arith.addf %get3A_234, %get3A_240 : vector<16xf32>
        %ge3A = arith.constant 0.000000e+00 : f32
        %ge3A_242 = vector.broadcast %ge3A : f32 to vector<16xf32>
        %ge3A_243 = arith.cmpf oge, %add3A_241, %ge3A_242 : vector<16xf32>
        %mul3A_244 = arith.constant 2.000000e-01 : f32
        %mul3A_245 = vector.broadcast %mul3A_244 : f32 to vector<16xf32>
        %mul3A_246 = arith.mulf %mul3A_245, %add3A_241 : vector<16xf32>
        %select_n3A = arith.select %ge3A_243, %add3A_241, %mul3A_246 : vector<16xi1>, vector<16xf32>
        %exp3A = math.exp %select_n3A : vector<16xf32>
        %mul3A_247 = arith.constant 32 : i32
        %mul3A_248 = arith.muli %add3A_85, %mul3A_247 : i32
        %add3A_249 = arith.addi %mul3A_4, %mul3A_248 : i32
        %add3A_250 = arith.addi %add3A_249, %scan3A_229 : i32
        %lt3A_251 = arith.constant 330000 : i32
        %lt3A_252 = arith.cmpi slt, %add3A_250, %lt3A_251 : i32
        %slice3A = vector.extract_strided_slice %exp3A {offsets = [0], sizes = [1], strides = [1]} : vector<16xf32> to vector<1xf32>
        %squeeze3A = vector.extract %slice3A[0] : f32 from vector<1xf32>
        %jit3A = arith.constant 0.000000e+00 : f32
        %select_n3A_253 = arith.select %lt3A_252, %squeeze3A, %jit3A : f32
        %get3A_254 = arith.constant 0 : i32
        %get3A_255 = arith.index_cast %get3A_254 : i32 to index
        %get3A_256 = arith.index_cast %scan3A_229 : i32 to index
        %get3A_257 = arith.constant 0 : index
        %get3A_258 = tpu.vector_load %arg10[%get3A_255, %get3A_256, %get3A_257] {strides = array<i32>} : memref<3x32x128xf32, #tpu.memory_space<vmem>>, vector<1x1x16xf32>,
        %get3A_259 = vector.shape_cast %get3A_258 : vector<1x1x16xf32> to vector<16xf32>
        %mul3A_260 = vector.broadcast %select_n3A_253 : f32 to vector<16xf32>
        %mul3A_261 = arith.mulf %get3A_259, %mul3A_260 : vector<16xf32>
        %swap3A = arith.constant 0 : i32
        %swap3A_262 = arith.index_cast %swap3A : i32 to index
        %swap3A_263 = arith.index_cast %scan3A_229 : i32 to index
        %swap3A_264 = arith.constant 0 : index
        %swap3A_265 = tpu.vector_load %arg10[%swap3A_262, %swap3A_263, %swap3A_264] {strides = array<i32>} : memref<3x32x128xf32, #tpu.memory_space<vmem>>, vector<1x1x16xf32>,
        %swap3A_266 = vector.shape_cast %swap3A_265 : vector<1x1x16xf32> to vector<16xf32>
        %swap3A_267 = vector.shape_cast %mul3A_261 : vector<16xf32> to vector<1x1x16xf32>
        tpu.vector_store %arg10[%swap3A_262, %swap3A_263, %swap3A_264], %swap3A_267 {strides = array<i32>} : memref<3x32x128xf32, #tpu.memory_space<vmem>>, vector<1x1x16xf32>,
        %get3A_268 = arith.constant 0 : i32
        %get3A_269 = arith.index_cast %get3A_268 : i32 to index
        %get3A_270 = arith.index_cast %scan3A_229 : i32 to index
        %get3A_271 = arith.constant 16 : index
        %get3A_272 = tpu.vector_load %arg10[%get3A_269, %get3A_270, %get3A_271] {strides = array<i32>} : memref<3x32x128xf32, #tpu.memory_space<vmem>>, vector<1x1x16xf32>,
        %get3A_273 = vector.shape_cast %get3A_272 : vector<1x1x16xf32> to vector<16xf32>
        %mul3A_274 = vector.broadcast %select_n3A_253 : f32 to vector<16xf32>
        %mul3A_275 = arith.mulf %get3A_273, %mul3A_274 : vector<16xf32>
        %swap3A_276 = arith.constant 0 : i32
        %swap3A_277 = arith.index_cast %swap3A_276 : i32 to index
        %swap3A_278 = arith.index_cast %scan3A_229 : i32 to index
        %swap3A_279 = arith.constant 16 : index
        %swap3A_280 = tpu.vector_load %arg10[%swap3A_277, %swap3A_278, %swap3A_279] {strides = array<i32>} : memref<3x32x128xf32, #tpu.memory_space<vmem>>, vector<1x1x16xf32>,
        %swap3A_281 = vector.shape_cast %swap3A_280 : vector<1x1x16xf32> to vector<16xf32>
        %swap3A_282 = vector.shape_cast %mul3A_275 : vector<16xf32> to vector<1x1x16xf32>
        tpu.vector_store %arg10[%swap3A_277, %swap3A_278, %swap3A_279], %swap3A_282 {strides = array<i32>} : memref<3x32x128xf32, #tpu.memory_space<vmem>>, vector<1x1x16xf32>,
        %get3A_283 = arith.constant 0 : i32
        %get3A_284 = arith.index_cast %get3A_283 : i32 to index
        %get3A_285 = arith.index_cast %scan3A_229 : i32 to index
        %get3A_286 = arith.constant 32 : index
        %get3A_287 = tpu.vector_load %arg10[%get3A_284, %get3A_285, %get3A_286] {strides = array<i32>} : memref<3x32x128xf32, #tpu.memory_space<vmem>>, vector<1x1x16xf32>,
        %get3A_288 = vector.shape_cast %get3A_287 : vector<1x1x16xf32> to vector<16xf32>
        %mul3A_289 = vector.broadcast %select_n3A_253 : f32 to vector<16xf32>
        %mul3A_290 = arith.mulf %get3A_288, %mul3A_289 : vector<16xf32>
        %swap3A_291 = arith.constant 0 : i32
        %swap3A_292 = arith.index_cast %swap3A_291 : i32 to index
        %swap3A_293 = arith.index_cast %scan3A_229 : i32 to index
        %swap3A_294 = arith.constant 32 : index
        %swap3A_295 = tpu.vector_load %arg10[%swap3A_292, %swap3A_293, %swap3A_294] {strides = array<i32>} : memref<3x32x128xf32, #tpu.memory_space<vmem>>, vector<1x1x16xf32>,
        %swap3A_296 = vector.shape_cast %swap3A_295 : vector<1x1x16xf32> to vector<16xf32>
        %swap3A_297 = vector.shape_cast %mul3A_290 : vector<16xf32> to vector<1x1x16xf32>
        tpu.vector_store %arg10[%swap3A_292, %swap3A_293, %swap3A_294], %swap3A_297 {strides = array<i32>} : memref<3x32x128xf32, #tpu.memory_space<vmem>>, vector<1x1x16xf32>,
        %get3A_298 = arith.constant 0 : i32
        %get3A_299 = arith.index_cast %get3A_298 : i32 to index
        %get3A_300 = arith.index_cast %scan3A_229 : i32 to index
        %get3A_301 = arith.constant 48 : index
        %get3A_302 = tpu.vector_load %arg10[%get3A_299, %get3A_300, %get3A_301] {strides = array<i32>} : memref<3x32x128xf32, #tpu.memory_space<vmem>>, vector<1x1x16xf32>,
        %get3A_303 = vector.shape_cast %get3A_302 : vector<1x1x16xf32> to vector<16xf32>
        %mul3A_304 = vector.broadcast %select_n3A_253 : f32 to vector<16xf32>
        %mul3A_305 = arith.mulf %get3A_303, %mul3A_304 : vector<16xf32>
        %swap3A_306 = arith.constant 0 : i32
        %swap3A_307 = arith.index_cast %swap3A_306 : i32 to index
        %swap3A_308 = arith.index_cast %scan3A_229 : i32 to index
        %swap3A_309 = arith.constant 48 : index
        %swap3A_310 = tpu.vector_load %arg10[%swap3A_307, %swap3A_308, %swap3A_309] {strides = array<i32>} : memref<3x32x128xf32, #tpu.memory_space<vmem>>, vector<1x1x16xf32>,
        %swap3A_311 = vector.shape_cast %swap3A_310 : vector<1x1x16xf32> to vector<16xf32>
        %swap3A_312 = vector.shape_cast %mul3A_305 : vector<16xf32> to vector<1x1x16xf32>
        tpu.vector_store %arg10[%swap3A_307, %swap3A_308, %swap3A_309], %swap3A_312 {strides = array<i32>} : memref<3x32x128xf32, #tpu.memory_space<vmem>>, vector<1x1x16xf32>,
        %eq3A = arith.constant 0 : i32
        %eq3A_313 = vector.broadcast %eq3A : i32 to vector<16xi32>
        %eq3A_314 = arith.cmpi eq, %iota3A, %eq3A_313 : vector<16xi32>
        %jit3A_315 = arith.constant 0.000000e+00 : f32
        %broadcast_in_dim3A = vector.broadcast %select_n3A_253 : f32 to vector<16xf32>
        %broadcast_in_dim3A_316 = vector.broadcast %jit3A_315 : f32 to vector<16xf32>
        %select_n3A_317 = arith.select %eq3A_314, %broadcast_in_dim3A, %broadcast_in_dim3A_316 : vector<16xi1>, vector<16xf32>
        %swap3A_318 = arith.constant 0 : i32
        %swap3A_319 = arith.index_cast %swap3A_318 : i32 to index
        %swap3A_320 = arith.index_cast %scan3A_229 : i32 to index
        %swap3A_321 = arith.constant 64 : index
        %swap3A_322 = tpu.vector_load %arg10[%swap3A_319, %swap3A_320, %swap3A_321] {strides = array<i32>} : memref<3x32x128xf32, #tpu.memory_space<vmem>>, vector<1x1x16xf32>,
        %swap3A_323 = vector.shape_cast %swap3A_322 : vector<1x1x16xf32> to vector<16xf32>
        %swap3A_324 = vector.shape_cast %select_n3A_317 : vector<16xf32> to vector<1x1x16xf32>
        tpu.vector_store %arg10[%swap3A_319, %swap3A_320, %swap3A_321], %swap3A_324 {strides = array<i32>} : memref<3x32x128xf32, #tpu.memory_space<vmem>>, vector<1x1x16xf32>,
      }
      %scan3A_113 = arith.constant 32 : i32
      %mul3A_114 = arith.constant 32 : i32
      %mul3A_115 = arith.muli %add3A_85, %mul3A_114 : i32
      %dma_start3A_116 = arith.constant 0 : i32
      %dma_start3A_117 = arith.constant 0 : i32
      %dma_start3A_118 = arith.constant 0 : i32
      %dma_start3A_119 = tpu.memref_slice %arg10[%dma_start3A_116, %dma_start3A_117, %dma_start3A_118] : memref<3x32x128xf32, #tpu.memory_space<vmem>> -> memref<1x32x128xf32, #tpu.memory_space<vmem>>
      %dma_start3A_120 = tpu.memref_squeeze %dma_start3A_119 : memref<1x32x128xf32, #tpu.memory_space<vmem>> -> memref<32x128xf32, #tpu.memory_space<vmem>>
      %dma_start3A_121 = tpu.memref_slice %arg9[%mul3A_115] : memref<10368xi32, #tpu.memory_space<vmem>> -> memref<32xi32, #tpu.memory_space<vmem>>
      %dma_start3A_122 = arith.constant 0 : i32
      %dma_start3A_123 = arith.constant 0 : i32
      %dma_start3A_124 = tpu.memref_slice %arg12[%dma_start3A_122, %dma_start3A_123] : memref<10240x128xf32, #tpu.memory_space<vmem_shared>> -> memref<10240x128xf32, #tpu.memory_space<vmem_shared>>
      tpu.enqueue_indirect_dma source(%dma_start3A_120 : memref<32x128xf32, #tpu.memory_space<vmem>>) target(%dma_start3A_124 : memref<10240x128xf32, #tpu.memory_space<vmem_shared>>) offsets(%dma_start3A_121 : memref<32xi32, #tpu.memory_space<vmem>>) semaphore(%arg19 : memref<!tpu.dma_semaphore, #tpu.memory_space<semaphore_mem>>) {add = true}
      %add3A_125 = arith.constant 2 : i32
      %add3A_126 = arith.addi %add3A_85, %add3A_125 : i32
      %lt3A = arith.constant 324 : i32
      %lt3A_127 = arith.cmpi slt, %add3A_126, %lt3A : i32
      %convert_element_type3A = arith.extui %lt3A_127 : i1 to i32
      %cond3A = arith.constant 0 : i32
      %cond3A_128 = arith.cmpi ne, %convert_element_type3A, %cond3A : i32
      scf.if %cond3A_128 {
        %ge3A = arith.constant 1 : i32
        %ge3A_229 = arith.cmpi sge, %add3A_85, %ge3A : i32
        %convert_element_type3A_230 = arith.extui %ge3A_229 : i1 to i32
        %cond3A_231 = arith.constant 0 : i32
        %cond3A_232 = arith.cmpi ne, %convert_element_type3A_230, %cond3A_231 : i32
        scf.if %cond3A_232 {
          %sub3A = arith.constant 1 : i32
          %sub3A_257 = arith.subi %add3A_85, %sub3A : i32
          %mul3A_258 = arith.constant 32 : i32
          %mul3A_259 = arith.muli %sub3A_257, %mul3A_258 : i32
          %dma_wait3A_260 = arith.constant 2 : i32
          %dma_wait3A_261 = arith.constant 0 : i32
          %dma_wait3A_262 = arith.constant 0 : i32
          %dma_wait3A_263 = tpu.memref_slice %arg10[%dma_wait3A_260, %dma_wait3A_261, %dma_wait3A_262] : memref<3x32x128xf32, #tpu.memory_space<vmem>> -> memref<1x32x128xf32, #tpu.memory_space<vmem>>
          %dma_wait3A_264 = tpu.memref_squeeze %dma_wait3A_263 : memref<1x32x128xf32, #tpu.memory_space<vmem>> -> memref<32x128xf32, #tpu.memory_space<vmem>>
          %dma_wait3A_265 = tpu.memref_slice %arg9[%mul3A_259] : memref<10368xi32, #tpu.memory_space<vmem>> -> memref<32xi32, #tpu.memory_space<vmem>>
          %dma_wait3A_266 = arith.constant 0 : i32
          %dma_wait3A_267 = arith.constant 0 : i32
          %dma_wait3A_268 = tpu.memref_slice %arg12[%dma_wait3A_266, %dma_wait3A_267] : memref<10240x128xf32, #tpu.memory_space<vmem_shared>> -> memref<10240x128xf32, #tpu.memory_space<vmem_shared>>
          tpu.wait_indirect_dma semaphore(%arg21 : memref<!tpu.dma_semaphore, #tpu.memory_space<semaphore_mem>>) src(%dma_wait3A_264 : memref<32x128xf32, #tpu.memory_space<vmem>>) dst(%dma_wait3A_268 : memref<10240x128xf32, #tpu.memory_space<vmem_shared>>)
        } else {
        }
        %add3A_233 = arith.constant 2 : i32
        %add3A_234 = arith.addi %add3A_85, %add3A_233 : i32
        %mul3A_235 = arith.constant 32 : i32
        %mul3A_236 = arith.muli %add3A_234, %mul3A_235 : i32
        %mul3A_237 = arith.constant 32 : i32
        %mul3A_238 = arith.muli %add3A_234, %mul3A_237 : i32
        %dma_start3A_239 = arith.constant 2 : i32
        %dma_start3A_240 = arith.constant 0 : i32
        %dma_start3A_241 = arith.constant 0 : i32
        %dma_start3A_242 = tpu.memref_slice %arg10[%dma_start3A_239, %dma_start3A_240, %dma_start3A_241] : memref<3x32x128xf32, #tpu.memory_space<vmem>> -> memref<1x32x128xf32, #tpu.memory_space<vmem>>
        %dma_start3A_243 = tpu.memref_squeeze %dma_start3A_242 : memref<1x32x128xf32, #tpu.memory_space<vmem>> -> memref<32x128xf32, #tpu.memory_space<vmem>>
        %dma_start3A_244 = tpu.memref_slice %arg8[%mul3A_236] : memref<10368xi32, #tpu.memory_space<vmem>> -> memref<32xi32, #tpu.memory_space<vmem>>
        %dma_start3A_245 = arith.constant 0 : i32
        %dma_start3A_246 = arith.constant 0 : i32
        %dma_start3A_247 = tpu.memref_slice %arg4[%dma_start3A_245, %dma_start3A_246] : memref<10240x128xf32, #tpu.memory_space<hbm>> -> memref<10240x128xf32, #tpu.memory_space<hbm>>
        tpu.enqueue_indirect_dma source(%dma_start3A_247 : memref<10240x128xf32, #tpu.memory_space<hbm>>) target(%dma_start3A_243 : memref<32x128xf32, #tpu.memory_space<vmem>>) offsets(%dma_start3A_244 : memref<32xi32, #tpu.memory_space<vmem>>) semaphore(%arg15 : memref<!tpu.dma_semaphore, #tpu.memory_space<semaphore_mem>>)
        %dma_start3A_248 = arith.constant 2 : i32
        %dma_start3A_249 = arith.constant 0 : i32
        %dma_start3A_250 = arith.constant 0 : i32
        %dma_start3A_251 = tpu.memref_slice %arg11[%dma_start3A_248, %dma_start3A_249, %dma_start3A_250] : memref<3x32x128xf32, #tpu.memory_space<vmem>> -> memref<1x32x128xf32, #tpu.memory_space<vmem>>
        %dma_start3A_252 = tpu.memref_squeeze %dma_start3A_251 : memref<1x32x128xf32, #tpu.memory_space<vmem>> -> memref<32x128xf32, #tpu.memory_space<vmem>>
        %dma_start3A_253 = tpu.memref_slice %arg9[%mul3A_238] : memref<10368xi32, #tpu.memory_space<vmem>> -> memref<32xi32, #tpu.memory_space<vmem>>
        %dma_start3A_254 = arith.constant 0 : i32
        %dma_start3A_255 = arith.constant 0 : i32
        %dma_start3A_256 = tpu.memref_slice %arg5[%dma_start3A_254, %dma_start3A_255] : memref<10240x128xf32, #tpu.memory_space<hbm>> -> memref<10240x128xf32, #tpu.memory_space<hbm>>
        tpu.enqueue_indirect_dma source(%dma_start3A_256 : memref<10240x128xf32, #tpu.memory_space<hbm>>) target(%dma_start3A_252 : memref<32x128xf32, #tpu.memory_space<vmem>>) offsets(%dma_start3A_253 : memref<32xi32, #tpu.memory_space<vmem>>) semaphore(%arg18 : memref<!tpu.dma_semaphore, #tpu.memory_space<semaphore_mem>>)
      } else {
      }
      %mul3A_129 = arith.constant 3 : i32
      %mul3A_130 = arith.muli %mul3A_129, %scan3A_81 : i32
      %add3A_131 = arith.constant 1 : i32
      %add3A_132 = arith.addi %mul3A_130, %add3A_131 : i32
      %mul3A_133 = arith.constant 32 : i32
      %mul3A_134 = arith.muli %add3A_132, %mul3A_133 : i32
      %mul3A_135 = arith.constant 32 : i32
      %mul3A_136 = arith.muli %add3A_132, %mul3A_135 : i32
      %dma_wait3A_137 = arith.constant 1 : i32
      %dma_wait3A_138 = arith.constant 0 : i32
      %dma_wait3A_139 = arith.constant 0 : i32
      %dma_wait3A_140 = tpu.memref_slice %arg10[%dma_wait3A_137, %dma_wait3A_138, %dma_wait3A_139] : memref<3x32x128xf32, #tpu.memory_space<vmem>> -> memref<1x32x128xf32, #tpu.memory_space<vmem>>
      %dma_wait3A_141 = tpu.memref_squeeze %dma_wait3A_140 : memref<1x32x128xf32, #tpu.memory_space<vmem>> -> memref<32x128xf32, #tpu.memory_space<vmem>>
      %dma_wait3A_142 = tpu.memref_slice %arg8[%mul3A_134] : memref<10368xi32, #tpu.memory_space<vmem>> -> memref<32xi32, #tpu.memory_space<vmem>>
      %dma_wait3A_143 = arith.constant 0 : i32
      %dma_wait3A_144 = arith.constant 0 : i32
      %dma_wait3A_145 = tpu.memref_slice %arg4[%dma_wait3A_143, %dma_wait3A_144] : memref<10240x128xf32, #tpu.memory_space<hbm>> -> memref<10240x128xf32, #tpu.memory_space<hbm>>
      tpu.wait_indirect_dma semaphore(%arg14 : memref<!tpu.dma_semaphore, #tpu.memory_space<semaphore_mem>>) src(%dma_wait3A_145 : memref<10240x128xf32, #tpu.memory_space<hbm>>) dst(%dma_wait3A_141 : memref<32x128xf32, #tpu.memory_space<vmem>>)
      %dma_wait3A_146 = arith.constant 1 : i32
      %dma_wait3A_147 = arith.constant 0 : i32
      %dma_wait3A_148 = arith.constant 0 : i32
      %dma_wait3A_149 = tpu.memref_slice %arg11[%dma_wait3A_146, %dma_wait3A_147, %dma_wait3A_148] : memref<3x32x128xf32, #tpu.memory_space<vmem>> -> memref<1x32x128xf32, #tpu.memory_space<vmem>>
      %dma_wait3A_150 = tpu.memref_squeeze %dma_wait3A_149 : memref<1x32x128xf32, #tpu.memory_space<vmem>> -> memref<32x128xf32, #tpu.memory_space<vmem>>
      %dma_wait3A_151 = tpu.memref_slice %arg9[%mul3A_136] : memref<10368xi32, #tpu.memory_space<vmem>> -> memref<32xi32, #tpu.memory_space<vmem>>
      %dma_wait3A_152 = arith.constant 0 : i32
      %dma_wait3A_153 = arith.constant 0 : i32
      %dma_wait3A_154 = tpu.memref_slice %arg5[%dma_wait3A_152, %dma_wait3A_153] : memref<10240x128xf32, #tpu.memory_space<hbm>> -> memref<10240x128xf32, #tpu.memory_space<hbm>>
      tpu.wait_indirect_dma semaphore(%arg17 : memref<!tpu.dma_semaphore, #tpu.memory_space<semaphore_mem>>) src(%dma_wait3A_154 : memref<10240x128xf32, #tpu.memory_space<hbm>>) dst(%dma_wait3A_150 : memref<32x128xf32, #tpu.memory_space<vmem>>)
      %scan3A_155 = arith.constant 0 : i32
      %scan3A_156 = arith.constant 0 : i32
      %scan3A_157 = arith.constant 32 : i32
      %scan3A_158 = arith.addi %scan3A_156, %scan3A_157 : i32
      %scan3A_159 = arith.constant 1 : i32
      scf.for %scan3A_229 = %scan3A_156 to %scan3A_158 step %scan3A_159  : i32 {
        %get3A = arith.constant 1 : i32
        %get3A_230 = arith.index_cast %get3A : i32 to index
        %get3A_231 = arith.index_cast %scan3A_229 : i32 to index
        %get3A_232 = arith.constant 64 : index
        %get3A_233 = tpu.vector_load %arg10[%get3A_230, %get3A_231, %get3A_232] {strides = array<i32>} : memref<3x32x128xf32, #tpu.memory_space<vmem>>, vector<1x1x16xf32>,
        %get3A_234 = vector.shape_cast %get3A_233 : vector<1x1x16xf32> to vector<16xf32>
        %get3A_235 = arith.constant 1 : i32
        %get3A_236 = arith.index_cast %get3A_235 : i32 to index
        %get3A_237 = arith.index_cast %scan3A_229 : i32 to index
        %get3A_238 = arith.constant 0 : index
        %get3A_239 = tpu.vector_load %arg11[%get3A_236, %get3A_237, %get3A_238] {strides = array<i32>} : memref<3x32x128xf32, #tpu.memory_space<vmem>>, vector<1x1x16xf32>,
        %get3A_240 = vector.shape_cast %get3A_239 : vector<1x1x16xf32> to vector<16xf32>
        %add3A_241 = arith.addf %get3A_234, %get3A_240 : vector<16xf32>
        %ge3A = arith.constant 0.000000e+00 : f32
        %ge3A_242 = vector.broadcast %ge3A : f32 to vector<16xf32>
        %ge3A_243 = arith.cmpf oge, %add3A_241, %ge3A_242 : vector<16xf32>
        %mul3A_244 = arith.constant 2.000000e-01 : f32
        %mul3A_245 = vector.broadcast %mul3A_244 : f32 to vector<16xf32>
        %mul3A_246 = arith.mulf %mul3A_245, %add3A_241 : vector<16xf32>
        %select_n3A = arith.select %ge3A_243, %add3A_241, %mul3A_246 : vector<16xi1>, vector<16xf32>
        %exp3A = math.exp %select_n3A : vector<16xf32>
        %mul3A_247 = arith.constant 32 : i32
        %mul3A_248 = arith.muli %add3A_132, %mul3A_247 : i32
        %add3A_249 = arith.addi %mul3A_4, %mul3A_248 : i32
        %add3A_250 = arith.addi %add3A_249, %scan3A_229 : i32
        %lt3A_251 = arith.constant 330000 : i32
        %lt3A_252 = arith.cmpi slt, %add3A_250, %lt3A_251 : i32
        %slice3A = vector.extract_strided_slice %exp3A {offsets = [0], sizes = [1], strides = [1]} : vector<16xf32> to vector<1xf32>
        %squeeze3A = vector.extract %slice3A[0] : f32 from vector<1xf32>
        %jit3A = arith.constant 0.000000e+00 : f32
        %select_n3A_253 = arith.select %lt3A_252, %squeeze3A, %jit3A : f32
        %get3A_254 = arith.constant 1 : i32
        %get3A_255 = arith.index_cast %get3A_254 : i32 to index
        %get3A_256 = arith.index_cast %scan3A_229 : i32 to index
        %get3A_257 = arith.constant 0 : index
        %get3A_258 = tpu.vector_load %arg10[%get3A_255, %get3A_256, %get3A_257] {strides = array<i32>} : memref<3x32x128xf32, #tpu.memory_space<vmem>>, vector<1x1x16xf32>,
        %get3A_259 = vector.shape_cast %get3A_258 : vector<1x1x16xf32> to vector<16xf32>
        %mul3A_260 = vector.broadcast %select_n3A_253 : f32 to vector<16xf32>
        %mul3A_261 = arith.mulf %get3A_259, %mul3A_260 : vector<16xf32>
        %swap3A = arith.constant 1 : i32
        %swap3A_262 = arith.index_cast %swap3A : i32 to index
        %swap3A_263 = arith.index_cast %scan3A_229 : i32 to index
        %swap3A_264 = arith.constant 0 : index
        %swap3A_265 = tpu.vector_load %arg10[%swap3A_262, %swap3A_263, %swap3A_264] {strides = array<i32>} : memref<3x32x128xf32, #tpu.memory_space<vmem>>, vector<1x1x16xf32>,
        %swap3A_266 = vector.shape_cast %swap3A_265 : vector<1x1x16xf32> to vector<16xf32>
        %swap3A_267 = vector.shape_cast %mul3A_261 : vector<16xf32> to vector<1x1x16xf32>
        tpu.vector_store %arg10[%swap3A_262, %swap3A_263, %swap3A_264], %swap3A_267 {strides = array<i32>} : memref<3x32x128xf32, #tpu.memory_space<vmem>>, vector<1x1x16xf32>,
        %get3A_268 = arith.constant 1 : i32
        %get3A_269 = arith.index_cast %get3A_268 : i32 to index
        %get3A_270 = arith.index_cast %scan3A_229 : i32 to index
        %get3A_271 = arith.constant 16 : index
        %get3A_272 = tpu.vector_load %arg10[%get3A_269, %get3A_270, %get3A_271] {strides = array<i32>} : memref<3x32x128xf32, #tpu.memory_space<vmem>>, vector<1x1x16xf32>,
        %get3A_273 = vector.shape_cast %get3A_272 : vector<1x1x16xf32> to vector<16xf32>
        %mul3A_274 = vector.broadcast %select_n3A_253 : f32 to vector<16xf32>
        %mul3A_275 = arith.mulf %get3A_273, %mul3A_274 : vector<16xf32>
        %swap3A_276 = arith.constant 1 : i32
        %swap3A_277 = arith.index_cast %swap3A_276 : i32 to index
        %swap3A_278 = arith.index_cast %scan3A_229 : i32 to index
        %swap3A_279 = arith.constant 16 : index
        %swap3A_280 = tpu.vector_load %arg10[%swap3A_277, %swap3A_278, %swap3A_279] {strides = array<i32>} : memref<3x32x128xf32, #tpu.memory_space<vmem>>, vector<1x1x16xf32>,
        %swap3A_281 = vector.shape_cast %swap3A_280 : vector<1x1x16xf32> to vector<16xf32>
        %swap3A_282 = vector.shape_cast %mul3A_275 : vector<16xf32> to vector<1x1x16xf32>
        tpu.vector_store %arg10[%swap3A_277, %swap3A_278, %swap3A_279], %swap3A_282 {strides = array<i32>} : memref<3x32x128xf32, #tpu.memory_space<vmem>>, vector<1x1x16xf32>,
        %get3A_283 = arith.constant 1 : i32
        %get3A_284 = arith.index_cast %get3A_283 : i32 to index
        %get3A_285 = arith.index_cast %scan3A_229 : i32 to index
        %get3A_286 = arith.constant 32 : index
        %get3A_287 = tpu.vector_load %arg10[%get3A_284, %get3A_285, %get3A_286] {strides = array<i32>} : memref<3x32x128xf32, #tpu.memory_space<vmem>>, vector<1x1x16xf32>,
        %get3A_288 = vector.shape_cast %get3A_287 : vector<1x1x16xf32> to vector<16xf32>
        %mul3A_289 = vector.broadcast %select_n3A_253 : f32 to vector<16xf32>
        %mul3A_290 = arith.mulf %get3A_288, %mul3A_289 : vector<16xf32>
        %swap3A_291 = arith.constant 1 : i32
        %swap3A_292 = arith.index_cast %swap3A_291 : i32 to index
        %swap3A_293 = arith.index_cast %scan3A_229 : i32 to index
        %swap3A_294 = arith.constant 32 : index
        %swap3A_295 = tpu.vector_load %arg10[%swap3A_292, %swap3A_293, %swap3A_294] {strides = array<i32>} : memref<3x32x128xf32, #tpu.memory_space<vmem>>, vector<1x1x16xf32>,
        %swap3A_296 = vector.shape_cast %swap3A_295 : vector<1x1x16xf32> to vector<16xf32>
        %swap3A_297 = vector.shape_cast %mul3A_290 : vector<16xf32> to vector<1x1x16xf32>
        tpu.vector_store %arg10[%swap3A_292, %swap3A_293, %swap3A_294], %swap3A_297 {strides = array<i32>} : memref<3x32x128xf32, #tpu.memory_space<vmem>>, vector<1x1x16xf32>,
        %get3A_298 = arith.constant 1 : i32
        %get3A_299 = arith.index_cast %get3A_298 : i32 to index
        %get3A_300 = arith.index_cast %scan3A_229 : i32 to index
        %get3A_301 = arith.constant 48 : index
        %get3A_302 = tpu.vector_load %arg10[%get3A_299, %get3A_300, %get3A_301] {strides = array<i32>} : memref<3x32x128xf32, #tpu.memory_space<vmem>>, vector<1x1x16xf32>,
        %get3A_303 = vector.shape_cast %get3A_302 : vector<1x1x16xf32> to vector<16xf32>
        %mul3A_304 = vector.broadcast %select_n3A_253 : f32 to vector<16xf32>
        %mul3A_305 = arith.mulf %get3A_303, %mul3A_304 : vector<16xf32>
        %swap3A_306 = arith.constant 1 : i32
        %swap3A_307 = arith.index_cast %swap3A_306 : i32 to index
        %swap3A_308 = arith.index_cast %scan3A_229 : i32 to index
        %swap3A_309 = arith.constant 48 : index
        %swap3A_310 = tpu.vector_load %arg10[%swap3A_307, %swap3A_308, %swap3A_309] {strides = array<i32>} : memref<3x32x128xf32, #tpu.memory_space<vmem>>, vector<1x1x16xf32>,
        %swap3A_311 = vector.shape_cast %swap3A_310 : vector<1x1x16xf32> to vector<16xf32>
        %swap3A_312 = vector.shape_cast %mul3A_305 : vector<16xf32> to vector<1x1x16xf32>
        tpu.vector_store %arg10[%swap3A_307, %swap3A_308, %swap3A_309], %swap3A_312 {strides = array<i32>} : memref<3x32x128xf32, #tpu.memory_space<vmem>>, vector<1x1x16xf32>,
        %eq3A = arith.constant 0 : i32
        %eq3A_313 = vector.broadcast %eq3A : i32 to vector<16xi32>
        %eq3A_314 = arith.cmpi eq, %iota3A, %eq3A_313 : vector<16xi32>
        %jit3A_315 = arith.constant 0.000000e+00 : f32
        %broadcast_in_dim3A = vector.broadcast %select_n3A_253 : f32 to vector<16xf32>
        %broadcast_in_dim3A_316 = vector.broadcast %jit3A_315 : f32 to vector<16xf32>
        %select_n3A_317 = arith.select %eq3A_314, %broadcast_in_dim3A, %broadcast_in_dim3A_316 : vector<16xi1>, vector<16xf32>
        %swap3A_318 = arith.constant 1 : i32
        %swap3A_319 = arith.index_cast %swap3A_318 : i32 to index
        %swap3A_320 = arith.index_cast %scan3A_229 : i32 to index
        %swap3A_321 = arith.constant 64 : index
        %swap3A_322 = tpu.vector_load %arg10[%swap3A_319, %swap3A_320, %swap3A_321] {strides = array<i32>} : memref<3x32x128xf32, #tpu.memory_space<vmem>>, vector<1x1x16xf32>,
        %swap3A_323 = vector.shape_cast %swap3A_322 : vector<1x1x16xf32> to vector<16xf32>
        %swap3A_324 = vector.shape_cast %select_n3A_317 : vector<16xf32> to vector<1x1x16xf32>
        tpu.vector_store %arg10[%swap3A_319, %swap3A_320, %swap3A_321], %swap3A_324 {strides = array<i32>} : memref<3x32x128xf32, #tpu.memory_space<vmem>>, vector<1x1x16xf32>,
      }
      %scan3A_160 = arith.constant 32 : i32
      %mul3A_161 = arith.constant 32 : i32
      %mul3A_162 = arith.muli %add3A_132, %mul3A_161 : i32
      %dma_start3A_163 = arith.constant 1 : i32
      %dma_start3A_164 = arith.constant 0 : i32
      %dma_start3A_165 = arith.constant 0 : i32
      %dma_start3A_166 = tpu.memref_slice %arg10[%dma_start3A_163, %dma_start3A_164, %dma_start3A_165] : memref<3x32x128xf32, #tpu.memory_space<vmem>> -> memref<1x32x128xf32, #tpu.memory_space<vmem>>
      %dma_start3A_167 = tpu.memref_squeeze %dma_start3A_166 : memref<1x32x128xf32, #tpu.memory_space<vmem>> -> memref<32x128xf32, #tpu.memory_space<vmem>>
      %dma_start3A_168 = tpu.memref_slice %arg9[%mul3A_162] : memref<10368xi32, #tpu.memory_space<vmem>> -> memref<32xi32, #tpu.memory_space<vmem>>
      %dma_start3A_169 = arith.constant 0 : i32
      %dma_start3A_170 = arith.constant 0 : i32
      %dma_start3A_171 = tpu.memref_slice %arg12[%dma_start3A_169, %dma_start3A_170] : memref<10240x128xf32, #tpu.memory_space<vmem_shared>> -> memref<10240x128xf32, #tpu.memory_space<vmem_shared>>
      tpu.enqueue_indirect_dma source(%dma_start3A_167 : memref<32x128xf32, #tpu.memory_space<vmem>>) target(%dma_start3A_171 : memref<10240x128xf32, #tpu.memory_space<vmem_shared>>) offsets(%dma_start3A_168 : memref<32xi32, #tpu.memory_space<vmem>>) semaphore(%arg20 : memref<!tpu.dma_semaphore, #tpu.memory_space<semaphore_mem>>) {add = true}
      %add3A_172 = arith.constant 2 : i32
      %add3A_173 = arith.addi %add3A_132, %add3A_172 : i32
      %lt3A_174 = arith.constant 324 : i32
      %lt3A_175 = arith.cmpi slt, %add3A_173, %lt3A_174 : i32
      %convert_element_type3A_176 = arith.extui %lt3A_175 : i1 to i32
      %cond3A_177 = arith.constant 0 : i32
      %cond3A_178 = arith.cmpi ne, %convert_element_type3A_176, %cond3A_177 : i32
      scf.if %cond3A_178 {
        %ge3A = arith.constant 1 : i32
        %ge3A_229 = arith.cmpi sge, %add3A_132, %ge3A : i32
        %convert_element_type3A_230 = arith.extui %ge3A_229 : i1 to i32
        %cond3A_231 = arith.constant 0 : i32
        %cond3A_232 = arith.cmpi ne, %convert_element_type3A_230, %cond3A_231 : i32
        scf.if %cond3A_232 {
          %sub3A = arith.constant 1 : i32
          %sub3A_257 = arith.subi %add3A_132, %sub3A : i32
          %mul3A_258 = arith.constant 32 : i32
          %mul3A_259 = arith.muli %sub3A_257, %mul3A_258 : i32
          %dma_wait3A_260 = arith.constant 0 : i32
          %dma_wait3A_261 = arith.constant 0 : i32
          %dma_wait3A_262 = arith.constant 0 : i32
          %dma_wait3A_263 = tpu.memref_slice %arg10[%dma_wait3A_260, %dma_wait3A_261, %dma_wait3A_262] : memref<3x32x128xf32, #tpu.memory_space<vmem>> -> memref<1x32x128xf32, #tpu.memory_space<vmem>>
          %dma_wait3A_264 = tpu.memref_squeeze %dma_wait3A_263 : memref<1x32x128xf32, #tpu.memory_space<vmem>> -> memref<32x128xf32, #tpu.memory_space<vmem>>
          %dma_wait3A_265 = tpu.memref_slice %arg9[%mul3A_259] : memref<10368xi32, #tpu.memory_space<vmem>> -> memref<32xi32, #tpu.memory_space<vmem>>
          %dma_wait3A_266 = arith.constant 0 : i32
          %dma_wait3A_267 = arith.constant 0 : i32
          %dma_wait3A_268 = tpu.memref_slice %arg12[%dma_wait3A_266, %dma_wait3A_267] : memref<10240x128xf32, #tpu.memory_space<vmem_shared>> -> memref<10240x128xf32, #tpu.memory_space<vmem_shared>>
          tpu.wait_indirect_dma semaphore(%arg19 : memref<!tpu.dma_semaphore, #tpu.memory_space<semaphore_mem>>) src(%dma_wait3A_264 : memref<32x128xf32, #tpu.memory_space<vmem>>) dst(%dma_wait3A_268 : memref<10240x128xf32, #tpu.memory_space<vmem_shared>>)
        } else {
        }
        %add3A_233 = arith.constant 2 : i32
        %add3A_234 = arith.addi %add3A_132, %add3A_233 : i32
        %mul3A_235 = arith.constant 32 : i32
        %mul3A_236 = arith.muli %add3A_234, %mul3A_235 : i32
        %mul3A_237 = arith.constant 32 : i32
        %mul3A_238 = arith.muli %add3A_234, %mul3A_237 : i32
        %dma_start3A_239 = arith.constant 0 : i32
        %dma_start3A_240 = arith.constant 0 : i32
        %dma_start3A_241 = arith.constant 0 : i32
        %dma_start3A_242 = tpu.memref_slice %arg10[%dma_start3A_239, %dma_start3A_240, %dma_start3A_241] : memref<3x32x128xf32, #tpu.memory_space<vmem>> -> memref<1x32x128xf32, #tpu.memory_space<vmem>>
        %dma_start3A_243 = tpu.memref_squeeze %dma_start3A_242 : memref<1x32x128xf32, #tpu.memory_space<vmem>> -> memref<32x128xf32, #tpu.memory_space<vmem>>
        %dma_start3A_244 = tpu.memref_slice %arg8[%mul3A_236] : memref<10368xi32, #tpu.memory_space<vmem>> -> memref<32xi32, #tpu.memory_space<vmem>>
        %dma_start3A_245 = arith.constant 0 : i32
        %dma_start3A_246 = arith.constant 0 : i32
        %dma_start3A_247 = tpu.memref_slice %arg4[%dma_start3A_245, %dma_start3A_246] : memref<10240x128xf32, #tpu.memory_space<hbm>> -> memref<10240x128xf32, #tpu.memory_space<hbm>>
        tpu.enqueue_indirect_dma source(%dma_start3A_247 : memref<10240x128xf32, #tpu.memory_space<hbm>>) target(%dma_start3A_243 : memref<32x128xf32, #tpu.memory_space<vmem>>) offsets(%dma_start3A_244 : memref<32xi32, #tpu.memory_space<vmem>>) semaphore(%arg13 : memref<!tpu.dma_semaphore, #tpu.memory_space<semaphore_mem>>)
        %dma_start3A_248 = arith.constant 0 : i32
        %dma_start3A_249 = arith.constant 0 : i32
        %dma_start3A_250 = arith.constant 0 : i32
        %dma_start3A_251 = tpu.memref_slice %arg11[%dma_start3A_248, %dma_start3A_249, %dma_start3A_250] : memref<3x32x128xf32, #tpu.memory_space<vmem>> -> memref<1x32x128xf32, #tpu.memory_space<vmem>>
        %dma_start3A_252 = tpu.memref_squeeze %dma_start3A_251 : memref<1x32x128xf32, #tpu.memory_space<vmem>> -> memref<32x128xf32, #tpu.memory_space<vmem>>
        %dma_start3A_253 = tpu.memref_slice %arg9[%mul3A_238] : memref<10368xi32, #tpu.memory_space<vmem>> -> memref<32xi32, #tpu.memory_space<vmem>>
        %dma_start3A_254 = arith.constant 0 : i32
        %dma_start3A_255 = arith.constant 0 : i32
        %dma_start3A_256 = tpu.memref_slice %arg5[%dma_start3A_254, %dma_start3A_255] : memref<10240x128xf32, #tpu.memory_space<hbm>> -> memref<10240x128xf32, #tpu.memory_space<hbm>>
        tpu.enqueue_indirect_dma source(%dma_start3A_256 : memref<10240x128xf32, #tpu.memory_space<hbm>>) target(%dma_start3A_252 : memref<32x128xf32, #tpu.memory_space<vmem>>) offsets(%dma_start3A_253 : memref<32xi32, #tpu.memory_space<vmem>>) semaphore(%arg16 : memref<!tpu.dma_semaphore, #tpu.memory_space<semaphore_mem>>)
      } else {
      }
      %mul3A_179 = arith.constant 3 : i32
      %mul3A_180 = arith.muli %mul3A_179, %scan3A_81 : i32
      %add3A_181 = arith.constant 2 : i32
      %add3A_182 = arith.addi %mul3A_180, %add3A_181 : i32
      %mul3A_183 = arith.constant 32 : i32
      %mul3A_184 = arith.muli %add3A_182, %mul3A_183 : i32
      %mul3A_185 = arith.constant 32 : i32
      %mul3A_186 = arith.muli %add3A_182, %mul3A_185 : i32
      %dma_wait3A_187 = arith.constant 2 : i32
      %dma_wait3A_188 = arith.constant 0 : i32
      %dma_wait3A_189 = arith.constant 0 : i32
      %dma_wait3A_190 = tpu.memref_slice %arg10[%dma_wait3A_187, %dma_wait3A_188, %dma_wait3A_189] : memref<3x32x128xf32, #tpu.memory_space<vmem>> -> memref<1x32x128xf32, #tpu.memory_space<vmem>>
      %dma_wait3A_191 = tpu.memref_squeeze %dma_wait3A_190 : memref<1x32x128xf32, #tpu.memory_space<vmem>> -> memref<32x128xf32, #tpu.memory_space<vmem>>
      %dma_wait3A_192 = tpu.memref_slice %arg8[%mul3A_184] : memref<10368xi32, #tpu.memory_space<vmem>> -> memref<32xi32, #tpu.memory_space<vmem>>
      %dma_wait3A_193 = arith.constant 0 : i32
      %dma_wait3A_194 = arith.constant 0 : i32
      %dma_wait3A_195 = tpu.memref_slice %arg4[%dma_wait3A_193, %dma_wait3A_194] : memref<10240x128xf32, #tpu.memory_space<hbm>> -> memref<10240x128xf32, #tpu.memory_space<hbm>>
      tpu.wait_indirect_dma semaphore(%arg15 : memref<!tpu.dma_semaphore, #tpu.memory_space<semaphore_mem>>) src(%dma_wait3A_195 : memref<10240x128xf32, #tpu.memory_space<hbm>>) dst(%dma_wait3A_191 : memref<32x128xf32, #tpu.memory_space<vmem>>)
      %dma_wait3A_196 = arith.constant 2 : i32
      %dma_wait3A_197 = arith.constant 0 : i32
      %dma_wait3A_198 = arith.constant 0 : i32
      %dma_wait3A_199 = tpu.memref_slice %arg11[%dma_wait3A_196, %dma_wait3A_197, %dma_wait3A_198] : memref<3x32x128xf32, #tpu.memory_space<vmem>> -> memref<1x32x128xf32, #tpu.memory_space<vmem>>
      %dma_wait3A_200 = tpu.memref_squeeze %dma_wait3A_199 : memref<1x32x128xf32, #tpu.memory_space<vmem>> -> memref<32x128xf32, #tpu.memory_space<vmem>>
      %dma_wait3A_201 = tpu.memref_slice %arg9[%mul3A_186] : memref<10368xi32, #tpu.memory_space<vmem>> -> memref<32xi32, #tpu.memory_space<vmem>>
      %dma_wait3A_202 = arith.constant 0 : i32
      %dma_wait3A_203 = arith.constant 0 : i32
      %dma_wait3A_204 = tpu.memref_slice %arg5[%dma_wait3A_202, %dma_wait3A_203] : memref<10240x128xf32, #tpu.memory_space<hbm>> -> memref<10240x128xf32, #tpu.memory_space<hbm>>
      tpu.wait_indirect_dma semaphore(%arg18 : memref<!tpu.dma_semaphore, #tpu.memory_space<semaphore_mem>>) src(%dma_wait3A_204 : memref<10240x128xf32, #tpu.memory_space<hbm>>) dst(%dma_wait3A_200 : memref<32x128xf32, #tpu.memory_space<vmem>>)
      %scan3A_205 = arith.constant 0 : i32
      %scan3A_206 = arith.constant 0 : i32
      %scan3A_207 = arith.constant 32 : i32
      %scan3A_208 = arith.addi %scan3A_206, %scan3A_207 : i32
      %scan3A_209 = arith.constant 1 : i32
      scf.for %scan3A_229 = %scan3A_206 to %scan3A_208 step %scan3A_209  : i32 {
        %get3A = arith.constant 2 : i32
        %get3A_230 = arith.index_cast %get3A : i32 to index
        %get3A_231 = arith.index_cast %scan3A_229 : i32 to index
        %get3A_232 = arith.constant 64 : index
        %get3A_233 = tpu.vector_load %arg10[%get3A_230, %get3A_231, %get3A_232] {strides = array<i32>} : memref<3x32x128xf32, #tpu.memory_space<vmem>>, vector<1x1x16xf32>,
        %get3A_234 = vector.shape_cast %get3A_233 : vector<1x1x16xf32> to vector<16xf32>
        %get3A_235 = arith.constant 2 : i32
        %get3A_236 = arith.index_cast %get3A_235 : i32 to index
        %get3A_237 = arith.index_cast %scan3A_229 : i32 to index
        %get3A_238 = arith.constant 0 : index
        %get3A_239 = tpu.vector_load %arg11[%get3A_236, %get3A_237, %get3A_238] {strides = array<i32>} : memref<3x32x128xf32, #tpu.memory_space<vmem>>, vector<1x1x16xf32>,
        %get3A_240 = vector.shape_cast %get3A_239 : vector<1x1x16xf32> to vector<16xf32>
        %add3A_241 = arith.addf %get3A_234, %get3A_240 : vector<16xf32>
        %ge3A = arith.constant 0.000000e+00 : f32
        %ge3A_242 = vector.broadcast %ge3A : f32 to vector<16xf32>
        %ge3A_243 = arith.cmpf oge, %add3A_241, %ge3A_242 : vector<16xf32>
        %mul3A_244 = arith.constant 2.000000e-01 : f32
        %mul3A_245 = vector.broadcast %mul3A_244 : f32 to vector<16xf32>
        %mul3A_246 = arith.mulf %mul3A_245, %add3A_241 : vector<16xf32>
        %select_n3A = arith.select %ge3A_243, %add3A_241, %mul3A_246 : vector<16xi1>, vector<16xf32>
        %exp3A = math.exp %select_n3A : vector<16xf32>
        %mul3A_247 = arith.constant 32 : i32
        %mul3A_248 = arith.muli %add3A_182, %mul3A_247 : i32
        %add3A_249 = arith.addi %mul3A_4, %mul3A_248 : i32
        %add3A_250 = arith.addi %add3A_249, %scan3A_229 : i32
        %lt3A_251 = arith.constant 330000 : i32
        %lt3A_252 = arith.cmpi slt, %add3A_250, %lt3A_251 : i32
        %slice3A = vector.extract_strided_slice %exp3A {offsets = [0], sizes = [1], strides = [1]} : vector<16xf32> to vector<1xf32>
        %squeeze3A = vector.extract %slice3A[0] : f32 from vector<1xf32>
        %jit3A = arith.constant 0.000000e+00 : f32
        %select_n3A_253 = arith.select %lt3A_252, %squeeze3A, %jit3A : f32
        %get3A_254 = arith.constant 2 : i32
        %get3A_255 = arith.index_cast %get3A_254 : i32 to index
        %get3A_256 = arith.index_cast %scan3A_229 : i32 to index
        %get3A_257 = arith.constant 0 : index
        %get3A_258 = tpu.vector_load %arg10[%get3A_255, %get3A_256, %get3A_257] {strides = array<i32>} : memref<3x32x128xf32, #tpu.memory_space<vmem>>, vector<1x1x16xf32>,
        %get3A_259 = vector.shape_cast %get3A_258 : vector<1x1x16xf32> to vector<16xf32>
        %mul3A_260 = vector.broadcast %select_n3A_253 : f32 to vector<16xf32>
        %mul3A_261 = arith.mulf %get3A_259, %mul3A_260 : vector<16xf32>
        %swap3A = arith.constant 2 : i32
        %swap3A_262 = arith.index_cast %swap3A : i32 to index
        %swap3A_263 = arith.index_cast %scan3A_229 : i32 to index
        %swap3A_264 = arith.constant 0 : index
        %swap3A_265 = tpu.vector_load %arg10[%swap3A_262, %swap3A_263, %swap3A_264] {strides = array<i32>} : memref<3x32x128xf32, #tpu.memory_space<vmem>>, vector<1x1x16xf32>,
        %swap3A_266 = vector.shape_cast %swap3A_265 : vector<1x1x16xf32> to vector<16xf32>
        %swap3A_267 = vector.shape_cast %mul3A_261 : vector<16xf32> to vector<1x1x16xf32>
        tpu.vector_store %arg10[%swap3A_262, %swap3A_263, %swap3A_264], %swap3A_267 {strides = array<i32>} : memref<3x32x128xf32, #tpu.memory_space<vmem>>, vector<1x1x16xf32>,
        %get3A_268 = arith.constant 2 : i32
        %get3A_269 = arith.index_cast %get3A_268 : i32 to index
        %get3A_270 = arith.index_cast %scan3A_229 : i32 to index
        %get3A_271 = arith.constant 16 : index
        %get3A_272 = tpu.vector_load %arg10[%get3A_269, %get3A_270, %get3A_271] {strides = array<i32>} : memref<3x32x128xf32, #tpu.memory_space<vmem>>, vector<1x1x16xf32>,
        %get3A_273 = vector.shape_cast %get3A_272 : vector<1x1x16xf32> to vector<16xf32>
        %mul3A_274 = vector.broadcast %select_n3A_253 : f32 to vector<16xf32>
        %mul3A_275 = arith.mulf %get3A_273, %mul3A_274 : vector<16xf32>
        %swap3A_276 = arith.constant 2 : i32
        %swap3A_277 = arith.index_cast %swap3A_276 : i32 to index
        %swap3A_278 = arith.index_cast %scan3A_229 : i32 to index
        %swap3A_279 = arith.constant 16 : index
        %swap3A_280 = tpu.vector_load %arg10[%swap3A_277, %swap3A_278, %swap3A_279] {strides = array<i32>} : memref<3x32x128xf32, #tpu.memory_space<vmem>>, vector<1x1x16xf32>,
        %swap3A_281 = vector.shape_cast %swap3A_280 : vector<1x1x16xf32> to vector<16xf32>
        %swap3A_282 = vector.shape_cast %mul3A_275 : vector<16xf32> to vector<1x1x16xf32>
        tpu.vector_store %arg10[%swap3A_277, %swap3A_278, %swap3A_279], %swap3A_282 {strides = array<i32>} : memref<3x32x128xf32, #tpu.memory_space<vmem>>, vector<1x1x16xf32>,
        %get3A_283 = arith.constant 2 : i32
        %get3A_284 = arith.index_cast %get3A_283 : i32 to index
        %get3A_285 = arith.index_cast %scan3A_229 : i32 to index
        %get3A_286 = arith.constant 32 : index
        %get3A_287 = tpu.vector_load %arg10[%get3A_284, %get3A_285, %get3A_286] {strides = array<i32>} : memref<3x32x128xf32, #tpu.memory_space<vmem>>, vector<1x1x16xf32>,
        %get3A_288 = vector.shape_cast %get3A_287 : vector<1x1x16xf32> to vector<16xf32>
        %mul3A_289 = vector.broadcast %select_n3A_253 : f32 to vector<16xf32>
        %mul3A_290 = arith.mulf %get3A_288, %mul3A_289 : vector<16xf32>
        %swap3A_291 = arith.constant 2 : i32
        %swap3A_292 = arith.index_cast %swap3A_291 : i32 to index
        %swap3A_293 = arith.index_cast %scan3A_229 : i32 to index
        %swap3A_294 = arith.constant 32 : index
        %swap3A_295 = tpu.vector_load %arg10[%swap3A_292, %swap3A_293, %swap3A_294] {strides = array<i32>} : memref<3x32x128xf32, #tpu.memory_space<vmem>>, vector<1x1x16xf32>,
        %swap3A_296 = vector.shape_cast %swap3A_295 : vector<1x1x16xf32> to vector<16xf32>
        %swap3A_297 = vector.shape_cast %mul3A_290 : vector<16xf32> to vector<1x1x16xf32>
        tpu.vector_store %arg10[%swap3A_292, %swap3A_293, %swap3A_294], %swap3A_297 {strides = array<i32>} : memref<3x32x128xf32, #tpu.memory_space<vmem>>, vector<1x1x16xf32>,
        %get3A_298 = arith.constant 2 : i32
        %get3A_299 = arith.index_cast %get3A_298 : i32 to index
        %get3A_300 = arith.index_cast %scan3A_229 : i32 to index
        %get3A_301 = arith.constant 48 : index
        %get3A_302 = tpu.vector_load %arg10[%get3A_299, %get3A_300, %get3A_301] {strides = array<i32>} : memref<3x32x128xf32, #tpu.memory_space<vmem>>, vector<1x1x16xf32>,
        %get3A_303 = vector.shape_cast %get3A_302 : vector<1x1x16xf32> to vector<16xf32>
        %mul3A_304 = vector.broadcast %select_n3A_253 : f32 to vector<16xf32>
        %mul3A_305 = arith.mulf %get3A_303, %mul3A_304 : vector<16xf32>
        %swap3A_306 = arith.constant 2 : i32
        %swap3A_307 = arith.index_cast %swap3A_306 : i32 to index
        %swap3A_308 = arith.index_cast %scan3A_229 : i32 to index
        %swap3A_309 = arith.constant 48 : index
        %swap3A_310 = tpu.vector_load %arg10[%swap3A_307, %swap3A_308, %swap3A_309] {strides = array<i32>} : memref<3x32x128xf32, #tpu.memory_space<vmem>>, vector<1x1x16xf32>,
        %swap3A_311 = vector.shape_cast %swap3A_310 : vector<1x1x16xf32> to vector<16xf32>
        %swap3A_312 = vector.shape_cast %mul3A_305 : vector<16xf32> to vector<1x1x16xf32>
        tpu.vector_store %arg10[%swap3A_307, %swap3A_308, %swap3A_309], %swap3A_312 {strides = array<i32>} : memref<3x32x128xf32, #tpu.memory_space<vmem>>, vector<1x1x16xf32>,
        %eq3A = arith.constant 0 : i32
        %eq3A_313 = vector.broadcast %eq3A : i32 to vector<16xi32>
        %eq3A_314 = arith.cmpi eq, %iota3A, %eq3A_313 : vector<16xi32>
        %jit3A_315 = arith.constant 0.000000e+00 : f32
        %broadcast_in_dim3A = vector.broadcast %select_n3A_253 : f32 to vector<16xf32>
        %broadcast_in_dim3A_316 = vector.broadcast %jit3A_315 : f32 to vector<16xf32>
        %select_n3A_317 = arith.select %eq3A_314, %broadcast_in_dim3A, %broadcast_in_dim3A_316 : vector<16xi1>, vector<16xf32>
        %swap3A_318 = arith.constant 2 : i32
        %swap3A_319 = arith.index_cast %swap3A_318 : i32 to index
        %swap3A_320 = arith.index_cast %scan3A_229 : i32 to index
        %swap3A_321 = arith.constant 64 : index
        %swap3A_322 = tpu.vector_load %arg10[%swap3A_319, %swap3A_320, %swap3A_321] {strides = array<i32>} : memref<3x32x128xf32, #tpu.memory_space<vmem>>, vector<1x1x16xf32>,
        %swap3A_323 = vector.shape_cast %swap3A_322 : vector<1x1x16xf32> to vector<16xf32>
        %swap3A_324 = vector.shape_cast %select_n3A_317 : vector<16xf32> to vector<1x1x16xf32>
        tpu.vector_store %arg10[%swap3A_319, %swap3A_320, %swap3A_321], %swap3A_324 {strides = array<i32>} : memref<3x32x128xf32, #tpu.memory_space<vmem>>, vector<1x1x16xf32>,
      }
      %scan3A_210 = arith.constant 32 : i32
      %mul3A_211 = arith.constant 32 : i32
      %mul3A_212 = arith.muli %add3A_182, %mul3A_211 : i32
      %dma_start3A_213 = arith.constant 2 : i32
      %dma_start3A_214 = arith.constant 0 : i32
      %dma_start3A_215 = arith.constant 0 : i32
      %dma_start3A_216 = tpu.memref_slice %arg10[%dma_start3A_213, %dma_start3A_214, %dma_start3A_215] : memref<3x32x128xf32, #tpu.memory_space<vmem>> -> memref<1x32x128xf32, #tpu.memory_space<vmem>>
      %dma_start3A_217 = tpu.memref_squeeze %dma_start3A_216 : memref<1x32x128xf32, #tpu.memory_space<vmem>> -> memref<32x128xf32, #tpu.memory_space<vmem>>
      %dma_start3A_218 = tpu.memref_slice %arg9[%mul3A_212] : memref<10368xi32, #tpu.memory_space<vmem>> -> memref<32xi32, #tpu.memory_space<vmem>>
      %dma_start3A_219 = arith.constant 0 : i32
      %dma_start3A_220 = arith.constant 0 : i32
      %dma_start3A_221 = tpu.memref_slice %arg12[%dma_start3A_219, %dma_start3A_220] : memref<10240x128xf32, #tpu.memory_space<vmem_shared>> -> memref<10240x128xf32, #tpu.memory_space<vmem_shared>>
      tpu.enqueue_indirect_dma source(%dma_start3A_217 : memref<32x128xf32, #tpu.memory_space<vmem>>) target(%dma_start3A_221 : memref<10240x128xf32, #tpu.memory_space<vmem_shared>>) offsets(%dma_start3A_218 : memref<32xi32, #tpu.memory_space<vmem>>) semaphore(%arg21 : memref<!tpu.dma_semaphore, #tpu.memory_space<semaphore_mem>>) {add = true}
      %add3A_222 = arith.constant 2 : i32
      %add3A_223 = arith.addi %add3A_182, %add3A_222 : i32
      %lt3A_224 = arith.constant 324 : i32
      %lt3A_225 = arith.cmpi slt, %add3A_223, %lt3A_224 : i32
      %convert_element_type3A_226 = arith.extui %lt3A_225 : i1 to i32
      %cond3A_227 = arith.constant 0 : i32
      %cond3A_228 = arith.cmpi ne, %convert_element_type3A_226, %cond3A_227 : i32
      scf.if %cond3A_228 {
        %ge3A = arith.constant 1 : i32
        %ge3A_229 = arith.cmpi sge, %add3A_182, %ge3A : i32
        %convert_element_type3A_230 = arith.extui %ge3A_229 : i1 to i32
        %cond3A_231 = arith.constant 0 : i32
        %cond3A_232 = arith.cmpi ne, %convert_element_type3A_230, %cond3A_231 : i32
        scf.if %cond3A_232 {
          %sub3A = arith.constant 1 : i32
          %sub3A_257 = arith.subi %add3A_182, %sub3A : i32
          %mul3A_258 = arith.constant 32 : i32
          %mul3A_259 = arith.muli %sub3A_257, %mul3A_258 : i32
          %dma_wait3A_260 = arith.constant 1 : i32
          %dma_wait3A_261 = arith.constant 0 : i32
          %dma_wait3A_262 = arith.constant 0 : i32
          %dma_wait3A_263 = tpu.memref_slice %arg10[%dma_wait3A_260, %dma_wait3A_261, %dma_wait3A_262] : memref<3x32x128xf32, #tpu.memory_space<vmem>> -> memref<1x32x128xf32, #tpu.memory_space<vmem>>
          %dma_wait3A_264 = tpu.memref_squeeze %dma_wait3A_263 : memref<1x32x128xf32, #tpu.memory_space<vmem>> -> memref<32x128xf32, #tpu.memory_space<vmem>>
          %dma_wait3A_265 = tpu.memref_slice %arg9[%mul3A_259] : memref<10368xi32, #tpu.memory_space<vmem>> -> memref<32xi32, #tpu.memory_space<vmem>>
          %dma_wait3A_266 = arith.constant 0 : i32
          %dma_wait3A_267 = arith.constant 0 : i32
          %dma_wait3A_268 = tpu.memref_slice %arg12[%dma_wait3A_266, %dma_wait3A_267] : memref<10240x128xf32, #tpu.memory_space<vmem_shared>> -> memref<10240x128xf32, #tpu.memory_space<vmem_shared>>
          tpu.wait_indirect_dma semaphore(%arg20 : memref<!tpu.dma_semaphore, #tpu.memory_space<semaphore_mem>>) src(%dma_wait3A_264 : memref<32x128xf32, #tpu.memory_space<vmem>>) dst(%dma_wait3A_268 : memref<10240x128xf32, #tpu.memory_space<vmem_shared>>)
        } else {
        }
        %add3A_233 = arith.constant 2 : i32
        %add3A_234 = arith.addi %add3A_182, %add3A_233 : i32
        %mul3A_235 = arith.constant 32 : i32
        %mul3A_236 = arith.muli %add3A_234, %mul3A_235 : i32
        %mul3A_237 = arith.constant 32 : i32
        %mul3A_238 = arith.muli %add3A_234, %mul3A_237 : i32
        %dma_start3A_239 = arith.constant 1 : i32
        %dma_start3A_240 = arith.constant 0 : i32
        %dma_start3A_241 = arith.constant 0 : i32
        %dma_start3A_242 = tpu.memref_slice %arg10[%dma_start3A_239, %dma_start3A_240, %dma_start3A_241] : memref<3x32x128xf32, #tpu.memory_space<vmem>> -> memref<1x32x128xf32, #tpu.memory_space<vmem>>
        %dma_start3A_243 = tpu.memref_squeeze %dma_start3A_242 : memref<1x32x128xf32, #tpu.memory_space<vmem>> -> memref<32x128xf32, #tpu.memory_space<vmem>>
        %dma_start3A_244 = tpu.memref_slice %arg8[%mul3A_236] : memref<10368xi32, #tpu.memory_space<vmem>> -> memref<32xi32, #tpu.memory_space<vmem>>
        %dma_start3A_245 = arith.constant 0 : i32
        %dma_start3A_246 = arith.constant 0 : i32
        %dma_start3A_247 = tpu.memref_slice %arg4[%dma_start3A_245, %dma_start3A_246] : memref<10240x128xf32, #tpu.memory_space<hbm>> -> memref<10240x128xf32, #tpu.memory_space<hbm>>
        tpu.enqueue_indirect_dma source(%dma_start3A_247 : memref<10240x128xf32, #tpu.memory_space<hbm>>) target(%dma_start3A_243 : memref<32x128xf32, #tpu.memory_space<vmem>>) offsets(%dma_start3A_244 : memref<32xi32, #tpu.memory_space<vmem>>) semaphore(%arg14 : memref<!tpu.dma_semaphore, #tpu.memory_space<semaphore_mem>>)
        %dma_start3A_248 = arith.constant 1 : i32
        %dma_start3A_249 = arith.constant 0 : i32
        %dma_start3A_250 = arith.constant 0 : i32
        %dma_start3A_251 = tpu.memref_slice %arg11[%dma_start3A_248, %dma_start3A_249, %dma_start3A_250] : memref<3x32x128xf32, #tpu.memory_space<vmem>> -> memref<1x32x128xf32, #tpu.memory_space<vmem>>
        %dma_start3A_252 = tpu.memref_squeeze %dma_start3A_251 : memref<1x32x128xf32, #tpu.memory_space<vmem>> -> memref<32x128xf32, #tpu.memory_space<vmem>>
        %dma_start3A_253 = tpu.memref_slice %arg9[%mul3A_238] : memref<10368xi32, #tpu.memory_space<vmem>> -> memref<32xi32, #tpu.memory_space<vmem>>
        %dma_start3A_254 = arith.constant 0 : i32
        %dma_start3A_255 = arith.constant 0 : i32
        %dma_start3A_256 = tpu.memref_slice %arg5[%dma_start3A_254, %dma_start3A_255] : memref<10240x128xf32, #tpu.memory_space<hbm>> -> memref<10240x128xf32, #tpu.memory_space<hbm>>
        tpu.enqueue_indirect_dma source(%dma_start3A_256 : memref<10240x128xf32, #tpu.memory_space<hbm>>) target(%dma_start3A_252 : memref<32x128xf32, #tpu.memory_space<vmem>>) offsets(%dma_start3A_253 : memref<32xi32, #tpu.memory_space<vmem>>) semaphore(%arg17 : memref<!tpu.dma_semaphore, #tpu.memory_space<semaphore_mem>>)
      } else {
      }
    }
    %scan3A_48 = arith.constant 108 : i32
    %dma_wait3A = arith.constant 0 : i32
    %dma_wait3A_49 = arith.constant 0 : i32
    %dma_wait3A_50 = arith.constant 0 : i32
    %dma_wait3A_51 = tpu.memref_slice %arg10[%dma_wait3A, %dma_wait3A_49, %dma_wait3A_50] : memref<3x32x128xf32, #tpu.memory_space<vmem>> -> memref<1x32x128xf32, #tpu.memory_space<vmem>>
    %dma_wait3A_52 = tpu.memref_squeeze %dma_wait3A_51 : memref<1x32x128xf32, #tpu.memory_space<vmem>> -> memref<32x128xf32, #tpu.memory_space<vmem>>
    %dma_wait3A_53 = arith.constant 10272 : i32
    %dma_wait3A_54 = tpu.memref_slice %arg9[%dma_wait3A_53] : memref<10368xi32, #tpu.memory_space<vmem>> -> memref<32xi32, #tpu.memory_space<vmem>>
    %dma_wait3A_55 = arith.constant 0 : i32
    %dma_wait3A_56 = arith.constant 0 : i32
    %dma_wait3A_57 = tpu.memref_slice %arg12[%dma_wait3A_55, %dma_wait3A_56] : memref<10240x128xf32, #tpu.memory_space<vmem_shared>> -> memref<10240x128xf32, #tpu.memory_space<vmem_shared>>
    tpu.wait_indirect_dma semaphore(%arg19 : memref<!tpu.dma_semaphore, #tpu.memory_space<semaphore_mem>>) src(%dma_wait3A_52 : memref<32x128xf32, #tpu.memory_space<vmem>>) dst(%dma_wait3A_57 : memref<10240x128xf32, #tpu.memory_space<vmem_shared>>)
    %dma_wait3A_58 = arith.constant 1 : i32
    %dma_wait3A_59 = arith.constant 0 : i32
    %dma_wait3A_60 = arith.constant 0 : i32
    %dma_wait3A_61 = tpu.memref_slice %arg10[%dma_wait3A_58, %dma_wait3A_59, %dma_wait3A_60] : memref<3x32x128xf32, #tpu.memory_space<vmem>> -> memref<1x32x128xf32, #tpu.memory_space<vmem>>
    %dma_wait3A_62 = tpu.memref_squeeze %dma_wait3A_61 : memref<1x32x128xf32, #tpu.memory_space<vmem>> -> memref<32x128xf32, #tpu.memory_space<vmem>>
    %dma_wait3A_63 = arith.constant 10304 : i32
    %dma_wait3A_64 = tpu.memref_slice %arg9[%dma_wait3A_63] : memref<10368xi32, #tpu.memory_space<vmem>> -> memref<32xi32, #tpu.memory_space<vmem>>
    %dma_wait3A_65 = arith.constant 0 : i32
    %dma_wait3A_66 = arith.constant 0 : i32
    %dma_wait3A_67 = tpu.memref_slice %arg12[%dma_wait3A_65, %dma_wait3A_66] : memref<10240x128xf32, #tpu.memory_space<vmem_shared>> -> memref<10240x128xf32, #tpu.memory_space<vmem_shared>>
    tpu.wait_indirect_dma semaphore(%arg20 : memref<!tpu.dma_semaphore, #tpu.memory_space<semaphore_mem>>) src(%dma_wait3A_62 : memref<32x128xf32, #tpu.memory_space<vmem>>) dst(%dma_wait3A_67 : memref<10240x128xf32, #tpu.memory_space<vmem_shared>>)
    %dma_wait3A_68 = arith.constant 2 : i32
    %dma_wait3A_69 = arith.constant 0 : i32
    %dma_wait3A_70 = arith.constant 0 : i32
    %dma_wait3A_71 = tpu.memref_slice %arg10[%dma_wait3A_68, %dma_wait3A_69, %dma_wait3A_70] : memref<3x32x128xf32, #tpu.memory_space<vmem>> -> memref<1x32x128xf32, #tpu.memory_space<vmem>>
    %dma_wait3A_72 = tpu.memref_squeeze %dma_wait3A_71 : memref<1x32x128xf32, #tpu.memory_space<vmem>> -> memref<32x128xf32, #tpu.memory_space<vmem>>
    %dma_wait3A_73 = arith.constant 10336 : i32
    %dma_wait3A_74 = tpu.memref_slice %arg9[%dma_wait3A_73] : memref<10368xi32, #tpu.memory_space<vmem>> -> memref<32xi32, #tpu.memory_space<vmem>>
    %dma_wait3A_75 = arith.constant 0 : i32
    %dma_wait3A_76 = arith.constant 0 : i32
    %dma_wait3A_77 = tpu.memref_slice %arg12[%dma_wait3A_75, %dma_wait3A_76] : memref<10240x128xf32, #tpu.memory_space<vmem_shared>> -> memref<10240x128xf32, #tpu.memory_space<vmem_shared>>
    tpu.wait_indirect_dma semaphore(%arg21 : memref<!tpu.dma_semaphore, #tpu.memory_space<semaphore_mem>>) src(%dma_wait3A_72 : memref<32x128xf32, #tpu.memory_space<vmem>>) dst(%dma_wait3A_77 : memref<10240x128xf32, #tpu.memory_space<vmem_shared>>)
    %barrier3A_78 = arith.constant 0 : index
    tpu.barrier barrier_id(%barrier3A_78)
    %mul3A_79 = arith.constant 640 : i32
    %mul3A_80 = arith.muli %arg1, %mul3A_79 : i32
    "tpu.region"() ({
      %run_scoped3A = tpu.sem_alloc : memref<!tpu.dma_semaphore, #tpu.memory_space<semaphore_mem>>
      %dma_start3A_81 = arith.constant 0 : i32
      %dma_start3A_82 = tpu.memref_slice %arg7[%arg0, %mul3A_80, %dma_start3A_81] : memref<2x10240x128xf32, #tpu.memory_space<hbm>> -> memref<1x640x128xf32, #tpu.memory_space<hbm>>
      %dma_start3A_83 = tpu.memref_squeeze %dma_start3A_82 : memref<1x640x128xf32, #tpu.memory_space<hbm>> -> memref<640x128xf32, #tpu.memory_space<hbm>>
      %dma_start3A_84 = arith.constant 0 : i32
      %dma_start3A_85 = tpu.memref_slice %arg12[%mul3A_80, %dma_start3A_84] : memref<10240x128xf32, #tpu.memory_space<vmem_shared>> -> memref<640x128xf32, #tpu.memory_space<vmem_shared>>
      tpu.enqueue_dma source(%dma_start3A_85 : memref<640x128xf32, #tpu.memory_space<vmem_shared>>) target(%dma_start3A_83 : memref<640x128xf32, #tpu.memory_space<hbm>>) target_semaphore(%run_scoped3A : memref<!tpu.dma_semaphore, #tpu.memory_space<semaphore_mem>>)
      %dma_wait3A_86 = arith.constant 0 : i32
      %dma_wait3A_87 = tpu.memref_slice %arg7[%arg0, %mul3A_80, %dma_wait3A_86] : memref<2x10240x128xf32, #tpu.memory_space<hbm>> -> memref<1x640x128xf32, #tpu.memory_space<hbm>>
      %dma_wait3A_88 = tpu.memref_squeeze %dma_wait3A_87 : memref<1x640x128xf32, #tpu.memory_space<hbm>> -> memref<640x128xf32, #tpu.memory_space<hbm>>
      %dma_wait3A_89 = arith.constant 0 : i32
      %dma_wait3A_90 = tpu.memref_slice %arg12[%mul3A_80, %dma_wait3A_89] : memref<10240x128xf32, #tpu.memory_space<vmem_shared>> -> memref<640x128xf32, #tpu.memory_space<vmem_shared>>
      tpu.wait_dma2 semaphore(%run_scoped3A : memref<!tpu.dma_semaphore, #tpu.memory_space<semaphore_mem>>) src(%dma_wait3A_90 : memref<640x128xf32, #tpu.memory_space<vmem_shared>>) dst(%dma_wait3A_88 : memref<640x128xf32, #tpu.memory_space<hbm>>)
      tpu.yield
    }) : () -> ()
    return
  }
}

module attributes {stable_mosaic.version = 14 : i64} {
  func.func @_tc_in_body(%arg0: i32, %arg1: memref<2048x128xf32, #tpu.memory_space<vmem>>, %arg2: memref<128x64xf32, #tpu.memory_space<vmem>>, %arg3: memref<64x2xf32, #tpu.memory_space<vmem>>, %arg4: memref<2048x128xf32, #tpu.memory_space<vmem>>, %arg5: memref<2048x128xf32, #tpu.memory_space<vmem>>) attributes {dimension_semantics = [#tpu.dimension_semantics<arbitrary>], iteration_bounds = array<i64: 5>, scalar_prefetch = 0 : i64, scratch_operands = 0 : i64, tpu.core_type = #tpu.core_type<tc>, window_params = [{transform_indices = @transform_0, window_bounds = array<i64: 2048, 128>}, {pipeline_mode = #tpu.pipeline_mode<synchronous>, transform_indices = @transform_1, window_bounds = array<i64: 128, 64>}, {pipeline_mode = #tpu.pipeline_mode<synchronous>, transform_indices = @transform_2, window_bounds = array<i64: 64, 2>}, {transform_indices = @transform_3, window_bounds = array<i64: 2048, 128>}, {transform_indices = @transform_4, window_bounds = array<i64: 2048, 128>}]} {
    %get3A = arith.constant 0 : index
    %get3A_0 = arith.constant 0 : index
    %get3A_1 = vector.load %arg1[%get3A, %get3A_0] : memref<2048x128xf32, #tpu.memory_space<vmem>>, vector<2048x128xf32>
    %get3A_2 = arith.constant 0 : index
    %get3A_3 = arith.constant 0 : index
    %get3A_4 = vector.load %arg2[%get3A_2, %get3A_3] : memref<128x64xf32, #tpu.memory_space<vmem>>, vector<128x64xf32>
    %dot_general3A = arith.constant dense<0.000000e+00> : vector<2048x64xf32>
    %dot_general3A_5 = tpu.matmul %get3A_1, %get3A_4, %dot_general3A {dimension_numbers = #tpu.dot_dimension_numbers<[1], [0], [0], [1], [0, 0, 1, 1], [], []>, transpose_lhs_hint = false} : vector<2048x128xf32>, vector<128x64xf32>, vector<2048x64xf32> -> vector<2048x64xf32>
    %get3A_6 = arith.constant 0 : index
    %get3A_7 = arith.constant 0 : index
    %get3A_8 = vector.load %arg3[%get3A_6, %get3A_7] : memref<64x2xf32, #tpu.memory_space<vmem>>, vector<64x2xf32>
    %dot_general3A_9 = arith.constant dense<0.000000e+00> : vector<2048x2xf32>
    %dot_general3A_10 = tpu.matmul %dot_general3A_5, %get3A_8, %dot_general3A_9 {dimension_numbers = #tpu.dot_dimension_numbers<[1], [0], [0], [1], [0, 0, 1, 1], [], []>, transpose_lhs_hint = false} : vector<2048x64xf32>, vector<64x2xf32>, vector<2048x2xf32> -> vector<2048x2xf32>
    %slice3A = vector.extract_strided_slice %dot_general3A_10 {offsets = [0, 0], sizes = [2048, 1], strides = [1, 1]} : vector<2048x2xf32> to vector<2048x1xf32>
    %slice3A_11 = vector.extract_strided_slice %dot_general3A_10 {offsets = [0, 1], sizes = [2048, 1], strides = [1, 1]} : vector<2048x2xf32> to vector<2048x1xf32>
    %broadcast_in_dim3A = arith.constant 0.000000e+00 : f32
    %broadcast_in_dim3A_12 = vector.broadcast %broadcast_in_dim3A : f32 to vector<2048x63xf32>
    %concatenate3A = tpu.concatenate %dot_general3A_5, %slice3A, %broadcast_in_dim3A_12 in 1 : vector<2048x64xf32>, vector<2048x1xf32>, vector<2048x63xf32> -> vector<2048x128xf32>
    %broadcast_in_dim3A_13 = arith.constant -1.000000e+30 : f32
    %broadcast_in_dim3A_14 = vector.broadcast %broadcast_in_dim3A_13 : f32 to vector<2048x15xf32>
    %broadcast_in_dim3A_15 = arith.constant 0.000000e+00 : f32
    %broadcast_in_dim3A_16 = vector.broadcast %broadcast_in_dim3A_15 : f32 to vector<2048x112xf32>
    %concatenate3A_17 = tpu.concatenate %slice3A_11, %broadcast_in_dim3A_14, %broadcast_in_dim3A_16 in 1 : vector<2048x1xf32>, vector<2048x15xf32>, vector<2048x112xf32> -> vector<2048x128xf32>
    %swap3A = arith.constant 0 : index
    %swap3A_18 = arith.constant 0 : index
    %swap3A_19 = vector.load %arg4[%swap3A, %swap3A_18] : memref<2048x128xf32, #tpu.memory_space<vmem>>, vector<2048x128xf32>
    tpu.vector_store %arg4[%swap3A, %swap3A_18], %concatenate3A {strides = array<i32>} : memref<2048x128xf32, #tpu.memory_space<vmem>>, vector<2048x128xf32>,
    %swap3A_20 = arith.constant 0 : index
    %swap3A_21 = arith.constant 0 : index
    %swap3A_22 = vector.load %arg5[%swap3A_20, %swap3A_21] : memref<2048x128xf32, #tpu.memory_space<vmem>>, vector<2048x128xf32>
    tpu.vector_store %arg5[%swap3A_20, %swap3A_21], %concatenate3A_17 {strides = array<i32>} : memref<2048x128xf32, #tpu.memory_space<vmem>>, vector<2048x128xf32>,
    return
  }
  func.func @transform_0(%arg0: i32) -> (i32, i32) {
    %c0_i32 = arith.constant 0 : i32
    %c0_i32_0 = arith.constant 0 : i32
    return %arg0, %c0_i32 : i32, i32
  }
  func.func @transform_1(%arg0: i32) -> (i32, i32) {
    %c0_i32 = arith.constant 0 : i32
    %c0_i32_0 = arith.constant 0 : i32
    %c0_i32_1 = arith.constant 0 : i32
    return %c0_i32, %c0_i32_0 : i32, i32
  }
  func.func @transform_2(%arg0: i32) -> (i32, i32) {
    %c0_i32 = arith.constant 0 : i32
    %c0_i32_0 = arith.constant 0 : i32
    %c0_i32_1 = arith.constant 0 : i32
    return %c0_i32, %c0_i32_0 : i32, i32
  }
  func.func @transform_3(%arg0: i32) -> (i32, i32) {
    %c0_i32 = arith.constant 0 : i32
    %c0_i32_0 = arith.constant 0 : i32
    return %arg0, %c0_i32 : i32, i32
  }
  func.func @transform_4(%arg0: i32) -> (i32, i32) {
    %c0_i32 = arith.constant 0 : i32
    %c0_i32_0 = arith.constant 0 : i32
    return %arg0, %c0_i32 : i32, i32
  }
}

module attributes {stable_mosaic.version = 14 : i64} {
  func.func @_tc_mid_body(%arg0: i32, %arg1: memref<2x2048x128xf32, #tpu.memory_space<vmem>>, %arg2: memref<64x64xf32, #tpu.memory_space<vmem>>, %arg3: memref<64x2xf32, #tpu.memory_space<vmem>>, %arg4: memref<1x64xf32, #tpu.memory_space<vmem>>, %arg5: memref<2048x128xf32, #tpu.memory_space<vmem>>, %arg6: memref<2048x128xf32, #tpu.memory_space<vmem>>) attributes {dimension_semantics = [#tpu.dimension_semantics<arbitrary>], iteration_bounds = array<i64: 5>, scalar_prefetch = 0 : i64, scratch_operands = 0 : i64, tpu.core_type = #tpu.core_type<tc>, window_params = [{transform_indices = @transform_0, window_bounds = array<i64: 2, 2048, 128>}, {pipeline_mode = #tpu.pipeline_mode<synchronous>, transform_indices = @transform_1, window_bounds = array<i64: 64, 64>}, {pipeline_mode = #tpu.pipeline_mode<synchronous>, transform_indices = @transform_2, window_bounds = array<i64: 64, 2>}, {pipeline_mode = #tpu.pipeline_mode<synchronous>, transform_indices = @transform_3, window_bounds = array<i64: 1, 64>}, {transform_indices = @transform_4, window_bounds = array<i64: 2048, 128>}, {transform_indices = @transform_5, window_bounds = array<i64: 2048, 128>}]} {
    %get3A = arith.constant 0 : index
    %get3A_0 = arith.constant 0 : index
    %get3A_1 = arith.constant 0 : index
    %get3A_2 = vector.load %arg1[%get3A, %get3A_0, %get3A_1] : memref<2x2048x128xf32, #tpu.memory_space<vmem>>, vector<2x2048x128xf32>
    %slice3A = vector.extract_strided_slice %get3A_2 {offsets = [0, 0, 0], sizes = [1, 2048, 64], strides = [1, 1, 1]} : vector<2x2048x128xf32> to vector<1x2048x64xf32>
    %squeeze3A = vector.shape_cast %slice3A : vector<1x2048x64xf32> to vector<2048x64xf32>
    %slice3A_3 = vector.extract_strided_slice %get3A_2 {offsets = [1, 0, 0], sizes = [1, 2048, 64], strides = [1, 1, 1]} : vector<2x2048x128xf32> to vector<1x2048x64xf32>
    %squeeze3A_4 = vector.shape_cast %slice3A_3 : vector<1x2048x64xf32> to vector<2048x64xf32>
    %add3A = arith.addf %squeeze3A, %squeeze3A_4 : vector<2048x64xf32>
    %slice3A_5 = vector.extract_strided_slice %get3A_2 {offsets = [0, 0, 64], sizes = [1, 2048, 1], strides = [1, 1, 1]} : vector<2x2048x128xf32> to vector<1x2048x1xf32>
    %squeeze3A_6 = vector.shape_cast %slice3A_5 : vector<1x2048x1xf32> to vector<2048xf32>
    %slice3A_7 = vector.extract_strided_slice %get3A_2 {offsets = [1, 0, 64], sizes = [1, 2048, 1], strides = [1, 1, 1]} : vector<2x2048x128xf32> to vector<1x2048x1xf32>
    %squeeze3A_8 = vector.shape_cast %slice3A_7 : vector<1x2048x1xf32> to vector<2048xf32>
    %add3A_9 = arith.addf %squeeze3A_6, %squeeze3A_8 : vector<2048xf32>
    %add3A_10 = arith.constant 1.000000e-16 : f32
    %add3A_11 = vector.broadcast %add3A_10 : f32 to vector<2048xf32>
    %add3A_12 = arith.addf %add3A_9, %add3A_11 : vector<2048xf32>
    %broadcast_in_dim3A = vector.shape_cast %add3A_12 : vector<2048xf32> to vector<2048x1xf32>
    %div3A = vector.broadcast %broadcast_in_dim3A : vector<2048x1xf32> to vector<2048x64xf32>
    %div3A_13 = arith.divf %add3A, %div3A : vector<2048x64xf32>
    %get3A_14 = arith.constant 0 : index
    %get3A_15 = arith.constant 0 : index
    %get3A_16 = vector.load %arg4[%get3A_14, %get3A_15] : memref<1x64xf32, #tpu.memory_space<vmem>>, vector<1x64xf32>
    %add3A_17 = vector.broadcast %get3A_16 : vector<1x64xf32> to vector<2048x64xf32>
    %add3A_18 = arith.addf %div3A_13, %add3A_17 : vector<2048x64xf32>
    %gt3A = arith.constant 0.000000e+00 : f32
    %gt3A_19 = vector.broadcast %gt3A : f32 to vector<2048x64xf32>
    %gt3A_20 = arith.cmpf ogt, %add3A_18, %gt3A_19 : vector<2048x64xf32>
    %min3A = arith.constant 0.000000e+00 : f32
    %min3A_21 = vector.broadcast %min3A : f32 to vector<2048x64xf32>
    %min3A_22 = arith.minimumf %add3A_18, %min3A_21 : vector<2048x64xf32>
    %exp3A = math.exp %min3A_22 : vector<2048x64xf32>
    %sub3A = arith.constant 1.000000e+00 : f32
    %sub3A_23 = vector.broadcast %sub3A : f32 to vector<2048x64xf32>
    %sub3A_24 = arith.subf %exp3A, %sub3A_23 : vector<2048x64xf32>
    %select_n3A = arith.select %gt3A_20, %add3A_18, %sub3A_24 : vector<2048x64xi1>, vector<2048x64xf32>
    %get3A_25 = arith.constant 0 : index
    %get3A_26 = arith.constant 0 : index
    %get3A_27 = vector.load %arg2[%get3A_25, %get3A_26] : memref<64x64xf32, #tpu.memory_space<vmem>>, vector<64x64xf32>
    %dot_general3A = arith.constant dense<0.000000e+00> : vector<2048x64xf32>
    %dot_general3A_28 = tpu.matmul %select_n3A, %get3A_27, %dot_general3A {dimension_numbers = #tpu.dot_dimension_numbers<[1], [0], [0], [1], [0, 0, 1, 1], [], []>, transpose_lhs_hint = false} : vector<2048x64xf32>, vector<64x64xf32>, vector<2048x64xf32> -> vector<2048x64xf32>
    %get3A_29 = arith.constant 0 : index
    %get3A_30 = arith.constant 0 : index
    %get3A_31 = vector.load %arg3[%get3A_29, %get3A_30] : memref<64x2xf32, #tpu.memory_space<vmem>>, vector<64x2xf32>
    %dot_general3A_32 = arith.constant dense<0.000000e+00> : vector<2048x2xf32>
    %dot_general3A_33 = tpu.matmul %dot_general3A_28, %get3A_31, %dot_general3A_32 {dimension_numbers = #tpu.dot_dimension_numbers<[1], [0], [0], [1], [0, 0, 1, 1], [], []>, transpose_lhs_hint = false} : vector<2048x64xf32>, vector<64x2xf32>, vector<2048x2xf32> -> vector<2048x2xf32>
    %slice3A_34 = vector.extract_strided_slice %dot_general3A_33 {offsets = [0, 0], sizes = [2048, 1], strides = [1, 1]} : vector<2048x2xf32> to vector<2048x1xf32>
    %slice3A_35 = vector.extract_strided_slice %dot_general3A_33 {offsets = [0, 1], sizes = [2048, 1], strides = [1, 1]} : vector<2048x2xf32> to vector<2048x1xf32>
    %broadcast_in_dim3A_36 = arith.constant 0.000000e+00 : f32
    %broadcast_in_dim3A_37 = vector.broadcast %broadcast_in_dim3A_36 : f32 to vector<2048x63xf32>
    %concatenate3A = tpu.concatenate %dot_general3A_28, %slice3A_34, %broadcast_in_dim3A_37 in 1 : vector<2048x64xf32>, vector<2048x1xf32>, vector<2048x63xf32> -> vector<2048x128xf32>
    %broadcast_in_dim3A_38 = arith.constant -1.000000e+30 : f32
    %broadcast_in_dim3A_39 = vector.broadcast %broadcast_in_dim3A_38 : f32 to vector<2048x15xf32>
    %broadcast_in_dim3A_40 = arith.constant 0.000000e+00 : f32
    %broadcast_in_dim3A_41 = vector.broadcast %broadcast_in_dim3A_40 : f32 to vector<2048x112xf32>
    %concatenate3A_42 = tpu.concatenate %slice3A_35, %broadcast_in_dim3A_39, %broadcast_in_dim3A_41 in 1 : vector<2048x1xf32>, vector<2048x15xf32>, vector<2048x112xf32> -> vector<2048x128xf32>
    %swap3A = arith.constant 0 : index
    %swap3A_43 = arith.constant 0 : index
    %swap3A_44 = vector.load %arg5[%swap3A, %swap3A_43] : memref<2048x128xf32, #tpu.memory_space<vmem>>, vector<2048x128xf32>
    tpu.vector_store %arg5[%swap3A, %swap3A_43], %concatenate3A {strides = array<i32>} : memref<2048x128xf32, #tpu.memory_space<vmem>>, vector<2048x128xf32>,
    %swap3A_45 = arith.constant 0 : index
    %swap3A_46 = arith.constant 0 : index
    %swap3A_47 = vector.load %arg6[%swap3A_45, %swap3A_46] : memref<2048x128xf32, #tpu.memory_space<vmem>>, vector<2048x128xf32>
    tpu.vector_store %arg6[%swap3A_45, %swap3A_46], %concatenate3A_42 {strides = array<i32>} : memref<2048x128xf32, #tpu.memory_space<vmem>>, vector<2048x128xf32>,
    return
  }
  func.func @transform_0(%arg0: i32) -> (i32, i32, i32) {
    %c0_i32 = arith.constant 0 : i32
    %c0_i32_0 = arith.constant 0 : i32
    %c0_i32_1 = arith.constant 0 : i32
    return %c0_i32, %arg0, %c0_i32_0 : i32, i32, i32
  }
  func.func @transform_1(%arg0: i32) -> (i32, i32) {
    %c0_i32 = arith.constant 0 : i32
    %c0_i32_0 = arith.constant 0 : i32
    %c0_i32_1 = arith.constant 0 : i32
    return %c0_i32, %c0_i32_0 : i32, i32
  }
  func.func @transform_2(%arg0: i32) -> (i32, i32) {
    %c0_i32 = arith.constant 0 : i32
    %c0_i32_0 = arith.constant 0 : i32
    %c0_i32_1 = arith.constant 0 : i32
    return %c0_i32, %c0_i32_0 : i32, i32
  }
  func.func @transform_3(%arg0: i32) -> (i32, i32) {
    %c0_i32 = arith.constant 0 : i32
    %c0_i32_0 = arith.constant 0 : i32
    %c0_i32_1 = arith.constant 0 : i32
    return %c0_i32, %c0_i32_0 : i32, i32
  }
  func.func @transform_4(%arg0: i32) -> (i32, i32) {
    %c0_i32 = arith.constant 0 : i32
    %c0_i32_0 = arith.constant 0 : i32
    return %arg0, %c0_i32 : i32, i32
  }
  func.func @transform_5(%arg0: i32) -> (i32, i32) {
    %c0_i32 = arith.constant 0 : i32
    %c0_i32_0 = arith.constant 0 : i32
    return %arg0, %c0_i32 : i32, i32
  }
}

module attributes {stable_mosaic.version = 14 : i64} {
  func.func @_tc3_body(%arg0: i32, %arg1: memref<2x2048x128xf32, #tpu.memory_space<vmem>>, %arg2: memref<64x1xf32, #tpu.memory_space<vmem>>, %arg3: memref<1x2xf32, #tpu.memory_space<vmem>>, %arg4: memref<1x64xf32, #tpu.memory_space<vmem>>, %arg5: memref<2048x128xf32, #tpu.memory_space<vmem>>, %arg6: memref<2048x128xf32, #tpu.memory_space<vmem>>) attributes {dimension_semantics = [#tpu.dimension_semantics<arbitrary>], iteration_bounds = array<i64: 5>, scalar_prefetch = 0 : i64, scratch_operands = 0 : i64, tpu.core_type = #tpu.core_type<tc>, window_params = [{transform_indices = @transform_0, window_bounds = array<i64: 2, 2048, 128>}, {pipeline_mode = #tpu.pipeline_mode<synchronous>, transform_indices = @transform_1, window_bounds = array<i64: 64, 1>}, {pipeline_mode = #tpu.pipeline_mode<synchronous>, transform_indices = @transform_2, window_bounds = array<i64: 1, 2>}, {pipeline_mode = #tpu.pipeline_mode<synchronous>, transform_indices = @transform_3, window_bounds = array<i64: 1, 64>}, {transform_indices = @transform_4, window_bounds = array<i64: 2048, 128>}, {transform_indices = @transform_5, window_bounds = array<i64: 2048, 128>}]} {
    %get3A = arith.constant 0 : index
    %get3A_0 = arith.constant 0 : index
    %get3A_1 = arith.constant 0 : index
    %get3A_2 = vector.load %arg1[%get3A, %get3A_0, %get3A_1] : memref<2x2048x128xf32, #tpu.memory_space<vmem>>, vector<2x2048x128xf32>
    %slice3A = vector.extract_strided_slice %get3A_2 {offsets = [0, 0, 0], sizes = [1, 2048, 64], strides = [1, 1, 1]} : vector<2x2048x128xf32> to vector<1x2048x64xf32>
    %squeeze3A = vector.shape_cast %slice3A : vector<1x2048x64xf32> to vector<2048x64xf32>
    %slice3A_3 = vector.extract_strided_slice %get3A_2 {offsets = [1, 0, 0], sizes = [1, 2048, 64], strides = [1, 1, 1]} : vector<2x2048x128xf32> to vector<1x2048x64xf32>
    %squeeze3A_4 = vector.shape_cast %slice3A_3 : vector<1x2048x64xf32> to vector<2048x64xf32>
    %add3A = arith.addf %squeeze3A, %squeeze3A_4 : vector<2048x64xf32>
    %slice3A_5 = vector.extract_strided_slice %get3A_2 {offsets = [0, 0, 64], sizes = [1, 2048, 1], strides = [1, 1, 1]} : vector<2x2048x128xf32> to vector<1x2048x1xf32>
    %squeeze3A_6 = vector.shape_cast %slice3A_5 : vector<1x2048x1xf32> to vector<2048xf32>
    %slice3A_7 = vector.extract_strided_slice %get3A_2 {offsets = [1, 0, 64], sizes = [1, 2048, 1], strides = [1, 1, 1]} : vector<2x2048x128xf32> to vector<1x2048x1xf32>
    %squeeze3A_8 = vector.shape_cast %slice3A_7 : vector<1x2048x1xf32> to vector<2048xf32>
    %add3A_9 = arith.addf %squeeze3A_6, %squeeze3A_8 : vector<2048xf32>
    %add3A_10 = arith.constant 1.000000e-16 : f32
    %add3A_11 = vector.broadcast %add3A_10 : f32 to vector<2048xf32>
    %add3A_12 = arith.addf %add3A_9, %add3A_11 : vector<2048xf32>
    %broadcast_in_dim3A = vector.shape_cast %add3A_12 : vector<2048xf32> to vector<2048x1xf32>
    %div3A = vector.broadcast %broadcast_in_dim3A : vector<2048x1xf32> to vector<2048x64xf32>
    %div3A_13 = arith.divf %add3A, %div3A : vector<2048x64xf32>
    %get3A_14 = arith.constant 0 : index
    %get3A_15 = arith.constant 0 : index
    %get3A_16 = vector.load %arg4[%get3A_14, %get3A_15] : memref<1x64xf32, #tpu.memory_space<vmem>>, vector<1x64xf32>
    %add3A_17 = vector.broadcast %get3A_16 : vector<1x64xf32> to vector<2048x64xf32>
    %add3A_18 = arith.addf %div3A_13, %add3A_17 : vector<2048x64xf32>
    %gt3A = arith.constant 0.000000e+00 : f32
    %gt3A_19 = vector.broadcast %gt3A : f32 to vector<2048x64xf32>
    %gt3A_20 = arith.cmpf ogt, %add3A_18, %gt3A_19 : vector<2048x64xf32>
    %min3A = arith.constant 0.000000e+00 : f32
    %min3A_21 = vector.broadcast %min3A : f32 to vector<2048x64xf32>
    %min3A_22 = arith.minimumf %add3A_18, %min3A_21 : vector<2048x64xf32>
    %exp3A = math.exp %min3A_22 : vector<2048x64xf32>
    %sub3A = arith.constant 1.000000e+00 : f32
    %sub3A_23 = vector.broadcast %sub3A : f32 to vector<2048x64xf32>
    %sub3A_24 = arith.subf %exp3A, %sub3A_23 : vector<2048x64xf32>
    %select_n3A = arith.select %gt3A_20, %add3A_18, %sub3A_24 : vector<2048x64xi1>, vector<2048x64xf32>
    %get3A_25 = arith.constant 0 : index
    %get3A_26 = arith.constant 0 : index
    %get3A_27 = vector.load %arg2[%get3A_25, %get3A_26] : memref<64x1xf32, #tpu.memory_space<vmem>>, vector<64x1xf32>
    %dot_general3A = arith.constant dense<0.000000e+00> : vector<2048x1xf32>
    %dot_general3A_28 = tpu.matmul %select_n3A, %get3A_27, %dot_general3A {dimension_numbers = #tpu.dot_dimension_numbers<[1], [0], [0], [1], [0, 0, 1, 1], [], []>, transpose_lhs_hint = false} : vector<2048x64xf32>, vector<64x1xf32>, vector<2048x1xf32> -> vector<2048x1xf32>
    %get3A_29 = arith.constant 0 : index
    %get3A_30 = arith.constant 0 : index
    %get3A_31 = vector.load %arg3[%get3A_29, %get3A_30] : memref<1x2xf32, #tpu.memory_space<vmem>>, vector<1x2xf32>
    %dot_general3A_32 = arith.constant dense<0.000000e+00> : vector<2048x2xf32>
    %dot_general3A_33 = tpu.matmul %dot_general3A_28, %get3A_31, %dot_general3A_32 {dimension_numbers = #tpu.dot_dimension_numbers<[1], [0], [0], [1], [0, 0, 1, 1], [], []>, transpose_lhs_hint = false} : vector<2048x1xf32>, vector<1x2xf32>, vector<2048x2xf32> -> vector<2048x2xf32>
    %slice3A_34 = vector.extract_strided_slice %dot_general3A_33 {offsets = [0, 0], sizes = [2048, 1], strides = [1, 1]} : vector<2048x2xf32> to vector<2048x1xf32>
    %broadcast_in_dim3A_35 = arith.constant 0.000000e+00 : f32
    %broadcast_in_dim3A_36 = vector.broadcast %broadcast_in_dim3A_35 : f32 to vector<2048x126xf32>
    %concatenate3A = tpu.concatenate %slice3A_34, %dot_general3A_28, %broadcast_in_dim3A_36 in 1 : vector<2048x1xf32>, vector<2048x1xf32>, vector<2048x126xf32> -> vector<2048x128xf32>
    %swap3A = arith.constant 0 : index
    %swap3A_37 = arith.constant 0 : index
    %swap3A_38 = vector.load %arg5[%swap3A, %swap3A_37] : memref<2048x128xf32, #tpu.memory_space<vmem>>, vector<2048x128xf32>
    tpu.vector_store %arg5[%swap3A, %swap3A_37], %concatenate3A {strides = array<i32>} : memref<2048x128xf32, #tpu.memory_space<vmem>>, vector<2048x128xf32>,
    %slice3A_39 = vector.extract_strided_slice %dot_general3A_33 {offsets = [0, 1], sizes = [2048, 1], strides = [1, 1]} : vector<2048x2xf32> to vector<2048x1xf32>
    %broadcast_in_dim3A_40 = arith.constant -1.000000e+30 : f32
    %broadcast_in_dim3A_41 = vector.broadcast %broadcast_in_dim3A_40 : f32 to vector<2048x15xf32>
    %broadcast_in_dim3A_42 = arith.constant 0.000000e+00 : f32
    %broadcast_in_dim3A_43 = vector.broadcast %broadcast_in_dim3A_42 : f32 to vector<2048x112xf32>
    %concatenate3A_44 = tpu.concatenate %slice3A_39, %broadcast_in_dim3A_41, %broadcast_in_dim3A_43 in 1 : vector<2048x1xf32>, vector<2048x15xf32>, vector<2048x112xf32> -> vector<2048x128xf32>
    %swap3A_45 = arith.constant 0 : index
    %swap3A_46 = arith.constant 0 : index
    %swap3A_47 = vector.load %arg6[%swap3A_45, %swap3A_46] : memref<2048x128xf32, #tpu.memory_space<vmem>>, vector<2048x128xf32>
    tpu.vector_store %arg6[%swap3A_45, %swap3A_46], %concatenate3A_44 {strides = array<i32>} : memref<2048x128xf32, #tpu.memory_space<vmem>>, vector<2048x128xf32>,
    return
  }
  func.func @transform_0(%arg0: i32) -> (i32, i32, i32) {
    %c0_i32 = arith.constant 0 : i32
    %c0_i32_0 = arith.constant 0 : i32
    %c0_i32_1 = arith.constant 0 : i32
    return %c0_i32, %arg0, %c0_i32_0 : i32, i32, i32
  }
  func.func @transform_1(%arg0: i32) -> (i32, i32) {
    %c0_i32 = arith.constant 0 : i32
    %c0_i32_0 = arith.constant 0 : i32
    %c0_i32_1 = arith.constant 0 : i32
    return %c0_i32, %c0_i32_0 : i32, i32
  }
  func.func @transform_2(%arg0: i32) -> (i32, i32) {
    %c0_i32 = arith.constant 0 : i32
    %c0_i32_0 = arith.constant 0 : i32
    %c0_i32_1 = arith.constant 0 : i32
    return %c0_i32, %c0_i32_0 : i32, i32
  }
  func.func @transform_3(%arg0: i32) -> (i32, i32) {
    %c0_i32 = arith.constant 0 : i32
    %c0_i32_0 = arith.constant 0 : i32
    %c0_i32_1 = arith.constant 0 : i32
    return %c0_i32, %c0_i32_0 : i32, i32
  }
  func.func @transform_4(%arg0: i32) -> (i32, i32) {
    %c0_i32 = arith.constant 0 : i32
    %c0_i32_0 = arith.constant 0 : i32
    return %arg0, %c0_i32 : i32, i32
  }
  func.func @transform_5(%arg0: i32) -> (i32, i32) {
    %c0_i32 = arith.constant 0 : i32
    %c0_i32_0 = arith.constant 0 : i32
    return %arg0, %c0_i32 : i32, i32
  }
}

module attributes {stable_mosaic.version = 14 : i64} {
  func.func @_tc_out_body(%arg0: i32, %arg1: memref<2x2048x128xf32, #tpu.memory_space<vmem>>, %arg2: memref<1x1xf32, #tpu.memory_space<vmem>>, %arg3: memref<2048x1xf32, #tpu.memory_space<vmem>>) attributes {dimension_semantics = [#tpu.dimension_semantics<arbitrary>], iteration_bounds = array<i64: 5>, scalar_prefetch = 0 : i64, scratch_operands = 0 : i64, tpu.core_type = #tpu.core_type<tc>, window_params = [{transform_indices = @transform_0, window_bounds = array<i64: 2, 2048, 128>}, {pipeline_mode = #tpu.pipeline_mode<synchronous>, transform_indices = @transform_1, window_bounds = array<i64: 1, 1>}, {transform_indices = @transform_2, window_bounds = array<i64: 2048, 1>}]} {
    %get3A = arith.constant 0 : index
    %get3A_0 = arith.constant 0 : index
    %get3A_1 = arith.constant 0 : index
    %get3A_2 = vector.load %arg1[%get3A, %get3A_0, %get3A_1] : memref<2x2048x128xf32, #tpu.memory_space<vmem>>, vector<2x2048x128xf32>
    %slice3A = vector.extract_strided_slice %get3A_2 {offsets = [0, 0, 0], sizes = [1, 2048, 1], strides = [1, 1, 1]} : vector<2x2048x128xf32> to vector<1x2048x1xf32>
    %squeeze3A = vector.shape_cast %slice3A : vector<1x2048x1xf32> to vector<2048xf32>
    %slice3A_3 = vector.extract_strided_slice %get3A_2 {offsets = [1, 0, 0], sizes = [1, 2048, 1], strides = [1, 1, 1]} : vector<2x2048x128xf32> to vector<1x2048x1xf32>
    %squeeze3A_4 = vector.shape_cast %slice3A_3 : vector<1x2048x1xf32> to vector<2048xf32>
    %add3A = arith.addf %squeeze3A, %squeeze3A_4 : vector<2048xf32>
    %slice3A_5 = vector.extract_strided_slice %get3A_2 {offsets = [0, 0, 1], sizes = [1, 2048, 1], strides = [1, 1, 1]} : vector<2x2048x128xf32> to vector<1x2048x1xf32>
    %squeeze3A_6 = vector.shape_cast %slice3A_5 : vector<1x2048x1xf32> to vector<2048xf32>
    %slice3A_7 = vector.extract_strided_slice %get3A_2 {offsets = [1, 0, 1], sizes = [1, 2048, 1], strides = [1, 1, 1]} : vector<2x2048x128xf32> to vector<1x2048x1xf32>
    %squeeze3A_8 = vector.shape_cast %slice3A_7 : vector<1x2048x1xf32> to vector<2048xf32>
    %add3A_9 = arith.addf %squeeze3A_6, %squeeze3A_8 : vector<2048xf32>
    %add3A_10 = arith.constant 1.000000e-16 : f32
    %add3A_11 = vector.broadcast %add3A_10 : f32 to vector<2048xf32>
    %add3A_12 = arith.addf %add3A_9, %add3A_11 : vector<2048xf32>
    %div3A = arith.divf %add3A, %add3A_12 : vector<2048xf32>
    %get3A_13 = arith.constant 0 : index
    %get3A_14 = arith.constant 0 : index
    %get3A_15 = vector.load %arg2[%get3A_13, %get3A_14] : memref<1x1xf32, #tpu.memory_space<vmem>>, vector<1x1xf32>
    %get3A_16 = vector.extract %get3A_15[0, 0] : f32 from vector<1x1xf32>
    %add3A_17 = vector.broadcast %get3A_16 : f32 to vector<2048xf32>
    %add3A_18 = arith.addf %div3A, %add3A_17 : vector<2048xf32>
    %broadcast_in_dim3A = vector.shape_cast %add3A_18 : vector<2048xf32> to vector<2048x1xf32>
    %swap3A = arith.constant 0 : index
    %swap3A_19 = arith.constant 0 : index
    %swap3A_20 = vector.load %arg3[%swap3A, %swap3A_19] : memref<2048x1xf32, #tpu.memory_space<vmem>>, vector<2048x1xf32>
    tpu.vector_store %arg3[%swap3A, %swap3A_19], %broadcast_in_dim3A {strides = array<i32>} : memref<2048x1xf32, #tpu.memory_space<vmem>>, vector<2048x1xf32>,
    return
  }
  func.func @transform_0(%arg0: i32) -> (i32, i32, i32) {
    %c0_i32 = arith.constant 0 : i32
    %c0_i32_0 = arith.constant 0 : i32
    %c0_i32_1 = arith.constant 0 : i32
    return %c0_i32, %arg0, %c0_i32_0 : i32, i32, i32
  }
  func.func @transform_1(%arg0: i32) -> (i32, i32) {
    %c0_i32 = arith.constant 0 : i32
    %c0_i32_0 = arith.constant 0 : i32
    %c0_i32_1 = arith.constant 0 : i32
    return %c0_i32, %c0_i32_0 : i32, i32
  }
  func.func @transform_2(%arg0: i32) -> (i32, i32) {
    %c0_i32 = arith.constant 0 : i32
    %c0_i32_0 = arith.constant 0 : i32
    return %arg0, %c0_i32 : i32, i32
  }
}

</mosaic_0001>

<sc_bundles>
// kernel: kernel.12.cloned.1.call-start
scs
__scs_entry_jumppad:
0x0: {  	(pc) =	sbr.rel $0x88, $3  }
0x1: {  	(tag) =	ssettag $0x0;
	lr =	simm.s32 $0x1  }
0x2: {  	[smem:$0x3F93] =	sst lr;
	_ =	strace $0xD0000000  }
0x3: {  	_ = 	snop  }
0x4: {  	_ = 	snop  }
0x5: {  	_ = 	snop  }
0x6: {  	_ = 	snop  }
0x7: {  	_ = 	snop  }
__scs_overlays_trampoline_lowered:
0x8: {  	[smem:$0x3FA2] =	sst s0  }
0x9: {  	[smem:$0x3FA3] =	sst s1  }
0xa: {  	[smem:$0x3FA4] =	sst s2  }
0xb: {  	[smem:$0x3FA5] =	sst s3  }
0xc: {  	[smem:$0x3FA6] =	sst s4  }
0xd: {  	[smem:$0x3FA7] =	sst s5  }
0xe: {  	[smem:$0x3FA8] =	sst s6  }
0xf: {  	[smem:$0x3FA9] =	sst s7  }
0x10: {  	[smem:$0x3FAA] =	sst s8  }
0x11: {  	[smem:$0x3FAB] =	sst s9;
	s0 =	simm.s32 @!p0 $0x0  }
0x12: {  	s1 =	sld [smem:$0x3F91];
	s0 =	simm.s32 @p0 $0x1  }
0x13: {  	[smem:$0x3FAC] =	sst s0;
	s0 =	simm.s32 @!p1 $0x0  }
0x14: {  	s2 =	sld [smem:$0x3F90];
	s0 =	simm.s32 @p1 $0x1  }
0x15: {  	[smem:$0x3FAD] =	sst s0;
	s0 =	simm.s32 @!p2 $0x0  }
0x16: {  	s3 =	sld [smem:$0x3FDB];
	s0 =	simm.s32 @p2 $0x1  }
0x17: {  	s4 =	simm.s32 $0x1BF5;
	[smem:$0x3FAF] =	sst s0  }
0x18: {  	s0 =	sld [smem:$0x3F92];
	_ =	swait.ge [sflag:s4], $0x0  }
0x19: {  	s7 =	sld [smem:$0x3F93]  }
0x1a: {  	s8 =	sadd.s32 $0xFFFFE003, lr  }
0x1b: {  	s9 =	sadd.s32 $0xFFFFFEF7, lr;
	s5 =	simm.s32 $0xFFFFFFFF;
	p2 =	slt.u32 s8, $0xFFFFF086  }
0x1c: {  	p1 =	slt.u32 s9, $0xF7A;
	s5 =	simm.s32 @!p2 $0x0  }
0x1d: {  	s5 =	simm.s32 @p1 $0x1;
	p0 =	seq.s32 s7, s2  }
0x1e: {  	s7 =	smul.u32 @!p0 $0xF7A, s2;
	p2 =	seq.s32 @!p0 s5, $0x0  }
0x1f: {  	s9 =	smul.u32 $0xF7A, s1;
	s8 =	simm.s32 @!p0 $0x1BF5;
	p2 =	por !p2, p0  }
0x20: {  	[sflag:s8] =	ssyncset.s32 @!p0 $0xFFFFF086;
	s6 =	sadd.s32 @!p0 s3, s7;
	s7 =	simm.s32 @!p0 $0x108  }
0x21: {  	s3 =	sadd.s32 s3, s9;
	s6 =	sadd.s32 @!p0 $0x88, s6;
	s7 =	simm.s32 @p2 $0x1082  }
0x22: {  	[simem:s7], [sflag:s8] =	dma.local @!p0 [hbm:s6], $0xF7A  }
0x23: {  	s9 =	sor.u32 $0xD0000000, s2;
	s6 =	simm.s32 $0x108;
	_ =	swait.ge @!p0 [sflag:s8], $0x0  }
0x24: {  	s3 =	sadd.s32 $0x88, s3;
	s6 =	simm.s32 @!p1 $0x1082;
	[sflag:s4] =	ssyncset.s32 $0xFFFFF086  }
0x25: {  	[simem:s6], [sflag:s4] =	dma.local [hbm:s3], $0xF7A  }
0x26: {  	[smem:$0x3F93] =	sst s1;
	(tag) =	ssettag s2;
	_ =	strace s9  }
0x27: {  	s1 =	sld [smem:$0x3FA3]  }
0x28: {  	s2 =	sld [smem:$0x3FA4]  }
0x29: {  	s4 =	sld [smem:$0x3FA6]  }
0x2a: {  	p0 =	seq.s32 s5, $0x0;
	s5 =	sld [smem:$0x3FA7]  }
0x2b: {  	s6 =	sld [smem:$0x3FA8]  }
0x2c: {  	s7 =	sld [smem:$0x3FA9]  }
0x2d: {  	s3 =	simm.s32 $0x108;
	s8 =	sld [smem:$0x3FAA]  }
0x2e: {  	s3 =	simm.s32 @!p0 $0x1082;
	s9 =	sld [smem:$0x3FAB]  }
0x2f: {  	lr =	sadd.s32 s0, s3;
	s0 =	sld [smem:$0x3FA2]  }
0x30: {  	s3 =	sld [smem:$0x3FA5]  }
0x31: {  	[smem:$0x3FAE] =	sst s10  }
0x32: {  	s10 =	sld [smem:$0x3FAC];
	_ =	sdelay $0x3  }
0x33: {  	p0 =	seq.s32 s10, $0x1;
	s10 =	sld [smem:$0x3FAE];
	_ =	sdelay $0x3  }
0x34: {  	[smem:$0x3FAE] =	sst s10  }
0x35: {  	s10 =	sld [smem:$0x3FAD];
	_ =	sdelay $0x3  }
0x36: {  	p1 =	seq.s32 s10, $0x1;
	s10 =	sld [smem:$0x3FAE];
	_ =	sdelay $0x3  }
0x37: {  	[smem:$0x3FAE] =	sst s10  }
0x38: {  	s10 =	sld [smem:$0x3FAF]  }
0x39: {  	_ = 	snop;
	(pc) =	sbr.ind lr, $3  }
0x3a: {  	_ = 	snop  }
0x3b: {  	_ = 	snop  }
0x3c: {  	p2 =	seq.s32 s10, $0x1;
	s10 =	sld [smem:$0x3FAE]  }
0x3d: {  	_ =	shalt  }
0x3e: {  	_ =	shalt  }
0x3f: {  	_ =	shalt  }
0x40: {  	_ =	shalt  }
0x41: {  	_ =	shalt  }
0x42: {  	_ =	shalt  }
0x43: {  	_ =	shalt  }
0x44: {  	_ =	shalt  }
0x45: {  	_ =	shalt  }
0x46: {  	_ =	shalt  }
0x47: {  	_ =	shalt  }
0x48: {  	_ =	shalt  }
0x49: {  	_ =	shalt  }
0x4a: {  	_ =	shalt  }
0x4b: {  	_ =	shalt  }
0x4c: {  	_ =	shalt  }
0x4d: {  	_ =	shalt  }
0x4e: {  	_ =	shalt  }
0x4f: {  	_ =	shalt  }
0x50: {  	_ =	shalt  }
0x51: {  	_ =	shalt  }
0x52: {  	_ =	shalt  }
0x53: {  	_ =	shalt  }
0x54: {  	_ =	shalt  }
0x55: {  	_ =	shalt  }
0x56: {  	_ =	shalt  }
0x57: {  	_ =	shalt  }
0x58: {  	_ =	shalt  }
0x59: {  	_ =	shalt  }
0x5a: {  	_ =	shalt  }
0x5b: {  	_ =	shalt  }
0x5c: {  	_ =	shalt  }
0x5d: {  	_ =	shalt  }
0x5e: {  	_ =	shalt  }
0x5f: {  	_ =	shalt  }
0x60: {  	_ =	shalt  }
0x61: {  	_ =	shalt  }
0x62: {  	_ =	shalt  }
0x63: {  	_ =	shalt  }
0x64: {  	_ =	shalt  }
0x65: {  	_ =	shalt  }
0x66: {  	_ =	shalt  }
0x67: {  	_ =	shalt  }
0x68: {  	_ =	shalt  }
0x69: {  	_ =	shalt  }
0x6a: {  	_ =	shalt  }
0x6b: {  	_ =	shalt  }
0x6c: {  	_ =	shalt  }
0x6d: {  	_ =	shalt  }
0x6e: {  	_ =	shalt  }
0x6f: {  	_ =	shalt  }
0x70: {  	_ =	shalt  }
0x71: {  	_ =	shalt  }
0x72: {  	_ =	shalt  }
0x73: {  	_ =	shalt  }
0x74: {  	_ =	shalt  }
0x75: {  	_ =	shalt  }
0x76: {  	_ =	shalt  }
0x77: {  	_ =	shalt  }
0x78: {  	_ =	shalt  }
0x79: {  	_ =	shalt  }
0x7a: {  	_ =	shalt  }
0x7b: {  	_ =	shalt  }
0x7c: {  	_ =	shalt  }
0x7d: {  	_ =	shalt  }
0x7e: {  	_ =	shalt  }
0x7f: {  	_ =	shalt  }
0x80: {  	_ =	shalt  }
0x81: {  	_ =	shalt  }
0x82: {  	_ =	shalt  }
0x83: {  	_ =	shalt  }
0x84: {  	_ =	shalt  }
0x85: {  	_ =	shalt  }
0x86: {  	_ =	shalt  }
0x87: {  	_ =	shalt  }
.Lfunc_end0:
.L_simem_size_0:
called_computation.1_lowered:
.L_overlay_start_0:
0x88: {  	s2 =	sld [smem:$0x3FD9]  }
0x89: {  	s3 =	sld [smem:$0x3FFE];
	_ =	sdelay $0x1  }
0x8a: {  	s1 =	srdreg.scid  }
0x8b: {  	s0 =	sand.u32 $0x1, s1  }
0x8c: {  	s16 =	sshll.u32 s0, $0xA;
	s2 =	sadd.s32 s3, s2  }
0x8d: {  	s2 =	sadd.s32 s2, s16  }
0x8e: {  	[smem:$0x3FBA] =	sst s2  }
0x8f: {  	_ = 	snop  }
0x90: {  	(tm) =	ssettm $0x1  }
0x91: {  	s17 =	sld [smem:$0x3FFB];
	_ =	sdelay $0x3  }
0x92: {  	_ =	strace s17  }
0x93: {  	s2 =	sld [smem:$0x3FFC];
	_ =	sdelay $0x3  }
0x94: {  	_ =	strace s2  }
0x95: {  	s2 =	sld [smem:$0x3FFD];
	_ =	sdelay $0x3  }
0x96: {  	_ =	strace s2  }
0x97: {  	_ =	strace $0x8FFFFFFF  }
0x98: {  	s18 =	sld [smem:$0x3FDB];
	_ =	sdelay $0x1  }
0x99: {  	s19 =	simm.s32 $_scs_section_size  }
0x9a: {  	s4 =	simm.s32 $_size__tile_overlayer_lowered;
	s5 =	simm.s32 $_tile_overlayer_lowered  }
0x9b: {  	s22 =	simm.s32 $0x1BFF;
	s21 =	sshll.u32 s5, $0x1;
	s2 =	sadd.s32 s19, s18  }
0x9c: {  	s6 =	simm.s32 $0x0;
	s20 =	sshll.u32 s4, $0x1;
	s4 =	sadd.s32 s21, s2  }
0x9d: {  	[timem:s6], [sflag:s22] =	dma.local [hbm:s4], s20  }
0x9e: {  	_ =	swait.ge [sflag:s22], s20  }
0x9f: {  	s3 =	ssub.s32 $0x0, s20;
	[sflag:s22] =	ssyncset.done $0x0  }
0xa0: {  	[sflag:s22] =	ssyncadd.s32 s3;
	_ =	sdelay $0x1  }
0xa1: {  	s23 =	simm.s32 $0x1B8B  }
0xa2: {  	_ =	swait.ge [sflag:s23], $0x1  }
0xa3: {  	[sflag:s23] =	ssyncset.done $0x0  }
0xa4: {  	s25 =	simm.s32 $0x1B8E;
	s24 =	sld [smem:$0x3FFE];
	[sflag:s23] =	ssyncadd.s32 $0xFFFFFFFF  }
0xa5: {  	s26 =	simm.s32 $execute0_lowered;
	[smem:$0x3FD2] =	sst s25  }
0xa6: {  	s4 =	sshll.u32 s26, $0x1;
	_ =	strace $0x80000049;
	[dreg:$0x1] =	wrdreg $0xFFFFFFFF  }
0xa7: {  	s28 =	simm.s32 $_size_execute0_lowered;
	s2 =	sadd.s32 s2, s4;
	[dreg:$0x0] =	wrdreg $0x0  }
0xa8: {  	s4 =	sshll.u32 s28, $0x1;
	[dreg:$0x2] =	wrdreg s2  }
0xa9: {  	[dreg:$0x3] =	wrdreg s4  }
0xaa: {  	[dreg:$0x4] =	wrdreg $0xC0  }
0xab: {  	_ =	task [dreg:s6], $0x5FFFF  }
0xac: {  	[dreg:$0x1] =	wrdreg $0xFFFFFFFF  }
0xad: {  	[dreg:$0x0] =	wrdreg $0x60  }
0xae: {  	[dreg:$0x2] =	wrdreg s24  }
0xaf: {  	[dreg:$0x3] =	wrdreg $0xB1000  }
0xb0: {  	[dreg:$0x4] =	wrdreg $0x9  }
0xb1: {  	_ =	task.clear_ibuf [dreg:s6], $0x5FFFF;
	_ =	strace $0x90000049  }
0xb2: {  	s29 =	simm.s32 $0x9;
	_ =	strace $0x8000004B  }
0xb3: {  	_ =	swait.ge [sflag:s29], $0x1  }
0xb4: {  	[sflag:s29] =	ssyncadd.s32 $0xFFFFFFFF  }
0xb5: {  	_ =	strace $0x9000004B  }
0xb6: {  	_ =	sfence  }
0xb7: {  	s30 =	sld [smem:$0x0];
	_ =	sdelay $0x2  }
0xb8: {  	s31 =	sshll.u32 s1, $0xD;
	s1 =	sshrl.u32 s1, $0x2  }
0xb9: {  	s3 =	sand.u32 $0x4000, s31;
	s1 =	sadd.s32 s1, s30  }
0xba: {  	s0 =	sor.u32 s3, s0;
	s1 =	sshll.u32 s1, $0x11  }
0xbb: {  	s0 =	sor.u32 s1, s0  }
0xbc: {  	s0 =	sadd.s32 $0x8F2B, s0  }
0xbd: {  	[sflag:s0] =	ssyncadd.remote.s32 $0x1  }
0xbe: {  	_ =	sfence.sel $0xFFFF  }
0xbf: {  	[dreg:$0x0] =	wrdreg $0xFFFFFFFF;
	(pc) =	sbr.abs _section_cstart, $3  }
0xc0: {  	[dreg:$0x1] =	wrdreg $0xFFFFFFFF  }
0xc1: {  	_ =	task.clear_ibuf [dreg:s6], $0x2FFFF;
	_ =	strace $0x9FFFFFFF  }
0xc2: {  	(tm) =	ssettm $0x7FFFFFFF  }
0xc3: {  	_ =	shalt  }
tec
execute0_lowered:
.L_overlay_start_1:
0x0: {  	(tag) =	ssettag $0x1  }
0x1: {  	s0 =	srdreg.scid;
	s3 =	rddreg [dreg:$0x0]  }
0x2: {  	s9 =	stileid.u32;
	s2 =	rddreg [dreg:$0x1];
	s5 =	simm.s32 $0x0  }
0x3: {  	s16 =	simm.s32 $0xA;
	s28 =	simm.s32 $0x4;
	s29 =	simm.s32 $0x7100  }
0x4: {  	s30 =	simm.s32 $0xA100;
	s31 =	simm.s32 $0x2;
	s14 =	simm.s32 $0x0  }
0x5: {  	s0 =	sand.u32 $0x1, s0;
	s4 =	sshll.u32 s9, $0x7;
	s7 =	smul.u32 $0x14000, s9  }
0x6: {  	[smem:$0x7FF] =	sst s5;
	s5 =	sadd.s32 $0x3FA00, s3;
	s19 =	smul.u32 $0x50000, s9  }
0x7: {  	s8 =	sadd.s32 $0x67A00, s3;
	s22 =	smul.u32 $0x2880, s9;
	s26 =	sshll.u32 s9, $0x6  }
0x8: {  	s1 =	sshll.u32 s0, $0x4;
	s4 =	sand.u32 $0x380, s4;
	s6 =	smul.u32 $0x140000, s0  }
0x9: {  	_ =	strace $0x8000004A;
	[dreg:$0x3] =	wrdreg s8;
	s18 =	ssub.s32 $0x2, s0  }
0xa: {  	s0 =	smul.u32 $0x28800, s0;
	s11 =	sor.u32 $0x1C0A, s26;
	s26 =	simm.s32 $0x1  }
0xb: {  	s1 =	sor.u32 s9, s1;
	s20 =	sshrl.u32 s18, $0x1;
	s21 =	sshrl.u32 s19, $0x2  }
0xc: {  	s1 =	sshrl.u32 s1, $0x3;
	s6 =	sadd.s32 s7, s6;
	s23 =	sadd.s32 s21, s2  }
0xd: {  	s0 =	sadd.s32 s22, s0;
	s21 =	simm.s32 $0x5100;
	s22 =	simm.s32 $0x6  }
0xe: {  	s1 =	smul.u32 $0x14400, s1;
	s6 =	sshrl.u32 s6, $0x3;
	s25 =	sor.u32 $0x20, s0  }
0xf: {  	[dreg:$0x8] =	wrdreg s0;
	s0 =	sor.u32 $0x40, s0;
	s12 =	sshrl.u32 s23, $0x3  }
0x10: {  	s23 =	simm.s32 $0x6100;
	[dreg:$0x9] =	wrdreg s25;
	s1 =	sor.u32 s4, s1  }
0x11: {  	[dreg:$0xa] =	wrdreg s0;
	s25 =	simm.s32 $0x9100;
	s1 =	sshrl.u32 s1, $0x3  }
0x12: {  	s0 =	simm.s32 $0x3;
	[dreg:$0xb] =	wrdreg s12;
	s1 =	sadd.s32 s1, s3  }
.Ltmp0:
0x13: {  	s4 =	sadd.s32 $0x17A00, s3;
	s10 =	sadd.s32 $0x3600, s1;
	(pc) =	sbr.rel .LBB2_1-.Ltmp0, $4  }
0x14: {  	s3 =	sadd.s32 s6, s3;
	s1 =	sadd.s32 $0xD800, s1;
	[dreg:$0x4] =	wrdreg s10  }
0x15: {  	s6 =	ssub.s32 s18, s20;
	s3 =	sadd.s32 $0x6A200, s3;
	[dreg:$0x5] =	wrdreg s1  }
0x16: {  	s20 =	simm.s32 $0x20;
	s24 =	smax.u32 s6, $0x1;
	[dreg:$0x6] =	wrdreg s3  }
0x17: {  	vm0 =	vcmask $0x300;
	[dreg:$0x7] =	wrdreg s24;
	s1 =	simm.s32 $0x5;
	s3 =	simm.s32 $0x8  }
.LBB2_10:
0x18: {  	s6 =	simm.s32 $0x7  }
0x19: {  	_ =	swait.ge [sflag:s6], $0x1000  }
0x1a: {  	[sflag:s6] =	ssyncset.done $0x0  }
0x1b: {  	[sflag:s6] =	ssyncadd.s32 $0xFFFFF000  }
0x1c: {  	_ =	swait.ge [sflag:s3], $0x1000  }
0x1d: {  	[sflag:s3] =	ssyncset.done $0x0  }
0x1e: {  	s17 =	simm.s32 $0x9;
	[sflag:s3] =	ssyncadd.s32 $0xFFFFF000  }
0x1f: {  	_ =	swait.ge [sflag:s17], $0x1000  }
0x20: {  	[sflag:s17] =	ssyncset.done $0x0  }
0x21: {  	[sflag:s17] =	ssyncadd.s32 $0xFFFFF000  }
0x22: {  	[bflag:$0x0] =	sbarrier.arrive $0xFFFF  }
0x23: {  	s18 =	rddreg [dreg:$0x6]  }
0x24: {  	s12 =	rddreg [dreg:$0xb]  }
0x25: {  	[hbm:s18], [sflag:s19] =	dma.local [spmem:s12], $0x2800  }
0x26: {  	_ =	swait.ge [sflag:s16], $0x2800  }
0x27: {  	s14 =	sadd.s32 $0x1, s14;
	s24 =	rddreg [dreg:$0x7]  }
0x28: {  	p0 =	sne.s32 s14, s24  }
.Ltmp1:
0x29: {  	_ = 	snop;
	(pc) =	sbr.rel @!p0 .LBB2_11-.Ltmp1, $3  }
0x2a: {  	_ =	sdelay $0x1  }
0x2b: {  	[sflag:s16] =	ssyncset.done $0x0  }
0x2c: {  	s11 =	smov.u32 s19;
	[sflag:s16] =	ssyncadd.s32 $0xFFFFD800  }
.LBB2_1:
0x2d: {  	s6 =	simm.s32 $0x0  }
0x2e: {  	s7 =	rddreg [dreg:$0x4];
	s8 =	simm.s32 $0x80;
	s9 =	simm.s32 $0x400  }
0x2f: {  	[tilespmem:s6], [sflag:$0xA] =	stream.strided.gather [hbm4b:s7+s8], $0x2880, s9, s8, $0x38;
	[tilespmem:$0x1F100] =	vst v63  }
0x30: {  	_ =	swait.ge [sflag:s16], $0x2880  }
0x31: {  	[sflag:s16] =	ssyncset.done $0x0  }
0x32: {  	s10 =	simm.s32 $0x2880;
	s15 =	rddreg [dreg:$0x5];
	[sflag:s16] =	ssyncadd.s32 $0xFFFFD780  }
0x33: {  	[tilespmem:s10], [sflag:$0xA] =	stream.strided.gather [hbm4b:s15+s8], $0x2880, s9, s8, $0x38;
	[tilespmem:$0x1F100] =	vst v63  }
0x34: {  	_ =	swait.ge [sflag:s16], $0x2880  }
0x35: {  	[sflag:s16] =	ssyncset.done $0x0  }
0x36: {  	s17 =	rddreg [dreg:$0x3];
	[sflag:s16] =	ssyncadd.s32 $0xFFFFD780  }
0x37: {  	[spmem:s12], [sflag:s11] =	dma.local [hbm:s17], $0x2800  }
0x38: {  	_ =	swait.ge [sflag:s16], $0x2800  }
0x39: {  	[sflag:s16] =	ssyncset.done $0x0  }
0x3a: {  	[sflag:s16] =	ssyncadd.s32 $0xFFFFD800  }
0x3b: {  	[bflag:$0x0] =	sbarrier.arrive $0xFFFF  }
0x3c: {  	[tilespmem:s21], [sflag:$0x1] =	stream.indirect.gather [hbm4b:s4+s20], $0x80, s6, s20, $0xb8;
	[tilespmem:$0x1F100] =	vst v63  }
0x3d: {  	s18 =	simm.s32 $0x8100;
	s13 =	rddreg [dreg:$0xa]  }
0x3e: {  	[tilespmem:s18], [sflag:$0x4] =	stream.indirect.gather [hbm4b:s5+s20], $0x80, s10, s20, $0xb8;
	[tilespmem:$0x1F100] =	vst v63  }
0x3f: {  	s19 =	smov.u32 s11;
	s8 =	rddreg [dreg:$0x9]  }
0x40: {  	[tilespmem:s23], [sflag:$0x2] =	stream.indirect.gather [hbm4b:s4+s20], $0x80, s20, s20, $0xb8;
	[tilespmem:$0x1F100] =	vst v63  }
0x41: {  	s24 =	simm.s32 $0x28A0;
	s9 =	simm.s32 $0x0;
	s11 =	rddreg [dreg:$0x8]  }
0x42: {  	[tilespmem:s25], [sflag:$0x5] =	stream.indirect.gather [hbm4b:s5+s20], $0x80, s24, s20, $0xb8;
	[tilespmem:$0x1F100] =	vst v63  }
.LBB2_2:
0x43: {  	_ =	swait.ge [sflag:s26], $0x1000  }
0x44: {  	[sflag:s26] =	ssyncset.done $0x0  }
0x45: {  	[sflag:s26] =	ssyncadd.s32 $0xFFFFF000  }
0x46: {  	_ =	swait.ge [sflag:s28], $0x1000  }
0x47: {  	[sflag:s28] =	ssyncset.done $0x0  }
0x48: {  	s10 =	simm.s32 $0x0;
	[sflag:s28] =	ssyncadd.s32 $0xFFFFF000  }
0x49: {  	v0 =	vld [tilespmem:s10+$0x8100]  }
0x4a: {  	v1 =	vld [tilespmem:s10+$0x5140];
	_ =	sdelay $0x4  }
0x4b: {  	v0 =	vadd.f32 v0, v1;
	_ =	sdelay $0x1  }
0x4c: {  	v1 =	vmul.f32 $2.000000030e-01, v0  }
0x4d: {  	vm1 =	vge.f32 v0, $0.0e+00  }
0x4e: {  	v0 =	vsel vm1, v0, v1  }
0x4f: {  	v0 =	vmul.f32 $1.442695020e+00, v0;
	_ =	sdelay $0x1  }
0x50: {  	(erf) = vpow2.f32 v0;
	_ =	sdelay $0x8  }
0x51: {  	v0 =	vpop (erf)  }
0x52: {  	(v2sf) =	vpush v0, $0x0;
	_ =	sdelay $0xa  }
0x53: {  	v2 =	vld [tilespmem:s10+$0x5130]  }
0x54: {  	v3 =	vld [tilespmem:s10+$0x5110]  }
0x55: {  	v0 =	vld [tilespmem:s10+$0x5120]  }
0x56: {  	v1 =	vld [tilespmem:s10+$0x5100]  }
0x57: {  	p0 =	slt.u32 s11, $0x50910;
	s6 =	spop (v2sf)  }
0x58: {  	s6 =	simm.s32 @!p0 $0x0  }
0x59: {  	v4 =	vmov s6  }
0x5a: {  	s15 =	simm.s32 $0x80;
	v0 =	vmul.f32 s6, v0;
	v2 =	vmul.f32 s6, v2;
	v5 =	vnsel vm0, $0x0, v4  }
0x5b: {  	s17 =	smul.u32 $0x60, s9;
	s12 =	simm.s32 $0x400;
	s7 =	smov.u32 s11;
	v1 =	vmul.f32 s6, v1;
	v3 =	vmul.f32 s6, v3;
	v4 =	vld [tilespmem:s15+$0x8100];
	[tilespmem:s10+$0x5140] =	vst v5  }
.LBB2_3:
0x5c: {  	p0 =	sne.s32 s12, $0x3E00;
	v5 =	vld [tilespmem:s15+$0x5140];
	[tilespmem:s10+$0x5130] =	vst v2  }
0x5d: {  	[tilespmem:s10+$0x5120] =	vst v0  }
0x5e: {  	[tilespmem:s10+$0x5110] =	vst v3  }
0x5f: {  	[tilespmem:s10+$0x5100] =	vst v1;
	s10 =	smov.u32 s15;
	_ =	sdelay $0x1  }
0x60: {  	v0 =	vadd.f32 v4, v5;
	_ =	sdelay $0x1  }
0x61: {  	v1 =	vmul.f32 $2.000000030e-01, v0  }
0x62: {  	vm1 =	vge.f32 v0, $0.0e+00  }
0x63: {  	v0 =	vsel vm1, v0, v1  }
0x64: {  	v0 =	vmul.f32 $1.442695020e+00, v0;
	_ =	sdelay $0x1  }
0x65: {  	(erf) = vpow2.f32 v0;
	_ =	sdelay $0x8  }
0x66: {  	v0 =	vpop (erf)  }
0x67: {  	(v2sf) =	vpush v0, $0x0;
	_ =	sdelay $0x9  }
0x68: {  	v1 =	vld [tilespmem:s10+$0x5100]  }
0x69: {  	v0 =	vld [tilespmem:s10+$0x5120]  }
0x6a: {  	v2 =	vld [tilespmem:s10+$0x5130]  }
0x6b: {  	v3 =	vld [tilespmem:s10+$0x5110]  }
0x6c: {  	s7 =	sadd.s32 $0x1, s7  }
.Ltmp2:
0x6d: {  	p1 =	slt.u32 s7, $0x50910;
	s6 =	spop (v2sf);
	(pc) =	sbr.rel @p0 .LBB2_3-.Ltmp2, $4  }
0x6e: {  	s6 =	simm.s32 @!p1 $0x0  }
0x6f: {  	v0 =	vmul.f32 s6, v0;
	v2 =	vmul.f32 s6, v2;
	v4 =	vmov s6  }
0x70: {  	s15 =	sshra.s32 s12, $0x2;
	v1 =	vmul.f32 s6, v1;
	v3 =	vmul.f32 s6, v3;
	v5 =	vnsel vm0, $0x0, v4  }
0x71: {  	s12 =	sadd.s32 $0x200, s12;
	v4 =	vld [tilespmem:s15+$0x8100];
	[tilespmem:s10+$0x5140] =	vst v5  }
0x72: {  	v5 =	vld [tilespmem:s15+$0x5140];
	_ =	sdelay $0x4  }
0x73: {  	v4 =	vadd.f32 v4, v5;
	_ =	sdelay $0x1  }
0x74: {  	v5 =	vmul.f32 $2.000000030e-01, v4  }
0x75: {  	vm1 =	vge.f32 v4, $0.0e+00  }
0x76: {  	v4 =	vsel vm1, v4, v5  }
0x77: {  	v4 =	vmul.f32 $1.442695020e+00, v4;
	_ =	sdelay $0x1  }
0x78: {  	(erf) = vpow2.f32 v4;
	_ =	sdelay $0x8  }
0x79: {  	v4 =	vpop (erf)  }
0x7a: {  	(v2sf) =	vpush v4, $0x0;
	_ =	sdelay $0x8  }
0x7b: {  	[tilespmem:s10+$0x5130] =	vst v2  }
0x7c: {  	[tilespmem:s10+$0x5120] =	vst v0  }
0x7d: {  	[tilespmem:s10+$0x5110] =	vst v3  }
0x7e: {  	[tilespmem:s10+$0x5100] =	vst v1  }
0x7f: {  	v0 =	vld [tilespmem:s15+$0x5130]  }
0x80: {  	s6 =	sadd.s32 $0x1, s7;
	v1 =	vld [tilespmem:s15+$0x5120]  }
0x81: {  	v2 =	vld [tilespmem:s15+$0x5110];
	p0 =	slt.u32 s6, $0x50910;
	s6 =	spop (v2sf)  }
0x82: {  	v3 =	vld [tilespmem:s15+$0x5100];
	s6 =	simm.s32 @!p0 $0x0  }
0x83: {  	v4 =	vmov s6  }
0x84: {  	v0 =	vmul.f32 s6, v0;
	v4 =	vnsel vm0, $0x0, v4  }
0x85: {  	v1 =	vmul.f32 s6, v1;
	[tilespmem:s15+$0x5140] =	vst v4  }
0x86: {  	s10 =	smul.u32 $0x180, s9;
	v2 =	vmul.f32 s6, v2;
	[tilespmem:s15+$0x5130] =	vst v0  }
0x87: {  	v0 =	vmul.f32 s6, v3;
	[tilespmem:s15+$0x5120] =	vst v1  }
0x88: {  	s12 =	sshra.s32 s10, $0x2;
	[tilespmem:s15+$0x5110] =	vst v2  }
0x89: {  	p0 =	seq.s32 s9, $0x0;
	s6 =	sadd.s32 $0x2880, s12;
	[tilespmem:s15+$0x5100] =	vst v0  }
0x8a: {  	[spmem:s2] =	stream.indirect.scatter.add.f32 [tilespmem:s21], [sflag:$0x7], $0x80, s6, s20, $0xb8;
	[tilespmem:$0x1F100] =	vst v63  }
0x8b: {  	s7 =	smul.u32 $0x3, s9;
	s6 =	simm.s32 @!p0 $0x9  }
0x8c: {  	_ =	swait.ge @!p0 [sflag:s6], $0x1000  }
0x8d: {  	s18 =	sadd.s32 $0x2, s7;
	[sflag:s6] =	ssyncset.done @!p0 $0x0  }
0x8e: {  	s10 =	sshll.u32 s18, $0x5;
	[sflag:s6] =	ssyncadd.s32 @!p0 $0xFFFFF000  }
0x8f: {  	[tilespmem:s29], [sflag:$0x3] =	stream.indirect.gather [hbm4b:s4+s20], $0x80, s10, s20, $0xb8;
	[tilespmem:$0x1F100] =	vst v63  }
0x90: {  	s24 =	sadd.s32 $0x2880, s10  }
0x91: {  	[tilespmem:s30], [sflag:$0x6] =	stream.indirect.gather [hbm4b:s5+s20], $0x80, s24, s20, $0xb8;
	[tilespmem:$0x1F100] =	vst v63  }
0x92: {  	_ =	swait.ge [sflag:s31], $0x1000  }
0x93: {  	[sflag:s31] =	ssyncset.done $0x0  }
0x94: {  	[sflag:s31] =	ssyncadd.s32 $0xFFFFF000  }
0x95: {  	_ =	swait.ge [sflag:s1], $0x1000  }
0x96: {  	[sflag:s1] =	ssyncset.done $0x0  }
0x97: {  	s15 =	simm.s32 $0x0;
	[sflag:s1] =	ssyncadd.s32 $0xFFFFF000  }
0x98: {  	v0 =	vld [tilespmem:s15+$0x9100]  }
0x99: {  	v1 =	vld [tilespmem:s15+$0x6140];
	_ =	sdelay $0x4  }
0x9a: {  	v0 =	vadd.f32 v0, v1;
	_ =	sdelay $0x1  }
0x9b: {  	v1 =	vmul.f32 $2.000000030e-01, v0  }
0x9c: {  	vm1 =	vge.f32 v0, $0.0e+00  }
0x9d: {  	v0 =	vsel vm1, v0, v1  }
0x9e: {  	v0 =	vmul.f32 $1.442695020e+00, v0;
	_ =	sdelay $0x1  }
0x9f: {  	(erf) = vpow2.f32 v0;
	_ =	sdelay $0x8  }
0xa0: {  	v0 =	vpop (erf)  }
0xa1: {  	(v2sf) =	vpush v0, $0x0;
	_ =	sdelay $0xa  }
0xa2: {  	v2 =	vld [tilespmem:s15+$0x6130]  }
0xa3: {  	v3 =	vld [tilespmem:s15+$0x6110]  }
0xa4: {  	v0 =	vld [tilespmem:s15+$0x6120]  }
0xa5: {  	v1 =	vld [tilespmem:s15+$0x6100]  }
0xa6: {  	p0 =	slt.u32 s8, $0x50910;
	s12 =	spop (v2sf)  }
0xa7: {  	s12 =	simm.s32 @!p0 $0x0  }
0xa8: {  	v4 =	vmov s12  }
0xa9: {  	s6 =	simm.s32 $0x80;
	v0 =	vmul.f32 s12, v0;
	v2 =	vmul.f32 s12, v2;
	v5 =	vnsel vm0, $0x0, v4  }
0xaa: {  	s7 =	sadd.s32 $0x1, s7;
	s24 =	simm.s32 $0x400;
	v1 =	vmul.f32 s12, v1;
	v3 =	vmul.f32 s12, v3;
	s12 =	smov.u32 s8;
	v4 =	vld [tilespmem:s6+$0x9100];
	[tilespmem:s15+$0x6140] =	vst v5  }
.LBB2_5:
0xab: {  	p0 =	sne.s32 s24, $0x3E00;
	v5 =	vld [tilespmem:s6+$0x6140];
	[tilespmem:s15+$0x6130] =	vst v2  }
0xac: {  	[tilespmem:s15+$0x6120] =	vst v0  }
0xad: {  	[tilespmem:s15+$0x6110] =	vst v3  }
0xae: {  	[tilespmem:s15+$0x6100] =	vst v1;
	s15 =	smov.u32 s6;
	_ =	sdelay $0x1  }
0xaf: {  	v0 =	vadd.f32 v4, v5;
	_ =	sdelay $0x1  }
0xb0: {  	v1 =	vmul.f32 $2.000000030e-01, v0  }
0xb1: {  	vm1 =	vge.f32 v0, $0.0e+00  }
0xb2: {  	v0 =	vsel vm1, v0, v1  }
0xb3: {  	v0 =	vmul.f32 $1.442695020e+00, v0;
	_ =	sdelay $0x1  }
0xb4: {  	(erf) = vpow2.f32 v0;
	_ =	sdelay $0x8  }
0xb5: {  	v0 =	vpop (erf)  }
0xb6: {  	(v2sf) =	vpush v0, $0x0;
	_ =	sdelay $0x9  }
0xb7: {  	v1 =	vld [tilespmem:s15+$0x6100]  }
0xb8: {  	v0 =	vld [tilespmem:s15+$0x6120]  }
0xb9: {  	v2 =	vld [tilespmem:s15+$0x6130]  }
0xba: {  	v3 =	vld [tilespmem:s15+$0x6110]  }
0xbb: {  	s12 =	sadd.s32 $0x1, s12  }
.Ltmp3:
0xbc: {  	p1 =	slt.u32 s12, $0x50910;
	s18 =	spop (v2sf);
	(pc) =	sbr.rel @p0 .LBB2_5-.Ltmp3, $4  }
0xbd: {  	s18 =	simm.s32 @!p1 $0x0  }
0xbe: {  	v0 =	vmul.f32 s18, v0;
	v2 =	vmul.f32 s18, v2;
	v4 =	vmov s18  }
0xbf: {  	s6 =	sshra.s32 s24, $0x2;
	v1 =	vmul.f32 s18, v1;
	v3 =	vmul.f32 s18, v3;
	v5 =	vnsel vm0, $0x0, v4  }
0xc0: {  	s24 =	sadd.s32 $0x200, s24;
	v4 =	vld [tilespmem:s6+$0x9100];
	[tilespmem:s15+$0x6140] =	vst v5  }
0xc1: {  	v5 =	vld [tilespmem:s6+$0x6140];
	_ =	sdelay $0x4  }
0xc2: {  	v4 =	vadd.f32 v4, v5;
	_ =	sdelay $0x1  }
0xc3: {  	v5 =	vmul.f32 $2.000000030e-01, v4  }
0xc4: {  	vm1 =	vge.f32 v4, $0.0e+00  }
0xc5: {  	v4 =	vsel vm1, v4, v5  }
0xc6: {  	v4 =	vmul.f32 $1.442695020e+00, v4;
	_ =	sdelay $0x1  }
0xc7: {  	(erf) = vpow2.f32 v4;
	_ =	sdelay $0x8  }
0xc8: {  	v4 =	vpop (erf)  }
0xc9: {  	(v2sf) =	vpush v4, $0x0;
	_ =	sdelay $0x8  }
0xca: {  	[tilespmem:s15+$0x6130] =	vst v2  }
0xcb: {  	[tilespmem:s15+$0x6120] =	vst v0  }
0xcc: {  	[tilespmem:s15+$0x6110] =	vst v3  }
0xcd: {  	[tilespmem:s15+$0x6100] =	vst v1  }
0xce: {  	v0 =	vld [tilespmem:s6+$0x6130]  }
0xcf: {  	s12 =	sadd.s32 $0x1, s12;
	v1 =	vld [tilespmem:s6+$0x6120]  }
0xd0: {  	v2 =	vld [tilespmem:s6+$0x6110];
	p0 =	slt.u32 s12, $0x50910;
	s12 =	spop (v2sf)  }
0xd1: {  	v3 =	vld [tilespmem:s6+$0x6100];
	s12 =	simm.s32 @!p0 $0x0  }
0xd2: {  	v4 =	vmov s12  }
0xd3: {  	v0 =	vmul.f32 s12, v0;
	v4 =	vnsel vm0, $0x0, v4  }
0xd4: {  	v1 =	vmul.f32 s12, v1;
	[tilespmem:s6+$0x6140] =	vst v4  }
0xd5: {  	v2 =	vmul.f32 s12, v2;
	[tilespmem:s6+$0x6130] =	vst v0  }
0xd6: {  	s7 =	sshll.u32 s7, $0x5;
	v0 =	vmul.f32 s12, v3;
	[tilespmem:s6+$0x6120] =	vst v1  }
0xd7: {  	s7 =	sand.u32 $0x3FFFFFE0, s7;
	p0 =	seq.s32 s9, $0x6B;
	[tilespmem:s6+$0x6110] =	vst v2  }
0xd8: {  	s24 =	sadd.s32 $0x2880, s7;
	[tilespmem:s6+$0x6100] =	vst v0;
	s6 =	simm.s32 @!p0 $0x7  }
0xd9: {  	[spmem:s2] =	stream.indirect.scatter.add.f32 [tilespmem:s23], [sflag:$0x8], $0x80, s24, s20, $0xb8;
	[tilespmem:$0x1F100] =	vst v63  }
0xda: {  	_ =	swait.ge @!p0 [sflag:s6], $0x1000  }
0xdb: {  	s7 =	simm.s32 @!p0 $0x20;
	[sflag:s6] =	ssyncset.done @!p0 $0x0  }
0xdc: {  	s12 =	simm.s32 @!p0 $0x5100;
	[sflag:s6] =	ssyncadd.s32 @!p0 $0xFFFFF000;
	s6 =	sadd.s32 @!p0 $0x60, s17  }
0xdd: {  	[tilespmem:s12], [sflag:$0x1] =	stream.indirect.gather @!p0 [hbm4b:s4+s7], $0x80, s6, s7, $0xb8;
	[tilespmem:$0x1F100] =	vst v63  }
0xde: {  	s6 =	sadd.s32 @!p0 $0x28E0, s17;
	s12 =	simm.s32 @!p0 $0x8100  }
0xdf: {  	[tilespmem:s12], [sflag:$0x4] =	stream.indirect.gather @!p0 [hbm4b:s5+s7], $0x80, s6, s7, $0xb8;
	[tilespmem:$0x1F100] =	vst v63  }
0xe0: {  	_ =	swait.ge [sflag:s0], $0x1000  }
0xe1: {  	[sflag:s0] =	ssyncset.done $0x0  }
0xe2: {  	[sflag:s0] =	ssyncadd.s32 $0xFFFFF000  }
0xe3: {  	_ =	swait.ge [sflag:s22], $0x1000  }
0xe4: {  	[sflag:s22] =	ssyncset.done $0x0  }
0xe5: {  	s15 =	simm.s32 $0x0;
	[sflag:s22] =	ssyncadd.s32 $0xFFFFF000  }
0xe6: {  	v0 =	vld [tilespmem:s15+$0xA100]  }
0xe7: {  	v1 =	vld [tilespmem:s15+$0x7140];
	_ =	sdelay $0x4  }
0xe8: {  	v0 =	vadd.f32 v0, v1;
	_ =	sdelay $0x1  }
0xe9: {  	v1 =	vmul.f32 $2.000000030e-01, v0  }
0xea: {  	vm1 =	vge.f32 v0, $0.0e+00  }
0xeb: {  	v0 =	vsel vm1, v0, v1  }
0xec: {  	v0 =	vmul.f32 $1.442695020e+00, v0;
	_ =	sdelay $0x1  }
0xed: {  	(erf) = vpow2.f32 v0;
	_ =	sdelay $0x8  }
0xee: {  	v0 =	vpop (erf)  }
0xef: {  	(v2sf) =	vpush v0, $0x0;
	_ =	sdelay $0xa  }
0xf0: {  	v2 =	vld [tilespmem:s15+$0x7130]  }
0xf1: {  	v3 =	vld [tilespmem:s15+$0x7110]  }
0xf2: {  	v0 =	vld [tilespmem:s15+$0x7120]  }
0xf3: {  	v1 =	vld [tilespmem:s15+$0x7100]  }
0xf4: {  	p1 =	slt.u32 s13, $0x50910;
	s7 =	spop (v2sf)  }
0xf5: {  	s7 =	simm.s32 @!p1 $0x0  }
0xf6: {  	v4 =	vmov s7  }
0xf7: {  	s6 =	simm.s32 $0x80;
	v0 =	vmul.f32 s7, v0;
	v2 =	vmul.f32 s7, v2;
	v5 =	vnsel vm0, $0x0, v4  }
0xf8: {  	s12 =	simm.s32 $0x400;
	v1 =	vmul.f32 s7, v1;
	v3 =	vmul.f32 s7, v3;
	s7 =	smov.u32 s13;
	v4 =	vld [tilespmem:s6+$0xA100];
	[tilespmem:s15+$0x7140] =	vst v5  }
.LBB2_7:
0xf9: {  	p1 =	sne.s32 s12, $0x3E00;
	v5 =	vld [tilespmem:s6+$0x7140];
	[tilespmem:s15+$0x7130] =	vst v2  }
0xfa: {  	[tilespmem:s15+$0x7120] =	vst v0  }
0xfb: {  	[tilespmem:s15+$0x7110] =	vst v3  }
0xfc: {  	[tilespmem:s15+$0x7100] =	vst v1;
	s15 =	smov.u32 s6;
	_ =	sdelay $0x1  }
0xfd: {  	v0 =	vadd.f32 v4, v5;
	_ =	sdelay $0x1  }
0xfe: {  	v1 =	vmul.f32 $2.000000030e-01, v0  }
0xff: {  	vm1 =	vge.f32 v0, $0.0e+00  }
0x100: {  	v0 =	vsel vm1, v0, v1  }
0x101: {  	v0 =	vmul.f32 $1.442695020e+00, v0;
	_ =	sdelay $0x1  }
0x102: {  	(erf) = vpow2.f32 v0;
	_ =	sdelay $0x8  }
0x103: {  	v0 =	vpop (erf)  }
0x104: {  	(v2sf) =	vpush v0, $0x0;
	_ =	sdelay $0x9  }
0x105: {  	v1 =	vld [tilespmem:s15+$0x7100]  }
0x106: {  	v0 =	vld [tilespmem:s15+$0x7120]  }
0x107: {  	v2 =	vld [tilespmem:s15+$0x7130]  }
0x108: {  	v3 =	vld [tilespmem:s15+$0x7110]  }
0x109: {  	s7 =	sadd.s32 $0x1, s7  }
.Ltmp4:
0x10a: {  	p2 =	slt.u32 s7, $0x50910;
	s18 =	spop (v2sf);
	(pc) =	sbr.rel @p1 .LBB2_7-.Ltmp4, $4  }
0x10b: {  	s18 =	simm.s32 @!p2 $0x0  }
0x10c: {  	v0 =	vmul.f32 s18, v0;
	v2 =	vmul.f32 s18, v2;
	v4 =	vmov s18  }
0x10d: {  	s6 =	sshra.s32 s12, $0x2;
	v1 =	vmul.f32 s18, v1;
	v3 =	vmul.f32 s18, v3;
	v5 =	vnsel vm0, $0x0, v4  }
0x10e: {  	s12 =	sadd.s32 $0x200, s12;
	v4 =	vld [tilespmem:s6+$0xA100];
	[tilespmem:s15+$0x7140] =	vst v5  }
0x10f: {  	v5 =	vld [tilespmem:s6+$0x7140];
	_ =	sdelay $0x4  }
0x110: {  	v4 =	vadd.f32 v4, v5;
	_ =	sdelay $0x1  }
0x111: {  	v5 =	vmul.f32 $2.000000030e-01, v4  }
0x112: {  	vm1 =	vge.f32 v4, $0.0e+00  }
0x113: {  	v4 =	vsel vm1, v4, v5  }
0x114: {  	v4 =	vmul.f32 $1.442695020e+00, v4;
	_ =	sdelay $0x1  }
0x115: {  	(erf) = vpow2.f32 v4;
	_ =	sdelay $0x8  }
0x116: {  	v4 =	vpop (erf)  }
0x117: {  	(v2sf) =	vpush v4, $0x0;
	_ =	sdelay $0x8  }
0x118: {  	[tilespmem:s15+$0x7130] =	vst v2  }
0x119: {  	[tilespmem:s15+$0x7120] =	vst v0  }
0x11a: {  	[tilespmem:s15+$0x7110] =	vst v3  }
0x11b: {  	[tilespmem:s15+$0x7100] =	vst v1  }
0x11c: {  	v0 =	vld [tilespmem:s6+$0x7130]  }
0x11d: {  	s7 =	sadd.s32 $0x1, s7;
	v1 =	vld [tilespmem:s6+$0x7120]  }
0x11e: {  	v2 =	vld [tilespmem:s6+$0x7110];
	p1 =	slt.u32 s7, $0x50910;
	s7 =	spop (v2sf)  }
0x11f: {  	v3 =	vld [tilespmem:s6+$0x7100];
	s7 =	simm.s32 @!p1 $0x0  }
0x120: {  	v62 =	vmov s7  }
0x121: {  	v0 =	vmul.f32 s7, v0;
	v4 =	vnsel vm0, $0x0, v62  }
0x122: {  	v1 =	vmul.f32 s7, v1;
	[tilespmem:s6+$0x7140] =	vst v4  }
.Ltmp5:
0x123: {  	v2 =	vmul.f32 s7, v2;
	[tilespmem:s6+$0x7130] =	vst v0;
	(pc) =	sbr.rel @p0 .LBB2_10-.Ltmp5, $4  }
0x124: {  	v63 =	vmul.f32 s7, v3;
	[tilespmem:s6+$0x7120] =	vst v1  }
0x125: {  	s18 =	sand.u32 $0x3FFFFFE0, s10;
	[tilespmem:s6+$0x7110] =	vst v2  }
0x126: {  	s24 =	sadd.s32 $0x2880, s18;
	[tilespmem:s6+$0x7100] =	vst v63  }
0x127: {  	[spmem:s2] =	stream.indirect.scatter.add.f32 [tilespmem:s29], [sflag:$0x9], $0x80, s24, s20, $0xb8;
	[tilespmem:$0x1F100] =	vst v63  }
0x128: {  	_ =	swait.ge [sflag:s3], $0x1000  }
.Ltmp6:
0x129: {  	s6 =	sadd.s32 $0x80, s17;
	[sflag:s3] =	ssyncset.done $0x0;
	(pc) =	sbr.rel .LBB2_2-.Ltmp6, $4  }
0x12a: {  	s24 =	sadd.s32 $0x2900, s17;
	s9 =	sadd.s32 $0x1, s9;
	[sflag:s3] =	ssyncadd.s32 $0xFFFFF000  }
0x12b: {  	[tilespmem:s23], [sflag:$0x2] =	stream.indirect.gather [hbm4b:s4+s20], $0x80, s6, s20, $0xb8;
	[tilespmem:$0x1F100] =	vst v63  }
0x12c: {  	s11 =	sadd.s32 $0x60, s11;
	s8 =	sadd.s32 $0x60, s8;
	s13 =	sadd.s32 $0x60, s13  }
0x12d: {  	[tilespmem:s25], [sflag:$0x5] =	stream.indirect.gather [hbm4b:s5+s20], $0x80, s24, s20, $0xb8;
	[tilespmem:$0x1F100] =	vst v63  }
.LBB2_11:
0x12e: {  	_ =	sfence.sel $0x180000  }
0x12f: {  	[bflag:$0x0] =	sbarrier.arrive $0xFFFF  }
0x130: {  	_ =	strace $0x9000004A  }
0x131: {  	s0 =	stileid.u32;
	[bflag:$0x2] =	sbarrier.arrive $0xFFFF  }
0x132: {  	p0 =	sne.s32 s0, $0x0;
	s0 =	rddreg [dreg:$0x2]  }
0x133: {  	s0 =	sadd.s32 @!p0 $0x100000, s0  }
0x134: {  	[sflag:s0] =	ssyncadd.tile.s32 @!p0 $0x1;
	_ =	shalt  }
.Lfunc_end2:
_tile_overlayer_lowered:
.L_overlay_start_2:
0x135: {  	(tag) =	ssettag $0x2  }
0x136: {  	s0 =	rddreg [dreg:$0x0];
	s2 =	stileid.u32  }
0x137: {  	s1 =	rddreg [dreg:$0x1];
	p0 =	sne.s32 s2, $0x0  }
0x138: {  	s3 =	rddreg [dreg:$0x2];
	[bflag:$0x3] =	sbarrier.arrive $0xFFFF;
	s2 =	simm.s32 @!p0 $0x1C0A  }
0x139: {  	[timem:s3], [sflag:s2] =	dma.local @!p0 [hbm:s0], s1  }
0x13a: {  	s0 =	simm.s32 @!p0 $0xA  }
0x13b: {  	_ =	swait.ge @!p0 [sflag:s0], s1  }
0x13c: {  	s1 =	ssub.s32 @!p0 $0x0, s1;
	[sflag:s0] =	ssyncset.done @!p0 $0x0  }
0x13d: {  	[sflag:s0] =	ssyncadd.s32 @!p0 s1  }
0x13e: {  	[bflag:$0x3] =	sbarrier.arrive $0xFFFF  }
0x13f: {  	_ =	shalt  }

// kernel: kernel.15.cloned.1.call-start
scs
__scs_entry_jumppad:
0x0: {  	(pc) =	sbr.rel $0x88, $3  }
0x1: {  	(tag) =	ssettag $0x0;
	lr =	simm.s32 $0x1  }
0x2: {  	[smem:$0x3F93] =	sst lr;
	_ =	strace $0xD0000000  }
0x3: {  	_ = 	snop  }
0x4: {  	_ = 	snop  }
0x5: {  	_ = 	snop  }
0x6: {  	_ = 	snop  }
0x7: {  	_ = 	snop  }
__scs_overlays_trampoline_lowered:
0x8: {  	[smem:$0x3FA2] =	sst s0  }
0x9: {  	[smem:$0x3FA3] =	sst s1  }
0xa: {  	[smem:$0x3FA4] =	sst s2  }
0xb: {  	[smem:$0x3FA5] =	sst s3  }
0xc: {  	[smem:$0x3FA6] =	sst s4  }
0xd: {  	[smem:$0x3FA7] =	sst s5  }
0xe: {  	[smem:$0x3FA8] =	sst s6  }
0xf: {  	[smem:$0x3FA9] =	sst s7  }
0x10: {  	[smem:$0x3FAA] =	sst s8  }
0x11: {  	[smem:$0x3FAB] =	sst s9;
	s0 =	simm.s32 @!p0 $0x0  }
0x12: {  	s1 =	sld [smem:$0x3F91];
	s0 =	simm.s32 @p0 $0x1  }
0x13: {  	[smem:$0x3FAC] =	sst s0;
	s0 =	simm.s32 @!p1 $0x0  }
0x14: {  	s2 =	sld [smem:$0x3F90];
	s0 =	simm.s32 @p1 $0x1  }
0x15: {  	[smem:$0x3FAD] =	sst s0;
	s0 =	simm.s32 @!p2 $0x0  }
0x16: {  	s3 =	sld [smem:$0x3FDB];
	s0 =	simm.s32 @p2 $0x1  }
0x17: {  	s4 =	simm.s32 $0x1BF5;
	[smem:$0x3FAF] =	sst s0  }
0x18: {  	s0 =	sld [smem:$0x3F92];
	_ =	swait.ge [sflag:s4], $0x0  }
0x19: {  	s7 =	sld [smem:$0x3F93]  }
0x1a: {  	s8 =	sadd.s32 $0xFFFFE003, lr  }
0x1b: {  	s9 =	sadd.s32 $0xFFFFFEF7, lr;
	s5 =	simm.s32 $0xFFFFFFFF;
	p2 =	slt.u32 s8, $0xFFFFF086  }
0x1c: {  	p1 =	slt.u32 s9, $0xF7A;
	s5 =	simm.s32 @!p2 $0x0  }
0x1d: {  	s5 =	simm.s32 @p1 $0x1;
	p0 =	seq.s32 s7, s2  }
0x1e: {  	s7 =	smul.u32 @!p0 $0xF7A, s2;
	p2 =	seq.s32 @!p0 s5, $0x0  }
0x1f: {  	s9 =	smul.u32 $0xF7A, s1;
	s8 =	simm.s32 @!p0 $0x1BF5;
	p2 =	por !p2, p0  }
0x20: {  	[sflag:s8] =	ssyncset.s32 @!p0 $0xFFFFF086;
	s6 =	sadd.s32 @!p0 s3, s7;
	s7 =	simm.s32 @!p0 $0x108  }
0x21: {  	s3 =	sadd.s32 s3, s9;
	s6 =	sadd.s32 @!p0 $0x88, s6;
	s7 =	simm.s32 @p2 $0x1082  }
0x22: {  	[simem:s7], [sflag:s8] =	dma.local @!p0 [hbm:s6], $0xF7A  }
0x23: {  	s9 =	sor.u32 $0xD0000000, s2;
	s6 =	simm.s32 $0x108;
	_ =	swait.ge @!p0 [sflag:s8], $0x0  }
0x24: {  	s3 =	sadd.s32 $0x88, s3;
	s6 =	simm.s32 @!p1 $0x1082;
	[sflag:s4] =	ssyncset.s32 $0xFFFFF086  }
0x25: {  	[simem:s6], [sflag:s4] =	dma.local [hbm:s3], $0xF7A  }
0x26: {  	[smem:$0x3F93] =	sst s1;
	(tag) =	ssettag s2;
	_ =	strace s9  }
0x27: {  	s1 =	sld [smem:$0x3FA3]  }
0x28: {  	s2 =	sld [smem:$0x3FA4]  }
0x29: {  	s4 =	sld [smem:$0x3FA6]  }
0x2a: {  	p0 =	seq.s32 s5, $0x0;
	s5 =	sld [smem:$0x3FA7]  }
0x2b: {  	s6 =	sld [smem:$0x3FA8]  }
0x2c: {  	s7 =	sld [smem:$0x3FA9]  }
0x2d: {  	s3 =	simm.s32 $0x108;
	s8 =	sld [smem:$0x3FAA]  }
0x2e: {  	s3 =	simm.s32 @!p0 $0x1082;
	s9 =	sld [smem:$0x3FAB]  }
0x2f: {  	lr =	sadd.s32 s0, s3;
	s0 =	sld [smem:$0x3FA2]  }
0x30: {  	s3 =	sld [smem:$0x3FA5]  }
0x31: {  	[smem:$0x3FAE] =	sst s10  }
0x32: {  	s10 =	sld [smem:$0x3FAC];
	_ =	sdelay $0x3  }
0x33: {  	p0 =	seq.s32 s10, $0x1;
	s10 =	sld [smem:$0x3FAE];
	_ =	sdelay $0x3  }
0x34: {  	[smem:$0x3FAE] =	sst s10  }
0x35: {  	s10 =	sld [smem:$0x3FAD];
	_ =	sdelay $0x3  }
0x36: {  	p1 =	seq.s32 s10, $0x1;
	s10 =	sld [smem:$0x3FAE];
	_ =	sdelay $0x3  }
0x37: {  	[smem:$0x3FAE] =	sst s10  }
0x38: {  	s10 =	sld [smem:$0x3FAF]  }
0x39: {  	_ = 	snop;
	(pc) =	sbr.ind lr, $3  }
0x3a: {  	_ = 	snop  }
0x3b: {  	_ = 	snop  }
0x3c: {  	p2 =	seq.s32 s10, $0x1;
	s10 =	sld [smem:$0x3FAE]  }
0x3d: {  	_ =	shalt  }
0x3e: {  	_ =	shalt  }
0x3f: {  	_ =	shalt  }
0x40: {  	_ =	shalt  }
0x41: {  	_ =	shalt  }
0x42: {  	_ =	shalt  }
0x43: {  	_ =	shalt  }
0x44: {  	_ =	shalt  }
0x45: {  	_ =	shalt  }
0x46: {  	_ =	shalt  }
0x47: {  	_ =	shalt  }
0x48: {  	_ =	shalt  }
0x49: {  	_ =	shalt  }
0x4a: {  	_ =	shalt  }
0x4b: {  	_ =	shalt  }
0x4c: {  	_ =	shalt  }
0x4d: {  	_ =	shalt  }
0x4e: {  	_ =	shalt  }
0x4f: {  	_ =	shalt  }
0x50: {  	_ =	shalt  }
0x51: {  	_ =	shalt  }
0x52: {  	_ =	shalt  }
0x53: {  	_ =	shalt  }
0x54: {  	_ =	shalt  }
0x55: {  	_ =	shalt  }
0x56: {  	_ =	shalt  }
0x57: {  	_ =	shalt  }
0x58: {  	_ =	shalt  }
0x59: {  	_ =	shalt  }
0x5a: {  	_ =	shalt  }
0x5b: {  	_ =	shalt  }
0x5c: {  	_ =	shalt  }
0x5d: {  	_ =	shalt  }
0x5e: {  	_ =	shalt  }
0x5f: {  	_ =	shalt  }
0x60: {  	_ =	shalt  }
0x61: {  	_ =	shalt  }
0x62: {  	_ =	shalt  }
0x63: {  	_ =	shalt  }
0x64: {  	_ =	shalt  }
0x65: {  	_ =	shalt  }
0x66: {  	_ =	shalt  }
0x67: {  	_ =	shalt  }
0x68: {  	_ =	shalt  }
0x69: {  	_ =	shalt  }
0x6a: {  	_ =	shalt  }
0x6b: {  	_ =	shalt  }
0x6c: {  	_ =	shalt  }
0x6d: {  	_ =	shalt  }
0x6e: {  	_ =	shalt  }
0x6f: {  	_ =	shalt  }
0x70: {  	_ =	shalt  }
0x71: {  	_ =	shalt  }
0x72: {  	_ =	shalt  }
0x73: {  	_ =	shalt  }
0x74: {  	_ =	shalt  }
0x75: {  	_ =	shalt  }
0x76: {  	_ =	shalt  }
0x77: {  	_ =	shalt  }
0x78: {  	_ =	shalt  }
0x79: {  	_ =	shalt  }
0x7a: {  	_ =	shalt  }
0x7b: {  	_ =	shalt  }
0x7c: {  	_ =	shalt  }
0x7d: {  	_ =	shalt  }
0x7e: {  	_ =	shalt  }
0x7f: {  	_ =	shalt  }
0x80: {  	_ =	shalt  }
0x81: {  	_ =	shalt  }
0x82: {  	_ =	shalt  }
0x83: {  	_ =	shalt  }
0x84: {  	_ =	shalt  }
0x85: {  	_ =	shalt  }
0x86: {  	_ =	shalt  }
0x87: {  	_ =	shalt  }
.Lfunc_end0:
.L_simem_size_0:
called_computation.2_lowered:
.L_overlay_start_0:
0x88: {  	s2 =	sld [smem:$0x3FD9]  }
0x89: {  	s3 =	sld [smem:$0x3FFE];
	_ =	sdelay $0x1  }
0x8a: {  	s1 =	srdreg.scid  }
0x8b: {  	s0 =	sand.u32 $0x1, s1  }
0x8c: {  	s16 =	sshll.u32 s0, $0xA;
	s2 =	sadd.s32 s3, s2  }
0x8d: {  	s2 =	sadd.s32 s2, s16  }
0x8e: {  	[smem:$0x3FBA] =	sst s2  }
0x8f: {  	_ = 	snop  }
0x90: {  	(tm) =	ssettm $0x1  }
0x91: {  	s17 =	sld [smem:$0x3FFB];
	_ =	sdelay $0x3  }
0x92: {  	_ =	strace s17  }
0x93: {  	s2 =	sld [smem:$0x3FFC];
	_ =	sdelay $0x3  }
0x94: {  	_ =	strace s2  }
0x95: {  	s2 =	sld [smem:$0x3FFD];
	_ =	sdelay $0x3  }
0x96: {  	_ =	strace s2  }
0x97: {  	_ =	strace $0x8FFFFFFF  }
0x98: {  	s18 =	sld [smem:$0x3FDB];
	_ =	sdelay $0x1  }
0x99: {  	s19 =	simm.s32 $_scs_section_size  }
0x9a: {  	s4 =	simm.s32 $_size__tile_overlayer_lowered;
	s5 =	simm.s32 $_tile_overlayer_lowered  }
0x9b: {  	s22 =	simm.s32 $0x1BFF;
	s21 =	sshll.u32 s5, $0x1;
	s2 =	sadd.s32 s19, s18  }
0x9c: {  	s6 =	simm.s32 $0x0;
	s20 =	sshll.u32 s4, $0x1;
	s4 =	sadd.s32 s21, s2  }
0x9d: {  	[timem:s6], [sflag:s22] =	dma.local [hbm:s4], s20  }
0x9e: {  	_ =	swait.ge [sflag:s22], s20  }
0x9f: {  	s3 =	ssub.s32 $0x0, s20;
	[sflag:s22] =	ssyncset.done $0x0  }
0xa0: {  	[sflag:s22] =	ssyncadd.s32 s3;
	_ =	sdelay $0x1  }
0xa1: {  	s23 =	simm.s32 $0x1B8B  }
0xa2: {  	_ =	swait.ge [sflag:s23], $0x1  }
0xa3: {  	[sflag:s23] =	ssyncset.done $0x0  }
0xa4: {  	s25 =	simm.s32 $0x1B8E;
	s24 =	sld [smem:$0x3FFE];
	[sflag:s23] =	ssyncadd.s32 $0xFFFFFFFF  }
0xa5: {  	s26 =	simm.s32 $execute0_lowered;
	[smem:$0x3FD2] =	sst s25  }
0xa6: {  	s4 =	sshll.u32 s26, $0x1;
	_ =	strace $0x8000004C;
	[dreg:$0x1] =	wrdreg $0xFFFFFFFF  }
0xa7: {  	s28 =	simm.s32 $_size_execute0_lowered;
	s2 =	sadd.s32 s2, s4;
	[dreg:$0x0] =	wrdreg $0x0  }
0xa8: {  	s4 =	sshll.u32 s28, $0x1;
	[dreg:$0x2] =	wrdreg s2  }
0xa9: {  	[dreg:$0x3] =	wrdreg s4  }
0xaa: {  	[dreg:$0x4] =	wrdreg $0xC0  }
0xab: {  	_ =	task [dreg:s6], $0x5FFFF  }
0xac: {  	[dreg:$0x1] =	wrdreg $0xFFFFFFFF  }
0xad: {  	[dreg:$0x0] =	wrdreg $0x60  }
0xae: {  	[dreg:$0x2] =	wrdreg s24  }
0xaf: {  	[dreg:$0x3] =	wrdreg $0xB1000  }
0xb0: {  	[dreg:$0x4] =	wrdreg $0x9  }
0xb1: {  	_ =	task.clear_ibuf [dreg:s6], $0x5FFFF;
	_ =	strace $0x9000004C  }
0xb2: {  	s29 =	simm.s32 $0x9;
	_ =	strace $0x8000004E  }
0xb3: {  	_ =	swait.ge [sflag:s29], $0x1  }
0xb4: {  	[sflag:s29] =	ssyncadd.s32 $0xFFFFFFFF  }
0xb5: {  	_ =	strace $0x9000004E  }
0xb6: {  	_ =	sfence  }
0xb7: {  	s30 =	sld [smem:$0x0];
	_ =	sdelay $0x2  }
0xb8: {  	s31 =	sshll.u32 s1, $0xD;
	s1 =	sshrl.u32 s1, $0x2  }
0xb9: {  	s3 =	sand.u32 $0x4000, s31;
	s1 =	sadd.s32 s1, s30  }
0xba: {  	s0 =	sor.u32 s3, s0;
	s1 =	sshll.u32 s1, $0x11  }
0xbb: {  	s0 =	sor.u32 s1, s0  }
0xbc: {  	s0 =	sadd.s32 $0x8F2B, s0  }
0xbd: {  	[sflag:s0] =	ssyncadd.remote.s32 $0x1  }
0xbe: {  	_ =	sfence.sel $0xFFFF  }
0xbf: {  	[dreg:$0x0] =	wrdreg $0xFFFFFFFF;
	(pc) =	sbr.abs _section_cstart, $3  }
0xc0: {  	[dreg:$0x1] =	wrdreg $0xFFFFFFFF  }
0xc1: {  	_ =	task.clear_ibuf [dreg:s6], $0x2FFFF;
	_ =	strace $0x9FFFFFFF  }
0xc2: {  	(tm) =	ssettm $0x7FFFFFFF  }
0xc3: {  	_ =	shalt  }
tec
execute0_lowered:
.L_overlay_start_1:
0x0: {  	(tag) =	ssettag $0x1  }
0x1: {  	s0 =	srdreg.scid;
	s3 =	rddreg [dreg:$0x0]  }
0x2: {  	s9 =	stileid.u32;
	s2 =	rddreg [dreg:$0x1];
	s5 =	simm.s32 $0x0  }
0x3: {  	s16 =	simm.s32 $0xA;
	s28 =	simm.s32 $0x4;
	s29 =	simm.s32 $0x7100  }
0x4: {  	s30 =	simm.s32 $0xA100;
	s31 =	simm.s32 $0x2;
	s0 =	sand.u32 $0x1, s0  }
0x5: {  	s4 =	sshll.u32 s9, $0x7;
	[smem:$0x7FF] =	sst s5;
	s7 =	smul.u32 $0x14000, s9  }
0x6: {  	s5 =	sadd.s32 $0x3FA00, s3;
	s8 =	sadd.s32 $0x67A00, s3;
	s19 =	smul.u32 $0x50000, s9  }
0x7: {  	s22 =	smul.u32 $0x2880, s9;
	s26 =	sshll.u32 s9, $0x6;
	s1 =	sshll.u32 s0, $0x4  }
0x8: {  	s4 =	sand.u32 $0x380, s4;
	s6 =	smul.u32 $0x140000, s0;
	_ =	strace $0x8000004D  }
0x9: {  	[dreg:$0x3] =	wrdreg s8;
	s18 =	ssub.s32 $0x2, s0;
	s0 =	smul.u32 $0x28800, s0  }
0xa: {  	s12 =	sor.u32 $0x1C0A, s26;
	s26 =	simm.s32 $0x1;
	s1 =	sor.u32 s9, s1  }
0xb: {  	s20 =	sshrl.u32 s18, $0x1;
	s21 =	sshrl.u32 s19, $0x2;
	s1 =	sshrl.u32 s1, $0x3  }
0xc: {  	s6 =	sadd.s32 s7, s6;
	s23 =	sadd.s32 s21, s2;
	s0 =	sadd.s32 s22, s0  }
0xd: {  	s21 =	simm.s32 $0x5100;
	s22 =	simm.s32 $0x6;
	s7 =	simm.s32 $0x0  }
0xe: {  	s1 =	smul.u32 $0x14400, s1;
	s6 =	sshrl.u32 s6, $0x3;
	s25 =	sor.u32 $0x20, s0  }
0xf: {  	[dreg:$0x8] =	wrdreg s0;
	s0 =	sor.u32 $0x40, s0;
	s13 =	sshrl.u32 s23, $0x3  }
0x10: {  	s23 =	simm.s32 $0x6100;
	[dreg:$0x9] =	wrdreg s25;
	s1 =	sor.u32 s4, s1  }
0x11: {  	[dreg:$0xa] =	wrdreg s0;
	s25 =	simm.s32 $0x9100;
	s1 =	sshrl.u32 s1, $0x3  }
0x12: {  	s0 =	simm.s32 $0x3;
	[dreg:$0xb] =	wrdreg s13;
	s1 =	sadd.s32 s1, s3  }
.Ltmp0:
0x13: {  	s4 =	sadd.s32 $0x17A00, s3;
	s10 =	sadd.s32 $0x3600, s1;
	(pc) =	sbr.rel .LBB2_1-.Ltmp0, $4  }
0x14: {  	s3 =	sadd.s32 s6, s3;
	s1 =	sadd.s32 $0xD800, s1;
	[dreg:$0x4] =	wrdreg s10  }
0x15: {  	s6 =	ssub.s32 s18, s20;
	s3 =	sadd.s32 $0x6A200, s3;
	[dreg:$0x5] =	wrdreg s1  }
0x16: {  	s20 =	simm.s32 $0x20;
	s24 =	smax.u32 s6, $0x1;
	[dreg:$0x6] =	wrdreg s3  }
0x17: {  	vm0 =	vcmask $0x300;
	vm1 =	vcmask $0x704;
	[dreg:$0x7] =	wrdreg s24;
	s1 =	simm.s32 $0x5;
	s3 =	simm.s32 $0x8  }
.LBB2_10:
0x18: {  	s6 =	simm.s32 $0x7  }
0x19: {  	_ =	swait.ge [sflag:s6], $0x1000  }
0x1a: {  	[sflag:s6] =	ssyncset.done $0x0  }
0x1b: {  	[sflag:s6] =	ssyncadd.s32 $0xFFFFF000  }
0x1c: {  	_ =	swait.ge [sflag:s3], $0x1000  }
0x1d: {  	[sflag:s3] =	ssyncset.done $0x0  }
0x1e: {  	s17 =	simm.s32 $0x9;
	[sflag:s3] =	ssyncadd.s32 $0xFFFFF000  }
0x1f: {  	_ =	swait.ge [sflag:s17], $0x1000  }
0x20: {  	[sflag:s17] =	ssyncset.done $0x0  }
0x21: {  	[sflag:s17] =	ssyncadd.s32 $0xFFFFF000  }
0x22: {  	[bflag:$0x0] =	sbarrier.arrive $0xFFFF  }
0x23: {  	s18 =	rddreg [dreg:$0x6]  }
0x24: {  	s13 =	rddreg [dreg:$0xb]  }
0x25: {  	[hbm:s18], [sflag:s19] =	dma.local [spmem:s13], $0x2800  }
0x26: {  	_ =	swait.ge [sflag:s16], $0x2800  }
0x27: {  	s7 =	sadd.s32 $0x1, s7;
	s24 =	rddreg [dreg:$0x7]  }
0x28: {  	p0 =	sne.s32 s7, s24  }
.Ltmp1:
0x29: {  	_ = 	snop;
	(pc) =	sbr.rel @!p0 .LBB2_11-.Ltmp1, $3  }
0x2a: {  	_ =	sdelay $0x1  }
0x2b: {  	[sflag:s16] =	ssyncset.done $0x0  }
0x2c: {  	s12 =	smov.u32 s19;
	[sflag:s16] =	ssyncadd.s32 $0xFFFFD800  }
.LBB2_1:
0x2d: {  	s6 =	simm.s32 $0x0  }
0x2e: {  	s8 =	rddreg [dreg:$0x4];
	s9 =	simm.s32 $0x80;
	s10 =	simm.s32 $0x400  }
0x2f: {  	[tilespmem:s6], [sflag:$0xA] =	stream.strided.gather [hbm4b:s8+s9], $0x2880, s10, s9, $0x38;
	[tilespmem:$0x1F100] =	vst v63  }
0x30: {  	_ =	swait.ge [sflag:s16], $0x2880  }
0x31: {  	[sflag:s16] =	ssyncset.done $0x0  }
0x32: {  	s11 =	simm.s32 $0x2880;
	s15 =	rddreg [dreg:$0x5];
	[sflag:s16] =	ssyncadd.s32 $0xFFFFD780  }
0x33: {  	[tilespmem:s11], [sflag:$0xA] =	stream.strided.gather [hbm4b:s15+s9], $0x2880, s10, s9, $0x38;
	[tilespmem:$0x1F100] =	vst v63  }
0x34: {  	_ =	swait.ge [sflag:s16], $0x2880  }
0x35: {  	[sflag:s16] =	ssyncset.done $0x0  }
0x36: {  	s17 =	rddreg [dreg:$0x3];
	[sflag:s16] =	ssyncadd.s32 $0xFFFFD780  }
0x37: {  	[spmem:s13], [sflag:s12] =	dma.local [hbm:s17], $0x2800  }
0x38: {  	_ =	swait.ge [sflag:s16], $0x2800  }
0x39: {  	[sflag:s16] =	ssyncset.done $0x0  }
0x3a: {  	[sflag:s16] =	ssyncadd.s32 $0xFFFFD800  }
0x3b: {  	[bflag:$0x0] =	sbarrier.arrive $0xFFFF  }
0x3c: {  	[tilespmem:s21], [sflag:$0x1] =	stream.indirect.gather [hbm4b:s4+s20], $0x80, s6, s20, $0xb8;
	[tilespmem:$0x1F100] =	vst v63  }
0x3d: {  	s18 =	simm.s32 $0x8100;
	s13 =	rddreg [dreg:$0xa]  }
0x3e: {  	[tilespmem:s18], [sflag:$0x4] =	stream.indirect.gather [hbm4b:s5+s20], $0x80, s11, s20, $0xb8;
	[tilespmem:$0x1F100] =	vst v63  }
0x3f: {  	s19 =	smov.u32 s12;
	s15 =	rddreg [dreg:$0x9]  }
0x40: {  	[tilespmem:s23], [sflag:$0x2] =	stream.indirect.gather [hbm4b:s4+s20], $0x80, s20, s20, $0xb8;
	[tilespmem:$0x1F100] =	vst v63  }
0x41: {  	s24 =	simm.s32 $0x28A0;
	s9 =	simm.s32 $0x0;
	s11 =	rddreg [dreg:$0x8]  }
0x42: {  	[tilespmem:s25], [sflag:$0x5] =	stream.indirect.gather [hbm4b:s5+s20], $0x80, s24, s20, $0xb8;
	[tilespmem:$0x1F100] =	vst v63  }
.LBB2_2:
0x43: {  	_ =	swait.ge [sflag:s26], $0x1000  }
0x44: {  	[sflag:s26] =	ssyncset.done $0x0  }
0x45: {  	[sflag:s26] =	ssyncadd.s32 $0xFFFFF000  }
0x46: {  	_ =	swait.ge [sflag:s28], $0x1000  }
0x47: {  	[sflag:s28] =	ssyncset.done $0x0  }
0x48: {  	s8 =	simm.s32 $0x0;
	[sflag:s28] =	ssyncadd.s32 $0xFFFFF000  }
0x49: {  	v0 =	vld [tilespmem:s8+$0x8100]  }
0x4a: {  	v1 =	vld [tilespmem:s8+$0x5100];
	_ =	sdelay $0x4  }
0x4b: {  	v0 =	vadd.f32 v0, v1;
	_ =	sdelay $0x1  }
0x4c: {  	v2 =	vmul.f32 $2.000000030e-01, v0  }
0x4d: {  	vm2 =	vge.f32 v0, $0.0e+00  }
0x4e: {  	v0 =	vsel vm2, v0, v2  }
0x4f: {  	v0 =	vmul.f32 $1.442695020e+00, v0;
	_ =	sdelay $0x1  }
0x50: {  	(erf) = vpow2.f32 v0;
	_ =	sdelay $0x8  }
0x51: {  	v0 =	vpop (erf)  }
0x52: {  	(v2sf) =	vpush v0, $0x0  }
0x53: {  	(v2sf) =	vpush v1, $0x1;
	_ =	sdelay $0xd  }
0x54: {  	p0 =	slt.u32 s11, $0x50910;
	s10 =	spop (v2sf)  }
0x55: {  	s10 =	simm.s32 @!p0 $0x0;
	s12 =	spop (v2sf)  }
0x56: {  	s12 =	smul.f32 s10, s12;
	_ =	sdelay $0x1  }
0x57: {  	v0 =	vmov s12  }
0x58: {  	v0 =	vnsel vm0, $0x0, v0  }
0x59: {  	s17 =	simm.s32 $0x80;
	v1 =	vsel vm1, s10, v0  }
0x5a: {  	s12 =	simm.s32 $0x400;
	v0 =	vld [tilespmem:s17+$0x8100];
	s10 =	smul.u32 $0x60, s9;
	[tilespmem:s8+$0x5100] =	vst v1;
	s8 =	smov.u32 s11  }
.LBB2_3:
0x5b: {  	p0 =	sne.s32 s12, $0x3E00;
	v1 =	vld [tilespmem:s17+$0x5100];
	_ =	sdelay $0x4  }
0x5c: {  	v0 =	vadd.f32 v0, v1;
	_ =	sdelay $0x1  }
0x5d: {  	v2 =	vmul.f32 $2.000000030e-01, v0  }
0x5e: {  	vm2 =	vge.f32 v0, $0.0e+00  }
0x5f: {  	v0 =	vsel vm2, v0, v2  }
0x60: {  	v0 =	vmul.f32 $1.442695020e+00, v0;
	_ =	sdelay $0x1  }
0x61: {  	(erf) = vpow2.f32 v0;
	_ =	sdelay $0x8  }
0x62: {  	v0 =	vpop (erf)  }
0x63: {  	(v2sf) =	vpush v0, $0x0  }
0x64: {  	(v2sf) =	vpush v1, $0x1;
	_ =	sdelay $0xc  }
0x65: {  	s8 =	sadd.s32 $0x1, s8  }
0x66: {  	p1 =	slt.u32 s8, $0x50910;
	s14 =	spop (v2sf)  }
0x67: {  	s14 =	simm.s32 @!p1 $0x0;
	s24 =	spop (v2sf)  }
0x68: {  	s24 =	smul.f32 s14, s24  }
.Ltmp2:
0x69: {  	(pc) =	sbr.rel @p0 .LBB2_3-.Ltmp2, $4  }
0x6a: {  	v0 =	vmov s24  }
0x6b: {  	v0 =	vnsel vm0, $0x0, v0  }
0x6c: {  	s24 =	sshra.s32 s12, $0x2;
	v1 =	vsel vm1, s14, v0  }
0x6d: {  	s12 =	sadd.s32 $0x200, s12;
	v0 =	vld [tilespmem:s24+$0x8100];
	[tilespmem:s17+$0x5100] =	vst v1;
	s17 =	smov.u32 s24  }
0x6e: {  	v1 =	vld [tilespmem:s17+$0x5100];
	_ =	sdelay $0x4  }
0x6f: {  	v0 =	vadd.f32 v0, v1;
	_ =	sdelay $0x1  }
0x70: {  	v2 =	vmul.f32 $2.000000030e-01, v0  }
0x71: {  	vm2 =	vge.f32 v0, $0.0e+00  }
0x72: {  	v0 =	vsel vm2, v0, v2  }
0x73: {  	v0 =	vmul.f32 $1.442695020e+00, v0;
	_ =	sdelay $0x1  }
0x74: {  	(erf) = vpow2.f32 v0;
	_ =	sdelay $0x8  }
0x75: {  	v0 =	vpop (erf)  }
0x76: {  	(v2sf) =	vpush v0, $0x0  }
0x77: {  	(v2sf) =	vpush v1, $0x1;
	_ =	sdelay $0xc  }
0x78: {  	s8 =	sadd.s32 $0x1, s8  }
0x79: {  	p0 =	slt.u32 s8, $0x50910;
	s8 =	spop (v2sf)  }
0x7a: {  	s8 =	simm.s32 @!p0 $0x0;
	s12 =	spop (v2sf)  }
0x7b: {  	s12 =	smul.f32 s8, s12;
	_ =	sdelay $0x1  }
0x7c: {  	s6 =	smul.u32 $0x180, s9;
	v0 =	vmov s12  }
0x7d: {  	v0 =	vnsel vm0, $0x0, v0  }
0x7e: {  	s14 =	sshra.s32 s6, $0x2;
	v0 =	vsel vm1, s8, v0  }
0x7f: {  	p0 =	seq.s32 s9, $0x0;
	s8 =	sadd.s32 $0x2880, s14;
	[tilespmem:s17+$0x5100] =	vst v0  }
0x80: {  	[spmem:s2] =	stream.indirect.scatter.add.f32 [tilespmem:s21], [sflag:$0x7], $0x80, s8, s20, $0xb8;
	[tilespmem:$0x1F100] =	vst v63  }
0x81: {  	s12 =	smul.u32 $0x3, s9;
	s8 =	simm.s32 @!p0 $0x9  }
0x82: {  	_ =	swait.ge @!p0 [sflag:s8], $0x1000  }
0x83: {  	s14 =	sadd.s32 $0x2, s12;
	[sflag:s8] =	ssyncset.done @!p0 $0x0  }
0x84: {  	s17 =	sshll.u32 s14, $0x5;
	[sflag:s8] =	ssyncadd.s32 @!p0 $0xFFFFF000  }
0x85: {  	[tilespmem:s29], [sflag:$0x3] =	stream.indirect.gather [hbm4b:s4+s20], $0x80, s17, s20, $0xb8;
	[tilespmem:$0x1F100] =	vst v63  }
0x86: {  	s18 =	sadd.s32 $0x2880, s17  }
0x87: {  	[tilespmem:s30], [sflag:$0x6] =	stream.indirect.gather [hbm4b:s5+s20], $0x80, s18, s20, $0xb8;
	[tilespmem:$0x1F100] =	vst v63  }
0x88: {  	_ =	swait.ge [sflag:s31], $0x1000  }
0x89: {  	[sflag:s31] =	ssyncset.done $0x0  }
0x8a: {  	[sflag:s31] =	ssyncadd.s32 $0xFFFFF000  }
0x8b: {  	_ =	swait.ge [sflag:s1], $0x1000  }
0x8c: {  	[sflag:s1] =	ssyncset.done $0x0  }
0x8d: {  	s6 =	simm.s32 $0x0;
	[sflag:s1] =	ssyncadd.s32 $0xFFFFF000  }
0x8e: {  	v0 =	vld [tilespmem:s6+$0x9100]  }
0x8f: {  	v1 =	vld [tilespmem:s6+$0x6100];
	_ =	sdelay $0x4  }
0x90: {  	v0 =	vadd.f32 v0, v1;
	_ =	sdelay $0x1  }
0x91: {  	v2 =	vmul.f32 $2.000000030e-01, v0  }
0x92: {  	vm2 =	vge.f32 v0, $0.0e+00  }
0x93: {  	v0 =	vsel vm2, v0, v2  }
0x94: {  	v0 =	vmul.f32 $1.442695020e+00, v0;
	_ =	sdelay $0x1  }
0x95: {  	(erf) = vpow2.f32 v0;
	_ =	sdelay $0x8  }
0x96: {  	v0 =	vpop (erf)  }
0x97: {  	(v2sf) =	vpush v0, $0x0  }
0x98: {  	(v2sf) =	vpush v1, $0x1;
	_ =	sdelay $0xd  }
0x99: {  	p0 =	slt.u32 s15, $0x50910;
	s14 =	spop (v2sf)  }
0x9a: {  	s14 =	simm.s32 @!p0 $0x0;
	s24 =	spop (v2sf)  }
0x9b: {  	s8 =	smul.f32 s14, s24;
	_ =	sdelay $0x1  }
0x9c: {  	v0 =	vmov s8  }
0x9d: {  	v0 =	vnsel vm0, $0x0, v0  }
0x9e: {  	s8 =	simm.s32 $0x80;
	v1 =	vsel vm1, s14, v0  }
0x9f: {  	s24 =	simm.s32 $0x400;
	v0 =	vld [tilespmem:s8+$0x9100];
	s14 =	sadd.s32 $0x1, s12;
	s12 =	smov.u32 s15;
	[tilespmem:s6+$0x6100] =	vst v1  }
.LBB2_5:
0xa0: {  	p0 =	sne.s32 s24, $0x3E00;
	v1 =	vld [tilespmem:s8+$0x6100];
	_ =	sdelay $0x4  }
0xa1: {  	v0 =	vadd.f32 v0, v1;
	_ =	sdelay $0x1  }
0xa2: {  	v2 =	vmul.f32 $2.000000030e-01, v0  }
0xa3: {  	vm2 =	vge.f32 v0, $0.0e+00  }
0xa4: {  	v0 =	vsel vm2, v0, v2  }
0xa5: {  	v0 =	vmul.f32 $1.442695020e+00, v0;
	_ =	sdelay $0x1  }
0xa6: {  	(erf) = vpow2.f32 v0;
	_ =	sdelay $0x8  }
0xa7: {  	v0 =	vpop (erf)  }
0xa8: {  	(v2sf) =	vpush v0, $0x0  }
0xa9: {  	(v2sf) =	vpush v1, $0x1;
	_ =	sdelay $0xc  }
0xaa: {  	s12 =	sadd.s32 $0x1, s12  }
0xab: {  	p1 =	slt.u32 s12, $0x50910;
	s6 =	spop (v2sf)  }
0xac: {  	s6 =	simm.s32 @!p1 $0x0;
	s18 =	spop (v2sf)  }
0xad: {  	s18 =	smul.f32 s6, s18  }
.Ltmp3:
0xae: {  	(pc) =	sbr.rel @p0 .LBB2_5-.Ltmp3, $4  }
0xaf: {  	v0 =	vmov s18  }
0xb0: {  	v0 =	vnsel vm0, $0x0, v0  }
0xb1: {  	s18 =	sshra.s32 s24, $0x2;
	v1 =	vsel vm1, s6, v0  }
0xb2: {  	s24 =	sadd.s32 $0x200, s24;
	v0 =	vld [tilespmem:s18+$0x9100];
	[tilespmem:s8+$0x6100] =	vst v1;
	s8 =	smov.u32 s18  }
0xb3: {  	v1 =	vld [tilespmem:s8+$0x6100];
	_ =	sdelay $0x4  }
0xb4: {  	v0 =	vadd.f32 v0, v1;
	_ =	sdelay $0x1  }
0xb5: {  	v2 =	vmul.f32 $2.000000030e-01, v0  }
0xb6: {  	vm2 =	vge.f32 v0, $0.0e+00  }
0xb7: {  	v0 =	vsel vm2, v0, v2  }
0xb8: {  	v0 =	vmul.f32 $1.442695020e+00, v0;
	_ =	sdelay $0x1  }
0xb9: {  	(erf) = vpow2.f32 v0;
	_ =	sdelay $0x8  }
0xba: {  	v0 =	vpop (erf)  }
0xbb: {  	(v2sf) =	vpush v0, $0x0  }
0xbc: {  	(v2sf) =	vpush v1, $0x1;
	_ =	sdelay $0xc  }
0xbd: {  	s6 =	sadd.s32 $0x1, s12  }
0xbe: {  	p0 =	slt.u32 s6, $0x50910;
	s6 =	spop (v2sf)  }
0xbf: {  	s6 =	simm.s32 @!p0 $0x0;
	s18 =	spop (v2sf)  }
0xc0: {  	s12 =	smul.f32 s6, s18;
	_ =	sdelay $0x1  }
0xc1: {  	v0 =	vmov s12  }
0xc2: {  	s24 =	sshll.u32 s14, $0x5;
	v0 =	vnsel vm0, $0x0, v0  }
0xc3: {  	s14 =	sand.u32 $0x3FFFFFE0, s24;
	v0 =	vsel vm1, s6, v0  }
0xc4: {  	p0 =	seq.s32 s9, $0x6B;
	s6 =	sadd.s32 $0x2880, s14;
	[tilespmem:s8+$0x6100] =	vst v0  }
0xc5: {  	[spmem:s2] =	stream.indirect.scatter.add.f32 [tilespmem:s23], [sflag:$0x8], $0x80, s6, s20, $0xb8;
	[tilespmem:$0x1F100] =	vst v63  }
0xc6: {  	s6 =	simm.s32 @!p0 $0x7  }
0xc7: {  	_ =	swait.ge @!p0 [sflag:s6], $0x1000  }
0xc8: {  	s12 =	simm.s32 @!p0 $0x5100;
	[sflag:s6] =	ssyncset.done @!p0 $0x0  }
0xc9: {  	s8 =	simm.s32 @!p0 $0x20;
	[sflag:s6] =	ssyncadd.s32 @!p0 $0xFFFFF000;
	s6 =	sadd.s32 @!p0 $0x60, s10  }
0xca: {  	[tilespmem:s12], [sflag:$0x1] =	stream.indirect.gather @!p0 [hbm4b:s4+s8], $0x80, s6, s8, $0xb8;
	[tilespmem:$0x1F100] =	vst v63  }
0xcb: {  	s6 =	sadd.s32 @!p0 $0x28E0, s10;
	s12 =	simm.s32 @!p0 $0x8100  }
0xcc: {  	[tilespmem:s12], [sflag:$0x4] =	stream.indirect.gather @!p0 [hbm4b:s5+s8], $0x80, s6, s8, $0xb8;
	[tilespmem:$0x1F100] =	vst v63  }
0xcd: {  	_ =	swait.ge [sflag:s0], $0x1000  }
0xce: {  	[sflag:s0] =	ssyncset.done $0x0  }
0xcf: {  	[sflag:s0] =	ssyncadd.s32 $0xFFFFF000  }
0xd0: {  	_ =	swait.ge [sflag:s22], $0x1000  }
0xd1: {  	[sflag:s22] =	ssyncset.done $0x0  }
0xd2: {  	s18 =	simm.s32 $0x0;
	[sflag:s22] =	ssyncadd.s32 $0xFFFFF000  }
0xd3: {  	v0 =	vld [tilespmem:s18+$0xA100]  }
0xd4: {  	v1 =	vld [tilespmem:s18+$0x7100];
	_ =	sdelay $0x4  }
0xd5: {  	v0 =	vadd.f32 v0, v1;
	_ =	sdelay $0x1  }
0xd6: {  	v2 =	vmul.f32 $2.000000030e-01, v0  }
0xd7: {  	vm2 =	vge.f32 v0, $0.0e+00  }
0xd8: {  	v0 =	vsel vm2, v0, v2  }
0xd9: {  	v0 =	vmul.f32 $1.442695020e+00, v0;
	_ =	sdelay $0x1  }
0xda: {  	(erf) = vpow2.f32 v0;
	_ =	sdelay $0x8  }
0xdb: {  	v0 =	vpop (erf)  }
0xdc: {  	(v2sf) =	vpush v0, $0x0  }
0xdd: {  	(v2sf) =	vpush v1, $0x1;
	_ =	sdelay $0xd  }
0xde: {  	p1 =	slt.u32 s13, $0x50910;
	s12 =	spop (v2sf)  }
0xdf: {  	s12 =	simm.s32 @!p1 $0x0;
	s24 =	spop (v2sf)  }
0xe0: {  	s8 =	smul.f32 s12, s24;
	_ =	sdelay $0x1  }
0xe1: {  	v0 =	vmov s8  }
0xe2: {  	v0 =	vnsel vm0, $0x0, v0  }
0xe3: {  	s8 =	simm.s32 $0x80;
	v1 =	vsel vm1, s12, v0  }
0xe4: {  	s14 =	simm.s32 $0x400;
	v0 =	vld [tilespmem:s8+$0xA100];
	s12 =	smov.u32 s13;
	[tilespmem:s18+$0x7100] =	vst v1  }
.LBB2_7:
0xe5: {  	p1 =	sne.s32 s14, $0x3E00;
	v1 =	vld [tilespmem:s8+$0x7100];
	_ =	sdelay $0x4  }
0xe6: {  	v0 =	vadd.f32 v0, v1;
	_ =	sdelay $0x1  }
0xe7: {  	v2 =	vmul.f32 $2.000000030e-01, v0  }
0xe8: {  	vm2 =	vge.f32 v0, $0.0e+00  }
0xe9: {  	v0 =	vsel vm2, v0, v2  }
0xea: {  	v0 =	vmul.f32 $1.442695020e+00, v0;
	_ =	sdelay $0x1  }
0xeb: {  	(erf) = vpow2.f32 v0;
	_ =	sdelay $0x8  }
0xec: {  	v0 =	vpop (erf)  }
0xed: {  	(v2sf) =	vpush v0, $0x0  }
0xee: {  	(v2sf) =	vpush v1, $0x1;
	_ =	sdelay $0xc  }
0xef: {  	s12 =	sadd.s32 $0x1, s12  }
0xf0: {  	p2 =	slt.u32 s12, $0x50910;
	s6 =	spop (v2sf)  }
0xf1: {  	s6 =	simm.s32 @!p2 $0x0;
	s18 =	spop (v2sf)  }
0xf2: {  	s18 =	smul.f32 s6, s18  }
.Ltmp4:
0xf3: {  	(pc) =	sbr.rel @p1 .LBB2_7-.Ltmp4, $4  }
0xf4: {  	v0 =	vmov s18  }
0xf5: {  	v0 =	vnsel vm0, $0x0, v0  }
0xf6: {  	s18 =	sshra.s32 s14, $0x2;
	v1 =	vsel vm1, s6, v0  }
0xf7: {  	s14 =	sadd.s32 $0x200, s14;
	v0 =	vld [tilespmem:s18+$0xA100];
	[tilespmem:s8+$0x7100] =	vst v1;
	s8 =	smov.u32 s18  }
0xf8: {  	v1 =	vld [tilespmem:s8+$0x7100];
	_ =	sdelay $0x4  }
0xf9: {  	v0 =	vadd.f32 v0, v1;
	_ =	sdelay $0x1  }
0xfa: {  	v2 =	vmul.f32 $2.000000030e-01, v0  }
0xfb: {  	vm2 =	vge.f32 v0, $0.0e+00  }
0xfc: {  	v0 =	vsel vm2, v0, v2  }
0xfd: {  	v0 =	vmul.f32 $1.442695020e+00, v0;
	_ =	sdelay $0x1  }
0xfe: {  	(erf) = vpow2.f32 v0;
	_ =	sdelay $0x8  }
0xff: {  	v0 =	vpop (erf)  }
0x100: {  	(v2sf) =	vpush v0, $0x0  }
0x101: {  	(v2sf) =	vpush v1, $0x1;
	_ =	sdelay $0xc  }
0x102: {  	s6 =	sadd.s32 $0x1, s12  }
0x103: {  	p1 =	slt.u32 s6, $0x50910;
	s6 =	spop (v2sf)  }
0x104: {  	s6 =	simm.s32 @!p1 $0x0;
	s18 =	spop (v2sf)  }
0x105: {  	s12 =	smul.f32 s6, s18;
	_ =	sdelay $0x1  }
.Ltmp5:
0x106: {  	v63 =	vmov s12;
	(pc) =	sbr.rel @p0 .LBB2_10-.Ltmp5, $4  }
0x107: {  	v0 =	vnsel vm0, $0x0, v63  }
0x108: {  	s24 =	sand.u32 $0x3FFFFFE0, s17;
	v0 =	vsel vm1, s6, v0  }
0x109: {  	s6 =	sadd.s32 $0x2880, s24;
	[tilespmem:s8+$0x7100] =	vst v0  }
0x10a: {  	[spmem:s2] =	stream.indirect.scatter.add.f32 [tilespmem:s29], [sflag:$0x9], $0x80, s6, s20, $0xb8;
	[tilespmem:$0x1F100] =	vst v63  }
0x10b: {  	_ =	swait.ge [sflag:s3], $0x1000  }
.Ltmp6:
0x10c: {  	s6 =	sadd.s32 $0x80, s10;
	[sflag:s3] =	ssyncset.done $0x0;
	(pc) =	sbr.rel .LBB2_2-.Ltmp6, $4  }
0x10d: {  	s24 =	sadd.s32 $0x2900, s10;
	s9 =	sadd.s32 $0x1, s9;
	[sflag:s3] =	ssyncadd.s32 $0xFFFFF000  }
0x10e: {  	[tilespmem:s23], [sflag:$0x2] =	stream.indirect.gather [hbm4b:s4+s20], $0x80, s6, s20, $0xb8;
	[tilespmem:$0x1F100] =	vst v63  }
0x10f: {  	s11 =	sadd.s32 $0x60, s11;
	s15 =	sadd.s32 $0x60, s15;
	s13 =	sadd.s32 $0x60, s13  }
0x110: {  	[tilespmem:s25], [sflag:$0x5] =	stream.indirect.gather [hbm4b:s5+s20], $0x80, s24, s20, $0xb8;
	[tilespmem:$0x1F100] =	vst v63  }
.LBB2_11:
0x111: {  	_ =	sfence.sel $0x180000  }
0x112: {  	[bflag:$0x0] =	sbarrier.arrive $0xFFFF  }
0x113: {  	_ =	strace $0x9000004D  }
0x114: {  	s0 =	stileid.u32;
	[bflag:$0x2] =	sbarrier.arrive $0xFFFF  }
0x115: {  	p0 =	sne.s32 s0, $0x0;
	s0 =	rddreg [dreg:$0x2]  }
0x116: {  	s0 =	sadd.s32 @!p0 $0x100000, s0  }
0x117: {  	[sflag:s0] =	ssyncadd.tile.s32 @!p0 $0x1;
	_ =	shalt  }
.Lfunc_end2:
_tile_overlayer_lowered:
.L_overlay_start_2:
0x118: {  	(tag) =	ssettag $0x2  }
0x119: {  	s0 =	rddreg [dreg:$0x0];
	s2 =	stileid.u32  }
0x11a: {  	s1 =	rddreg [dreg:$0x1];
	p0 =	sne.s32 s2, $0x0  }
0x11b: {  	s3 =	rddreg [dreg:$0x2];
	[bflag:$0x3] =	sbarrier.arrive $0xFFFF;
	s2 =	simm.s32 @!p0 $0x1C0A  }
0x11c: {  	[timem:s3], [sflag:s2] =	dma.local @!p0 [hbm:s0], s1  }
0x11d: {  	s0 =	simm.s32 @!p0 $0xA  }
0x11e: {  	_ =	swait.ge @!p0 [sflag:s0], s1  }
0x11f: {  	s1 =	ssub.s32 @!p0 $0x0, s1;
	[sflag:s0] =	ssyncset.done @!p0 $0x0  }
0x120: {  	[sflag:s0] =	ssyncadd.s32 @!p0 s1  }
0x121: {  	[bflag:$0x3] =	sbarrier.arrive $0xFFFF  }
0x122: {  	_ =	shalt  }

// kernel: kernel.9.cloned.1.call-start
scs
__scs_entry_jumppad:
0x0: {  	(pc) =	sbr.rel $0x88, $3  }
0x1: {  	(tag) =	ssettag $0x0;
	lr =	simm.s32 $0x1  }
0x2: {  	[smem:$0x3F93] =	sst lr;
	_ =	strace $0xD0000000  }
0x3: {  	_ = 	snop  }
0x4: {  	_ = 	snop  }
0x5: {  	_ = 	snop  }
0x6: {  	_ = 	snop  }
0x7: {  	_ = 	snop  }
__scs_overlays_trampoline_lowered:
0x8: {  	[smem:$0x3FA2] =	sst s0  }
0x9: {  	[smem:$0x3FA3] =	sst s1  }
0xa: {  	[smem:$0x3FA4] =	sst s2  }
0xb: {  	[smem:$0x3FA5] =	sst s3  }
0xc: {  	[smem:$0x3FA6] =	sst s4  }
0xd: {  	[smem:$0x3FA7] =	sst s5  }
0xe: {  	[smem:$0x3FA8] =	sst s6  }
0xf: {  	[smem:$0x3FA9] =	sst s7  }
0x10: {  	[smem:$0x3FAA] =	sst s8  }
0x11: {  	[smem:$0x3FAB] =	sst s9;
	s0 =	simm.s32 @!p0 $0x0  }
0x12: {  	s1 =	sld [smem:$0x3F91];
	s0 =	simm.s32 @p0 $0x1  }
0x13: {  	[smem:$0x3FAC] =	sst s0;
	s0 =	simm.s32 @!p1 $0x0  }
0x14: {  	s2 =	sld [smem:$0x3F90];
	s0 =	simm.s32 @p1 $0x1  }
0x15: {  	[smem:$0x3FAD] =	sst s0;
	s0 =	simm.s32 @!p2 $0x0  }
0x16: {  	s3 =	sld [smem:$0x3FDB];
	s0 =	simm.s32 @p2 $0x1  }
0x17: {  	s4 =	simm.s32 $0x1BF5;
	[smem:$0x3FAF] =	sst s0  }
0x18: {  	s0 =	sld [smem:$0x3F92];
	_ =	swait.ge [sflag:s4], $0x0  }
0x19: {  	s7 =	sld [smem:$0x3F93]  }
0x1a: {  	s8 =	sadd.s32 $0xFFFFE003, lr  }
0x1b: {  	s9 =	sadd.s32 $0xFFFFFEF7, lr;
	s5 =	simm.s32 $0xFFFFFFFF;
	p2 =	slt.u32 s8, $0xFFFFF086  }
0x1c: {  	p1 =	slt.u32 s9, $0xF7A;
	s5 =	simm.s32 @!p2 $0x0  }
0x1d: {  	s5 =	simm.s32 @p1 $0x1;
	p0 =	seq.s32 s7, s2  }
0x1e: {  	s7 =	smul.u32 @!p0 $0xF7A, s2;
	p2 =	seq.s32 @!p0 s5, $0x0  }
0x1f: {  	s9 =	smul.u32 $0xF7A, s1;
	s8 =	simm.s32 @!p0 $0x1BF5;
	p2 =	por !p2, p0  }
0x20: {  	[sflag:s8] =	ssyncset.s32 @!p0 $0xFFFFF086;
	s6 =	sadd.s32 @!p0 s3, s7;
	s7 =	simm.s32 @!p0 $0x108  }
0x21: {  	s3 =	sadd.s32 s3, s9;
	s6 =	sadd.s32 @!p0 $0x88, s6;
	s7 =	simm.s32 @p2 $0x1082  }
0x22: {  	[simem:s7], [sflag:s8] =	dma.local @!p0 [hbm:s6], $0xF7A  }
0x23: {  	s9 =	sor.u32 $0xD0000000, s2;
	s6 =	simm.s32 $0x108;
	_ =	swait.ge @!p0 [sflag:s8], $0x0  }
0x24: {  	s3 =	sadd.s32 $0x88, s3;
	s6 =	simm.s32 @!p1 $0x1082;
	[sflag:s4] =	ssyncset.s32 $0xFFFFF086  }
0x25: {  	[simem:s6], [sflag:s4] =	dma.local [hbm:s3], $0xF7A  }
0x26: {  	[smem:$0x3F93] =	sst s1;
	(tag) =	ssettag s2;
	_ =	strace s9  }
0x27: {  	s1 =	sld [smem:$0x3FA3]  }
0x28: {  	s2 =	sld [smem:$0x3FA4]  }
0x29: {  	s4 =	sld [smem:$0x3FA6]  }
0x2a: {  	p0 =	seq.s32 s5, $0x0;
	s5 =	sld [smem:$0x3FA7]  }
0x2b: {  	s6 =	sld [smem:$0x3FA8]  }
0x2c: {  	s7 =	sld [smem:$0x3FA9]  }
0x2d: {  	s3 =	simm.s32 $0x108;
	s8 =	sld [smem:$0x3FAA]  }
0x2e: {  	s3 =	simm.s32 @!p0 $0x1082;
	s9 =	sld [smem:$0x3FAB]  }
0x2f: {  	lr =	sadd.s32 s0, s3;
	s0 =	sld [smem:$0x3FA2]  }
0x30: {  	s3 =	sld [smem:$0x3FA5]  }
0x31: {  	[smem:$0x3FAE] =	sst s10  }
0x32: {  	s10 =	sld [smem:$0x3FAC];
	_ =	sdelay $0x3  }
0x33: {  	p0 =	seq.s32 s10, $0x1;
	s10 =	sld [smem:$0x3FAE];
	_ =	sdelay $0x3  }
0x34: {  	[smem:$0x3FAE] =	sst s10  }
0x35: {  	s10 =	sld [smem:$0x3FAD];
	_ =	sdelay $0x3  }
0x36: {  	p1 =	seq.s32 s10, $0x1;
	s10 =	sld [smem:$0x3FAE];
	_ =	sdelay $0x3  }
0x37: {  	[smem:$0x3FAE] =	sst s10  }
0x38: {  	s10 =	sld [smem:$0x3FAF]  }
0x39: {  	_ = 	snop;
	(pc) =	sbr.ind lr, $3  }
0x3a: {  	_ = 	snop  }
0x3b: {  	_ = 	snop  }
0x3c: {  	p2 =	seq.s32 s10, $0x1;
	s10 =	sld [smem:$0x3FAE]  }
0x3d: {  	_ =	shalt  }
0x3e: {  	_ =	shalt  }
0x3f: {  	_ =	shalt  }
0x40: {  	_ =	shalt  }
0x41: {  	_ =	shalt  }
0x42: {  	_ =	shalt  }
0x43: {  	_ =	shalt  }
0x44: {  	_ =	shalt  }
0x45: {  	_ =	shalt  }
0x46: {  	_ =	shalt  }
0x47: {  	_ =	shalt  }
0x48: {  	_ =	shalt  }
0x49: {  	_ =	shalt  }
0x4a: {  	_ =	shalt  }
0x4b: {  	_ =	shalt  }
0x4c: {  	_ =	shalt  }
0x4d: {  	_ =	shalt  }
0x4e: {  	_ =	shalt  }
0x4f: {  	_ =	shalt  }
0x50: {  	_ =	shalt  }
0x51: {  	_ =	shalt  }
0x52: {  	_ =	shalt  }
0x53: {  	_ =	shalt  }
0x54: {  	_ =	shalt  }
0x55: {  	_ =	shalt  }
0x56: {  	_ =	shalt  }
0x57: {  	_ =	shalt  }
0x58: {  	_ =	shalt  }
0x59: {  	_ =	shalt  }
0x5a: {  	_ =	shalt  }
0x5b: {  	_ =	shalt  }
0x5c: {  	_ =	shalt  }
0x5d: {  	_ =	shalt  }
0x5e: {  	_ =	shalt  }
0x5f: {  	_ =	shalt  }
0x60: {  	_ =	shalt  }
0x61: {  	_ =	shalt  }
0x62: {  	_ =	shalt  }
0x63: {  	_ =	shalt  }
0x64: {  	_ =	shalt  }
0x65: {  	_ =	shalt  }
0x66: {  	_ =	shalt  }
0x67: {  	_ =	shalt  }
0x68: {  	_ =	shalt  }
0x69: {  	_ =	shalt  }
0x6a: {  	_ =	shalt  }
0x6b: {  	_ =	shalt  }
0x6c: {  	_ =	shalt  }
0x6d: {  	_ =	shalt  }
0x6e: {  	_ =	shalt  }
0x6f: {  	_ =	shalt  }
0x70: {  	_ =	shalt  }
0x71: {  	_ =	shalt  }
0x72: {  	_ =	shalt  }
0x73: {  	_ =	shalt  }
0x74: {  	_ =	shalt  }
0x75: {  	_ =	shalt  }
0x76: {  	_ =	shalt  }
0x77: {  	_ =	shalt  }
0x78: {  	_ =	shalt  }
0x79: {  	_ =	shalt  }
0x7a: {  	_ =	shalt  }
0x7b: {  	_ =	shalt  }
0x7c: {  	_ =	shalt  }
0x7d: {  	_ =	shalt  }
0x7e: {  	_ =	shalt  }
0x7f: {  	_ =	shalt  }
0x80: {  	_ =	shalt  }
0x81: {  	_ =	shalt  }
0x82: {  	_ =	shalt  }
0x83: {  	_ =	shalt  }
0x84: {  	_ =	shalt  }
0x85: {  	_ =	shalt  }
0x86: {  	_ =	shalt  }
0x87: {  	_ =	shalt  }
.Lfunc_end0:
.L_simem_size_0:
called_computation_lowered:
.L_overlay_start_0:
0x88: {  	s2 =	sld [smem:$0x3FD9]  }
0x89: {  	s3 =	sld [smem:$0x3FFE];
	_ =	sdelay $0x1  }
0x8a: {  	s1 =	srdreg.scid  }
0x8b: {  	s0 =	sand.u32 $0x1, s1  }
0x8c: {  	s16 =	sshll.u32 s0, $0xA;
	s2 =	sadd.s32 s3, s2  }
0x8d: {  	s2 =	sadd.s32 s2, s16  }
0x8e: {  	[smem:$0x3FBA] =	sst s2  }
0x8f: {  	_ = 	snop  }
0x90: {  	(tm) =	ssettm $0x1  }
0x91: {  	s17 =	sld [smem:$0x3FFB];
	_ =	sdelay $0x3  }
0x92: {  	_ =	strace s17  }
0x93: {  	s2 =	sld [smem:$0x3FFC];
	_ =	sdelay $0x3  }
0x94: {  	_ =	strace s2  }
0x95: {  	s2 =	sld [smem:$0x3FFD];
	_ =	sdelay $0x3  }
0x96: {  	_ =	strace s2  }
0x97: {  	_ =	strace $0x8FFFFFFF  }
0x98: {  	s18 =	sld [smem:$0x3FDB];
	_ =	sdelay $0x1  }
0x99: {  	s19 =	simm.s32 $_scs_section_size  }
0x9a: {  	s4 =	simm.s32 $_size__tile_overlayer_lowered;
	s5 =	simm.s32 $_tile_overlayer_lowered  }
0x9b: {  	s22 =	simm.s32 $0x1BFF;
	s21 =	sshll.u32 s5, $0x1;
	s2 =	sadd.s32 s19, s18  }
0x9c: {  	s6 =	simm.s32 $0x0;
	s20 =	sshll.u32 s4, $0x1;
	s4 =	sadd.s32 s21, s2  }
0x9d: {  	[timem:s6], [sflag:s22] =	dma.local [hbm:s4], s20  }
0x9e: {  	_ =	swait.ge [sflag:s22], s20  }
0x9f: {  	s3 =	ssub.s32 $0x0, s20;
	[sflag:s22] =	ssyncset.done $0x0  }
0xa0: {  	[sflag:s22] =	ssyncadd.s32 s3;
	_ =	sdelay $0x1  }
0xa1: {  	s23 =	simm.s32 $0x1B8B  }
0xa2: {  	_ =	swait.ge [sflag:s23], $0x1  }
0xa3: {  	[sflag:s23] =	ssyncset.done $0x0  }
0xa4: {  	s25 =	simm.s32 $0x1B8E;
	s24 =	sld [smem:$0x3FFE];
	[sflag:s23] =	ssyncadd.s32 $0xFFFFFFFF  }
0xa5: {  	s26 =	simm.s32 $execute0_lowered;
	[smem:$0x3FD2] =	sst s25  }
0xa6: {  	s4 =	sshll.u32 s26, $0x1;
	_ =	strace $0x80000046;
	[dreg:$0x1] =	wrdreg $0xFFFFFFFF  }
0xa7: {  	s28 =	simm.s32 $_size_execute0_lowered;
	s2 =	sadd.s32 s2, s4;
	[dreg:$0x0] =	wrdreg $0x0  }
0xa8: {  	s4 =	sshll.u32 s28, $0x1;
	[dreg:$0x2] =	wrdreg s2  }
0xa9: {  	[dreg:$0x3] =	wrdreg s4  }
0xaa: {  	[dreg:$0x4] =	wrdreg $0xC0  }
0xab: {  	_ =	task [dreg:s6], $0x5FFFF  }
0xac: {  	[dreg:$0x1] =	wrdreg $0xFFFFFFFF  }
0xad: {  	[dreg:$0x0] =	wrdreg $0x60  }
0xae: {  	[dreg:$0x2] =	wrdreg s24  }
0xaf: {  	[dreg:$0x3] =	wrdreg $0xB1000  }
0xb0: {  	[dreg:$0x4] =	wrdreg $0x9  }
0xb1: {  	_ =	task.clear_ibuf [dreg:s6], $0x5FFFF;
	_ =	strace $0x90000046  }
0xb2: {  	s29 =	simm.s32 $0x9;
	_ =	strace $0x80000048  }
0xb3: {  	_ =	swait.ge [sflag:s29], $0x1  }
0xb4: {  	[sflag:s29] =	ssyncadd.s32 $0xFFFFFFFF  }
0xb5: {  	_ =	strace $0x90000048  }
0xb6: {  	_ =	sfence  }
0xb7: {  	s30 =	sld [smem:$0x0];
	_ =	sdelay $0x2  }
0xb8: {  	s31 =	sshll.u32 s1, $0xD;
	s1 =	sshrl.u32 s1, $0x2  }
0xb9: {  	s3 =	sand.u32 $0x4000, s31;
	s1 =	sadd.s32 s1, s30  }
0xba: {  	s0 =	sor.u32 s3, s0;
	s1 =	sshll.u32 s1, $0x11  }
0xbb: {  	s0 =	sor.u32 s1, s0  }
0xbc: {  	s0 =	sadd.s32 $0x8F2B, s0  }
0xbd: {  	[sflag:s0] =	ssyncadd.remote.s32 $0x1  }
0xbe: {  	_ =	sfence.sel $0xFFFF  }
0xbf: {  	[dreg:$0x0] =	wrdreg $0xFFFFFFFF;
	(pc) =	sbr.abs _section_cstart, $3  }
0xc0: {  	[dreg:$0x1] =	wrdreg $0xFFFFFFFF  }
0xc1: {  	_ =	task.clear_ibuf [dreg:s6], $0x2FFFF;
	_ =	strace $0x9FFFFFFF  }
0xc2: {  	(tm) =	ssettm $0x7FFFFFFF  }
0xc3: {  	_ =	shalt  }
tec
execute0_lowered:
.L_overlay_start_1:
0x0: {  	(tag) =	ssettag $0x1  }
0x1: {  	s0 =	srdreg.scid;
	s3 =	rddreg [dreg:$0x0]  }
0x2: {  	s9 =	stileid.u32;
	s2 =	rddreg [dreg:$0x1];
	s5 =	simm.s32 $0x0  }
0x3: {  	s16 =	simm.s32 $0xA;
	s28 =	simm.s32 $0x4;
	s29 =	simm.s32 $0x7100  }
0x4: {  	s30 =	simm.s32 $0xA100;
	s31 =	simm.s32 $0x2;
	s14 =	simm.s32 $0x0  }
0x5: {  	s0 =	sand.u32 $0x1, s0;
	s4 =	sshll.u32 s9, $0x7;
	s7 =	smul.u32 $0x14000, s9  }
0x6: {  	[smem:$0x7FF] =	sst s5;
	s5 =	sadd.s32 $0x3FA00, s3;
	s19 =	smul.u32 $0x50000, s9  }
0x7: {  	s8 =	sadd.s32 $0x67A00, s3;
	s22 =	smul.u32 $0x2880, s9;
	s26 =	sshll.u32 s9, $0x6  }
0x8: {  	s1 =	sshll.u32 s0, $0x4;
	s4 =	sand.u32 $0x380, s4;
	s6 =	smul.u32 $0x140000, s0  }
0x9: {  	_ =	strace $0x80000047;
	[dreg:$0x3] =	wrdreg s8;
	s18 =	ssub.s32 $0x2, s0  }
0xa: {  	s0 =	smul.u32 $0x28800, s0;
	s11 =	sor.u32 $0x1C0A, s26;
	s26 =	simm.s32 $0x1  }
0xb: {  	s1 =	sor.u32 s9, s1;
	s20 =	sshrl.u32 s18, $0x1;
	s21 =	sshrl.u32 s19, $0x2  }
0xc: {  	s1 =	sshrl.u32 s1, $0x3;
	s6 =	sadd.s32 s7, s6;
	s23 =	sadd.s32 s21, s2  }
0xd: {  	s0 =	sadd.s32 s22, s0;
	s21 =	simm.s32 $0x5100;
	s22 =	simm.s32 $0x6  }
0xe: {  	s1 =	smul.u32 $0x14400, s1;
	s6 =	sshrl.u32 s6, $0x3;
	s25 =	sor.u32 $0x20, s0  }
0xf: {  	[dreg:$0x8] =	wrdreg s0;
	s0 =	sor.u32 $0x40, s0;
	s12 =	sshrl.u32 s23, $0x3  }
0x10: {  	s23 =	simm.s32 $0x6100;
	[dreg:$0x9] =	wrdreg s25;
	s1 =	sor.u32 s4, s1  }
0x11: {  	[dreg:$0xa] =	wrdreg s0;
	s25 =	simm.s32 $0x9100;
	s1 =	sshrl.u32 s1, $0x3  }
0x12: {  	s0 =	simm.s32 $0x3;
	[dreg:$0xb] =	wrdreg s12;
	s1 =	sadd.s32 s1, s3  }
.Ltmp0:
0x13: {  	s4 =	sadd.s32 $0x17A00, s3;
	s10 =	sadd.s32 $0x3600, s1;
	(pc) =	sbr.rel .LBB2_1-.Ltmp0, $4  }
0x14: {  	s3 =	sadd.s32 s6, s3;
	s1 =	sadd.s32 $0xD800, s1;
	[dreg:$0x4] =	wrdreg s10  }
0x15: {  	s6 =	ssub.s32 s18, s20;
	s3 =	sadd.s32 $0x6A200, s3;
	[dreg:$0x5] =	wrdreg s1  }
0x16: {  	s20 =	simm.s32 $0x20;
	s24 =	smax.u32 s6, $0x1;
	[dreg:$0x6] =	wrdreg s3  }
0x17: {  	vm0 =	vcmask $0x300;
	[dreg:$0x7] =	wrdreg s24;
	s1 =	simm.s32 $0x5;
	s3 =	simm.s32 $0x8  }
.LBB2_10:
0x18: {  	s6 =	simm.s32 $0x7  }
0x19: {  	_ =	swait.ge [sflag:s6], $0x1000  }
0x1a: {  	[sflag:s6] =	ssyncset.done $0x0  }
0x1b: {  	[sflag:s6] =	ssyncadd.s32 $0xFFFFF000  }
0x1c: {  	_ =	swait.ge [sflag:s3], $0x1000  }
0x1d: {  	[sflag:s3] =	ssyncset.done $0x0  }
0x1e: {  	s17 =	simm.s32 $0x9;
	[sflag:s3] =	ssyncadd.s32 $0xFFFFF000  }
0x1f: {  	_ =	swait.ge [sflag:s17], $0x1000  }
0x20: {  	[sflag:s17] =	ssyncset.done $0x0  }
0x21: {  	[sflag:s17] =	ssyncadd.s32 $0xFFFFF000  }
0x22: {  	[bflag:$0x0] =	sbarrier.arrive $0xFFFF  }
0x23: {  	s18 =	rddreg [dreg:$0x6]  }
0x24: {  	s12 =	rddreg [dreg:$0xb]  }
0x25: {  	[hbm:s18], [sflag:s19] =	dma.local [spmem:s12], $0x2800  }
0x26: {  	_ =	swait.ge [sflag:s16], $0x2800  }
0x27: {  	s14 =	sadd.s32 $0x1, s14;
	s24 =	rddreg [dreg:$0x7]  }
0x28: {  	p0 =	sne.s32 s14, s24  }
.Ltmp1:
0x29: {  	_ = 	snop;
	(pc) =	sbr.rel @!p0 .LBB2_11-.Ltmp1, $3  }
0x2a: {  	_ =	sdelay $0x1  }
0x2b: {  	[sflag:s16] =	ssyncset.done $0x0  }
0x2c: {  	s11 =	smov.u32 s19;
	[sflag:s16] =	ssyncadd.s32 $0xFFFFD800  }
.LBB2_1:
0x2d: {  	s6 =	simm.s32 $0x0  }
0x2e: {  	s7 =	rddreg [dreg:$0x4];
	s8 =	simm.s32 $0x80;
	s9 =	simm.s32 $0x400  }
0x2f: {  	[tilespmem:s6], [sflag:$0xA] =	stream.strided.gather [hbm4b:s7+s8], $0x2880, s9, s8, $0x38;
	[tilespmem:$0x1F100] =	vst v63  }
0x30: {  	_ =	swait.ge [sflag:s16], $0x2880  }
0x31: {  	[sflag:s16] =	ssyncset.done $0x0  }
0x32: {  	s10 =	simm.s32 $0x2880;
	s15 =	rddreg [dreg:$0x5];
	[sflag:s16] =	ssyncadd.s32 $0xFFFFD780  }
0x33: {  	[tilespmem:s10], [sflag:$0xA] =	stream.strided.gather [hbm4b:s15+s8], $0x2880, s9, s8, $0x38;
	[tilespmem:$0x1F100] =	vst v63  }
0x34: {  	_ =	swait.ge [sflag:s16], $0x2880  }
0x35: {  	[sflag:s16] =	ssyncset.done $0x0  }
0x36: {  	s17 =	rddreg [dreg:$0x3];
	[sflag:s16] =	ssyncadd.s32 $0xFFFFD780  }
0x37: {  	[spmem:s12], [sflag:s11] =	dma.local [hbm:s17], $0x2800  }
0x38: {  	_ =	swait.ge [sflag:s16], $0x2800  }
0x39: {  	[sflag:s16] =	ssyncset.done $0x0  }
0x3a: {  	[sflag:s16] =	ssyncadd.s32 $0xFFFFD800  }
0x3b: {  	[bflag:$0x0] =	sbarrier.arrive $0xFFFF  }
0x3c: {  	[tilespmem:s21], [sflag:$0x1] =	stream.indirect.gather [hbm4b:s4+s20], $0x80, s6, s20, $0xb8;
	[tilespmem:$0x1F100] =	vst v63  }
0x3d: {  	s18 =	simm.s32 $0x8100;
	s13 =	rddreg [dreg:$0xa]  }
0x3e: {  	[tilespmem:s18], [sflag:$0x4] =	stream.indirect.gather [hbm4b:s5+s20], $0x80, s10, s20, $0xb8;
	[tilespmem:$0x1F100] =	vst v63  }
0x3f: {  	s19 =	smov.u32 s11;
	s8 =	rddreg [dreg:$0x9]  }
0x40: {  	[tilespmem:s23], [sflag:$0x2] =	stream.indirect.gather [hbm4b:s4+s20], $0x80, s20, s20, $0xb8;
	[tilespmem:$0x1F100] =	vst v63  }
0x41: {  	s24 =	simm.s32 $0x28A0;
	s9 =	simm.s32 $0x0;
	s11 =	rddreg [dreg:$0x8]  }
0x42: {  	[tilespmem:s25], [sflag:$0x5] =	stream.indirect.gather [hbm4b:s5+s20], $0x80, s24, s20, $0xb8;
	[tilespmem:$0x1F100] =	vst v63  }
.LBB2_2:
0x43: {  	_ =	swait.ge [sflag:s26], $0x1000  }
0x44: {  	[sflag:s26] =	ssyncset.done $0x0  }
0x45: {  	[sflag:s26] =	ssyncadd.s32 $0xFFFFF000  }
0x46: {  	_ =	swait.ge [sflag:s28], $0x1000  }
0x47: {  	[sflag:s28] =	ssyncset.done $0x0  }
0x48: {  	s10 =	simm.s32 $0x0;
	[sflag:s28] =	ssyncadd.s32 $0xFFFFF000  }
0x49: {  	v0 =	vld [tilespmem:s10+$0x8100]  }
0x4a: {  	v1 =	vld [tilespmem:s10+$0x5140];
	_ =	sdelay $0x4  }
0x4b: {  	v0 =	vadd.f32 v0, v1;
	_ =	sdelay $0x1  }
0x4c: {  	v1 =	vmul.f32 $2.000000030e-01, v0  }
0x4d: {  	vm1 =	vge.f32 v0, $0.0e+00  }
0x4e: {  	v0 =	vsel vm1, v0, v1  }
0x4f: {  	v0 =	vmul.f32 $1.442695020e+00, v0;
	_ =	sdelay $0x1  }
0x50: {  	(erf) = vpow2.f32 v0;
	_ =	sdelay $0x8  }
0x51: {  	v0 =	vpop (erf)  }
0x52: {  	(v2sf) =	vpush v0, $0x0;
	_ =	sdelay $0xa  }
0x53: {  	v2 =	vld [tilespmem:s10+$0x5130]  }
0x54: {  	v3 =	vld [tilespmem:s10+$0x5110]  }
0x55: {  	v0 =	vld [tilespmem:s10+$0x5120]  }
0x56: {  	v1 =	vld [tilespmem:s10+$0x5100]  }
0x57: {  	p0 =	slt.u32 s11, $0x50910;
	s6 =	spop (v2sf)  }
0x58: {  	s6 =	simm.s32 @!p0 $0x0  }
0x59: {  	v4 =	vmov s6  }
0x5a: {  	s15 =	simm.s32 $0x80;
	v0 =	vmul.f32 s6, v0;
	v2 =	vmul.f32 s6, v2;
	v5 =	vnsel vm0, $0x0, v4  }
0x5b: {  	s17 =	smul.u32 $0x60, s9;
	s12 =	simm.s32 $0x400;
	s7 =	smov.u32 s11;
	v1 =	vmul.f32 s6, v1;
	v3 =	vmul.f32 s6, v3;
	v4 =	vld [tilespmem:s15+$0x8100];
	[tilespmem:s10+$0x5140] =	vst v5  }
.LBB2_3:
0x5c: {  	p0 =	sne.s32 s12, $0x3E00;
	v5 =	vld [tilespmem:s15+$0x5140];
	[tilespmem:s10+$0x5130] =	vst v2  }
0x5d: {  	[tilespmem:s10+$0x5120] =	vst v0  }
0x5e: {  	[tilespmem:s10+$0x5110] =	vst v3  }
0x5f: {  	[tilespmem:s10+$0x5100] =	vst v1;
	s10 =	smov.u32 s15;
	_ =	sdelay $0x1  }
0x60: {  	v0 =	vadd.f32 v4, v5;
	_ =	sdelay $0x1  }
0x61: {  	v1 =	vmul.f32 $2.000000030e-01, v0  }
0x62: {  	vm1 =	vge.f32 v0, $0.0e+00  }
0x63: {  	v0 =	vsel vm1, v0, v1  }
0x64: {  	v0 =	vmul.f32 $1.442695020e+00, v0;
	_ =	sdelay $0x1  }
0x65: {  	(erf) = vpow2.f32 v0;
	_ =	sdelay $0x8  }
0x66: {  	v0 =	vpop (erf)  }
0x67: {  	(v2sf) =	vpush v0, $0x0;
	_ =	sdelay $0x9  }
0x68: {  	v1 =	vld [tilespmem:s10+$0x5100]  }
0x69: {  	v0 =	vld [tilespmem:s10+$0x5120]  }
0x6a: {  	v2 =	vld [tilespmem:s10+$0x5130]  }
0x6b: {  	v3 =	vld [tilespmem:s10+$0x5110]  }
0x6c: {  	s7 =	sadd.s32 $0x1, s7  }
.Ltmp2:
0x6d: {  	p1 =	slt.u32 s7, $0x50910;
	s6 =	spop (v2sf);
	(pc) =	sbr.rel @p0 .LBB2_3-.Ltmp2, $4  }
0x6e: {  	s6 =	simm.s32 @!p1 $0x0  }
0x6f: {  	v0 =	vmul.f32 s6, v0;
	v2 =	vmul.f32 s6, v2;
	v4 =	vmov s6  }
0x70: {  	s15 =	sshra.s32 s12, $0x2;
	v1 =	vmul.f32 s6, v1;
	v3 =	vmul.f32 s6, v3;
	v5 =	vnsel vm0, $0x0, v4  }
0x71: {  	s12 =	sadd.s32 $0x200, s12;
	v4 =	vld [tilespmem:s15+$0x8100];
	[tilespmem:s10+$0x5140] =	vst v5  }
0x72: {  	v5 =	vld [tilespmem:s15+$0x5140];
	_ =	sdelay $0x4  }
0x73: {  	v4 =	vadd.f32 v4, v5;
	_ =	sdelay $0x1  }
0x74: {  	v5 =	vmul.f32 $2.000000030e-01, v4  }
0x75: {  	vm1 =	vge.f32 v4, $0.0e+00  }
0x76: {  	v4 =	vsel vm1, v4, v5  }
0x77: {  	v4 =	vmul.f32 $1.442695020e+00, v4;
	_ =	sdelay $0x1  }
0x78: {  	(erf) = vpow2.f32 v4;
	_ =	sdelay $0x8  }
0x79: {  	v4 =	vpop (erf)  }
0x7a: {  	(v2sf) =	vpush v4, $0x0;
	_ =	sdelay $0x8  }
0x7b: {  	[tilespmem:s10+$0x5130] =	vst v2  }
0x7c: {  	[tilespmem:s10+$0x5120] =	vst v0  }
0x7d: {  	[tilespmem:s10+$0x5110] =	vst v3  }
0x7e: {  	[tilespmem:s10+$0x5100] =	vst v1  }
0x7f: {  	v0 =	vld [tilespmem:s15+$0x5130]  }
0x80: {  	s6 =	sadd.s32 $0x1, s7;
	v1 =	vld [tilespmem:s15+$0x5120]  }
0x81: {  	v2 =	vld [tilespmem:s15+$0x5110];
	p0 =	slt.u32 s6, $0x50910;
	s6 =	spop (v2sf)  }
0x82: {  	v3 =	vld [tilespmem:s15+$0x5100];
	s6 =	simm.s32 @!p0 $0x0  }
0x83: {  	v4 =	vmov s6  }
0x84: {  	v0 =	vmul.f32 s6, v0;
	v4 =	vnsel vm0, $0x0, v4  }
0x85: {  	v1 =	vmul.f32 s6, v1;
	[tilespmem:s15+$0x5140] =	vst v4  }
0x86: {  	s10 =	smul.u32 $0x180, s9;
	v2 =	vmul.f32 s6, v2;
	[tilespmem:s15+$0x5130] =	vst v0  }
0x87: {  	v0 =	vmul.f32 s6, v3;
	[tilespmem:s15+$0x5120] =	vst v1  }
0x88: {  	s12 =	sshra.s32 s10, $0x2;
	[tilespmem:s15+$0x5110] =	vst v2  }
0x89: {  	p0 =	seq.s32 s9, $0x0;
	s6 =	sadd.s32 $0x2880, s12;
	[tilespmem:s15+$0x5100] =	vst v0  }
0x8a: {  	[spmem:s2] =	stream.indirect.scatter.add.f32 [tilespmem:s21], [sflag:$0x7], $0x80, s6, s20, $0xb8;
	[tilespmem:$0x1F100] =	vst v63  }
0x8b: {  	s7 =	smul.u32 $0x3, s9;
	s6 =	simm.s32 @!p0 $0x9  }
0x8c: {  	_ =	swait.ge @!p0 [sflag:s6], $0x1000  }
0x8d: {  	s18 =	sadd.s32 $0x2, s7;
	[sflag:s6] =	ssyncset.done @!p0 $0x0  }
0x8e: {  	s10 =	sshll.u32 s18, $0x5;
	[sflag:s6] =	ssyncadd.s32 @!p0 $0xFFFFF000  }
0x8f: {  	[tilespmem:s29], [sflag:$0x3] =	stream.indirect.gather [hbm4b:s4+s20], $0x80, s10, s20, $0xb8;
	[tilespmem:$0x1F100] =	vst v63  }
0x90: {  	s24 =	sadd.s32 $0x2880, s10  }
0x91: {  	[tilespmem:s30], [sflag:$0x6] =	stream.indirect.gather [hbm4b:s5+s20], $0x80, s24, s20, $0xb8;
	[tilespmem:$0x1F100] =	vst v63  }
0x92: {  	_ =	swait.ge [sflag:s31], $0x1000  }
0x93: {  	[sflag:s31] =	ssyncset.done $0x0  }
0x94: {  	[sflag:s31] =	ssyncadd.s32 $0xFFFFF000  }
0x95: {  	_ =	swait.ge [sflag:s1], $0x1000  }
0x96: {  	[sflag:s1] =	ssyncset.done $0x0  }
0x97: {  	s15 =	simm.s32 $0x0;
	[sflag:s1] =	ssyncadd.s32 $0xFFFFF000  }
0x98: {  	v0 =	vld [tilespmem:s15+$0x9100]  }
0x99: {  	v1 =	vld [tilespmem:s15+$0x6140];
	_ =	sdelay $0x4  }
0x9a: {  	v0 =	vadd.f32 v0, v1;
	_ =	sdelay $0x1  }
0x9b: {  	v1 =	vmul.f32 $2.000000030e-01, v0  }
0x9c: {  	vm1 =	vge.f32 v0, $0.0e+00  }
0x9d: {  	v0 =	vsel vm1, v0, v1  }
0x9e: {  	v0 =	vmul.f32 $1.442695020e+00, v0;
	_ =	sdelay $0x1  }
0x9f: {  	(erf) = vpow2.f32 v0;
	_ =	sdelay $0x8  }
0xa0: {  	v0 =	vpop (erf)  }
0xa1: {  	(v2sf) =	vpush v0, $0x0;
	_ =	sdelay $0xa  }
0xa2: {  	v2 =	vld [tilespmem:s15+$0x6130]  }
0xa3: {  	v3 =	vld [tilespmem:s15+$0x6110]  }
0xa4: {  	v0 =	vld [tilespmem:s15+$0x6120]  }
0xa5: {  	v1 =	vld [tilespmem:s15+$0x6100]  }
0xa6: {  	p0 =	slt.u32 s8, $0x50910;
	s12 =	spop (v2sf)  }
0xa7: {  	s12 =	simm.s32 @!p0 $0x0  }
0xa8: {  	v4 =	vmov s12  }
0xa9: {  	s6 =	simm.s32 $0x80;
	v0 =	vmul.f32 s12, v0;
	v2 =	vmul.f32 s12, v2;
	v5 =	vnsel vm0, $0x0, v4  }
0xaa: {  	s7 =	sadd.s32 $0x1, s7;
	s24 =	simm.s32 $0x400;
	v1 =	vmul.f32 s12, v1;
	v3 =	vmul.f32 s12, v3;
	s12 =	smov.u32 s8;
	v4 =	vld [tilespmem:s6+$0x9100];
	[tilespmem:s15+$0x6140] =	vst v5  }
.LBB2_5:
0xab: {  	p0 =	sne.s32 s24, $0x3E00;
	v5 =	vld [tilespmem:s6+$0x6140];
	[tilespmem:s15+$0x6130] =	vst v2  }
0xac: {  	[tilespmem:s15+$0x6120] =	vst v0  }
0xad: {  	[tilespmem:s15+$0x6110] =	vst v3  }
0xae: {  	[tilespmem:s15+$0x6100] =	vst v1;
	s15 =	smov.u32 s6;
	_ =	sdelay $0x1  }
0xaf: {  	v0 =	vadd.f32 v4, v5;
	_ =	sdelay $0x1  }
0xb0: {  	v1 =	vmul.f32 $2.000000030e-01, v0  }
0xb1: {  	vm1 =	vge.f32 v0, $0.0e+00  }
0xb2: {  	v0 =	vsel vm1, v0, v1  }
0xb3: {  	v0 =	vmul.f32 $1.442695020e+00, v0;
	_ =	sdelay $0x1  }
0xb4: {  	(erf) = vpow2.f32 v0;
	_ =	sdelay $0x8  }
0xb5: {  	v0 =	vpop (erf)  }
0xb6: {  	(v2sf) =	vpush v0, $0x0;
	_ =	sdelay $0x9  }
0xb7: {  	v1 =	vld [tilespmem:s15+$0x6100]  }
0xb8: {  	v0 =	vld [tilespmem:s15+$0x6120]  }
0xb9: {  	v2 =	vld [tilespmem:s15+$0x6130]  }
0xba: {  	v3 =	vld [tilespmem:s15+$0x6110]  }
0xbb: {  	s12 =	sadd.s32 $0x1, s12  }
.Ltmp3:
0xbc: {  	p1 =	slt.u32 s12, $0x50910;
	s18 =	spop (v2sf);
	(pc) =	sbr.rel @p0 .LBB2_5-.Ltmp3, $4  }
0xbd: {  	s18 =	simm.s32 @!p1 $0x0  }
0xbe: {  	v0 =	vmul.f32 s18, v0;
	v2 =	vmul.f32 s18, v2;
	v4 =	vmov s18  }
0xbf: {  	s6 =	sshra.s32 s24, $0x2;
	v1 =	vmul.f32 s18, v1;
	v3 =	vmul.f32 s18, v3;
	v5 =	vnsel vm0, $0x0, v4  }
0xc0: {  	s24 =	sadd.s32 $0x200, s24;
	v4 =	vld [tilespmem:s6+$0x9100];
	[tilespmem:s15+$0x6140] =	vst v5  }
0xc1: {  	v5 =	vld [tilespmem:s6+$0x6140];
	_ =	sdelay $0x4  }
0xc2: {  	v4 =	vadd.f32 v4, v5;
	_ =	sdelay $0x1  }
0xc3: {  	v5 =	vmul.f32 $2.000000030e-01, v4  }
0xc4: {  	vm1 =	vge.f32 v4, $0.0e+00  }
0xc5: {  	v4 =	vsel vm1, v4, v5  }
0xc6: {  	v4 =	vmul.f32 $1.442695020e+00, v4;
	_ =	sdelay $0x1  }
0xc7: {  	(erf) = vpow2.f32 v4;
	_ =	sdelay $0x8  }
0xc8: {  	v4 =	vpop (erf)  }
0xc9: {  	(v2sf) =	vpush v4, $0x0;
	_ =	sdelay $0x8  }
0xca: {  	[tilespmem:s15+$0x6130] =	vst v2  }
0xcb: {  	[tilespmem:s15+$0x6120] =	vst v0  }
0xcc: {  	[tilespmem:s15+$0x6110] =	vst v3  }
0xcd: {  	[tilespmem:s15+$0x6100] =	vst v1  }
0xce: {  	v0 =	vld [tilespmem:s6+$0x6130]  }
0xcf: {  	s12 =	sadd.s32 $0x1, s12;
	v1 =	vld [tilespmem:s6+$0x6120]  }
0xd0: {  	v2 =	vld [tilespmem:s6+$0x6110];
	p0 =	slt.u32 s12, $0x50910;
	s12 =	spop (v2sf)  }
0xd1: {  	v3 =	vld [tilespmem:s6+$0x6100];
	s12 =	simm.s32 @!p0 $0x0  }
0xd2: {  	v4 =	vmov s12  }
0xd3: {  	v0 =	vmul.f32 s12, v0;
	v4 =	vnsel vm0, $0x0, v4  }
0xd4: {  	v1 =	vmul.f32 s12, v1;
	[tilespmem:s6+$0x6140] =	vst v4  }
0xd5: {  	v2 =	vmul.f32 s12, v2;
	[tilespmem:s6+$0x6130] =	vst v0  }
0xd6: {  	s7 =	sshll.u32 s7, $0x5;
	v0 =	vmul.f32 s12, v3;
	[tilespmem:s6+$0x6120] =	vst v1  }
0xd7: {  	s7 =	sand.u32 $0x3FFFFFE0, s7;
	p0 =	seq.s32 s9, $0x6B;
	[tilespmem:s6+$0x6110] =	vst v2  }
0xd8: {  	s24 =	sadd.s32 $0x2880, s7;
	[tilespmem:s6+$0x6100] =	vst v0;
	s6 =	simm.s32 @!p0 $0x7  }
0xd9: {  	[spmem:s2] =	stream.indirect.scatter.add.f32 [tilespmem:s23], [sflag:$0x8], $0x80, s24, s20, $0xb8;
	[tilespmem:$0x1F100] =	vst v63  }
0xda: {  	_ =	swait.ge @!p0 [sflag:s6], $0x1000  }
0xdb: {  	s7 =	simm.s32 @!p0 $0x20;
	[sflag:s6] =	ssyncset.done @!p0 $0x0  }
0xdc: {  	s12 =	simm.s32 @!p0 $0x5100;
	[sflag:s6] =	ssyncadd.s32 @!p0 $0xFFFFF000;
	s6 =	sadd.s32 @!p0 $0x60, s17  }
0xdd: {  	[tilespmem:s12], [sflag:$0x1] =	stream.indirect.gather @!p0 [hbm4b:s4+s7], $0x80, s6, s7, $0xb8;
	[tilespmem:$0x1F100] =	vst v63  }
0xde: {  	s6 =	sadd.s32 @!p0 $0x28E0, s17;
	s12 =	simm.s32 @!p0 $0x8100  }
0xdf: {  	[tilespmem:s12], [sflag:$0x4] =	stream.indirect.gather @!p0 [hbm4b:s5+s7], $0x80, s6, s7, $0xb8;
	[tilespmem:$0x1F100] =	vst v63  }
0xe0: {  	_ =	swait.ge [sflag:s0], $0x1000  }
0xe1: {  	[sflag:s0] =	ssyncset.done $0x0  }
0xe2: {  	[sflag:s0] =	ssyncadd.s32 $0xFFFFF000  }
0xe3: {  	_ =	swait.ge [sflag:s22], $0x1000  }
0xe4: {  	[sflag:s22] =	ssyncset.done $0x0  }
0xe5: {  	s15 =	simm.s32 $0x0;
	[sflag:s22] =	ssyncadd.s32 $0xFFFFF000  }
0xe6: {  	v0 =	vld [tilespmem:s15+$0xA100]  }
0xe7: {  	v1 =	vld [tilespmem:s15+$0x7140];
	_ =	sdelay $0x4  }
0xe8: {  	v0 =	vadd.f32 v0, v1;
	_ =	sdelay $0x1  }
0xe9: {  	v1 =	vmul.f32 $2.000000030e-01, v0  }
0xea: {  	vm1 =	vge.f32 v0, $0.0e+00  }
0xeb: {  	v0 =	vsel vm1, v0, v1  }
0xec: {  	v0 =	vmul.f32 $1.442695020e+00, v0;
	_ =	sdelay $0x1  }
0xed: {  	(erf) = vpow2.f32 v0;
	_ =	sdelay $0x8  }
0xee: {  	v0 =	vpop (erf)  }
0xef: {  	(v2sf) =	vpush v0, $0x0;
	_ =	sdelay $0xa  }
0xf0: {  	v2 =	vld [tilespmem:s15+$0x7130]  }
0xf1: {  	v3 =	vld [tilespmem:s15+$0x7110]  }
0xf2: {  	v0 =	vld [tilespmem:s15+$0x7120]  }
0xf3: {  	v1 =	vld [tilespmem:s15+$0x7100]  }
0xf4: {  	p1 =	slt.u32 s13, $0x50910;
	s7 =	spop (v2sf)  }
0xf5: {  	s7 =	simm.s32 @!p1 $0x0  }
0xf6: {  	v4 =	vmov s7  }
0xf7: {  	s6 =	simm.s32 $0x80;
	v0 =	vmul.f32 s7, v0;
	v2 =	vmul.f32 s7, v2;
	v5 =	vnsel vm0, $0x0, v4  }
0xf8: {  	s12 =	simm.s32 $0x400;
	v1 =	vmul.f32 s7, v1;
	v3 =	vmul.f32 s7, v3;
	s7 =	smov.u32 s13;
	v4 =	vld [tilespmem:s6+$0xA100];
	[tilespmem:s15+$0x7140] =	vst v5  }
.LBB2_7:
0xf9: {  	p1 =	sne.s32 s12, $0x3E00;
	v5 =	vld [tilespmem:s6+$0x7140];
	[tilespmem:s15+$0x7130] =	vst v2  }
0xfa: {  	[tilespmem:s15+$0x7120] =	vst v0  }
0xfb: {  	[tilespmem:s15+$0x7110] =	vst v3  }
0xfc: {  	[tilespmem:s15+$0x7100] =	vst v1;
	s15 =	smov.u32 s6;
	_ =	sdelay $0x1  }
0xfd: {  	v0 =	vadd.f32 v4, v5;
	_ =	sdelay $0x1  }
0xfe: {  	v1 =	vmul.f32 $2.000000030e-01, v0  }
0xff: {  	vm1 =	vge.f32 v0, $0.0e+00  }
0x100: {  	v0 =	vsel vm1, v0, v1  }
0x101: {  	v0 =	vmul.f32 $1.442695020e+00, v0;
	_ =	sdelay $0x1  }
0x102: {  	(erf) = vpow2.f32 v0;
	_ =	sdelay $0x8  }
0x103: {  	v0 =	vpop (erf)  }
0x104: {  	(v2sf) =	vpush v0, $0x0;
	_ =	sdelay $0x9  }
0x105: {  	v1 =	vld [tilespmem:s15+$0x7100]  }
0x106: {  	v0 =	vld [tilespmem:s15+$0x7120]  }
0x107: {  	v2 =	vld [tilespmem:s15+$0x7130]  }
0x108: {  	v3 =	vld [tilespmem:s15+$0x7110]  }
0x109: {  	s7 =	sadd.s32 $0x1, s7  }
.Ltmp4:
0x10a: {  	p2 =	slt.u32 s7, $0x50910;
	s18 =	spop (v2sf);
	(pc) =	sbr.rel @p1 .LBB2_7-.Ltmp4, $4  }
0x10b: {  	s18 =	simm.s32 @!p2 $0x0  }
0x10c: {  	v0 =	vmul.f32 s18, v0;
	v2 =	vmul.f32 s18, v2;
	v4 =	vmov s18  }
0x10d: {  	s6 =	sshra.s32 s12, $0x2;
	v1 =	vmul.f32 s18, v1;
	v3 =	vmul.f32 s18, v3;
	v5 =	vnsel vm0, $0x0, v4  }
0x10e: {  	s12 =	sadd.s32 $0x200, s12;
	v4 =	vld [tilespmem:s6+$0xA100];
	[tilespmem:s15+$0x7140] =	vst v5  }
0x10f: {  	v5 =	vld [tilespmem:s6+$0x7140];
	_ =	sdelay $0x4  }
0x110: {  	v4 =	vadd.f32 v4, v5;
	_ =	sdelay $0x1  }
0x111: {  	v5 =	vmul.f32 $2.000000030e-01, v4  }
0x112: {  	vm1 =	vge.f32 v4, $0.0e+00  }
0x113: {  	v4 =	vsel vm1, v4, v5  }
0x114: {  	v4 =	vmul.f32 $1.442695020e+00, v4;
	_ =	sdelay $0x1  }
0x115: {  	(erf) = vpow2.f32 v4;
	_ =	sdelay $0x8  }
0x116: {  	v4 =	vpop (erf)  }
0x117: {  	(v2sf) =	vpush v4, $0x0;
	_ =	sdelay $0x8  }
0x118: {  	[tilespmem:s15+$0x7130] =	vst v2  }
0x119: {  	[tilespmem:s15+$0x7120] =	vst v0  }
0x11a: {  	[tilespmem:s15+$0x7110] =	vst v3  }
0x11b: {  	[tilespmem:s15+$0x7100] =	vst v1  }
0x11c: {  	v0 =	vld [tilespmem:s6+$0x7130]  }
0x11d: {  	s7 =	sadd.s32 $0x1, s7;
	v1 =	vld [tilespmem:s6+$0x7120]  }
0x11e: {  	v2 =	vld [tilespmem:s6+$0x7110];
	p1 =	slt.u32 s7, $0x50910;
	s7 =	spop (v2sf)  }
0x11f: {  	v3 =	vld [tilespmem:s6+$0x7100];
	s7 =	simm.s32 @!p1 $0x0  }
0x120: {  	v62 =	vmov s7  }
0x121: {  	v0 =	vmul.f32 s7, v0;
	v4 =	vnsel vm0, $0x0, v62  }
0x122: {  	v1 =	vmul.f32 s7, v1;
	[tilespmem:s6+$0x7140] =	vst v4  }
.Ltmp5:
0x123: {  	v2 =	vmul.f32 s7, v2;
	[tilespmem:s6+$0x7130] =	vst v0;
	(pc) =	sbr.rel @p0 .LBB2_10-.Ltmp5, $4  }
0x124: {  	v63 =	vmul.f32 s7, v3;
	[tilespmem:s6+$0x7120] =	vst v1  }
0x125: {  	s18 =	sand.u32 $0x3FFFFFE0, s10;
	[tilespmem:s6+$0x7110] =	vst v2  }
0x126: {  	s24 =	sadd.s32 $0x2880, s18;
	[tilespmem:s6+$0x7100] =	vst v63  }
0x127: {  	[spmem:s2] =	stream.indirect.scatter.add.f32 [tilespmem:s29], [sflag:$0x9], $0x80, s24, s20, $0xb8;
	[tilespmem:$0x1F100] =	vst v63  }
0x128: {  	_ =	swait.ge [sflag:s3], $0x1000  }
.Ltmp6:
0x129: {  	s6 =	sadd.s32 $0x80, s17;
	[sflag:s3] =	ssyncset.done $0x0;
	(pc) =	sbr.rel .LBB2_2-.Ltmp6, $4  }
0x12a: {  	s24 =	sadd.s32 $0x2900, s17;
	s9 =	sadd.s32 $0x1, s9;
	[sflag:s3] =	ssyncadd.s32 $0xFFFFF000  }
0x12b: {  	[tilespmem:s23], [sflag:$0x2] =	stream.indirect.gather [hbm4b:s4+s20], $0x80, s6, s20, $0xb8;
	[tilespmem:$0x1F100] =	vst v63  }
0x12c: {  	s11 =	sadd.s32 $0x60, s11;
	s8 =	sadd.s32 $0x60, s8;
	s13 =	sadd.s32 $0x60, s13  }
0x12d: {  	[tilespmem:s25], [sflag:$0x5] =	stream.indirect.gather [hbm4b:s5+s20], $0x80, s24, s20, $0xb8;
	[tilespmem:$0x1F100] =	vst v63  }
.LBB2_11:
0x12e: {  	_ =	sfence.sel $0x180000  }
0x12f: {  	[bflag:$0x0] =	sbarrier.arrive $0xFFFF  }
0x130: {  	_ =	strace $0x90000047  }
0x131: {  	s0 =	stileid.u32;
	[bflag:$0x2] =	sbarrier.arrive $0xFFFF  }
0x132: {  	p0 =	sne.s32 s0, $0x0;
	s0 =	rddreg [dreg:$0x2]  }
0x133: {  	s0 =	sadd.s32 @!p0 $0x100000, s0  }
0x134: {  	[sflag:s0] =	ssyncadd.tile.s32 @!p0 $0x1;
	_ =	shalt  }
.Lfunc_end2:
_tile_overlayer_lowered:
.L_overlay_start_2:
0x135: {  	(tag) =	ssettag $0x2  }
0x136: {  	s0 =	rddreg [dreg:$0x0];
	s2 =	stileid.u32  }
0x137: {  	s1 =	rddreg [dreg:$0x1];
	p0 =	sne.s32 s2, $0x0  }
0x138: {  	s3 =	rddreg [dreg:$0x2];
	[bflag:$0x3] =	sbarrier.arrive $0xFFFF;
	s2 =	simm.s32 @!p0 $0x1C0A  }
0x139: {  	[timem:s3], [sflag:s2] =	dma.local @!p0 [hbm:s0], s1  }
0x13a: {  	s0 =	simm.s32 @!p0 $0xA  }
0x13b: {  	_ =	swait.ge @!p0 [sflag:s0], s1  }
0x13c: {  	s1 =	ssub.s32 @!p0 $0x0, s1;
	[sflag:s0] =	ssyncset.done @!p0 $0x0  }
0x13d: {  	[sflag:s0] =	ssyncadd.s32 @!p0 s1  }
0x13e: {  	[bflag:$0x3] =	sbarrier.arrive $0xFFFF  }
0x13f: {  	_ =	shalt  }

</sc_bundles>
